<compile_context>
chip_gen: v7x
topology: tpu7x:2x2x1
jax: 0.10.2.dev20260603
libtpu: 0.0.44.dev20260713+nightly
codegen_flags: <defaults>
</compile_context>

<pallas_src>
import jax
import jax.numpy as jnp
from jax import lax
from jax.experimental import pallas as pl
from jax.experimental.pallas import tpu as pltpu
from jax.experimental.pallas import tpu_sc as plsc

N_ROWS = 10000
N_ACC = 10240
D = 256
DH = 128
E = 160000
NT = 16
C = 128
CPT = 80
E_PAD = NT * CPT * C
RPT = N_ACC // NT


def _sc_lightgcn(bot, usr, top, ujr, ujc, ujv, ijr, ijc, ijv):
    mesh = plsc.VectorSubcoreMesh(core_axis_name="c", subcore_axis_name="s")
    f32 = jnp.float32
    bf16 = jnp.bfloat16

    def body(bot_hbm, usr_hbm, top_hbm,
             ujr_hbm, ujc_hbm, ujv_hbm, ijr_hbm, ijc_hbm, ijv_hbm,
             out_u_hbm, out_t_hbm, out_p_hbm,
             acc, rows_v, cols_v, vals_v, gb0, gb1, gb2, gb3, gb4, zbuf,
             sg0, sg1, sg2, sg3, sg4, ss0, ss1, ss2, ss3, ss4, sz):
        cid = lax.axis_index("c")
        tid = lax.axis_index("s")
        half_off = cid * N_ROWS
        gb = (gb0, gb1, gb2, gb3, gb4)
        sg = (sg0, sg1, sg2, sg3, sg4)
        ss = (ss0, ss1, ss2, ss3, ss4)

        z32 = jnp.zeros((32,), bf16)

        def zfill(r, carry):
            for c32 in range(DH // 32):
                zbuf[r, pl.ds(c32 * 32, 32)] = z32
            return carry
        lax.fori_loop(0, C, zfill, 0)

        def zero_fire():
            for k in range(RPT // C):
                pltpu.async_copy(zbuf, acc.at[pl.ds(tid * RPT + k * C, C)],
                                 sz)

        def zero_drain():
            for k in range(RPT // C):
                pltpu.make_async_copy(zbuf,
                                      acc.at[pl.ds(tid * RPT + k * C, C)],
                                      sz).wait()

        def load_idx(rows_hbm, cols_hbm, vals_hbm):
            base = tid * CPT
            pltpu.sync_copy(rows_hbm.at[pl.ds(base, CPT)], rows_v)
            pltpu.sync_copy(cols_hbm.at[pl.ds(base, CPT)], cols_v)
            pltpu.sync_copy(vals_hbm.at[pl.ds(base, CPT)], vals_v)

            off16 = jnp.full((16,), half_off, jnp.int32)

            def fix(i, carry):
                r = i // (C // 16)
                c = (i % (C // 16)) * 16
                cols_v[r, pl.ds(c, 16)] = cols_v[r, pl.ds(c, 16)] + off16
                return carry
            lax.fori_loop(0, CPT * (C // 16), fix, 0)

        def accumulate(table_hbm):

            def start_g(g, b):
                pltpu.async_copy(table_hbm.at[cols_v.at[g]], gb[b], sg[b])

            def wait_g(b):
                pltpu.make_async_copy(table_hbm.at[cols_v.at[0]], gb[b],
                                      sg[b]).wait()

            def start_s(g, b):
                pltpu.async_copy(gb[b], acc.at[rows_v.at[g]], ss[b], add=True)

            def wait_s(b):
                pltpu.make_async_copy(gb[b], acc.at[rows_v.at[0]],
                                      ss[b]).wait()

            dnums = lax.GatherDimensionNumbers(
                offset_dims=(), collapsed_slice_dims=(0,),
                start_index_map=(0,))

            def scale(g, b):
                buf = gb[b]

                def egroup(q, c2):
                    vv = vals_v[g, pl.ds(q * 16, 16)]

                    def lanes(lane, c3):
                        bidx = jnp.full((16,), lane, jnp.int32)
                        v16 = lax.gather(
                            vv, bidx[:, None], dnums, (1,),
                            mode=lax.GatherScatterMode.PROMISE_IN_BOUNDS)
                        v32 = plsc.pack(v16, v16,
                                        format=plsc.PackFormat.INTERLEAVED)
                        e = q * 16 + lane
                        for d32 in range(DH // 32):
                            sl = pl.ds(d32 * 32, 32)
                            buf[e, sl] = buf[e, sl] * v32
                        return c3
                    return lax.fori_loop(0, 16, lanes, c2)
                lax.fori_loop(0, C // 16, egroup, 0)

            start_g(0, 0)
            start_g(1, 1)
            start_g(2, 2)

            def rnd(r, carry):
                for j in range(5):
                    g = 5 * r + j
                    b = j
                    wait_g(b)

                    @pl.when(g >= 2)
                    def _():
                        wait_s((b + 3) % 5)

                    @pl.when(g + 3 < CPT)
                    def _():
                        start_g(g + 3, (b + 3) % 5)

                    scale(g, b)
                    start_s(g, b)
                return carry
            lax.fori_loop(0, CPT // 5, rnd, 0)
            wait_s((CPT - 2) % 5)
            wait_s((CPT - 1) % 5)

        def writeback(out_hbm):
            r0 = tid * RPT
            pltpu.sync_copy(acc.at[pl.ds(r0, RPT)],
                            out_hbm.at[pl.ds(cid * N_ACC + r0, RPT)])

        zero_fire()
        load_idx(ujr_hbm, ujc_hbm, ujv_hbm)
        zero_drain()
        plsc.subcore_barrier()
        accumulate(bot_hbm)
        plsc.subcore_barrier()
        writeback(out_u_hbm)

        zero_fire()
        load_idx(ijr_hbm, ijc_hbm, ijv_hbm)
        zero_drain()
        plsc.subcore_barrier()
        accumulate(bot_hbm)
        plsc.subcore_barrier()
        writeback(out_t_hbm)

        zero_fire()
        load_idx(ujc_hbm, ujr_hbm, ujv_hbm)
        zero_drain()
        plsc.subcore_barrier()
        accumulate(usr_hbm)
        load_idx(ijc_hbm, ijr_hbm, ijv_hbm)
        accumulate(top_hbm)
        plsc.subcore_barrier()
        writeback(out_p_hbm)

    out_sds = jax.ShapeDtypeStruct((2 * N_ACC, DH), bf16)
    run = pl.kernel(
        body,
        out_type=(out_sds, out_sds, out_sds),
        mesh=mesh,
        compiler_params=pltpu.CompilerParams(use_tc_tiling_on_sc=False,
                                             needs_layout_passes=False),
        scratch_types=(
            pltpu.VMEM_SHARED((N_ACC, DH), bf16),
            pltpu.VMEM((CPT, C), jnp.int32),
            pltpu.VMEM((CPT, C), jnp.int32),
            pltpu.VMEM((CPT, C), f32),
            pltpu.VMEM((C, DH), bf16),
            pltpu.VMEM((C, DH), bf16),
            pltpu.VMEM((C, DH), bf16),
            pltpu.VMEM((C, DH), bf16),
            pltpu.VMEM((C, DH), bf16),
            pltpu.VMEM((C, DH), bf16),
            pltpu.SemaphoreType.DMA,
            pltpu.SemaphoreType.DMA,
            pltpu.SemaphoreType.DMA,
            pltpu.SemaphoreType.DMA,
            pltpu.SemaphoreType.DMA,
            pltpu.SemaphoreType.DMA,
            pltpu.SemaphoreType.DMA,
            pltpu.SemaphoreType.DMA,
            pltpu.SemaphoreType.DMA,
            pltpu.SemaphoreType.DMA,
            pltpu.SemaphoreType.DMA,
        ),
    )
    return run(bot, usr, top, ujr, ujc, ujv, ijr, ijc, ijv)


def kernel(adj_UJ_indices, adj_UJ_values, adj_IJ_indices, adj_IJ_values,
           top_embs, pos_bottoms_embs, all_users_embs):
    i32 = jnp.int32

    def pad_idx(x):
        return jnp.pad(x.astype(i32), (0, E_PAD - E)).reshape(E_PAD // C, C)

    def pad_val(x):
        return jnp.pad(x, (0, E_PAD - E)).reshape(E_PAD // C, C)

    ujr = pad_idx(adj_UJ_indices[0])
    ujc = pad_idx(adj_UJ_indices[1])
    ijr = pad_idx(adj_IJ_indices[0])
    ijc = pad_idx(adj_IJ_indices[1])
    ujv = pad_val(adj_UJ_values)
    ijv = pad_val(adj_IJ_values)

    def stack_halves(x):
        return jnp.concatenate([x[:, :DH], x[:, DH:]],
                               axis=0).astype(jnp.bfloat16)

    bot = stack_halves(pos_bottoms_embs)
    usr = stack_halves(all_users_embs)
    top = stack_halves(top_embs)

    out_u, out_t, out_p = _sc_lightgcn(bot, usr, top, ujr, ujc, ujv,
                                       ijr, ijc, ijv)

    def unstack(o):
        return jnp.concatenate([o[:N_ROWS], o[N_ACC:N_ACC + N_ROWS]],
                               axis=1).astype(jnp.float32)

    return (unstack(out_u), unstack(out_t), unstack(out_p))

# --- scband reference (transcript-rebuilt; emitter-appended) ---
"""Pipeline reference for scband-light-gcn-38414187496016 (READ-ONLY COPY).

The authoritative reference and input builder live on the scoring server;
editing this copy changes nothing except your own understanding.
"""

import jax, jax.numpy as jnp
import numpy as np

N_USERS = 10000
N_TOPS = 10000
N_BOTTOMS = 10000
D = 256
E = 160000
NUM_LAYERS = 3


def _spmm(rows, cols, vals, x, n_rows):
    # sparse (COO) matrix @ dense matrix: gather rows of x by col index,
    # scale by nonzero values, scatter-add into output rows.
    gathered = jnp.take(x, cols, axis=0) * vals[:, None]
    return jax.ops.segment_sum(gathered, rows, num_segments=n_rows)


def setup_inputs(seed: int = 0) -> dict:
    key = jax.random.key(seed)
    ks = jax.random.split(key, 9)
    adj_UJ_indices = jnp.stack([
        jax.random.randint(ks[0], (E,), 0, N_USERS),
        jax.random.randint(ks[1], (E,), 0, N_BOTTOMS),
    ]).astype(jnp.int64) if jax.config.jax_enable_x64 else jnp.stack([
        jax.random.randint(ks[0], (E,), 0, N_USERS),
        jax.random.randint(ks[1], (E,), 0, N_BOTTOMS),
    ])
    adj_UJ_values = jax.random.uniform(ks[2], (E,), dtype=jnp.float32)
    adj_IJ_indices = jnp.stack([
        jax.random.randint(ks[3], (E,), 0, N_TOPS),
        jax.random.randint(ks[4], (E,), 0, N_BOTTOMS),
    ])
    adj_IJ_values = jax.random.uniform(ks[5], (E,), dtype=jnp.float32)
    top_embs = jax.random.normal(ks[6], (N_TOPS, D), dtype=jnp.float32)
    pos_bottoms_embs = jax.random.normal(ks[7], (N_BOTTOMS, D), dtype=jnp.float32)
    all_users_embs = jax.random.normal(ks[8], (N_USERS, D), dtype=jnp.float32)
    return {
        "adj_UJ_indices": adj_UJ_indices,
        "adj_UJ_values": adj_UJ_values,
        "adj_IJ_indices": adj_IJ_indices,
        "adj_IJ_values": adj_IJ_values,
        "top_embs": top_embs,
        "pos_bottoms_embs": pos_bottoms_embs,
        "all_users_embs": all_users_embs,
    }


def reference(adj_UJ_indices, adj_UJ_values, adj_IJ_indices, adj_IJ_values,
              top_embs, pos_bottoms_embs, all_users_embs):
    uj_r, uj_c = adj_UJ_indices[0], adj_UJ_indices[1]
    ij_r, ij_c = adj_IJ_indices[0], adj_IJ_indices[1]
    user_emb_temp = None
    top_emb_temp = None
    pos_bottoms_emb_temp = None
    # Faithful to the original forward: each iteration recomputes from the
    # original (non-updated) embeddings, exactly as the torch code does.
    for _ in range(NUM_LAYERS):
        user_emb_temp = _spmm(uj_r, uj_c, adj_UJ_values, pos_bottoms_embs, N_USERS)
        pos_bottoms_emb_temp = _spmm(uj_c, uj_r, adj_UJ_values, all_users_embs, N_BOTTOMS)
        top_emb_temp = _spmm(ij_r, ij_c, adj_IJ_values, pos_bottoms_embs, N_TOPS)
        pos_bottoms_emb_temp = pos_bottoms_emb_temp + _spmm(ij_c, ij_r, adj_IJ_values, top_embs, N_BOTTOMS)
    return (user_emb_temp, top_emb_temp, pos_bottoms_emb_temp)

if __name__ == "__main__":
    import jax
    _d = setup_inputs()
    print(jax.jit(kernel)(*tuple(_d.values())))

</pallas_src>

<mosaic_0001>
#map = affine_map<(d0, d1) -> (0, 0)>
module attributes {stable_mosaic.version = 14 : i64} {
  func.func @body(%arg0: i32, %arg1: i32, %arg2: memref<20000x128xbf16, #tpu.memory_space<hbm>>, %arg3: memref<20000x128xbf16, #tpu.memory_space<hbm>>, %arg4: memref<20000x128xbf16, #tpu.memory_space<hbm>>, %arg5: memref<1280x128xi32, #tpu.memory_space<hbm>>, %arg6: memref<1280x128xi32, #tpu.memory_space<hbm>>, %arg7: memref<1280x128xf32, #tpu.memory_space<hbm>>, %arg8: memref<1280x128xi32, #tpu.memory_space<hbm>>, %arg9: memref<1280x128xi32, #tpu.memory_space<hbm>>, %arg10: memref<1280x128xf32, #tpu.memory_space<hbm>>, %arg11: memref<20480x128xbf16, #tpu.memory_space<hbm>>, %arg12: memref<20480x128xbf16, #tpu.memory_space<hbm>>, %arg13: memref<20480x128xbf16, #tpu.memory_space<hbm>>, %arg14: memref<10240x128xbf16, #tpu.memory_space<vmem_shared>>, %arg15: memref<80x128xi32, #tpu.memory_space<vmem>>, %arg16: memref<80x128xi32, #tpu.memory_space<vmem>>, %arg17: memref<80x128xf32, #tpu.memory_space<vmem>>, %arg18: memref<128x128xbf16, #tpu.memory_space<vmem>>, %arg19: memref<128x128xbf16, #tpu.memory_space<vmem>>, %arg20: memref<128x128xbf16, #tpu.memory_space<vmem>>, %arg21: memref<128x128xbf16, #tpu.memory_space<vmem>>, %arg22: memref<128x128xbf16, #tpu.memory_space<vmem>>, %arg23: memref<128x128xbf16, #tpu.memory_space<vmem>>, %arg24: memref<!tpu.dma_semaphore, #tpu.memory_space<semaphore_mem>>, %arg25: memref<!tpu.dma_semaphore, #tpu.memory_space<semaphore_mem>>, %arg26: memref<!tpu.dma_semaphore, #tpu.memory_space<semaphore_mem>>, %arg27: memref<!tpu.dma_semaphore, #tpu.memory_space<semaphore_mem>>, %arg28: memref<!tpu.dma_semaphore, #tpu.memory_space<semaphore_mem>>, %arg29: memref<!tpu.dma_semaphore, #tpu.memory_space<semaphore_mem>>, %arg30: memref<!tpu.dma_semaphore, #tpu.memory_space<semaphore_mem>>, %arg31: memref<!tpu.dma_semaphore, #tpu.memory_space<semaphore_mem>>, %arg32: memref<!tpu.dma_semaphore, #tpu.memory_space<semaphore_mem>>, %arg33: memref<!tpu.dma_semaphore, #tpu.memory_space<semaphore_mem>>, %arg34: memref<!tpu.dma_semaphore, #tpu.memory_space<semaphore_mem>>) attributes {dimension_semantics = [#tpu.dimension_semantics<core_parallel>, #tpu.dimension_semantics<subcore_parallel>], iteration_bounds = array<i64: 2, 16>, scalar_prefetch = 0 : i64, scratch_operands = 21 : i64, tpu.core_type = #tpu.core_type<sc_vector_subcore>, window_params = [{transform_indices = #map}, {transform_indices = #map}, {transform_indices = #map}, {transform_indices = #map}, {transform_indices = #map}, {transform_indices = #map}, {transform_indices = #map}, {transform_indices = #map}, {transform_indices = #map}, {transform_indices = #map}, {transform_indices = #map}, {transform_indices = #map}]} {
    %mul3A = arith.constant 10000 : i32
    %mul3A_0 = arith.muli %arg0, %mul3A : i32
    %broadcast_in_dim3A = arith.constant 0.000000e+00 : bf16
    %broadcast_in_dim3A_1 = vector.broadcast %broadcast_in_dim3A : bf16 to vector<32xbf16>
    %scan3A = arith.constant 0 : i32
    %scan3A_2 = arith.constant 0 : i32
    %scan3A_3 = arith.constant 128 : i32
    %scan3A_4 = arith.addi %scan3A_2, %scan3A_3 : i32
    %scan3A_5 = arith.constant 1 : i32
    scf.for %scan3A_464 = %scan3A_2 to %scan3A_4 step %scan3A_5  : i32 {
      %swap3A = arith.index_cast %scan3A_464 : i32 to index
      %swap3A_465 = arith.constant 0 : index
      %swap3A_466 = tpu.vector_load %arg23[%swap3A, %swap3A_465] {strides = array<i32>} : memref<128x128xbf16, #tpu.memory_space<vmem>>, vector<32xbf16>,
      tpu.vector_store %arg23[%swap3A, %swap3A_465], %broadcast_in_dim3A_1 {strides = array<i32>} : memref<128x128xbf16, #tpu.memory_space<vmem>>, vector<32xbf16>,
      %swap3A_467 = arith.index_cast %scan3A_464 : i32 to index
      %swap3A_468 = arith.constant 32 : index
      %swap3A_469 = tpu.vector_load %arg23[%swap3A_467, %swap3A_468] {strides = array<i32>} : memref<128x128xbf16, #tpu.memory_space<vmem>>, vector<32xbf16>,
      tpu.vector_store %arg23[%swap3A_467, %swap3A_468], %broadcast_in_dim3A_1 {strides = array<i32>} : memref<128x128xbf16, #tpu.memory_space<vmem>>, vector<32xbf16>,
      %swap3A_470 = arith.index_cast %scan3A_464 : i32 to index
      %swap3A_471 = arith.constant 64 : index
      %swap3A_472 = tpu.vector_load %arg23[%swap3A_470, %swap3A_471] {strides = array<i32>} : memref<128x128xbf16, #tpu.memory_space<vmem>>, vector<32xbf16>,
      tpu.vector_store %arg23[%swap3A_470, %swap3A_471], %broadcast_in_dim3A_1 {strides = array<i32>} : memref<128x128xbf16, #tpu.memory_space<vmem>>, vector<32xbf16>,
      %swap3A_473 = arith.index_cast %scan3A_464 : i32 to index
      %swap3A_474 = arith.constant 96 : index
      %swap3A_475 = tpu.vector_load %arg23[%swap3A_473, %swap3A_474] {strides = array<i32>} : memref<128x128xbf16, #tpu.memory_space<vmem>>, vector<32xbf16>,
      tpu.vector_store %arg23[%swap3A_473, %swap3A_474], %broadcast_in_dim3A_1 {strides = array<i32>} : memref<128x128xbf16, #tpu.memory_space<vmem>>, vector<32xbf16>,
    }
    %scan3A_6 = arith.constant 128 : i32
    %mul3A_7 = arith.constant 640 : i32
    %mul3A_8 = arith.muli %arg1, %mul3A_7 : i32
    %add3A = arith.constant 0 : i32
    %add3A_9 = arith.addi %mul3A_8, %add3A : i32
    %dma_start3A = arith.constant 0 : i32
    %dma_start3A_10 = tpu.memref_slice %arg14[%add3A_9, %dma_start3A] : memref<10240x128xbf16, #tpu.memory_space<vmem_shared>> -> memref<128x128xbf16, #tpu.memory_space<vmem_shared>>
    %dma_start3A_11 = arith.constant 0 : i32
    %dma_start3A_12 = tpu.memref_slice %arg14[%add3A_9, %dma_start3A_11] : memref<10240x128xbf16, #tpu.memory_space<vmem_shared>> -> memref<128x128xbf16, #tpu.memory_space<vmem_shared>>
    tpu.enqueue_dma source(%arg23 : memref<128x128xbf16, #tpu.memory_space<vmem>>) target(%dma_start3A_12 : memref<128x128xbf16, #tpu.memory_space<vmem_shared>>) target_semaphore(%arg34 : memref<!tpu.dma_semaphore, #tpu.memory_space<semaphore_mem>>)
    %mul3A_13 = arith.constant 640 : i32
    %mul3A_14 = arith.muli %arg1, %mul3A_13 : i32
    %add3A_15 = arith.constant 128 : i32
    %add3A_16 = arith.addi %mul3A_14, %add3A_15 : i32
    %dma_start3A_17 = arith.constant 0 : i32
    %dma_start3A_18 = tpu.memref_slice %arg14[%add3A_16, %dma_start3A_17] : memref<10240x128xbf16, #tpu.memory_space<vmem_shared>> -> memref<128x128xbf16, #tpu.memory_space<vmem_shared>>
    %dma_start3A_19 = arith.constant 0 : i32
    %dma_start3A_20 = tpu.memref_slice %arg14[%add3A_16, %dma_start3A_19] : memref<10240x128xbf16, #tpu.memory_space<vmem_shared>> -> memref<128x128xbf16, #tpu.memory_space<vmem_shared>>
    tpu.enqueue_dma source(%arg23 : memref<128x128xbf16, #tpu.memory_space<vmem>>) target(%dma_start3A_20 : memref<128x128xbf16, #tpu.memory_space<vmem_shared>>) target_semaphore(%arg34 : memref<!tpu.dma_semaphore, #tpu.memory_space<semaphore_mem>>)
    %mul3A_21 = arith.constant 640 : i32
    %mul3A_22 = arith.muli %arg1, %mul3A_21 : i32
    %add3A_23 = arith.constant 256 : i32
    %add3A_24 = arith.addi %mul3A_22, %add3A_23 : i32
    %dma_start3A_25 = arith.constant 0 : i32
    %dma_start3A_26 = tpu.memref_slice %arg14[%add3A_24, %dma_start3A_25] : memref<10240x128xbf16, #tpu.memory_space<vmem_shared>> -> memref<128x128xbf16, #tpu.memory_space<vmem_shared>>
    %dma_start3A_27 = arith.constant 0 : i32
    %dma_start3A_28 = tpu.memref_slice %arg14[%add3A_24, %dma_start3A_27] : memref<10240x128xbf16, #tpu.memory_space<vmem_shared>> -> memref<128x128xbf16, #tpu.memory_space<vmem_shared>>
    tpu.enqueue_dma source(%arg23 : memref<128x128xbf16, #tpu.memory_space<vmem>>) target(%dma_start3A_28 : memref<128x128xbf16, #tpu.memory_space<vmem_shared>>) target_semaphore(%arg34 : memref<!tpu.dma_semaphore, #tpu.memory_space<semaphore_mem>>)
    %mul3A_29 = arith.constant 640 : i32
    %mul3A_30 = arith.muli %arg1, %mul3A_29 : i32
    %add3A_31 = arith.constant 384 : i32
    %add3A_32 = arith.addi %mul3A_30, %add3A_31 : i32
    %dma_start3A_33 = arith.constant 0 : i32
    %dma_start3A_34 = tpu.memref_slice %arg14[%add3A_32, %dma_start3A_33] : memref<10240x128xbf16, #tpu.memory_space<vmem_shared>> -> memref<128x128xbf16, #tpu.memory_space<vmem_shared>>
    %dma_start3A_35 = arith.constant 0 : i32
    %dma_start3A_36 = tpu.memref_slice %arg14[%add3A_32, %dma_start3A_35] : memref<10240x128xbf16, #tpu.memory_space<vmem_shared>> -> memref<128x128xbf16, #tpu.memory_space<vmem_shared>>
    tpu.enqueue_dma source(%arg23 : memref<128x128xbf16, #tpu.memory_space<vmem>>) target(%dma_start3A_36 : memref<128x128xbf16, #tpu.memory_space<vmem_shared>>) target_semaphore(%arg34 : memref<!tpu.dma_semaphore, #tpu.memory_space<semaphore_mem>>)
    %mul3A_37 = arith.constant 640 : i32
    %mul3A_38 = arith.muli %arg1, %mul3A_37 : i32
    %add3A_39 = arith.constant 512 : i32
    %add3A_40 = arith.addi %mul3A_38, %add3A_39 : i32
    %dma_start3A_41 = arith.constant 0 : i32
    %dma_start3A_42 = tpu.memref_slice %arg14[%add3A_40, %dma_start3A_41] : memref<10240x128xbf16, #tpu.memory_space<vmem_shared>> -> memref<128x128xbf16, #tpu.memory_space<vmem_shared>>
    %dma_start3A_43 = arith.constant 0 : i32
    %dma_start3A_44 = tpu.memref_slice %arg14[%add3A_40, %dma_start3A_43] : memref<10240x128xbf16, #tpu.memory_space<vmem_shared>> -> memref<128x128xbf16, #tpu.memory_space<vmem_shared>>
    tpu.enqueue_dma source(%arg23 : memref<128x128xbf16, #tpu.memory_space<vmem>>) target(%dma_start3A_44 : memref<128x128xbf16, #tpu.memory_space<vmem_shared>>) target_semaphore(%arg34 : memref<!tpu.dma_semaphore, #tpu.memory_space<semaphore_mem>>)
    %mul3A_45 = arith.constant 80 : i32
    %mul3A_46 = arith.muli %arg1, %mul3A_45 : i32
    "tpu.region"() ({
      %run_scoped3A = tpu.sem_alloc : memref<!tpu.dma_semaphore, #tpu.memory_space<semaphore_mem>>
      %dma_start3A_464 = arith.constant 0 : i32
      %dma_start3A_465 = tpu.memref_slice %arg5[%mul3A_46, %dma_start3A_464] : memref<1280x128xi32, #tpu.memory_space<hbm>> -> memref<80x128xi32, #tpu.memory_space<hbm>>
      %dma_start3A_466 = arith.constant 0 : i32
      %dma_start3A_467 = tpu.memref_slice %arg5[%mul3A_46, %dma_start3A_466] : memref<1280x128xi32, #tpu.memory_space<hbm>> -> memref<80x128xi32, #tpu.memory_space<hbm>>
      tpu.enqueue_dma source(%dma_start3A_467 : memref<80x128xi32, #tpu.memory_space<hbm>>) target(%arg15 : memref<80x128xi32, #tpu.memory_space<vmem>>) target_semaphore(%run_scoped3A : memref<!tpu.dma_semaphore, #tpu.memory_space<semaphore_mem>>)
      %dma_wait3A_468 = arith.constant 0 : i32
      %dma_wait3A_469 = tpu.memref_slice %arg5[%mul3A_46, %dma_wait3A_468] : memref<1280x128xi32, #tpu.memory_space<hbm>> -> memref<80x128xi32, #tpu.memory_space<hbm>>
      %dma_wait3A_470 = arith.constant 0 : i32
      %dma_wait3A_471 = tpu.memref_slice %arg5[%mul3A_46, %dma_wait3A_470] : memref<1280x128xi32, #tpu.memory_space<hbm>> -> memref<80x128xi32, #tpu.memory_space<hbm>>
      tpu.wait_dma2 semaphore(%run_scoped3A : memref<!tpu.dma_semaphore, #tpu.memory_space<semaphore_mem>>) src(%dma_wait3A_471 : memref<80x128xi32, #tpu.memory_space<hbm>>) dst(%arg15 : memref<80x128xi32, #tpu.memory_space<vmem>>)
      tpu.yield
    }) : () -> ()
    "tpu.region"() ({
      %run_scoped3A = tpu.sem_alloc : memref<!tpu.dma_semaphore, #tpu.memory_space<semaphore_mem>>
      %dma_start3A_464 = arith.constant 0 : i32
      %dma_start3A_465 = tpu.memref_slice %arg6[%mul3A_46, %dma_start3A_464] : memref<1280x128xi32, #tpu.memory_space<hbm>> -> memref<80x128xi32, #tpu.memory_space<hbm>>
      %dma_start3A_466 = arith.constant 0 : i32
      %dma_start3A_467 = tpu.memref_slice %arg6[%mul3A_46, %dma_start3A_466] : memref<1280x128xi32, #tpu.memory_space<hbm>> -> memref<80x128xi32, #tpu.memory_space<hbm>>
      tpu.enqueue_dma source(%dma_start3A_467 : memref<80x128xi32, #tpu.memory_space<hbm>>) target(%arg16 : memref<80x128xi32, #tpu.memory_space<vmem>>) target_semaphore(%run_scoped3A : memref<!tpu.dma_semaphore, #tpu.memory_space<semaphore_mem>>)
      %dma_wait3A_468 = arith.constant 0 : i32
      %dma_wait3A_469 = tpu.memref_slice %arg6[%mul3A_46, %dma_wait3A_468] : memref<1280x128xi32, #tpu.memory_space<hbm>> -> memref<80x128xi32, #tpu.memory_space<hbm>>
      %dma_wait3A_470 = arith.constant 0 : i32
      %dma_wait3A_471 = tpu.memref_slice %arg6[%mul3A_46, %dma_wait3A_470] : memref<1280x128xi32, #tpu.memory_space<hbm>> -> memref<80x128xi32, #tpu.memory_space<hbm>>
      tpu.wait_dma2 semaphore(%run_scoped3A : memref<!tpu.dma_semaphore, #tpu.memory_space<semaphore_mem>>) src(%dma_wait3A_471 : memref<80x128xi32, #tpu.memory_space<hbm>>) dst(%arg16 : memref<80x128xi32, #tpu.memory_space<vmem>>)
      tpu.yield
    }) : () -> ()
    "tpu.region"() ({
      %run_scoped3A = tpu.sem_alloc : memref<!tpu.dma_semaphore, #tpu.memory_space<semaphore_mem>>
      %dma_start3A_464 = arith.constant 0 : i32
      %dma_start3A_465 = tpu.memref_slice %arg7[%mul3A_46, %dma_start3A_464] : memref<1280x128xf32, #tpu.memory_space<hbm>> -> memref<80x128xf32, #tpu.memory_space<hbm>>
      %dma_start3A_466 = arith.constant 0 : i32
      %dma_start3A_467 = tpu.memref_slice %arg7[%mul3A_46, %dma_start3A_466] : memref<1280x128xf32, #tpu.memory_space<hbm>> -> memref<80x128xf32, #tpu.memory_space<hbm>>
      tpu.enqueue_dma source(%dma_start3A_467 : memref<80x128xf32, #tpu.memory_space<hbm>>) target(%arg17 : memref<80x128xf32, #tpu.memory_space<vmem>>) target_semaphore(%run_scoped3A : memref<!tpu.dma_semaphore, #tpu.memory_space<semaphore_mem>>)
      %dma_wait3A_468 = arith.constant 0 : i32
      %dma_wait3A_469 = tpu.memref_slice %arg7[%mul3A_46, %dma_wait3A_468] : memref<1280x128xf32, #tpu.memory_space<hbm>> -> memref<80x128xf32, #tpu.memory_space<hbm>>
      %dma_wait3A_470 = arith.constant 0 : i32
      %dma_wait3A_471 = tpu.memref_slice %arg7[%mul3A_46, %dma_wait3A_470] : memref<1280x128xf32, #tpu.memory_space<hbm>> -> memref<80x128xf32, #tpu.memory_space<hbm>>
      tpu.wait_dma2 semaphore(%run_scoped3A : memref<!tpu.dma_semaphore, #tpu.memory_space<semaphore_mem>>) src(%dma_wait3A_471 : memref<80x128xf32, #tpu.memory_space<hbm>>) dst(%arg17 : memref<80x128xf32, #tpu.memory_space<vmem>>)
      tpu.yield
    }) : () -> ()
    %broadcast_in_dim3A_47 = vector.broadcast %mul3A_0 : i32 to vector<16xi32>
    %scan3A_48 = arith.constant 0 : i32
    %scan3A_49 = arith.constant 0 : i32
    %scan3A_50 = arith.constant 640 : i32
    %scan3A_51 = arith.addi %scan3A_49, %scan3A_50 : i32
    %scan3A_52 = arith.constant 1 : i32
    scf.for %scan3A_464 = %scan3A_49 to %scan3A_51 step %scan3A_52  : i32 {
      %jit3A = arith.constant 8 : i32
      %div3A = arith.divsi %scan3A_464, %jit3A : i32
      %sign3A = arith.constant 0 : i32
      %sign3A_465 = arith.cmpi sgt, %scan3A_464, %sign3A : i32
      %sign3A_466 = arith.extui %sign3A_465 : i1 to i32
      %sign3A_467 = arith.constant 0 : i32
      %sign3A_468 = arith.cmpi slt, %scan3A_464, %sign3A_467 : i32
      %sign3A_469 = arith.extui %sign3A_468 : i1 to i32
      %sign3A_470 = arith.subi %sign3A_466, %sign3A_469 : i32
      %sign3A_471 = arith.constant 0 : i32
      %sign3A_472 = arith.cmpi sgt, %jit3A, %sign3A_471 : i32
      %sign3A_473 = arith.extui %sign3A_472 : i1 to i32
      %sign3A_474 = arith.constant 0 : i32
      %sign3A_475 = arith.cmpi slt, %jit3A, %sign3A_474 : i32
      %sign3A_476 = arith.extui %sign3A_475 : i1 to i32
      %sign3A_477 = arith.subi %sign3A_473, %sign3A_476 : i32
      %ne3A = arith.cmpi ne, %sign3A_470, %sign3A_477 : i32
      %rem3A = arith.remsi %scan3A_464, %jit3A : i32
      %ne3A_478 = arith.constant 0 : i32
      %ne3A_479 = arith.cmpi ne, %rem3A, %ne3A_478 : i32
      %and3A = arith.andi %ne3A, %ne3A_479 : i1
      %sub3A = arith.constant 1 : i32
      %sub3A_480 = arith.subi %div3A, %sub3A : i32
      %select_n3A = arith.select %and3A, %sub3A_480, %div3A : i32
      %jit3A_481 = arith.constant 8 : i32
      %eq3A = arith.constant 0 : i32
      %eq3A_482 = arith.cmpi eq, %jit3A_481, %eq3A : i32
      %jit3A_483 = arith.constant 1 : i32
      %select_n3A_484 = arith.select %eq3A_482, %jit3A_483, %jit3A_481 : i32
      %rem3A_485 = arith.remsi %scan3A_464, %select_n3A_484 : i32
      %ne3A_486 = arith.constant 0 : i32
      %ne3A_487 = arith.cmpi ne, %rem3A_485, %ne3A_486 : i32
      %lt3A = arith.constant 0 : i32
      %lt3A_488 = arith.cmpi slt, %rem3A_485, %lt3A : i32
      %lt3A_489 = arith.constant 0 : i32
      %lt3A_490 = arith.cmpi slt, %select_n3A_484, %lt3A_489 : i32
      %ne3A_491 = arith.xori %lt3A_488, %lt3A_490 : i1
      %and3A_492 = arith.andi %ne3A_491, %ne3A_487 : i1
      %add3A_493 = arith.addi %rem3A_485, %select_n3A_484 : i32
      %select_n3A_494 = arith.select %and3A_492, %add3A_493, %rem3A_485 : i32
      %mul3A_495 = arith.constant 16 : i32
      %mul3A_496 = arith.muli %select_n3A_494, %mul3A_495 : i32
      %get3A = arith.index_cast %select_n3A : i32 to index
      %get3A_497 = arith.index_cast %mul3A_496 : i32 to index
      %get3A_498 = tpu.vector_load %arg16[%get3A, %get3A_497] {strides = array<i32>} : memref<80x128xi32, #tpu.memory_space<vmem>>, vector<16xi32>,
      %add3A_499 = arith.addi %get3A_498, %broadcast_in_dim3A_47 : vector<16xi32>
      %swap3A = arith.index_cast %select_n3A : i32 to index
      %swap3A_500 = arith.index_cast %mul3A_496 : i32 to index
      %swap3A_501 = tpu.vector_load %arg16[%swap3A, %swap3A_500] {strides = array<i32>} : memref<80x128xi32, #tpu.memory_space<vmem>>, vector<16xi32>,
      tpu.vector_store %arg16[%swap3A, %swap3A_500], %add3A_499 {strides = array<i32>} : memref<80x128xi32, #tpu.memory_space<vmem>>, vector<16xi32>,
    }
    %scan3A_53 = arith.constant 640 : i32
    %mul3A_54 = arith.constant 640 : i32
    %mul3A_55 = arith.muli %arg1, %mul3A_54 : i32
    %add3A_56 = arith.constant 0 : i32
    %add3A_57 = arith.addi %mul3A_55, %add3A_56 : i32
    %dma_wait3A = arith.constant 0 : i32
    %dma_wait3A_58 = tpu.memref_slice %arg14[%add3A_57, %dma_wait3A] : memref<10240x128xbf16, #tpu.memory_space<vmem_shared>> -> memref<128x128xbf16, #tpu.memory_space<vmem_shared>>
    %dma_wait3A_59 = arith.constant 0 : i32
    %dma_wait3A_60 = tpu.memref_slice %arg14[%add3A_57, %dma_wait3A_59] : memref<10240x128xbf16, #tpu.memory_space<vmem_shared>> -> memref<128x128xbf16, #tpu.memory_space<vmem_shared>>
    tpu.wait_dma2 semaphore(%arg34 : memref<!tpu.dma_semaphore, #tpu.memory_space<semaphore_mem>>) src(%arg23 : memref<128x128xbf16, #tpu.memory_space<vmem>>) dst(%dma_wait3A_60 : memref<128x128xbf16, #tpu.memory_space<vmem_shared>>)
    %mul3A_61 = arith.constant 640 : i32
    %mul3A_62 = arith.muli %arg1, %mul3A_61 : i32
    %add3A_63 = arith.constant 128 : i32
    %add3A_64 = arith.addi %mul3A_62, %add3A_63 : i32
    %dma_wait3A_65 = arith.constant 0 : i32
    %dma_wait3A_66 = tpu.memref_slice %arg14[%add3A_64, %dma_wait3A_65] : memref<10240x128xbf16, #tpu.memory_space<vmem_shared>> -> memref<128x128xbf16, #tpu.memory_space<vmem_shared>>
    %dma_wait3A_67 = arith.constant 0 : i32
    %dma_wait3A_68 = tpu.memref_slice %arg14[%add3A_64, %dma_wait3A_67] : memref<10240x128xbf16, #tpu.memory_space<vmem_shared>> -> memref<128x128xbf16, #tpu.memory_space<vmem_shared>>
    tpu.wait_dma2 semaphore(%arg34 : memref<!tpu.dma_semaphore, #tpu.memory_space<semaphore_mem>>) src(%arg23 : memref<128x128xbf16, #tpu.memory_space<vmem>>) dst(%dma_wait3A_68 : memref<128x128xbf16, #tpu.memory_space<vmem_shared>>)
    %mul3A_69 = arith.constant 640 : i32
    %mul3A_70 = arith.muli %arg1, %mul3A_69 : i32
    %add3A_71 = arith.constant 256 : i32
    %add3A_72 = arith.addi %mul3A_70, %add3A_71 : i32
    %dma_wait3A_73 = arith.constant 0 : i32
    %dma_wait3A_74 = tpu.memref_slice %arg14[%add3A_72, %dma_wait3A_73] : memref<10240x128xbf16, #tpu.memory_space<vmem_shared>> -> memref<128x128xbf16, #tpu.memory_space<vmem_shared>>
    %dma_wait3A_75 = arith.constant 0 : i32
    %dma_wait3A_76 = tpu.memref_slice %arg14[%add3A_72, %dma_wait3A_75] : memref<10240x128xbf16, #tpu.memory_space<vmem_shared>> -> memref<128x128xbf16, #tpu.memory_space<vmem_shared>>
    tpu.wait_dma2 semaphore(%arg34 : memref<!tpu.dma_semaphore, #tpu.memory_space<semaphore_mem>>) src(%arg23 : memref<128x128xbf16, #tpu.memory_space<vmem>>) dst(%dma_wait3A_76 : memref<128x128xbf16, #tpu.memory_space<vmem_shared>>)
    %mul3A_77 = arith.constant 640 : i32
    %mul3A_78 = arith.muli %arg1, %mul3A_77 : i32
    %add3A_79 = arith.constant 384 : i32
    %add3A_80 = arith.addi %mul3A_78, %add3A_79 : i32
    %dma_wait3A_81 = arith.constant 0 : i32
    %dma_wait3A_82 = tpu.memref_slice %arg14[%add3A_80, %dma_wait3A_81] : memref<10240x128xbf16, #tpu.memory_space<vmem_shared>> -> memref<128x128xbf16, #tpu.memory_space<vmem_shared>>
    %dma_wait3A_83 = arith.constant 0 : i32
    %dma_wait3A_84 = tpu.memref_slice %arg14[%add3A_80, %dma_wait3A_83] : memref<10240x128xbf16, #tpu.memory_space<vmem_shared>> -> memref<128x128xbf16, #tpu.memory_space<vmem_shared>>
    tpu.wait_dma2 semaphore(%arg34 : memref<!tpu.dma_semaphore, #tpu.memory_space<semaphore_mem>>) src(%arg23 : memref<128x128xbf16, #tpu.memory_space<vmem>>) dst(%dma_wait3A_84 : memref<128x128xbf16, #tpu.memory_space<vmem_shared>>)
    %mul3A_85 = arith.constant 640 : i32
    %mul3A_86 = arith.muli %arg1, %mul3A_85 : i32
    %add3A_87 = arith.constant 512 : i32
    %add3A_88 = arith.addi %mul3A_86, %add3A_87 : i32
    %dma_wait3A_89 = arith.constant 0 : i32
    %dma_wait3A_90 = tpu.memref_slice %arg14[%add3A_88, %dma_wait3A_89] : memref<10240x128xbf16, #tpu.memory_space<vmem_shared>> -> memref<128x128xbf16, #tpu.memory_space<vmem_shared>>
    %dma_wait3A_91 = arith.constant 0 : i32
    %dma_wait3A_92 = tpu.memref_slice %arg14[%add3A_88, %dma_wait3A_91] : memref<10240x128xbf16, #tpu.memory_space<vmem_shared>> -> memref<128x128xbf16, #tpu.memory_space<vmem_shared>>
    tpu.wait_dma2 semaphore(%arg34 : memref<!tpu.dma_semaphore, #tpu.memory_space<semaphore_mem>>) src(%arg23 : memref<128x128xbf16, #tpu.memory_space<vmem>>) dst(%dma_wait3A_92 : memref<128x128xbf16, #tpu.memory_space<vmem_shared>>)
    %barrier3A = arith.constant 0 : index
    tpu.barrier barrier_id(%barrier3A)
    %dma_start3A_93 = arith.constant 0 : i32
    %dma_start3A_94 = arith.constant 0 : i32
    %dma_start3A_95 = tpu.memref_slice %arg16[%dma_start3A_93, %dma_start3A_94] : memref<80x128xi32, #tpu.memory_space<vmem>> -> memref<1x128xi32, #tpu.memory_space<vmem>>
    %dma_start3A_96 = tpu.memref_squeeze %dma_start3A_95 : memref<1x128xi32, #tpu.memory_space<vmem>> -> memref<128xi32, #tpu.memory_space<vmem>>
    %dma_start3A_97 = arith.constant 0 : i32
    %dma_start3A_98 = arith.constant 0 : i32
    %dma_start3A_99 = tpu.memref_slice %arg2[%dma_start3A_97, %dma_start3A_98] : memref<20000x128xbf16, #tpu.memory_space<hbm>> -> memref<20000x128xbf16, #tpu.memory_space<hbm>>
    tpu.enqueue_indirect_dma source(%dma_start3A_99 : memref<20000x128xbf16, #tpu.memory_space<hbm>>) target(%arg18 : memref<128x128xbf16, #tpu.memory_space<vmem>>) offsets(%dma_start3A_96 : memref<128xi32, #tpu.memory_space<vmem>>) semaphore(%arg24 : memref<!tpu.dma_semaphore, #tpu.memory_space<semaphore_mem>>)
    %dma_start3A_100 = arith.constant 1 : i32
    %dma_start3A_101 = arith.constant 0 : i32
    %dma_start3A_102 = tpu.memref_slice %arg16[%dma_start3A_100, %dma_start3A_101] : memref<80x128xi32, #tpu.memory_space<vmem>> -> memref<1x128xi32, #tpu.memory_space<vmem>>
    %dma_start3A_103 = tpu.memref_squeeze %dma_start3A_102 : memref<1x128xi32, #tpu.memory_space<vmem>> -> memref<128xi32, #tpu.memory_space<vmem>>
    %dma_start3A_104 = arith.constant 0 : i32
    %dma_start3A_105 = arith.constant 0 : i32
    %dma_start3A_106 = tpu.memref_slice %arg2[%dma_start3A_104, %dma_start3A_105] : memref<20000x128xbf16, #tpu.memory_space<hbm>> -> memref<20000x128xbf16, #tpu.memory_space<hbm>>
    tpu.enqueue_indirect_dma source(%dma_start3A_106 : memref<20000x128xbf16, #tpu.memory_space<hbm>>) target(%arg19 : memref<128x128xbf16, #tpu.memory_space<vmem>>) offsets(%dma_start3A_103 : memref<128xi32, #tpu.memory_space<vmem>>) semaphore(%arg25 : memref<!tpu.dma_semaphore, #tpu.memory_space<semaphore_mem>>)
    %dma_start3A_107 = arith.constant 2 : i32
    %dma_start3A_108 = arith.constant 0 : i32
    %dma_start3A_109 = tpu.memref_slice %arg16[%dma_start3A_107, %dma_start3A_108] : memref<80x128xi32, #tpu.memory_space<vmem>> -> memref<1x128xi32, #tpu.memory_space<vmem>>
    %dma_start3A_110 = tpu.memref_squeeze %dma_start3A_109 : memref<1x128xi32, #tpu.memory_space<vmem>> -> memref<128xi32, #tpu.memory_space<vmem>>
    %dma_start3A_111 = arith.constant 0 : i32
    %dma_start3A_112 = arith.constant 0 : i32
    %dma_start3A_113 = tpu.memref_slice %arg2[%dma_start3A_111, %dma_start3A_112] : memref<20000x128xbf16, #tpu.memory_space<hbm>> -> memref<20000x128xbf16, #tpu.memory_space<hbm>>
    tpu.enqueue_indirect_dma source(%dma_start3A_113 : memref<20000x128xbf16, #tpu.memory_space<hbm>>) target(%arg20 : memref<128x128xbf16, #tpu.memory_space<vmem>>) offsets(%dma_start3A_110 : memref<128xi32, #tpu.memory_space<vmem>>) semaphore(%arg26 : memref<!tpu.dma_semaphore, #tpu.memory_space<semaphore_mem>>)
    %scan3A_114 = arith.constant 0 : i32
    %scan3A_115 = arith.constant 0 : i32
    %scan3A_116 = arith.constant 16 : i32
    %scan3A_117 = arith.addi %scan3A_115, %scan3A_116 : i32
    %scan3A_118 = arith.constant 1 : i32
    scf.for %scan3A_464 = %scan3A_115 to %scan3A_117 step %scan3A_118  : i32 {
      %mul3A_465 = arith.constant 5 : i32
      %mul3A_466 = arith.muli %mul3A_465, %scan3A_464 : i32
      %add3A_467 = arith.constant 0 : i32
      %add3A_468 = arith.addi %mul3A_466, %add3A_467 : i32
      %dma_wait3A_469 = arith.constant 0 : i32
      %dma_wait3A_470 = arith.constant 0 : i32
      %dma_wait3A_471 = tpu.memref_slice %arg16[%dma_wait3A_469, %dma_wait3A_470] : memref<80x128xi32, #tpu.memory_space<vmem>> -> memref<1x128xi32, #tpu.memory_space<vmem>>
      %dma_wait3A_472 = tpu.memref_squeeze %dma_wait3A_471 : memref<1x128xi32, #tpu.memory_space<vmem>> -> memref<128xi32, #tpu.memory_space<vmem>>
      %dma_wait3A_473 = arith.constant 0 : i32
      %dma_wait3A_474 = arith.constant 0 : i32
      %dma_wait3A_475 = tpu.memref_slice %arg2[%dma_wait3A_473, %dma_wait3A_474] : memref<20000x128xbf16, #tpu.memory_space<hbm>> -> memref<20000x128xbf16, #tpu.memory_space<hbm>>
      tpu.wait_indirect_dma semaphore(%arg24 : memref<!tpu.dma_semaphore, #tpu.memory_space<semaphore_mem>>) src(%dma_wait3A_475 : memref<20000x128xbf16, #tpu.memory_space<hbm>>) dst(%arg18 : memref<128x128xbf16, #tpu.memory_space<vmem>>)
      %ge3A = arith.constant 2 : i32
      %ge3A_476 = arith.cmpi sge, %add3A_468, %ge3A : i32
      %convert_element_type3A = arith.extui %ge3A_476 : i1 to i32
      %cond3A = arith.constant 0 : i32
      %cond3A_477 = arith.cmpi ne, %convert_element_type3A, %cond3A : i32
      scf.if %cond3A_477 {
        %dma_wait3A_636 = arith.constant 0 : i32
        %dma_wait3A_637 = arith.constant 0 : i32
        %dma_wait3A_638 = tpu.memref_slice %arg15[%dma_wait3A_636, %dma_wait3A_637] : memref<80x128xi32, #tpu.memory_space<vmem>> -> memref<1x128xi32, #tpu.memory_space<vmem>>
        %dma_wait3A_639 = tpu.memref_squeeze %dma_wait3A_638 : memref<1x128xi32, #tpu.memory_space<vmem>> -> memref<128xi32, #tpu.memory_space<vmem>>
        %dma_wait3A_640 = arith.constant 0 : i32
        %dma_wait3A_641 = arith.constant 0 : i32
        %dma_wait3A_642 = tpu.memref_slice %arg14[%dma_wait3A_640, %dma_wait3A_641] : memref<10240x128xbf16, #tpu.memory_space<vmem_shared>> -> memref<10240x128xbf16, #tpu.memory_space<vmem_shared>>
        tpu.wait_indirect_dma semaphore(%arg32 : memref<!tpu.dma_semaphore, #tpu.memory_space<semaphore_mem>>) src(%arg21 : memref<128x128xbf16, #tpu.memory_space<vmem>>) dst(%dma_wait3A_642 : memref<10240x128xbf16, #tpu.memory_space<vmem_shared>>)
      } else {
      }
      %add3A_478 = arith.constant 3 : i32
      %add3A_479 = arith.addi %add3A_468, %add3A_478 : i32
      %lt3A = arith.constant 80 : i32
      %lt3A_480 = arith.cmpi slt, %add3A_479, %lt3A : i32
      %convert_element_type3A_481 = arith.extui %lt3A_480 : i1 to i32
      %cond3A_482 = arith.constant 0 : i32
      %cond3A_483 = arith.cmpi ne, %convert_element_type3A_481, %cond3A_482 : i32
      scf.if %cond3A_483 {
        %add3A_636 = arith.constant 3 : i32
        %add3A_637 = arith.addi %add3A_468, %add3A_636 : i32
        %dma_start3A_638 = arith.constant 0 : i32
        %dma_start3A_639 = tpu.memref_slice %arg16[%add3A_637, %dma_start3A_638] : memref<80x128xi32, #tpu.memory_space<vmem>> -> memref<1x128xi32, #tpu.memory_space<vmem>>
        %dma_start3A_640 = tpu.memref_squeeze %dma_start3A_639 : memref<1x128xi32, #tpu.memory_space<vmem>> -> memref<128xi32, #tpu.memory_space<vmem>>
        %dma_start3A_641 = arith.constant 0 : i32
        %dma_start3A_642 = arith.constant 0 : i32
        %dma_start3A_643 = tpu.memref_slice %arg2[%dma_start3A_641, %dma_start3A_642] : memref<20000x128xbf16, #tpu.memory_space<hbm>> -> memref<20000x128xbf16, #tpu.memory_space<hbm>>
        tpu.enqueue_indirect_dma source(%dma_start3A_643 : memref<20000x128xbf16, #tpu.memory_space<hbm>>) target(%arg21 : memref<128x128xbf16, #tpu.memory_space<vmem>>) offsets(%dma_start3A_640 : memref<128xi32, #tpu.memory_space<vmem>>) semaphore(%arg27 : memref<!tpu.dma_semaphore, #tpu.memory_space<semaphore_mem>>)
      } else {
      }
      %scan3A_484 = arith.constant 0 : i32
      %scan3A_485 = arith.constant 0 : i32
      %scan3A_486 = arith.constant 8 : i32
      %scan3A_487 = arith.addi %scan3A_485, %scan3A_486 : i32
      %scan3A_488 = arith.constant 1 : i32
      scf.for %scan3A_636 = %scan3A_485 to %scan3A_487 step %scan3A_488  : i32 {
        %mul3A_637 = arith.constant 16 : i32
        %mul3A_638 = arith.muli %scan3A_636, %mul3A_637 : i32
        %get3A = arith.index_cast %add3A_468 : i32 to index
        %get3A_639 = arith.index_cast %mul3A_638 : i32 to index
        %get3A_640 = tpu.vector_load %arg17[%get3A, %get3A_639] {strides = array<i32>} : memref<80x128xf32, #tpu.memory_space<vmem>>, vector<16xf32>,
        %scan3A_641 = arith.constant 0 : i32
        %scan3A_642 = arith.constant 16 : i32
        %scan3A_643 = arith.addi %scan3A_641, %scan3A_642 : i32
        %scan3A_644 = arith.constant 1 : i32
        scf.for %scan3A_646 = %scan3A_641 to %scan3A_643 step %scan3A_644  : i32 {
          %broadcast_in_dim3A_647 = vector.broadcast %scan3A_646 : i32 to vector<16xi32>
          %broadcast_in_dim3A_648 = vector.shape_cast %broadcast_in_dim3A_647 : vector<16xi32> to vector<16x1xi32>
          %gather3A = vector.shape_cast %broadcast_in_dim3A_648 : vector<16x1xi32> to vector<16xi32>
          %gather3A_649 = tpu.dynamic_gather %get3A_640[%gather3A] in [0] : vector<16xf32>, vector<16xi32> -> vector<16xf32>
          %pack3A = tpu.pack_subelements %gather3A_649, %gather3A_649 {pack_format = #tpu.pack_format<interleaved>, positions = array<i32: 0, 1>} : vector<16xf32>, vector<16xf32> -> vector<32xbf16>
          %mul3A_650 = arith.constant 16 : i32
          %mul3A_651 = arith.muli %scan3A_636, %mul3A_650 : i32
          %add3A_652 = arith.addi %mul3A_651, %scan3A_646 : i32
          %get3A_653 = arith.index_cast %add3A_652 : i32 to index
          %get3A_654 = arith.constant 0 : index
          %get3A_655 = tpu.vector_load %arg18[%get3A_653, %get3A_654] {strides = array<i32>} : memref<128x128xbf16, #tpu.memory_space<vmem>>, vector<32xbf16>,
          %mul3A_656 = arith.mulf %get3A_655, %pack3A : vector<32xbf16>
          %swap3A = arith.index_cast %add3A_652 : i32 to index
          %swap3A_657 = arith.constant 0 : index
          %swap3A_658 = tpu.vector_load %arg18[%swap3A, %swap3A_657] {strides = array<i32>} : memref<128x128xbf16, #tpu.memory_space<vmem>>, vector<32xbf16>,
          tpu.vector_store %arg18[%swap3A, %swap3A_657], %mul3A_656 {strides = array<i32>} : memref<128x128xbf16, #tpu.memory_space<vmem>>, vector<32xbf16>,
          %get3A_659 = arith.index_cast %add3A_652 : i32 to index
          %get3A_660 = arith.constant 32 : index
          %get3A_661 = tpu.vector_load %arg18[%get3A_659, %get3A_660] {strides = array<i32>} : memref<128x128xbf16, #tpu.memory_space<vmem>>, vector<32xbf16>,
          %mul3A_662 = arith.mulf %get3A_661, %pack3A : vector<32xbf16>
          %swap3A_663 = arith.index_cast %add3A_652 : i32 to index
          %swap3A_664 = arith.constant 32 : index
          %swap3A_665 = tpu.vector_load %arg18[%swap3A_663, %swap3A_664] {strides = array<i32>} : memref<128x128xbf16, #tpu.memory_space<vmem>>, vector<32xbf16>,
          tpu.vector_store %arg18[%swap3A_663, %swap3A_664], %mul3A_662 {strides = array<i32>} : memref<128x128xbf16, #tpu.memory_space<vmem>>, vector<32xbf16>,
          %get3A_666 = arith.index_cast %add3A_652 : i32 to index
          %get3A_667 = arith.constant 64 : index
          %get3A_668 = tpu.vector_load %arg18[%get3A_666, %get3A_667] {strides = array<i32>} : memref<128x128xbf16, #tpu.memory_space<vmem>>, vector<32xbf16>,
          %mul3A_669 = arith.mulf %get3A_668, %pack3A : vector<32xbf16>
          %swap3A_670 = arith.index_cast %add3A_652 : i32 to index
          %swap3A_671 = arith.constant 64 : index
          %swap3A_672 = tpu.vector_load %arg18[%swap3A_670, %swap3A_671] {strides = array<i32>} : memref<128x128xbf16, #tpu.memory_space<vmem>>, vector<32xbf16>,
          tpu.vector_store %arg18[%swap3A_670, %swap3A_671], %mul3A_669 {strides = array<i32>} : memref<128x128xbf16, #tpu.memory_space<vmem>>, vector<32xbf16>,
          %get3A_673 = arith.index_cast %add3A_652 : i32 to index
          %get3A_674 = arith.constant 96 : index
          %get3A_675 = tpu.vector_load %arg18[%get3A_673, %get3A_674] {strides = array<i32>} : memref<128x128xbf16, #tpu.memory_space<vmem>>, vector<32xbf16>,
          %mul3A_676 = arith.mulf %get3A_675, %pack3A : vector<32xbf16>
          %swap3A_677 = arith.index_cast %add3A_652 : i32 to index
          %swap3A_678 = arith.constant 96 : index
          %swap3A_679 = tpu.vector_load %arg18[%swap3A_677, %swap3A_678] {strides = array<i32>} : memref<128x128xbf16, #tpu.memory_space<vmem>>, vector<32xbf16>,
          tpu.vector_store %arg18[%swap3A_677, %swap3A_678], %mul3A_676 {strides = array<i32>} : memref<128x128xbf16, #tpu.memory_space<vmem>>, vector<32xbf16>,
        }
        %scan3A_645 = arith.constant 16 : i32
      }
      %scan3A_489 = arith.constant 8 : i32
      %dma_start3A_490 = arith.constant 0 : i32
      %dma_start3A_491 = tpu.memref_slice %arg15[%add3A_468, %dma_start3A_490] : memref<80x128xi32, #tpu.memory_space<vmem>> -> memref<1x128xi32, #tpu.memory_space<vmem>>
      %dma_start3A_492 = tpu.memref_squeeze %dma_start3A_491 : memref<1x128xi32, #tpu.memory_space<vmem>> -> memref<128xi32, #tpu.memory_space<vmem>>
      %dma_start3A_493 = arith.constant 0 : i32
      %dma_start3A_494 = arith.constant 0 : i32
      %dma_start3A_495 = tpu.memref_slice %arg14[%dma_start3A_493, %dma_start3A_494] : memref<10240x128xbf16, #tpu.memory_space<vmem_shared>> -> memref<10240x128xbf16, #tpu.memory_space<vmem_shared>>
      tpu.enqueue_indirect_dma source(%arg18 : memref<128x128xbf16, #tpu.memory_space<vmem>>) target(%dma_start3A_495 : memref<10240x128xbf16, #tpu.memory_space<vmem_shared>>) offsets(%dma_start3A_492 : memref<128xi32, #tpu.memory_space<vmem>>) semaphore(%arg29 : memref<!tpu.dma_semaphore, #tpu.memory_space<semaphore_mem>>) {add = true}
      %mul3A_496 = arith.constant 5 : i32
      %mul3A_497 = arith.muli %mul3A_496, %scan3A_464 : i32
      %add3A_498 = arith.constant 1 : i32
      %add3A_499 = arith.addi %mul3A_497, %add3A_498 : i32
      %dma_wait3A_500 = arith.constant 0 : i32
      %dma_wait3A_501 = arith.constant 0 : i32
      %dma_wait3A_502 = tpu.memref_slice %arg16[%dma_wait3A_500, %dma_wait3A_501] : memref<80x128xi32, #tpu.memory_space<vmem>> -> memref<1x128xi32, #tpu.memory_space<vmem>>
      %dma_wait3A_503 = tpu.memref_squeeze %dma_wait3A_502 : memref<1x128xi32, #tpu.memory_space<vmem>> -> memref<128xi32, #tpu.memory_space<vmem>>
      %dma_wait3A_504 = arith.constant 0 : i32
      %dma_wait3A_505 = arith.constant 0 : i32
      %dma_wait3A_506 = tpu.memref_slice %arg2[%dma_wait3A_504, %dma_wait3A_505] : memref<20000x128xbf16, #tpu.memory_space<hbm>> -> memref<20000x128xbf16, #tpu.memory_space<hbm>>
      tpu.wait_indirect_dma semaphore(%arg25 : memref<!tpu.dma_semaphore, #tpu.memory_space<semaphore_mem>>) src(%dma_wait3A_506 : memref<20000x128xbf16, #tpu.memory_space<hbm>>) dst(%arg19 : memref<128x128xbf16, #tpu.memory_space<vmem>>)
      %ge3A_507 = arith.constant 2 : i32
      %ge3A_508 = arith.cmpi sge, %add3A_499, %ge3A_507 : i32
      %convert_element_type3A_509 = arith.extui %ge3A_508 : i1 to i32
      %cond3A_510 = arith.constant 0 : i32
      %cond3A_511 = arith.cmpi ne, %convert_element_type3A_509, %cond3A_510 : i32
      scf.if %cond3A_511 {
        %dma_wait3A_636 = arith.constant 0 : i32
        %dma_wait3A_637 = arith.constant 0 : i32
        %dma_wait3A_638 = tpu.memref_slice %arg15[%dma_wait3A_636, %dma_wait3A_637] : memref<80x128xi32, #tpu.memory_space<vmem>> -> memref<1x128xi32, #tpu.memory_space<vmem>>
        %dma_wait3A_639 = tpu.memref_squeeze %dma_wait3A_638 : memref<1x128xi32, #tpu.memory_space<vmem>> -> memref<128xi32, #tpu.memory_space<vmem>>
        %dma_wait3A_640 = arith.constant 0 : i32
        %dma_wait3A_641 = arith.constant 0 : i32
        %dma_wait3A_642 = tpu.memref_slice %arg14[%dma_wait3A_640, %dma_wait3A_641] : memref<10240x128xbf16, #tpu.memory_space<vmem_shared>> -> memref<10240x128xbf16, #tpu.memory_space<vmem_shared>>
        tpu.wait_indirect_dma semaphore(%arg33 : memref<!tpu.dma_semaphore, #tpu.memory_space<semaphore_mem>>) src(%arg22 : memref<128x128xbf16, #tpu.memory_space<vmem>>) dst(%dma_wait3A_642 : memref<10240x128xbf16, #tpu.memory_space<vmem_shared>>)
      } else {
      }
      %add3A_512 = arith.constant 3 : i32
      %add3A_513 = arith.addi %add3A_499, %add3A_512 : i32
      %lt3A_514 = arith.constant 80 : i32
      %lt3A_515 = arith.cmpi slt, %add3A_513, %lt3A_514 : i32
      %convert_element_type3A_516 = arith.extui %lt3A_515 : i1 to i32
      %cond3A_517 = arith.constant 0 : i32
      %cond3A_518 = arith.cmpi ne, %convert_element_type3A_516, %cond3A_517 : i32
      scf.if %cond3A_518 {
        %add3A_636 = arith.constant 3 : i32
        %add3A_637 = arith.addi %add3A_499, %add3A_636 : i32
        %dma_start3A_638 = arith.constant 0 : i32
        %dma_start3A_639 = tpu.memref_slice %arg16[%add3A_637, %dma_start3A_638] : memref<80x128xi32, #tpu.memory_space<vmem>> -> memref<1x128xi32, #tpu.memory_space<vmem>>
        %dma_start3A_640 = tpu.memref_squeeze %dma_start3A_639 : memref<1x128xi32, #tpu.memory_space<vmem>> -> memref<128xi32, #tpu.memory_space<vmem>>
        %dma_start3A_641 = arith.constant 0 : i32
        %dma_start3A_642 = arith.constant 0 : i32
        %dma_start3A_643 = tpu.memref_slice %arg2[%dma_start3A_641, %dma_start3A_642] : memref<20000x128xbf16, #tpu.memory_space<hbm>> -> memref<20000x128xbf16, #tpu.memory_space<hbm>>
        tpu.enqueue_indirect_dma source(%dma_start3A_643 : memref<20000x128xbf16, #tpu.memory_space<hbm>>) target(%arg22 : memref<128x128xbf16, #tpu.memory_space<vmem>>) offsets(%dma_start3A_640 : memref<128xi32, #tpu.memory_space<vmem>>) semaphore(%arg28 : memref<!tpu.dma_semaphore, #tpu.memory_space<semaphore_mem>>)
      } else {
      }
      %scan3A_519 = arith.constant 0 : i32
      %scan3A_520 = arith.constant 0 : i32
      %scan3A_521 = arith.constant 8 : i32
      %scan3A_522 = arith.addi %scan3A_520, %scan3A_521 : i32
      %scan3A_523 = arith.constant 1 : i32
      scf.for %scan3A_636 = %scan3A_520 to %scan3A_522 step %scan3A_523  : i32 {
        %mul3A_637 = arith.constant 16 : i32
        %mul3A_638 = arith.muli %scan3A_636, %mul3A_637 : i32
        %get3A = arith.index_cast %add3A_499 : i32 to index
        %get3A_639 = arith.index_cast %mul3A_638 : i32 to index
        %get3A_640 = tpu.vector_load %arg17[%get3A, %get3A_639] {strides = array<i32>} : memref<80x128xf32, #tpu.memory_space<vmem>>, vector<16xf32>,
        %scan3A_641 = arith.constant 0 : i32
        %scan3A_642 = arith.constant 16 : i32
        %scan3A_643 = arith.addi %scan3A_641, %scan3A_642 : i32
        %scan3A_644 = arith.constant 1 : i32
        scf.for %scan3A_646 = %scan3A_641 to %scan3A_643 step %scan3A_644  : i32 {
          %broadcast_in_dim3A_647 = vector.broadcast %scan3A_646 : i32 to vector<16xi32>
          %broadcast_in_dim3A_648 = vector.shape_cast %broadcast_in_dim3A_647 : vector<16xi32> to vector<16x1xi32>
          %gather3A = vector.shape_cast %broadcast_in_dim3A_648 : vector<16x1xi32> to vector<16xi32>
          %gather3A_649 = tpu.dynamic_gather %get3A_640[%gather3A] in [0] : vector<16xf32>, vector<16xi32> -> vector<16xf32>
          %pack3A = tpu.pack_subelements %gather3A_649, %gather3A_649 {pack_format = #tpu.pack_format<interleaved>, positions = array<i32: 0, 1>} : vector<16xf32>, vector<16xf32> -> vector<32xbf16>
          %mul3A_650 = arith.constant 16 : i32
          %mul3A_651 = arith.muli %scan3A_636, %mul3A_650 : i32
          %add3A_652 = arith.addi %mul3A_651, %scan3A_646 : i32
          %get3A_653 = arith.index_cast %add3A_652 : i32 to index
          %get3A_654 = arith.constant 0 : index
          %get3A_655 = tpu.vector_load %arg19[%get3A_653, %get3A_654] {strides = array<i32>} : memref<128x128xbf16, #tpu.memory_space<vmem>>, vector<32xbf16>,
          %mul3A_656 = arith.mulf %get3A_655, %pack3A : vector<32xbf16>
          %swap3A = arith.index_cast %add3A_652 : i32 to index
          %swap3A_657 = arith.constant 0 : index
          %swap3A_658 = tpu.vector_load %arg19[%swap3A, %swap3A_657] {strides = array<i32>} : memref<128x128xbf16, #tpu.memory_space<vmem>>, vector<32xbf16>,
          tpu.vector_store %arg19[%swap3A, %swap3A_657], %mul3A_656 {strides = array<i32>} : memref<128x128xbf16, #tpu.memory_space<vmem>>, vector<32xbf16>,
          %get3A_659 = arith.index_cast %add3A_652 : i32 to index
          %get3A_660 = arith.constant 32 : index
          %get3A_661 = tpu.vector_load %arg19[%get3A_659, %get3A_660] {strides = array<i32>} : memref<128x128xbf16, #tpu.memory_space<vmem>>, vector<32xbf16>,
          %mul3A_662 = arith.mulf %get3A_661, %pack3A : vector<32xbf16>
          %swap3A_663 = arith.index_cast %add3A_652 : i32 to index
          %swap3A_664 = arith.constant 32 : index
          %swap3A_665 = tpu.vector_load %arg19[%swap3A_663, %swap3A_664] {strides = array<i32>} : memref<128x128xbf16, #tpu.memory_space<vmem>>, vector<32xbf16>,
          tpu.vector_store %arg19[%swap3A_663, %swap3A_664], %mul3A_662 {strides = array<i32>} : memref<128x128xbf16, #tpu.memory_space<vmem>>, vector<32xbf16>,
          %get3A_666 = arith.index_cast %add3A_652 : i32 to index
          %get3A_667 = arith.constant 64 : index
          %get3A_668 = tpu.vector_load %arg19[%get3A_666, %get3A_667] {strides = array<i32>} : memref<128x128xbf16, #tpu.memory_space<vmem>>, vector<32xbf16>,
          %mul3A_669 = arith.mulf %get3A_668, %pack3A : vector<32xbf16>
          %swap3A_670 = arith.index_cast %add3A_652 : i32 to index
          %swap3A_671 = arith.constant 64 : index
          %swap3A_672 = tpu.vector_load %arg19[%swap3A_670, %swap3A_671] {strides = array<i32>} : memref<128x128xbf16, #tpu.memory_space<vmem>>, vector<32xbf16>,
          tpu.vector_store %arg19[%swap3A_670, %swap3A_671], %mul3A_669 {strides = array<i32>} : memref<128x128xbf16, #tpu.memory_space<vmem>>, vector<32xbf16>,
          %get3A_673 = arith.index_cast %add3A_652 : i32 to index
          %get3A_674 = arith.constant 96 : index
          %get3A_675 = tpu.vector_load %arg19[%get3A_673, %get3A_674] {strides = array<i32>} : memref<128x128xbf16, #tpu.memory_space<vmem>>, vector<32xbf16>,
          %mul3A_676 = arith.mulf %get3A_675, %pack3A : vector<32xbf16>
          %swap3A_677 = arith.index_cast %add3A_652 : i32 to index
          %swap3A_678 = arith.constant 96 : index
          %swap3A_679 = tpu.vector_load %arg19[%swap3A_677, %swap3A_678] {strides = array<i32>} : memref<128x128xbf16, #tpu.memory_space<vmem>>, vector<32xbf16>,
          tpu.vector_store %arg19[%swap3A_677, %swap3A_678], %mul3A_676 {strides = array<i32>} : memref<128x128xbf16, #tpu.memory_space<vmem>>, vector<32xbf16>,
        }
        %scan3A_645 = arith.constant 16 : i32
      }
      %scan3A_524 = arith.constant 8 : i32
      %dma_start3A_525 = arith.constant 0 : i32
      %dma_start3A_526 = tpu.memref_slice %arg15[%add3A_499, %dma_start3A_525] : memref<80x128xi32, #tpu.memory_space<vmem>> -> memref<1x128xi32, #tpu.memory_space<vmem>>
      %dma_start3A_527 = tpu.memref_squeeze %dma_start3A_526 : memref<1x128xi32, #tpu.memory_space<vmem>> -> memref<128xi32, #tpu.memory_space<vmem>>
      %dma_start3A_528 = arith.constant 0 : i32
      %dma_start3A_529 = arith.constant 0 : i32
      %dma_start3A_530 = tpu.memref_slice %arg14[%dma_start3A_528, %dma_start3A_529] : memref<10240x128xbf16, #tpu.memory_space<vmem_shared>> -> memref<10240x128xbf16, #tpu.memory_space<vmem_shared>>
      tpu.enqueue_indirect_dma source(%arg19 : memref<128x128xbf16, #tpu.memory_space<vmem>>) target(%dma_start3A_530 : memref<10240x128xbf16, #tpu.memory_space<vmem_shared>>) offsets(%dma_start3A_527 : memref<128xi32, #tpu.memory_space<vmem>>) semaphore(%arg30 : memref<!tpu.dma_semaphore, #tpu.memory_space<semaphore_mem>>) {add = true}
      %mul3A_531 = arith.constant 5 : i32
      %mul3A_532 = arith.muli %mul3A_531, %scan3A_464 : i32
      %add3A_533 = arith.constant 2 : i32
      %add3A_534 = arith.addi %mul3A_532, %add3A_533 : i32
      %dma_wait3A_535 = arith.constant 0 : i32
      %dma_wait3A_536 = arith.constant 0 : i32
      %dma_wait3A_537 = tpu.memref_slice %arg16[%dma_wait3A_535, %dma_wait3A_536] : memref<80x128xi32, #tpu.memory_space<vmem>> -> memref<1x128xi32, #tpu.memory_space<vmem>>
      %dma_wait3A_538 = tpu.memref_squeeze %dma_wait3A_537 : memref<1x128xi32, #tpu.memory_space<vmem>> -> memref<128xi32, #tpu.memory_space<vmem>>
      %dma_wait3A_539 = arith.constant 0 : i32
      %dma_wait3A_540 = arith.constant 0 : i32
      %dma_wait3A_541 = tpu.memref_slice %arg2[%dma_wait3A_539, %dma_wait3A_540] : memref<20000x128xbf16, #tpu.memory_space<hbm>> -> memref<20000x128xbf16, #tpu.memory_space<hbm>>
      tpu.wait_indirect_dma semaphore(%arg26 : memref<!tpu.dma_semaphore, #tpu.memory_space<semaphore_mem>>) src(%dma_wait3A_541 : memref<20000x128xbf16, #tpu.memory_space<hbm>>) dst(%arg20 : memref<128x128xbf16, #tpu.memory_space<vmem>>)
      %ge3A_542 = arith.constant 2 : i32
      %ge3A_543 = arith.cmpi sge, %add3A_534, %ge3A_542 : i32
      %convert_element_type3A_544 = arith.extui %ge3A_543 : i1 to i32
      %cond3A_545 = arith.constant 0 : i32
      %cond3A_546 = arith.cmpi ne, %convert_element_type3A_544, %cond3A_545 : i32
      scf.if %cond3A_546 {
        %dma_wait3A_636 = arith.constant 0 : i32
        %dma_wait3A_637 = arith.constant 0 : i32
        %dma_wait3A_638 = tpu.memref_slice %arg15[%dma_wait3A_636, %dma_wait3A_637] : memref<80x128xi32, #tpu.memory_space<vmem>> -> memref<1x128xi32, #tpu.memory_space<vmem>>
        %dma_wait3A_639 = tpu.memref_squeeze %dma_wait3A_638 : memref<1x128xi32, #tpu.memory_space<vmem>> -> memref<128xi32, #tpu.memory_space<vmem>>
        %dma_wait3A_640 = arith.constant 0 : i32
        %dma_wait3A_641 = arith.constant 0 : i32
        %dma_wait3A_642 = tpu.memref_slice %arg14[%dma_wait3A_640, %dma_wait3A_641] : memref<10240x128xbf16, #tpu.memory_space<vmem_shared>> -> memref<10240x128xbf16, #tpu.memory_space<vmem_shared>>
        tpu.wait_indirect_dma semaphore(%arg29 : memref<!tpu.dma_semaphore, #tpu.memory_space<semaphore_mem>>) src(%arg18 : memref<128x128xbf16, #tpu.memory_space<vmem>>) dst(%dma_wait3A_642 : memref<10240x128xbf16, #tpu.memory_space<vmem_shared>>)
      } else {
      }
      %add3A_547 = arith.constant 3 : i32
      %add3A_548 = arith.addi %add3A_534, %add3A_547 : i32
      %lt3A_549 = arith.constant 80 : i32
      %lt3A_550 = arith.cmpi slt, %add3A_548, %lt3A_549 : i32
      %convert_element_type3A_551 = arith.extui %lt3A_550 : i1 to i32
      %cond3A_552 = arith.constant 0 : i32
      %cond3A_553 = arith.cmpi ne, %convert_element_type3A_551, %cond3A_552 : i32
      scf.if %cond3A_553 {
        %add3A_636 = arith.constant 3 : i32
        %add3A_637 = arith.addi %add3A_534, %add3A_636 : i32
        %dma_start3A_638 = arith.constant 0 : i32
        %dma_start3A_639 = tpu.memref_slice %arg16[%add3A_637, %dma_start3A_638] : memref<80x128xi32, #tpu.memory_space<vmem>> -> memref<1x128xi32, #tpu.memory_space<vmem>>
        %dma_start3A_640 = tpu.memref_squeeze %dma_start3A_639 : memref<1x128xi32, #tpu.memory_space<vmem>> -> memref<128xi32, #tpu.memory_space<vmem>>
        %dma_start3A_641 = arith.constant 0 : i32
        %dma_start3A_642 = arith.constant 0 : i32
        %dma_start3A_643 = tpu.memref_slice %arg2[%dma_start3A_641, %dma_start3A_642] : memref<20000x128xbf16, #tpu.memory_space<hbm>> -> memref<20000x128xbf16, #tpu.memory_space<hbm>>
        tpu.enqueue_indirect_dma source(%dma_start3A_643 : memref<20000x128xbf16, #tpu.memory_space<hbm>>) target(%arg18 : memref<128x128xbf16, #tpu.memory_space<vmem>>) offsets(%dma_start3A_640 : memref<128xi32, #tpu.memory_space<vmem>>) semaphore(%arg24 : memref<!tpu.dma_semaphore, #tpu.memory_space<semaphore_mem>>)
      } else {
      }
      %scan3A_554 = arith.constant 0 : i32
      %scan3A_555 = arith.constant 0 : i32
      %scan3A_556 = arith.constant 8 : i32
      %scan3A_557 = arith.addi %scan3A_555, %scan3A_556 : i32
      %scan3A_558 = arith.constant 1 : i32
      scf.for %scan3A_636 = %scan3A_555 to %scan3A_557 step %scan3A_558  : i32 {
        %mul3A_637 = arith.constant 16 : i32
        %mul3A_638 = arith.muli %scan3A_636, %mul3A_637 : i32
        %get3A = arith.index_cast %add3A_534 : i32 to index
        %get3A_639 = arith.index_cast %mul3A_638 : i32 to index
        %get3A_640 = tpu.vector_load %arg17[%get3A, %get3A_639] {strides = array<i32>} : memref<80x128xf32, #tpu.memory_space<vmem>>, vector<16xf32>,
        %scan3A_641 = arith.constant 0 : i32
        %scan3A_642 = arith.constant 16 : i32
        %scan3A_643 = arith.addi %scan3A_641, %scan3A_642 : i32
        %scan3A_644 = arith.constant 1 : i32
        scf.for %scan3A_646 = %scan3A_641 to %scan3A_643 step %scan3A_644  : i32 {
          %broadcast_in_dim3A_647 = vector.broadcast %scan3A_646 : i32 to vector<16xi32>
          %broadcast_in_dim3A_648 = vector.shape_cast %broadcast_in_dim3A_647 : vector<16xi32> to vector<16x1xi32>
          %gather3A = vector.shape_cast %broadcast_in_dim3A_648 : vector<16x1xi32> to vector<16xi32>
          %gather3A_649 = tpu.dynamic_gather %get3A_640[%gather3A] in [0] : vector<16xf32>, vector<16xi32> -> vector<16xf32>
          %pack3A = tpu.pack_subelements %gather3A_649, %gather3A_649 {pack_format = #tpu.pack_format<interleaved>, positions = array<i32: 0, 1>} : vector<16xf32>, vector<16xf32> -> vector<32xbf16>
          %mul3A_650 = arith.constant 16 : i32
          %mul3A_651 = arith.muli %scan3A_636, %mul3A_650 : i32
          %add3A_652 = arith.addi %mul3A_651, %scan3A_646 : i32
          %get3A_653 = arith.index_cast %add3A_652 : i32 to index
          %get3A_654 = arith.constant 0 : index
          %get3A_655 = tpu.vector_load %arg20[%get3A_653, %get3A_654] {strides = array<i32>} : memref<128x128xbf16, #tpu.memory_space<vmem>>, vector<32xbf16>,
          %mul3A_656 = arith.mulf %get3A_655, %pack3A : vector<32xbf16>
          %swap3A = arith.index_cast %add3A_652 : i32 to index
          %swap3A_657 = arith.constant 0 : index
          %swap3A_658 = tpu.vector_load %arg20[%swap3A, %swap3A_657] {strides = array<i32>} : memref<128x128xbf16, #tpu.memory_space<vmem>>, vector<32xbf16>,
          tpu.vector_store %arg20[%swap3A, %swap3A_657], %mul3A_656 {strides = array<i32>} : memref<128x128xbf16, #tpu.memory_space<vmem>>, vector<32xbf16>,
          %get3A_659 = arith.index_cast %add3A_652 : i32 to index
          %get3A_660 = arith.constant 32 : index
          %get3A_661 = tpu.vector_load %arg20[%get3A_659, %get3A_660] {strides = array<i32>} : memref<128x128xbf16, #tpu.memory_space<vmem>>, vector<32xbf16>,
          %mul3A_662 = arith.mulf %get3A_661, %pack3A : vector<32xbf16>
          %swap3A_663 = arith.index_cast %add3A_652 : i32 to index
          %swap3A_664 = arith.constant 32 : index
          %swap3A_665 = tpu.vector_load %arg20[%swap3A_663, %swap3A_664] {strides = array<i32>} : memref<128x128xbf16, #tpu.memory_space<vmem>>, vector<32xbf16>,
          tpu.vector_store %arg20[%swap3A_663, %swap3A_664], %mul3A_662 {strides = array<i32>} : memref<128x128xbf16, #tpu.memory_space<vmem>>, vector<32xbf16>,
          %get3A_666 = arith.index_cast %add3A_652 : i32 to index
          %get3A_667 = arith.constant 64 : index
          %get3A_668 = tpu.vector_load %arg20[%get3A_666, %get3A_667] {strides = array<i32>} : memref<128x128xbf16, #tpu.memory_space<vmem>>, vector<32xbf16>,
          %mul3A_669 = arith.mulf %get3A_668, %pack3A : vector<32xbf16>
          %swap3A_670 = arith.index_cast %add3A_652 : i32 to index
          %swap3A_671 = arith.constant 64 : index
          %swap3A_672 = tpu.vector_load %arg20[%swap3A_670, %swap3A_671] {strides = array<i32>} : memref<128x128xbf16, #tpu.memory_space<vmem>>, vector<32xbf16>,
          tpu.vector_store %arg20[%swap3A_670, %swap3A_671], %mul3A_669 {strides = array<i32>} : memref<128x128xbf16, #tpu.memory_space<vmem>>, vector<32xbf16>,
          %get3A_673 = arith.index_cast %add3A_652 : i32 to index
          %get3A_674 = arith.constant 96 : index
          %get3A_675 = tpu.vector_load %arg20[%get3A_673, %get3A_674] {strides = array<i32>} : memref<128x128xbf16, #tpu.memory_space<vmem>>, vector<32xbf16>,
          %mul3A_676 = arith.mulf %get3A_675, %pack3A : vector<32xbf16>
          %swap3A_677 = arith.index_cast %add3A_652 : i32 to index
          %swap3A_678 = arith.constant 96 : index
          %swap3A_679 = tpu.vector_load %arg20[%swap3A_677, %swap3A_678] {strides = array<i32>} : memref<128x128xbf16, #tpu.memory_space<vmem>>, vector<32xbf16>,
          tpu.vector_store %arg20[%swap3A_677, %swap3A_678], %mul3A_676 {strides = array<i32>} : memref<128x128xbf16, #tpu.memory_space<vmem>>, vector<32xbf16>,
        }
        %scan3A_645 = arith.constant 16 : i32
      }
      %scan3A_559 = arith.constant 8 : i32
      %dma_start3A_560 = arith.constant 0 : i32
      %dma_start3A_561 = tpu.memref_slice %arg15[%add3A_534, %dma_start3A_560] : memref<80x128xi32, #tpu.memory_space<vmem>> -> memref<1x128xi32, #tpu.memory_space<vmem>>
      %dma_start3A_562 = tpu.memref_squeeze %dma_start3A_561 : memref<1x128xi32, #tpu.memory_space<vmem>> -> memref<128xi32, #tpu.memory_space<vmem>>
      %dma_start3A_563 = arith.constant 0 : i32
      %dma_start3A_564 = arith.constant 0 : i32
      %dma_start3A_565 = tpu.memref_slice %arg14[%dma_start3A_563, %dma_start3A_564] : memref<10240x128xbf16, #tpu.memory_space<vmem_shared>> -> memref<10240x128xbf16, #tpu.memory_space<vmem_shared>>
      tpu.enqueue_indirect_dma source(%arg20 : memref<128x128xbf16, #tpu.memory_space<vmem>>) target(%dma_start3A_565 : memref<10240x128xbf16, #tpu.memory_space<vmem_shared>>) offsets(%dma_start3A_562 : memref<128xi32, #tpu.memory_space<vmem>>) semaphore(%arg31 : memref<!tpu.dma_semaphore, #tpu.memory_space<semaphore_mem>>) {add = true}
      %mul3A_566 = arith.constant 5 : i32
      %mul3A_567 = arith.muli %mul3A_566, %scan3A_464 : i32
      %add3A_568 = arith.constant 3 : i32
      %add3A_569 = arith.addi %mul3A_567, %add3A_568 : i32
      %dma_wait3A_570 = arith.constant 0 : i32
      %dma_wait3A_571 = arith.constant 0 : i32
      %dma_wait3A_572 = tpu.memref_slice %arg16[%dma_wait3A_570, %dma_wait3A_571] : memref<80x128xi32, #tpu.memory_space<vmem>> -> memref<1x128xi32, #tpu.memory_space<vmem>>
      %dma_wait3A_573 = tpu.memref_squeeze %dma_wait3A_572 : memref<1x128xi32, #tpu.memory_space<vmem>> -> memref<128xi32, #tpu.memory_space<vmem>>
      %dma_wait3A_574 = arith.constant 0 : i32
      %dma_wait3A_575 = arith.constant 0 : i32
      %dma_wait3A_576 = tpu.memref_slice %arg2[%dma_wait3A_574, %dma_wait3A_575] : memref<20000x128xbf16, #tpu.memory_space<hbm>> -> memref<20000x128xbf16, #tpu.memory_space<hbm>>
      tpu.wait_indirect_dma semaphore(%arg27 : memref<!tpu.dma_semaphore, #tpu.memory_space<semaphore_mem>>) src(%dma_wait3A_576 : memref<20000x128xbf16, #tpu.memory_space<hbm>>) dst(%arg21 : memref<128x128xbf16, #tpu.memory_space<vmem>>)
      %ge3A_577 = arith.constant 2 : i32
      %ge3A_578 = arith.cmpi sge, %add3A_569, %ge3A_577 : i32
      %convert_element_type3A_579 = arith.extui %ge3A_578 : i1 to i32
      %cond3A_580 = arith.constant 0 : i32
      %cond3A_581 = arith.cmpi ne, %convert_element_type3A_579, %cond3A_580 : i32
      scf.if %cond3A_581 {
        %dma_wait3A_636 = arith.constant 0 : i32
        %dma_wait3A_637 = arith.constant 0 : i32
        %dma_wait3A_638 = tpu.memref_slice %arg15[%dma_wait3A_636, %dma_wait3A_637] : memref<80x128xi32, #tpu.memory_space<vmem>> -> memref<1x128xi32, #tpu.memory_space<vmem>>
        %dma_wait3A_639 = tpu.memref_squeeze %dma_wait3A_638 : memref<1x128xi32, #tpu.memory_space<vmem>> -> memref<128xi32, #tpu.memory_space<vmem>>
        %dma_wait3A_640 = arith.constant 0 : i32
        %dma_wait3A_641 = arith.constant 0 : i32
        %dma_wait3A_642 = tpu.memref_slice %arg14[%dma_wait3A_640, %dma_wait3A_641] : memref<10240x128xbf16, #tpu.memory_space<vmem_shared>> -> memref<10240x128xbf16, #tpu.memory_space<vmem_shared>>
        tpu.wait_indirect_dma semaphore(%arg30 : memref<!tpu.dma_semaphore, #tpu.memory_space<semaphore_mem>>) src(%arg19 : memref<128x128xbf16, #tpu.memory_space<vmem>>) dst(%dma_wait3A_642 : memref<10240x128xbf16, #tpu.memory_space<vmem_shared>>)
      } else {
      }
      %add3A_582 = arith.constant 3 : i32
      %add3A_583 = arith.addi %add3A_569, %add3A_582 : i32
      %lt3A_584 = arith.constant 80 : i32
      %lt3A_585 = arith.cmpi slt, %add3A_583, %lt3A_584 : i32
      %convert_element_type3A_586 = arith.extui %lt3A_585 : i1 to i32
      %cond3A_587 = arith.constant 0 : i32
      %cond3A_588 = arith.cmpi ne, %convert_element_type3A_586, %cond3A_587 : i32
      scf.if %cond3A_588 {
        %add3A_636 = arith.constant 3 : i32
        %add3A_637 = arith.addi %add3A_569, %add3A_636 : i32
        %dma_start3A_638 = arith.constant 0 : i32
        %dma_start3A_639 = tpu.memref_slice %arg16[%add3A_637, %dma_start3A_638] : memref<80x128xi32, #tpu.memory_space<vmem>> -> memref<1x128xi32, #tpu.memory_space<vmem>>
        %dma_start3A_640 = tpu.memref_squeeze %dma_start3A_639 : memref<1x128xi32, #tpu.memory_space<vmem>> -> memref<128xi32, #tpu.memory_space<vmem>>
        %dma_start3A_641 = arith.constant 0 : i32
        %dma_start3A_642 = arith.constant 0 : i32
        %dma_start3A_643 = tpu.memref_slice %arg2[%dma_start3A_641, %dma_start3A_642] : memref<20000x128xbf16, #tpu.memory_space<hbm>> -> memref<20000x128xbf16, #tpu.memory_space<hbm>>
        tpu.enqueue_indirect_dma source(%dma_start3A_643 : memref<20000x128xbf16, #tpu.memory_space<hbm>>) target(%arg19 : memref<128x128xbf16, #tpu.memory_space<vmem>>) offsets(%dma_start3A_640 : memref<128xi32, #tpu.memory_space<vmem>>) semaphore(%arg25 : memref<!tpu.dma_semaphore, #tpu.memory_space<semaphore_mem>>)
      } else {
      }
      %scan3A_589 = arith.constant 0 : i32
      %scan3A_590 = arith.constant 0 : i32
      %scan3A_591 = arith.constant 8 : i32
      %scan3A_592 = arith.addi %scan3A_590, %scan3A_591 : i32
      %scan3A_593 = arith.constant 1 : i32
      scf.for %scan3A_636 = %scan3A_590 to %scan3A_592 step %scan3A_593  : i32 {
        %mul3A_637 = arith.constant 16 : i32
        %mul3A_638 = arith.muli %scan3A_636, %mul3A_637 : i32
        %get3A = arith.index_cast %add3A_569 : i32 to index
        %get3A_639 = arith.index_cast %mul3A_638 : i32 to index
        %get3A_640 = tpu.vector_load %arg17[%get3A, %get3A_639] {strides = array<i32>} : memref<80x128xf32, #tpu.memory_space<vmem>>, vector<16xf32>,
        %scan3A_641 = arith.constant 0 : i32
        %scan3A_642 = arith.constant 16 : i32
        %scan3A_643 = arith.addi %scan3A_641, %scan3A_642 : i32
        %scan3A_644 = arith.constant 1 : i32
        scf.for %scan3A_646 = %scan3A_641 to %scan3A_643 step %scan3A_644  : i32 {
          %broadcast_in_dim3A_647 = vector.broadcast %scan3A_646 : i32 to vector<16xi32>
          %broadcast_in_dim3A_648 = vector.shape_cast %broadcast_in_dim3A_647 : vector<16xi32> to vector<16x1xi32>
          %gather3A = vector.shape_cast %broadcast_in_dim3A_648 : vector<16x1xi32> to vector<16xi32>
          %gather3A_649 = tpu.dynamic_gather %get3A_640[%gather3A] in [0] : vector<16xf32>, vector<16xi32> -> vector<16xf32>
          %pack3A = tpu.pack_subelements %gather3A_649, %gather3A_649 {pack_format = #tpu.pack_format<interleaved>, positions = array<i32: 0, 1>} : vector<16xf32>, vector<16xf32> -> vector<32xbf16>
          %mul3A_650 = arith.constant 16 : i32
          %mul3A_651 = arith.muli %scan3A_636, %mul3A_650 : i32
          %add3A_652 = arith.addi %mul3A_651, %scan3A_646 : i32
          %get3A_653 = arith.index_cast %add3A_652 : i32 to index
          %get3A_654 = arith.constant 0 : index
          %get3A_655 = tpu.vector_load %arg21[%get3A_653, %get3A_654] {strides = array<i32>} : memref<128x128xbf16, #tpu.memory_space<vmem>>, vector<32xbf16>,
          %mul3A_656 = arith.mulf %get3A_655, %pack3A : vector<32xbf16>
          %swap3A = arith.index_cast %add3A_652 : i32 to index
          %swap3A_657 = arith.constant 0 : index
          %swap3A_658 = tpu.vector_load %arg21[%swap3A, %swap3A_657] {strides = array<i32>} : memref<128x128xbf16, #tpu.memory_space<vmem>>, vector<32xbf16>,
          tpu.vector_store %arg21[%swap3A, %swap3A_657], %mul3A_656 {strides = array<i32>} : memref<128x128xbf16, #tpu.memory_space<vmem>>, vector<32xbf16>,
          %get3A_659 = arith.index_cast %add3A_652 : i32 to index
          %get3A_660 = arith.constant 32 : index
          %get3A_661 = tpu.vector_load %arg21[%get3A_659, %get3A_660] {strides = array<i32>} : memref<128x128xbf16, #tpu.memory_space<vmem>>, vector<32xbf16>,
          %mul3A_662 = arith.mulf %get3A_661, %pack3A : vector<32xbf16>
          %swap3A_663 = arith.index_cast %add3A_652 : i32 to index
          %swap3A_664 = arith.constant 32 : index
          %swap3A_665 = tpu.vector_load %arg21[%swap3A_663, %swap3A_664] {strides = array<i32>} : memref<128x128xbf16, #tpu.memory_space<vmem>>, vector<32xbf16>,
          tpu.vector_store %arg21[%swap3A_663, %swap3A_664], %mul3A_662 {strides = array<i32>} : memref<128x128xbf16, #tpu.memory_space<vmem>>, vector<32xbf16>,
          %get3A_666 = arith.index_cast %add3A_652 : i32 to index
          %get3A_667 = arith.constant 64 : index
          %get3A_668 = tpu.vector_load %arg21[%get3A_666, %get3A_667] {strides = array<i32>} : memref<128x128xbf16, #tpu.memory_space<vmem>>, vector<32xbf16>,
          %mul3A_669 = arith.mulf %get3A_668, %pack3A : vector<32xbf16>
          %swap3A_670 = arith.index_cast %add3A_652 : i32 to index
          %swap3A_671 = arith.constant 64 : index
          %swap3A_672 = tpu.vector_load %arg21[%swap3A_670, %swap3A_671] {strides = array<i32>} : memref<128x128xbf16, #tpu.memory_space<vmem>>, vector<32xbf16>,
          tpu.vector_store %arg21[%swap3A_670, %swap3A_671], %mul3A_669 {strides = array<i32>} : memref<128x128xbf16, #tpu.memory_space<vmem>>, vector<32xbf16>,
          %get3A_673 = arith.index_cast %add3A_652 : i32 to index
          %get3A_674 = arith.constant 96 : index
          %get3A_675 = tpu.vector_load %arg21[%get3A_673, %get3A_674] {strides = array<i32>} : memref<128x128xbf16, #tpu.memory_space<vmem>>, vector<32xbf16>,
          %mul3A_676 = arith.mulf %get3A_675, %pack3A : vector<32xbf16>
          %swap3A_677 = arith.index_cast %add3A_652 : i32 to index
          %swap3A_678 = arith.constant 96 : index
          %swap3A_679 = tpu.vector_load %arg21[%swap3A_677, %swap3A_678] {strides = array<i32>} : memref<128x128xbf16, #tpu.memory_space<vmem>>, vector<32xbf16>,
          tpu.vector_store %arg21[%swap3A_677, %swap3A_678], %mul3A_676 {strides = array<i32>} : memref<128x128xbf16, #tpu.memory_space<vmem>>, vector<32xbf16>,
        }
        %scan3A_645 = arith.constant 16 : i32
      }
      %scan3A_594 = arith.constant 8 : i32
      %dma_start3A_595 = arith.constant 0 : i32
      %dma_start3A_596 = tpu.memref_slice %arg15[%add3A_569, %dma_start3A_595] : memref<80x128xi32, #tpu.memory_space<vmem>> -> memref<1x128xi32, #tpu.memory_space<vmem>>
      %dma_start3A_597 = tpu.memref_squeeze %dma_start3A_596 : memref<1x128xi32, #tpu.memory_space<vmem>> -> memref<128xi32, #tpu.memory_space<vmem>>
      %dma_start3A_598 = arith.constant 0 : i32
      %dma_start3A_599 = arith.constant 0 : i32
      %dma_start3A_600 = tpu.memref_slice %arg14[%dma_start3A_598, %dma_start3A_599] : memref<10240x128xbf16, #tpu.memory_space<vmem_shared>> -> memref<10240x128xbf16, #tpu.memory_space<vmem_shared>>
      tpu.enqueue_indirect_dma source(%arg21 : memref<128x128xbf16, #tpu.memory_space<vmem>>) target(%dma_start3A_600 : memref<10240x128xbf16, #tpu.memory_space<vmem_shared>>) offsets(%dma_start3A_597 : memref<128xi32, #tpu.memory_space<vmem>>) semaphore(%arg32 : memref<!tpu.dma_semaphore, #tpu.memory_space<semaphore_mem>>) {add = true}
      %mul3A_601 = arith.constant 5 : i32
      %mul3A_602 = arith.muli %mul3A_601, %scan3A_464 : i32
      %add3A_603 = arith.constant 4 : i32
      %add3A_604 = arith.addi %mul3A_602, %add3A_603 : i32
      %dma_wait3A_605 = arith.constant 0 : i32
      %dma_wait3A_606 = arith.constant 0 : i32
      %dma_wait3A_607 = tpu.memref_slice %arg16[%dma_wait3A_605, %dma_wait3A_606] : memref<80x128xi32, #tpu.memory_space<vmem>> -> memref<1x128xi32, #tpu.memory_space<vmem>>
      %dma_wait3A_608 = tpu.memref_squeeze %dma_wait3A_607 : memref<1x128xi32, #tpu.memory_space<vmem>> -> memref<128xi32, #tpu.memory_space<vmem>>
      %dma_wait3A_609 = arith.constant 0 : i32
      %dma_wait3A_610 = arith.constant 0 : i32
      %dma_wait3A_611 = tpu.memref_slice %arg2[%dma_wait3A_609, %dma_wait3A_610] : memref<20000x128xbf16, #tpu.memory_space<hbm>> -> memref<20000x128xbf16, #tpu.memory_space<hbm>>
      tpu.wait_indirect_dma semaphore(%arg28 : memref<!tpu.dma_semaphore, #tpu.memory_space<semaphore_mem>>) src(%dma_wait3A_611 : memref<20000x128xbf16, #tpu.memory_space<hbm>>) dst(%arg22 : memref<128x128xbf16, #tpu.memory_space<vmem>>)
      %ge3A_612 = arith.constant 2 : i32
      %ge3A_613 = arith.cmpi sge, %add3A_604, %ge3A_612 : i32
      %convert_element_type3A_614 = arith.extui %ge3A_613 : i1 to i32
      %cond3A_615 = arith.constant 0 : i32
      %cond3A_616 = arith.cmpi ne, %convert_element_type3A_614, %cond3A_615 : i32
      scf.if %cond3A_616 {
        %dma_wait3A_636 = arith.constant 0 : i32
        %dma_wait3A_637 = arith.constant 0 : i32
        %dma_wait3A_638 = tpu.memref_slice %arg15[%dma_wait3A_636, %dma_wait3A_637] : memref<80x128xi32, #tpu.memory_space<vmem>> -> memref<1x128xi32, #tpu.memory_space<vmem>>
        %dma_wait3A_639 = tpu.memref_squeeze %dma_wait3A_638 : memref<1x128xi32, #tpu.memory_space<vmem>> -> memref<128xi32, #tpu.memory_space<vmem>>
        %dma_wait3A_640 = arith.constant 0 : i32
        %dma_wait3A_641 = arith.constant 0 : i32
        %dma_wait3A_642 = tpu.memref_slice %arg14[%dma_wait3A_640, %dma_wait3A_641] : memref<10240x128xbf16, #tpu.memory_space<vmem_shared>> -> memref<10240x128xbf16, #tpu.memory_space<vmem_shared>>
        tpu.wait_indirect_dma semaphore(%arg31 : memref<!tpu.dma_semaphore, #tpu.memory_space<semaphore_mem>>) src(%arg20 : memref<128x128xbf16, #tpu.memory_space<vmem>>) dst(%dma_wait3A_642 : memref<10240x128xbf16, #tpu.memory_space<vmem_shared>>)
      } else {
      }
      %add3A_617 = arith.constant 3 : i32
      %add3A_618 = arith.addi %add3A_604, %add3A_617 : i32
      %lt3A_619 = arith.constant 80 : i32
      %lt3A_620 = arith.cmpi slt, %add3A_618, %lt3A_619 : i32
      %convert_element_type3A_621 = arith.extui %lt3A_620 : i1 to i32
      %cond3A_622 = arith.constant 0 : i32
      %cond3A_623 = arith.cmpi ne, %convert_element_type3A_621, %cond3A_622 : i32
      scf.if %cond3A_623 {
        %add3A_636 = arith.constant 3 : i32
        %add3A_637 = arith.addi %add3A_604, %add3A_636 : i32
        %dma_start3A_638 = arith.constant 0 : i32
        %dma_start3A_639 = tpu.memref_slice %arg16[%add3A_637, %dma_start3A_638] : memref<80x128xi32, #tpu.memory_space<vmem>> -> memref<1x128xi32, #tpu.memory_space<vmem>>
        %dma_start3A_640 = tpu.memref_squeeze %dma_start3A_639 : memref<1x128xi32, #tpu.memory_space<vmem>> -> memref<128xi32, #tpu.memory_space<vmem>>
        %dma_start3A_641 = arith.constant 0 : i32
        %dma_start3A_642 = arith.constant 0 : i32
        %dma_start3A_643 = tpu.memref_slice %arg2[%dma_start3A_641, %dma_start3A_642] : memref<20000x128xbf16, #tpu.memory_space<hbm>> -> memref<20000x128xbf16, #tpu.memory_space<hbm>>
        tpu.enqueue_indirect_dma source(%dma_start3A_643 : memref<20000x128xbf16, #tpu.memory_space<hbm>>) target(%arg20 : memref<128x128xbf16, #tpu.memory_space<vmem>>) offsets(%dma_start3A_640 : memref<128xi32, #tpu.memory_space<vmem>>) semaphore(%arg26 : memref<!tpu.dma_semaphore, #tpu.memory_space<semaphore_mem>>)
      } else {
      }
      %scan3A_624 = arith.constant 0 : i32
      %scan3A_625 = arith.constant 0 : i32
      %scan3A_626 = arith.constant 8 : i32
      %scan3A_627 = arith.addi %scan3A_625, %scan3A_626 : i32
      %scan3A_628 = arith.constant 1 : i32
      scf.for %scan3A_636 = %scan3A_625 to %scan3A_627 step %scan3A_628  : i32 {
        %mul3A_637 = arith.constant 16 : i32
        %mul3A_638 = arith.muli %scan3A_636, %mul3A_637 : i32
        %get3A = arith.index_cast %add3A_604 : i32 to index
        %get3A_639 = arith.index_cast %mul3A_638 : i32 to index
        %get3A_640 = tpu.vector_load %arg17[%get3A, %get3A_639] {strides = array<i32>} : memref<80x128xf32, #tpu.memory_space<vmem>>, vector<16xf32>,
        %scan3A_641 = arith.constant 0 : i32
        %scan3A_642 = arith.constant 16 : i32
        %scan3A_643 = arith.addi %scan3A_641, %scan3A_642 : i32
        %scan3A_644 = arith.constant 1 : i32
        scf.for %scan3A_646 = %scan3A_641 to %scan3A_643 step %scan3A_644  : i32 {
          %broadcast_in_dim3A_647 = vector.broadcast %scan3A_646 : i32 to vector<16xi32>
          %broadcast_in_dim3A_648 = vector.shape_cast %broadcast_in_dim3A_647 : vector<16xi32> to vector<16x1xi32>
          %gather3A = vector.shape_cast %broadcast_in_dim3A_648 : vector<16x1xi32> to vector<16xi32>
          %gather3A_649 = tpu.dynamic_gather %get3A_640[%gather3A] in [0] : vector<16xf32>, vector<16xi32> -> vector<16xf32>
          %pack3A = tpu.pack_subelements %gather3A_649, %gather3A_649 {pack_format = #tpu.pack_format<interleaved>, positions = array<i32: 0, 1>} : vector<16xf32>, vector<16xf32> -> vector<32xbf16>
          %mul3A_650 = arith.constant 16 : i32
          %mul3A_651 = arith.muli %scan3A_636, %mul3A_650 : i32
          %add3A_652 = arith.addi %mul3A_651, %scan3A_646 : i32
          %get3A_653 = arith.index_cast %add3A_652 : i32 to index
          %get3A_654 = arith.constant 0 : index
          %get3A_655 = tpu.vector_load %arg22[%get3A_653, %get3A_654] {strides = array<i32>} : memref<128x128xbf16, #tpu.memory_space<vmem>>, vector<32xbf16>,
          %mul3A_656 = arith.mulf %get3A_655, %pack3A : vector<32xbf16>
          %swap3A = arith.index_cast %add3A_652 : i32 to index
          %swap3A_657 = arith.constant 0 : index
          %swap3A_658 = tpu.vector_load %arg22[%swap3A, %swap3A_657] {strides = array<i32>} : memref<128x128xbf16, #tpu.memory_space<vmem>>, vector<32xbf16>,
          tpu.vector_store %arg22[%swap3A, %swap3A_657], %mul3A_656 {strides = array<i32>} : memref<128x128xbf16, #tpu.memory_space<vmem>>, vector<32xbf16>,
          %get3A_659 = arith.index_cast %add3A_652 : i32 to index
          %get3A_660 = arith.constant 32 : index
          %get3A_661 = tpu.vector_load %arg22[%get3A_659, %get3A_660] {strides = array<i32>} : memref<128x128xbf16, #tpu.memory_space<vmem>>, vector<32xbf16>,
          %mul3A_662 = arith.mulf %get3A_661, %pack3A : vector<32xbf16>
          %swap3A_663 = arith.index_cast %add3A_652 : i32 to index
          %swap3A_664 = arith.constant 32 : index
          %swap3A_665 = tpu.vector_load %arg22[%swap3A_663, %swap3A_664] {strides = array<i32>} : memref<128x128xbf16, #tpu.memory_space<vmem>>, vector<32xbf16>,
          tpu.vector_store %arg22[%swap3A_663, %swap3A_664], %mul3A_662 {strides = array<i32>} : memref<128x128xbf16, #tpu.memory_space<vmem>>, vector<32xbf16>,
          %get3A_666 = arith.index_cast %add3A_652 : i32 to index
          %get3A_667 = arith.constant 64 : index
          %get3A_668 = tpu.vector_load %arg22[%get3A_666, %get3A_667] {strides = array<i32>} : memref<128x128xbf16, #tpu.memory_space<vmem>>, vector<32xbf16>,
          %mul3A_669 = arith.mulf %get3A_668, %pack3A : vector<32xbf16>
          %swap3A_670 = arith.index_cast %add3A_652 : i32 to index
          %swap3A_671 = arith.constant 64 : index
          %swap3A_672 = tpu.vector_load %arg22[%swap3A_670, %swap3A_671] {strides = array<i32>} : memref<128x128xbf16, #tpu.memory_space<vmem>>, vector<32xbf16>,
          tpu.vector_store %arg22[%swap3A_670, %swap3A_671], %mul3A_669 {strides = array<i32>} : memref<128x128xbf16, #tpu.memory_space<vmem>>, vector<32xbf16>,
          %get3A_673 = arith.index_cast %add3A_652 : i32 to index
          %get3A_674 = arith.constant 96 : index
          %get3A_675 = tpu.vector_load %arg22[%get3A_673, %get3A_674] {strides = array<i32>} : memref<128x128xbf16, #tpu.memory_space<vmem>>, vector<32xbf16>,
          %mul3A_676 = arith.mulf %get3A_675, %pack3A : vector<32xbf16>
          %swap3A_677 = arith.index_cast %add3A_652 : i32 to index
          %swap3A_678 = arith.constant 96 : index
          %swap3A_679 = tpu.vector_load %arg22[%swap3A_677, %swap3A_678] {strides = array<i32>} : memref<128x128xbf16, #tpu.memory_space<vmem>>, vector<32xbf16>,
          tpu.vector_store %arg22[%swap3A_677, %swap3A_678], %mul3A_676 {strides = array<i32>} : memref<128x128xbf16, #tpu.memory_space<vmem>>, vector<32xbf16>,
        }
        %scan3A_645 = arith.constant 16 : i32
      }
      %scan3A_629 = arith.constant 8 : i32
      %dma_start3A_630 = arith.constant 0 : i32
      %dma_start3A_631 = tpu.memref_slice %arg15[%add3A_604, %dma_start3A_630] : memref<80x128xi32, #tpu.memory_space<vmem>> -> memref<1x128xi32, #tpu.memory_space<vmem>>
      %dma_start3A_632 = tpu.memref_squeeze %dma_start3A_631 : memref<1x128xi32, #tpu.memory_space<vmem>> -> memref<128xi32, #tpu.memory_space<vmem>>
      %dma_start3A_633 = arith.constant 0 : i32
      %dma_start3A_634 = arith.constant 0 : i32
      %dma_start3A_635 = tpu.memref_slice %arg14[%dma_start3A_633, %dma_start3A_634] : memref<10240x128xbf16, #tpu.memory_space<vmem_shared>> -> memref<10240x128xbf16, #tpu.memory_space<vmem_shared>>
      tpu.enqueue_indirect_dma source(%arg22 : memref<128x128xbf16, #tpu.memory_space<vmem>>) target(%dma_start3A_635 : memref<10240x128xbf16, #tpu.memory_space<vmem_shared>>) offsets(%dma_start3A_632 : memref<128xi32, #tpu.memory_space<vmem>>) semaphore(%arg33 : memref<!tpu.dma_semaphore, #tpu.memory_space<semaphore_mem>>) {add = true}
    }
    %scan3A_119 = arith.constant 16 : i32
    %dma_wait3A_120 = arith.constant 0 : i32
    %dma_wait3A_121 = arith.constant 0 : i32
    %dma_wait3A_122 = tpu.memref_slice %arg15[%dma_wait3A_120, %dma_wait3A_121] : memref<80x128xi32, #tpu.memory_space<vmem>> -> memref<1x128xi32, #tpu.memory_space<vmem>>
    %dma_wait3A_123 = tpu.memref_squeeze %dma_wait3A_122 : memref<1x128xi32, #tpu.memory_space<vmem>> -> memref<128xi32, #tpu.memory_space<vmem>>
    %dma_wait3A_124 = arith.constant 0 : i32
    %dma_wait3A_125 = arith.constant 0 : i32
    %dma_wait3A_126 = tpu.memref_slice %arg14[%dma_wait3A_124, %dma_wait3A_125] : memref<10240x128xbf16, #tpu.memory_space<vmem_shared>> -> memref<10240x128xbf16, #tpu.memory_space<vmem_shared>>
    tpu.wait_indirect_dma semaphore(%arg32 : memref<!tpu.dma_semaphore, #tpu.memory_space<semaphore_mem>>) src(%arg21 : memref<128x128xbf16, #tpu.memory_space<vmem>>) dst(%dma_wait3A_126 : memref<10240x128xbf16, #tpu.memory_space<vmem_shared>>)
    %dma_wait3A_127 = arith.constant 0 : i32
    %dma_wait3A_128 = arith.constant 0 : i32
    %dma_wait3A_129 = tpu.memref_slice %arg15[%dma_wait3A_127, %dma_wait3A_128] : memref<80x128xi32, #tpu.memory_space<vmem>> -> memref<1x128xi32, #tpu.memory_space<vmem>>
    %dma_wait3A_130 = tpu.memref_squeeze %dma_wait3A_129 : memref<1x128xi32, #tpu.memory_space<vmem>> -> memref<128xi32, #tpu.memory_space<vmem>>
    %dma_wait3A_131 = arith.constant 0 : i32
    %dma_wait3A_132 = arith.constant 0 : i32
    %dma_wait3A_133 = tpu.memref_slice %arg14[%dma_wait3A_131, %dma_wait3A_132] : memref<10240x128xbf16, #tpu.memory_space<vmem_shared>> -> memref<10240x128xbf16, #tpu.memory_space<vmem_shared>>
    tpu.wait_indirect_dma semaphore(%arg33 : memref<!tpu.dma_semaphore, #tpu.memory_space<semaphore_mem>>) src(%arg22 : memref<128x128xbf16, #tpu.memory_space<vmem>>) dst(%dma_wait3A_133 : memref<10240x128xbf16, #tpu.memory_space<vmem_shared>>)
    %barrier3A_134 = arith.constant 0 : index
    tpu.barrier barrier_id(%barrier3A_134)
    %mul3A_135 = arith.constant 640 : i32
    %mul3A_136 = arith.muli %arg1, %mul3A_135 : i32
    %mul3A_137 = arith.constant 10240 : i32
    %mul3A_138 = arith.muli %arg0, %mul3A_137 : i32
    %add3A_139 = arith.addi %mul3A_138, %mul3A_136 : i32
    "tpu.region"() ({
      %run_scoped3A = tpu.sem_alloc : memref<!tpu.dma_semaphore, #tpu.memory_space<semaphore_mem>>
      %dma_start3A_464 = arith.constant 0 : i32
      %dma_start3A_465 = tpu.memref_slice %arg11[%add3A_139, %dma_start3A_464] : memref<20480x128xbf16, #tpu.memory_space<hbm>> -> memref<640x128xbf16, #tpu.memory_space<hbm>>
      %dma_start3A_466 = arith.constant 0 : i32
      %dma_start3A_467 = tpu.memref_slice %arg14[%mul3A_136, %dma_start3A_466] : memref<10240x128xbf16, #tpu.memory_space<vmem_shared>> -> memref<640x128xbf16, #tpu.memory_space<vmem_shared>>
      tpu.enqueue_dma source(%dma_start3A_467 : memref<640x128xbf16, #tpu.memory_space<vmem_shared>>) target(%dma_start3A_465 : memref<640x128xbf16, #tpu.memory_space<hbm>>) target_semaphore(%run_scoped3A : memref<!tpu.dma_semaphore, #tpu.memory_space<semaphore_mem>>)
      %dma_wait3A_468 = arith.constant 0 : i32
      %dma_wait3A_469 = tpu.memref_slice %arg11[%add3A_139, %dma_wait3A_468] : memref<20480x128xbf16, #tpu.memory_space<hbm>> -> memref<640x128xbf16, #tpu.memory_space<hbm>>
      %dma_wait3A_470 = arith.constant 0 : i32
      %dma_wait3A_471 = tpu.memref_slice %arg14[%mul3A_136, %dma_wait3A_470] : memref<10240x128xbf16, #tpu.memory_space<vmem_shared>> -> memref<640x128xbf16, #tpu.memory_space<vmem_shared>>
      tpu.wait_dma2 semaphore(%run_scoped3A : memref<!tpu.dma_semaphore, #tpu.memory_space<semaphore_mem>>) src(%dma_wait3A_471 : memref<640x128xbf16, #tpu.memory_space<vmem_shared>>) dst(%dma_wait3A_469 : memref<640x128xbf16, #tpu.memory_space<hbm>>)
      tpu.yield
    }) : () -> ()
    %mul3A_140 = arith.constant 640 : i32
    %mul3A_141 = arith.muli %arg1, %mul3A_140 : i32
    %add3A_142 = arith.constant 0 : i32
    %add3A_143 = arith.addi %mul3A_141, %add3A_142 : i32
    %dma_start3A_144 = arith.constant 0 : i32
    %dma_start3A_145 = tpu.memref_slice %arg14[%add3A_143, %dma_start3A_144] : memref<10240x128xbf16, #tpu.memory_space<vmem_shared>> -> memref<128x128xbf16, #tpu.memory_space<vmem_shared>>
    %dma_start3A_146 = arith.constant 0 : i32
    %dma_start3A_147 = tpu.memref_slice %arg14[%add3A_143, %dma_start3A_146] : memref<10240x128xbf16, #tpu.memory_space<vmem_shared>> -> memref<128x128xbf16, #tpu.memory_space<vmem_shared>>
    tpu.enqueue_dma source(%arg23 : memref<128x128xbf16, #tpu.memory_space<vmem>>) target(%dma_start3A_147 : memref<128x128xbf16, #tpu.memory_space<vmem_shared>>) target_semaphore(%arg34 : memref<!tpu.dma_semaphore, #tpu.memory_space<semaphore_mem>>)
    %mul3A_148 = arith.constant 640 : i32
    %mul3A_149 = arith.muli %arg1, %mul3A_148 : i32
    %add3A_150 = arith.constant 128 : i32
    %add3A_151 = arith.addi %mul3A_149, %add3A_150 : i32
    %dma_start3A_152 = arith.constant 0 : i32
    %dma_start3A_153 = tpu.memref_slice %arg14[%add3A_151, %dma_start3A_152] : memref<10240x128xbf16, #tpu.memory_space<vmem_shared>> -> memref<128x128xbf16, #tpu.memory_space<vmem_shared>>
    %dma_start3A_154 = arith.constant 0 : i32
    %dma_start3A_155 = tpu.memref_slice %arg14[%add3A_151, %dma_start3A_154] : memref<10240x128xbf16, #tpu.memory_space<vmem_shared>> -> memref<128x128xbf16, #tpu.memory_space<vmem_shared>>
    tpu.enqueue_dma source(%arg23 : memref<128x128xbf16, #tpu.memory_space<vmem>>) target(%dma_start3A_155 : memref<128x128xbf16, #tpu.memory_space<vmem_shared>>) target_semaphore(%arg34 : memref<!tpu.dma_semaphore, #tpu.memory_space<semaphore_mem>>)
    %mul3A_156 = arith.constant 640 : i32
    %mul3A_157 = arith.muli %arg1, %mul3A_156 : i32
    %add3A_158 = arith.constant 256 : i32
    %add3A_159 = arith.addi %mul3A_157, %add3A_158 : i32
    %dma_start3A_160 = arith.constant 0 : i32
    %dma_start3A_161 = tpu.memref_slice %arg14[%add3A_159, %dma_start3A_160] : memref<10240x128xbf16, #tpu.memory_space<vmem_shared>> -> memref<128x128xbf16, #tpu.memory_space<vmem_shared>>
    %dma_start3A_162 = arith.constant 0 : i32
    %dma_start3A_163 = tpu.memref_slice %arg14[%add3A_159, %dma_start3A_162] : memref<10240x128xbf16, #tpu.memory_space<vmem_shared>> -> memref<128x128xbf16, #tpu.memory_space<vmem_shared>>
    tpu.enqueue_dma source(%arg23 : memref<128x128xbf16, #tpu.memory_space<vmem>>) target(%dma_start3A_163 : memref<128x128xbf16, #tpu.memory_space<vmem_shared>>) target_semaphore(%arg34 : memref<!tpu.dma_semaphore, #tpu.memory_space<semaphore_mem>>)
    %mul3A_164 = arith.constant 640 : i32
    %mul3A_165 = arith.muli %arg1, %mul3A_164 : i32
    %add3A_166 = arith.constant 384 : i32
    %add3A_167 = arith.addi %mul3A_165, %add3A_166 : i32
    %dma_start3A_168 = arith.constant 0 : i32
    %dma_start3A_169 = tpu.memref_slice %arg14[%add3A_167, %dma_start3A_168] : memref<10240x128xbf16, #tpu.memory_space<vmem_shared>> -> memref<128x128xbf16, #tpu.memory_space<vmem_shared>>
    %dma_start3A_170 = arith.constant 0 : i32
    %dma_start3A_171 = tpu.memref_slice %arg14[%add3A_167, %dma_start3A_170] : memref<10240x128xbf16, #tpu.memory_space<vmem_shared>> -> memref<128x128xbf16, #tpu.memory_space<vmem_shared>>
    tpu.enqueue_dma source(%arg23 : memref<128x128xbf16, #tpu.memory_space<vmem>>) target(%dma_start3A_171 : memref<128x128xbf16, #tpu.memory_space<vmem_shared>>) target_semaphore(%arg34 : memref<!tpu.dma_semaphore, #tpu.memory_space<semaphore_mem>>)
    %mul3A_172 = arith.constant 640 : i32
    %mul3A_173 = arith.muli %arg1, %mul3A_172 : i32
    %add3A_174 = arith.constant 512 : i32
    %add3A_175 = arith.addi %mul3A_173, %add3A_174 : i32
    %dma_start3A_176 = arith.constant 0 : i32
    %dma_start3A_177 = tpu.memref_slice %arg14[%add3A_175, %dma_start3A_176] : memref<10240x128xbf16, #tpu.memory_space<vmem_shared>> -> memref<128x128xbf16, #tpu.memory_space<vmem_shared>>
    %dma_start3A_178 = arith.constant 0 : i32
    %dma_start3A_179 = tpu.memref_slice %arg14[%add3A_175, %dma_start3A_178] : memref<10240x128xbf16, #tpu.memory_space<vmem_shared>> -> memref<128x128xbf16, #tpu.memory_space<vmem_shared>>
    tpu.enqueue_dma source(%arg23 : memref<128x128xbf16, #tpu.memory_space<vmem>>) target(%dma_start3A_179 : memref<128x128xbf16, #tpu.memory_space<vmem_shared>>) target_semaphore(%arg34 : memref<!tpu.dma_semaphore, #tpu.memory_space<semaphore_mem>>)
    %mul3A_180 = arith.constant 80 : i32
    %mul3A_181 = arith.muli %arg1, %mul3A_180 : i32
    "tpu.region"() ({
      %run_scoped3A = tpu.sem_alloc : memref<!tpu.dma_semaphore, #tpu.memory_space<semaphore_mem>>
      %dma_start3A_464 = arith.constant 0 : i32
      %dma_start3A_465 = tpu.memref_slice %arg8[%mul3A_181, %dma_start3A_464] : memref<1280x128xi32, #tpu.memory_space<hbm>> -> memref<80x128xi32, #tpu.memory_space<hbm>>
      %dma_start3A_466 = arith.constant 0 : i32
      %dma_start3A_467 = tpu.memref_slice %arg8[%mul3A_181, %dma_start3A_466] : memref<1280x128xi32, #tpu.memory_space<hbm>> -> memref<80x128xi32, #tpu.memory_space<hbm>>
      tpu.enqueue_dma source(%dma_start3A_467 : memref<80x128xi32, #tpu.memory_space<hbm>>) target(%arg15 : memref<80x128xi32, #tpu.memory_space<vmem>>) target_semaphore(%run_scoped3A : memref<!tpu.dma_semaphore, #tpu.memory_space<semaphore_mem>>)
      %dma_wait3A_468 = arith.constant 0 : i32
      %dma_wait3A_469 = tpu.memref_slice %arg8[%mul3A_181, %dma_wait3A_468] : memref<1280x128xi32, #tpu.memory_space<hbm>> -> memref<80x128xi32, #tpu.memory_space<hbm>>
      %dma_wait3A_470 = arith.constant 0 : i32
      %dma_wait3A_471 = tpu.memref_slice %arg8[%mul3A_181, %dma_wait3A_470] : memref<1280x128xi32, #tpu.memory_space<hbm>> -> memref<80x128xi32, #tpu.memory_space<hbm>>
      tpu.wait_dma2 semaphore(%run_scoped3A : memref<!tpu.dma_semaphore, #tpu.memory_space<semaphore_mem>>) src(%dma_wait3A_471 : memref<80x128xi32, #tpu.memory_space<hbm>>) dst(%arg15 : memref<80x128xi32, #tpu.memory_space<vmem>>)
      tpu.yield
    }) : () -> ()
    "tpu.region"() ({
      %run_scoped3A = tpu.sem_alloc : memref<!tpu.dma_semaphore, #tpu.memory_space<semaphore_mem>>
      %dma_start3A_464 = arith.constant 0 : i32
      %dma_start3A_465 = tpu.memref_slice %arg9[%mul3A_181, %dma_start3A_464] : memref<1280x128xi32, #tpu.memory_space<hbm>> -> memref<80x128xi32, #tpu.memory_space<hbm>>
      %dma_start3A_466 = arith.constant 0 : i32
      %dma_start3A_467 = tpu.memref_slice %arg9[%mul3A_181, %dma_start3A_466] : memref<1280x128xi32, #tpu.memory_space<hbm>> -> memref<80x128xi32, #tpu.memory_space<hbm>>
      tpu.enqueue_dma source(%dma_start3A_467 : memref<80x128xi32, #tpu.memory_space<hbm>>) target(%arg16 : memref<80x128xi32, #tpu.memory_space<vmem>>) target_semaphore(%run_scoped3A : memref<!tpu.dma_semaphore, #tpu.memory_space<semaphore_mem>>)
      %dma_wait3A_468 = arith.constant 0 : i32
      %dma_wait3A_469 = tpu.memref_slice %arg9[%mul3A_181, %dma_wait3A_468] : memref<1280x128xi32, #tpu.memory_space<hbm>> -> memref<80x128xi32, #tpu.memory_space<hbm>>
      %dma_wait3A_470 = arith.constant 0 : i32
      %dma_wait3A_471 = tpu.memref_slice %arg9[%mul3A_181, %dma_wait3A_470] : memref<1280x128xi32, #tpu.memory_space<hbm>> -> memref<80x128xi32, #tpu.memory_space<hbm>>
      tpu.wait_dma2 semaphore(%run_scoped3A : memref<!tpu.dma_semaphore, #tpu.memory_space<semaphore_mem>>) src(%dma_wait3A_471 : memref<80x128xi32, #tpu.memory_space<hbm>>) dst(%arg16 : memref<80x128xi32, #tpu.memory_space<vmem>>)
      tpu.yield
    }) : () -> ()
    "tpu.region"() ({
      %run_scoped3A = tpu.sem_alloc : memref<!tpu.dma_semaphore, #tpu.memory_space<semaphore_mem>>
      %dma_start3A_464 = arith.constant 0 : i32
      %dma_start3A_465 = tpu.memref_slice %arg10[%mul3A_181, %dma_start3A_464] : memref<1280x128xf32, #tpu.memory_space<hbm>> -> memref<80x128xf32, #tpu.memory_space<hbm>>
      %dma_start3A_466 = arith.constant 0 : i32
      %dma_start3A_467 = tpu.memref_slice %arg10[%mul3A_181, %dma_start3A_466] : memref<1280x128xf32, #tpu.memory_space<hbm>> -> memref<80x128xf32, #tpu.memory_space<hbm>>
      tpu.enqueue_dma source(%dma_start3A_467 : memref<80x128xf32, #tpu.memory_space<hbm>>) target(%arg17 : memref<80x128xf32, #tpu.memory_space<vmem>>) target_semaphore(%run_scoped3A : memref<!tpu.dma_semaphore, #tpu.memory_space<semaphore_mem>>)
      %dma_wait3A_468 = arith.constant 0 : i32
      %dma_wait3A_469 = tpu.memref_slice %arg10[%mul3A_181, %dma_wait3A_468] : memref<1280x128xf32, #tpu.memory_space<hbm>> -> memref<80x128xf32, #tpu.memory_space<hbm>>
      %dma_wait3A_470 = arith.constant 0 : i32
      %dma_wait3A_471 = tpu.memref_slice %arg10[%mul3A_181, %dma_wait3A_470] : memref<1280x128xf32, #tpu.memory_space<hbm>> -> memref<80x128xf32, #tpu.memory_space<hbm>>
      tpu.wait_dma2 semaphore(%run_scoped3A : memref<!tpu.dma_semaphore, #tpu.memory_space<semaphore_mem>>) src(%dma_wait3A_471 : memref<80x128xf32, #tpu.memory_space<hbm>>) dst(%arg17 : memref<80x128xf32, #tpu.memory_space<vmem>>)
      tpu.yield
    }) : () -> ()
    %broadcast_in_dim3A_182 = vector.broadcast %mul3A_0 : i32 to vector<16xi32>
    %scan3A_183 = arith.constant 0 : i32
    %scan3A_184 = arith.constant 0 : i32
    %scan3A_185 = arith.constant 640 : i32
    %scan3A_186 = arith.addi %scan3A_184, %scan3A_185 : i32
    %scan3A_187 = arith.constant 1 : i32
    scf.for %scan3A_464 = %scan3A_184 to %scan3A_186 step %scan3A_187  : i32 {
      %jit3A = arith.constant 8 : i32
      %div3A = arith.divsi %scan3A_464, %jit3A : i32
      %sign3A = arith.constant 0 : i32
      %sign3A_465 = arith.cmpi sgt, %scan3A_464, %sign3A : i32
      %sign3A_466 = arith.extui %sign3A_465 : i1 to i32
      %sign3A_467 = arith.constant 0 : i32
      %sign3A_468 = arith.cmpi slt, %scan3A_464, %sign3A_467 : i32
      %sign3A_469 = arith.extui %sign3A_468 : i1 to i32
      %sign3A_470 = arith.subi %sign3A_466, %sign3A_469 : i32
      %sign3A_471 = arith.constant 0 : i32
      %sign3A_472 = arith.cmpi sgt, %jit3A, %sign3A_471 : i32
      %sign3A_473 = arith.extui %sign3A_472 : i1 to i32
      %sign3A_474 = arith.constant 0 : i32
      %sign3A_475 = arith.cmpi slt, %jit3A, %sign3A_474 : i32
      %sign3A_476 = arith.extui %sign3A_475 : i1 to i32
      %sign3A_477 = arith.subi %sign3A_473, %sign3A_476 : i32
      %ne3A = arith.cmpi ne, %sign3A_470, %sign3A_477 : i32
      %rem3A = arith.remsi %scan3A_464, %jit3A : i32
      %ne3A_478 = arith.constant 0 : i32
      %ne3A_479 = arith.cmpi ne, %rem3A, %ne3A_478 : i32
      %and3A = arith.andi %ne3A, %ne3A_479 : i1
      %sub3A = arith.constant 1 : i32
      %sub3A_480 = arith.subi %div3A, %sub3A : i32
      %select_n3A = arith.select %and3A, %sub3A_480, %div3A : i32
      %jit3A_481 = arith.constant 8 : i32
      %eq3A = arith.constant 0 : i32
      %eq3A_482 = arith.cmpi eq, %jit3A_481, %eq3A : i32
      %jit3A_483 = arith.constant 1 : i32
      %select_n3A_484 = arith.select %eq3A_482, %jit3A_483, %jit3A_481 : i32
      %rem3A_485 = arith.remsi %scan3A_464, %select_n3A_484 : i32
      %ne3A_486 = arith.constant 0 : i32
      %ne3A_487 = arith.cmpi ne, %rem3A_485, %ne3A_486 : i32
      %lt3A = arith.constant 0 : i32
      %lt3A_488 = arith.cmpi slt, %rem3A_485, %lt3A : i32
      %lt3A_489 = arith.constant 0 : i32
      %lt3A_490 = arith.cmpi slt, %select_n3A_484, %lt3A_489 : i32
      %ne3A_491 = arith.xori %lt3A_488, %lt3A_490 : i1
      %and3A_492 = arith.andi %ne3A_491, %ne3A_487 : i1
      %add3A_493 = arith.addi %rem3A_485, %select_n3A_484 : i32
      %select_n3A_494 = arith.select %and3A_492, %add3A_493, %rem3A_485 : i32
      %mul3A_495 = arith.constant 16 : i32
      %mul3A_496 = arith.muli %select_n3A_494, %mul3A_495 : i32
      %get3A = arith.index_cast %select_n3A : i32 to index
      %get3A_497 = arith.index_cast %mul3A_496 : i32 to index
      %get3A_498 = tpu.vector_load %arg16[%get3A, %get3A_497] {strides = array<i32>} : memref<80x128xi32, #tpu.memory_space<vmem>>, vector<16xi32>,
      %add3A_499 = arith.addi %get3A_498, %broadcast_in_dim3A_182 : vector<16xi32>
      %swap3A = arith.index_cast %select_n3A : i32 to index
      %swap3A_500 = arith.index_cast %mul3A_496 : i32 to index
      %swap3A_501 = tpu.vector_load %arg16[%swap3A, %swap3A_500] {strides = array<i32>} : memref<80x128xi32, #tpu.memory_space<vmem>>, vector<16xi32>,
      tpu.vector_store %arg16[%swap3A, %swap3A_500], %add3A_499 {strides = array<i32>} : memref<80x128xi32, #tpu.memory_space<vmem>>, vector<16xi32>,
    }
    %scan3A_188 = arith.constant 640 : i32
    %mul3A_189 = arith.constant 640 : i32
    %mul3A_190 = arith.muli %arg1, %mul3A_189 : i32
    %add3A_191 = arith.constant 0 : i32
    %add3A_192 = arith.addi %mul3A_190, %add3A_191 : i32
    %dma_wait3A_193 = arith.constant 0 : i32
    %dma_wait3A_194 = tpu.memref_slice %arg14[%add3A_192, %dma_wait3A_193] : memref<10240x128xbf16, #tpu.memory_space<vmem_shared>> -> memref<128x128xbf16, #tpu.memory_space<vmem_shared>>
    %dma_wait3A_195 = arith.constant 0 : i32
    %dma_wait3A_196 = tpu.memref_slice %arg14[%add3A_192, %dma_wait3A_195] : memref<10240x128xbf16, #tpu.memory_space<vmem_shared>> -> memref<128x128xbf16, #tpu.memory_space<vmem_shared>>
    tpu.wait_dma2 semaphore(%arg34 : memref<!tpu.dma_semaphore, #tpu.memory_space<semaphore_mem>>) src(%arg23 : memref<128x128xbf16, #tpu.memory_space<vmem>>) dst(%dma_wait3A_196 : memref<128x128xbf16, #tpu.memory_space<vmem_shared>>)
    %mul3A_197 = arith.constant 640 : i32
    %mul3A_198 = arith.muli %arg1, %mul3A_197 : i32
    %add3A_199 = arith.constant 128 : i32
    %add3A_200 = arith.addi %mul3A_198, %add3A_199 : i32
    %dma_wait3A_201 = arith.constant 0 : i32
    %dma_wait3A_202 = tpu.memref_slice %arg14[%add3A_200, %dma_wait3A_201] : memref<10240x128xbf16, #tpu.memory_space<vmem_shared>> -> memref<128x128xbf16, #tpu.memory_space<vmem_shared>>
    %dma_wait3A_203 = arith.constant 0 : i32
    %dma_wait3A_204 = tpu.memref_slice %arg14[%add3A_200, %dma_wait3A_203] : memref<10240x128xbf16, #tpu.memory_space<vmem_shared>> -> memref<128x128xbf16, #tpu.memory_space<vmem_shared>>
    tpu.wait_dma2 semaphore(%arg34 : memref<!tpu.dma_semaphore, #tpu.memory_space<semaphore_mem>>) src(%arg23 : memref<128x128xbf16, #tpu.memory_space<vmem>>) dst(%dma_wait3A_204 : memref<128x128xbf16, #tpu.memory_space<vmem_shared>>)
    %mul3A_205 = arith.constant 640 : i32
    %mul3A_206 = arith.muli %arg1, %mul3A_205 : i32
    %add3A_207 = arith.constant 256 : i32
    %add3A_208 = arith.addi %mul3A_206, %add3A_207 : i32
    %dma_wait3A_209 = arith.constant 0 : i32
    %dma_wait3A_210 = tpu.memref_slice %arg14[%add3A_208, %dma_wait3A_209] : memref<10240x128xbf16, #tpu.memory_space<vmem_shared>> -> memref<128x128xbf16, #tpu.memory_space<vmem_shared>>
    %dma_wait3A_211 = arith.constant 0 : i32
    %dma_wait3A_212 = tpu.memref_slice %arg14[%add3A_208, %dma_wait3A_211] : memref<10240x128xbf16, #tpu.memory_space<vmem_shared>> -> memref<128x128xbf16, #tpu.memory_space<vmem_shared>>
    tpu.wait_dma2 semaphore(%arg34 : memref<!tpu.dma_semaphore, #tpu.memory_space<semaphore_mem>>) src(%arg23 : memref<128x128xbf16, #tpu.memory_space<vmem>>) dst(%dma_wait3A_212 : memref<128x128xbf16, #tpu.memory_space<vmem_shared>>)
    %mul3A_213 = arith.constant 640 : i32
    %mul3A_214 = arith.muli %arg1, %mul3A_213 : i32
    %add3A_215 = arith.constant 384 : i32
    %add3A_216 = arith.addi %mul3A_214, %add3A_215 : i32
    %dma_wait3A_217 = arith.constant 0 : i32
    %dma_wait3A_218 = tpu.memref_slice %arg14[%add3A_216, %dma_wait3A_217] : memref<10240x128xbf16, #tpu.memory_space<vmem_shared>> -> memref<128x128xbf16, #tpu.memory_space<vmem_shared>>
    %dma_wait3A_219 = arith.constant 0 : i32
    %dma_wait3A_220 = tpu.memref_slice %arg14[%add3A_216, %dma_wait3A_219] : memref<10240x128xbf16, #tpu.memory_space<vmem_shared>> -> memref<128x128xbf16, #tpu.memory_space<vmem_shared>>
    tpu.wait_dma2 semaphore(%arg34 : memref<!tpu.dma_semaphore, #tpu.memory_space<semaphore_mem>>) src(%arg23 : memref<128x128xbf16, #tpu.memory_space<vmem>>) dst(%dma_wait3A_220 : memref<128x128xbf16, #tpu.memory_space<vmem_shared>>)
    %mul3A_221 = arith.constant 640 : i32
    %mul3A_222 = arith.muli %arg1, %mul3A_221 : i32
    %add3A_223 = arith.constant 512 : i32
    %add3A_224 = arith.addi %mul3A_222, %add3A_223 : i32
    %dma_wait3A_225 = arith.constant 0 : i32
    %dma_wait3A_226 = tpu.memref_slice %arg14[%add3A_224, %dma_wait3A_225] : memref<10240x128xbf16, #tpu.memory_space<vmem_shared>> -> memref<128x128xbf16, #tpu.memory_space<vmem_shared>>
    %dma_wait3A_227 = arith.constant 0 : i32
    %dma_wait3A_228 = tpu.memref_slice %arg14[%add3A_224, %dma_wait3A_227] : memref<10240x128xbf16, #tpu.memory_space<vmem_shared>> -> memref<128x128xbf16, #tpu.memory_space<vmem_shared>>
    tpu.wait_dma2 semaphore(%arg34 : memref<!tpu.dma_semaphore, #tpu.memory_space<semaphore_mem>>) src(%arg23 : memref<128x128xbf16, #tpu.memory_space<vmem>>) dst(%dma_wait3A_228 : memref<128x128xbf16, #tpu.memory_space<vmem_shared>>)
    %barrier3A_229 = arith.constant 0 : index
    tpu.barrier barrier_id(%barrier3A_229)
    %dma_start3A_230 = arith.constant 0 : i32
    %dma_start3A_231 = arith.constant 0 : i32
    %dma_start3A_232 = tpu.memref_slice %arg16[%dma_start3A_230, %dma_start3A_231] : memref<80x128xi32, #tpu.memory_space<vmem>> -> memref<1x128xi32, #tpu.memory_space<vmem>>
    %dma_start3A_233 = tpu.memref_squeeze %dma_start3A_232 : memref<1x128xi32, #tpu.memory_space<vmem>> -> memref<128xi32, #tpu.memory_space<vmem>>
    %dma_start3A_234 = arith.constant 0 : i32
    %dma_start3A_235 = arith.constant 0 : i32
    %dma_start3A_236 = tpu.memref_slice %arg2[%dma_start3A_234, %dma_start3A_235] : memref<20000x128xbf16, #tpu.memory_space<hbm>> -> memref<20000x128xbf16, #tpu.memory_space<hbm>>
    tpu.enqueue_indirect_dma source(%dma_start3A_236 : memref<20000x128xbf16, #tpu.memory_space<hbm>>) target(%arg18 : memref<128x128xbf16, #tpu.memory_space<vmem>>) offsets(%dma_start3A_233 : memref<128xi32, #tpu.memory_space<vmem>>) semaphore(%arg24 : memref<!tpu.dma_semaphore, #tpu.memory_space<semaphore_mem>>)
    %dma_start3A_237 = arith.constant 1 : i32
    %dma_start3A_238 = arith.constant 0 : i32
    %dma_start3A_239 = tpu.memref_slice %arg16[%dma_start3A_237, %dma_start3A_238] : memref<80x128xi32, #tpu.memory_space<vmem>> -> memref<1x128xi32, #tpu.memory_space<vmem>>
    %dma_start3A_240 = tpu.memref_squeeze %dma_start3A_239 : memref<1x128xi32, #tpu.memory_space<vmem>> -> memref<128xi32, #tpu.memory_space<vmem>>
    %dma_start3A_241 = arith.constant 0 : i32
    %dma_start3A_242 = arith.constant 0 : i32
    %dma_start3A_243 = tpu.memref_slice %arg2[%dma_start3A_241, %dma_start3A_242] : memref<20000x128xbf16, #tpu.memory_space<hbm>> -> memref<20000x128xbf16, #tpu.memory_space<hbm>>
    tpu.enqueue_indirect_dma source(%dma_start3A_243 : memref<20000x128xbf16, #tpu.memory_space<hbm>>) target(%arg19 : memref<128x128xbf16, #tpu.memory_space<vmem>>) offsets(%dma_start3A_240 : memref<128xi32, #tpu.memory_space<vmem>>) semaphore(%arg25 : memref<!tpu.dma_semaphore, #tpu.memory_space<semaphore_mem>>)
    %dma_start3A_244 = arith.constant 2 : i32
    %dma_start3A_245 = arith.constant 0 : i32
    %dma_start3A_246 = tpu.memref_slice %arg16[%dma_start3A_244, %dma_start3A_245] : memref<80x128xi32, #tpu.memory_space<vmem>> -> memref<1x128xi32, #tpu.memory_space<vmem>>
    %dma_start3A_247 = tpu.memref_squeeze %dma_start3A_246 : memref<1x128xi32, #tpu.memory_space<vmem>> -> memref<128xi32, #tpu.memory_space<vmem>>
    %dma_start3A_248 = arith.constant 0 : i32
    %dma_start3A_249 = arith.constant 0 : i32
    %dma_start3A_250 = tpu.memref_slice %arg2[%dma_start3A_248, %dma_start3A_249] : memref<20000x128xbf16, #tpu.memory_space<hbm>> -> memref<20000x128xbf16, #tpu.memory_space<hbm>>
    tpu.enqueue_indirect_dma source(%dma_start3A_250 : memref<20000x128xbf16, #tpu.memory_space<hbm>>) target(%arg20 : memref<128x128xbf16, #tpu.memory_space<vmem>>) offsets(%dma_start3A_247 : memref<128xi32, #tpu.memory_space<vmem>>) semaphore(%arg26 : memref<!tpu.dma_semaphore, #tpu.memory_space<semaphore_mem>>)
    %scan3A_251 = arith.constant 0 : i32
    %scan3A_252 = arith.constant 0 : i32
    %scan3A_253 = arith.constant 16 : i32
    %scan3A_254 = arith.addi %scan3A_252, %scan3A_253 : i32
    %scan3A_255 = arith.constant 1 : i32
    scf.for %scan3A_464 = %scan3A_252 to %scan3A_254 step %scan3A_255  : i32 {
      %mul3A_465 = arith.constant 5 : i32
      %mul3A_466 = arith.muli %mul3A_465, %scan3A_464 : i32
      %add3A_467 = arith.constant 0 : i32
      %add3A_468 = arith.addi %mul3A_466, %add3A_467 : i32
      %dma_wait3A_469 = arith.constant 0 : i32
      %dma_wait3A_470 = arith.constant 0 : i32
      %dma_wait3A_471 = tpu.memref_slice %arg16[%dma_wait3A_469, %dma_wait3A_470] : memref<80x128xi32, #tpu.memory_space<vmem>> -> memref<1x128xi32, #tpu.memory_space<vmem>>
      %dma_wait3A_472 = tpu.memref_squeeze %dma_wait3A_471 : memref<1x128xi32, #tpu.memory_space<vmem>> -> memref<128xi32, #tpu.memory_space<vmem>>
      %dma_wait3A_473 = arith.constant 0 : i32
      %dma_wait3A_474 = arith.constant 0 : i32
      %dma_wait3A_475 = tpu.memref_slice %arg2[%dma_wait3A_473, %dma_wait3A_474] : memref<20000x128xbf16, #tpu.memory_space<hbm>> -> memref<20000x128xbf16, #tpu.memory_space<hbm>>
      tpu.wait_indirect_dma semaphore(%arg24 : memref<!tpu.dma_semaphore, #tpu.memory_space<semaphore_mem>>) src(%dma_wait3A_475 : memref<20000x128xbf16, #tpu.memory_space<hbm>>) dst(%arg18 : memref<128x128xbf16, #tpu.memory_space<vmem>>)
      %ge3A = arith.constant 2 : i32
      %ge3A_476 = arith.cmpi sge, %add3A_468, %ge3A : i32
      %convert_element_type3A = arith.extui %ge3A_476 : i1 to i32
      %cond3A = arith.constant 0 : i32
      %cond3A_477 = arith.cmpi ne, %convert_element_type3A, %cond3A : i32
      scf.if %cond3A_477 {
        %dma_wait3A_636 = arith.constant 0 : i32
        %dma_wait3A_637 = arith.constant 0 : i32
        %dma_wait3A_638 = tpu.memref_slice %arg15[%dma_wait3A_636, %dma_wait3A_637] : memref<80x128xi32, #tpu.memory_space<vmem>> -> memref<1x128xi32, #tpu.memory_space<vmem>>
        %dma_wait3A_639 = tpu.memref_squeeze %dma_wait3A_638 : memref<1x128xi32, #tpu.memory_space<vmem>> -> memref<128xi32, #tpu.memory_space<vmem>>
        %dma_wait3A_640 = arith.constant 0 : i32
        %dma_wait3A_641 = arith.constant 0 : i32
        %dma_wait3A_642 = tpu.memref_slice %arg14[%dma_wait3A_640, %dma_wait3A_641] : memref<10240x128xbf16, #tpu.memory_space<vmem_shared>> -> memref<10240x128xbf16, #tpu.memory_space<vmem_shared>>
        tpu.wait_indirect_dma semaphore(%arg32 : memref<!tpu.dma_semaphore, #tpu.memory_space<semaphore_mem>>) src(%arg21 : memref<128x128xbf16, #tpu.memory_space<vmem>>) dst(%dma_wait3A_642 : memref<10240x128xbf16, #tpu.memory_space<vmem_shared>>)
      } else {
      }
      %add3A_478 = arith.constant 3 : i32
      %add3A_479 = arith.addi %add3A_468, %add3A_478 : i32
      %lt3A = arith.constant 80 : i32
      %lt3A_480 = arith.cmpi slt, %add3A_479, %lt3A : i32
      %convert_element_type3A_481 = arith.extui %lt3A_480 : i1 to i32
      %cond3A_482 = arith.constant 0 : i32
      %cond3A_483 = arith.cmpi ne, %convert_element_type3A_481, %cond3A_482 : i32
      scf.if %cond3A_483 {
        %add3A_636 = arith.constant 3 : i32
        %add3A_637 = arith.addi %add3A_468, %add3A_636 : i32
        %dma_start3A_638 = arith.constant 0 : i32
        %dma_start3A_639 = tpu.memref_slice %arg16[%add3A_637, %dma_start3A_638] : memref<80x128xi32, #tpu.memory_space<vmem>> -> memref<1x128xi32, #tpu.memory_space<vmem>>
        %dma_start3A_640 = tpu.memref_squeeze %dma_start3A_639 : memref<1x128xi32, #tpu.memory_space<vmem>> -> memref<128xi32, #tpu.memory_space<vmem>>
        %dma_start3A_641 = arith.constant 0 : i32
        %dma_start3A_642 = arith.constant 0 : i32
        %dma_start3A_643 = tpu.memref_slice %arg2[%dma_start3A_641, %dma_start3A_642] : memref<20000x128xbf16, #tpu.memory_space<hbm>> -> memref<20000x128xbf16, #tpu.memory_space<hbm>>
        tpu.enqueue_indirect_dma source(%dma_start3A_643 : memref<20000x128xbf16, #tpu.memory_space<hbm>>) target(%arg21 : memref<128x128xbf16, #tpu.memory_space<vmem>>) offsets(%dma_start3A_640 : memref<128xi32, #tpu.memory_space<vmem>>) semaphore(%arg27 : memref<!tpu.dma_semaphore, #tpu.memory_space<semaphore_mem>>)
      } else {
      }
      %scan3A_484 = arith.constant 0 : i32
      %scan3A_485 = arith.constant 0 : i32
      %scan3A_486 = arith.constant 8 : i32
      %scan3A_487 = arith.addi %scan3A_485, %scan3A_486 : i32
      %scan3A_488 = arith.constant 1 : i32
      scf.for %scan3A_636 = %scan3A_485 to %scan3A_487 step %scan3A_488  : i32 {
        %mul3A_637 = arith.constant 16 : i32
        %mul3A_638 = arith.muli %scan3A_636, %mul3A_637 : i32
        %get3A = arith.index_cast %add3A_468 : i32 to index
        %get3A_639 = arith.index_cast %mul3A_638 : i32 to index
        %get3A_640 = tpu.vector_load %arg17[%get3A, %get3A_639] {strides = array<i32>} : memref<80x128xf32, #tpu.memory_space<vmem>>, vector<16xf32>,
        %scan3A_641 = arith.constant 0 : i32
        %scan3A_642 = arith.constant 16 : i32
        %scan3A_643 = arith.addi %scan3A_641, %scan3A_642 : i32
        %scan3A_644 = arith.constant 1 : i32
        scf.for %scan3A_646 = %scan3A_641 to %scan3A_643 step %scan3A_644  : i32 {
          %broadcast_in_dim3A_647 = vector.broadcast %scan3A_646 : i32 to vector<16xi32>
          %broadcast_in_dim3A_648 = vector.shape_cast %broadcast_in_dim3A_647 : vector<16xi32> to vector<16x1xi32>
          %gather3A = vector.shape_cast %broadcast_in_dim3A_648 : vector<16x1xi32> to vector<16xi32>
          %gather3A_649 = tpu.dynamic_gather %get3A_640[%gather3A] in [0] : vector<16xf32>, vector<16xi32> -> vector<16xf32>
          %pack3A = tpu.pack_subelements %gather3A_649, %gather3A_649 {pack_format = #tpu.pack_format<interleaved>, positions = array<i32: 0, 1>} : vector<16xf32>, vector<16xf32> -> vector<32xbf16>
          %mul3A_650 = arith.constant 16 : i32
          %mul3A_651 = arith.muli %scan3A_636, %mul3A_650 : i32
          %add3A_652 = arith.addi %mul3A_651, %scan3A_646 : i32
          %get3A_653 = arith.index_cast %add3A_652 : i32 to index
          %get3A_654 = arith.constant 0 : index
          %get3A_655 = tpu.vector_load %arg18[%get3A_653, %get3A_654] {strides = array<i32>} : memref<128x128xbf16, #tpu.memory_space<vmem>>, vector<32xbf16>,
          %mul3A_656 = arith.mulf %get3A_655, %pack3A : vector<32xbf16>
          %swap3A = arith.index_cast %add3A_652 : i32 to index
          %swap3A_657 = arith.constant 0 : index
          %swap3A_658 = tpu.vector_load %arg18[%swap3A, %swap3A_657] {strides = array<i32>} : memref<128x128xbf16, #tpu.memory_space<vmem>>, vector<32xbf16>,
          tpu.vector_store %arg18[%swap3A, %swap3A_657], %mul3A_656 {strides = array<i32>} : memref<128x128xbf16, #tpu.memory_space<vmem>>, vector<32xbf16>,
          %get3A_659 = arith.index_cast %add3A_652 : i32 to index
          %get3A_660 = arith.constant 32 : index
          %get3A_661 = tpu.vector_load %arg18[%get3A_659, %get3A_660] {strides = array<i32>} : memref<128x128xbf16, #tpu.memory_space<vmem>>, vector<32xbf16>,
          %mul3A_662 = arith.mulf %get3A_661, %pack3A : vector<32xbf16>
          %swap3A_663 = arith.index_cast %add3A_652 : i32 to index
          %swap3A_664 = arith.constant 32 : index
          %swap3A_665 = tpu.vector_load %arg18[%swap3A_663, %swap3A_664] {strides = array<i32>} : memref<128x128xbf16, #tpu.memory_space<vmem>>, vector<32xbf16>,
          tpu.vector_store %arg18[%swap3A_663, %swap3A_664], %mul3A_662 {strides = array<i32>} : memref<128x128xbf16, #tpu.memory_space<vmem>>, vector<32xbf16>,
          %get3A_666 = arith.index_cast %add3A_652 : i32 to index
          %get3A_667 = arith.constant 64 : index
          %get3A_668 = tpu.vector_load %arg18[%get3A_666, %get3A_667] {strides = array<i32>} : memref<128x128xbf16, #tpu.memory_space<vmem>>, vector<32xbf16>,
          %mul3A_669 = arith.mulf %get3A_668, %pack3A : vector<32xbf16>
          %swap3A_670 = arith.index_cast %add3A_652 : i32 to index
          %swap3A_671 = arith.constant 64 : index
          %swap3A_672 = tpu.vector_load %arg18[%swap3A_670, %swap3A_671] {strides = array<i32>} : memref<128x128xbf16, #tpu.memory_space<vmem>>, vector<32xbf16>,
          tpu.vector_store %arg18[%swap3A_670, %swap3A_671], %mul3A_669 {strides = array<i32>} : memref<128x128xbf16, #tpu.memory_space<vmem>>, vector<32xbf16>,
          %get3A_673 = arith.index_cast %add3A_652 : i32 to index
          %get3A_674 = arith.constant 96 : index
          %get3A_675 = tpu.vector_load %arg18[%get3A_673, %get3A_674] {strides = array<i32>} : memref<128x128xbf16, #tpu.memory_space<vmem>>, vector<32xbf16>,
          %mul3A_676 = arith.mulf %get3A_675, %pack3A : vector<32xbf16>
          %swap3A_677 = arith.index_cast %add3A_652 : i32 to index
          %swap3A_678 = arith.constant 96 : index
          %swap3A_679 = tpu.vector_load %arg18[%swap3A_677, %swap3A_678] {strides = array<i32>} : memref<128x128xbf16, #tpu.memory_space<vmem>>, vector<32xbf16>,
          tpu.vector_store %arg18[%swap3A_677, %swap3A_678], %mul3A_676 {strides = array<i32>} : memref<128x128xbf16, #tpu.memory_space<vmem>>, vector<32xbf16>,
        }
        %scan3A_645 = arith.constant 16 : i32
      }
      %scan3A_489 = arith.constant 8 : i32
      %dma_start3A_490 = arith.constant 0 : i32
      %dma_start3A_491 = tpu.memref_slice %arg15[%add3A_468, %dma_start3A_490] : memref<80x128xi32, #tpu.memory_space<vmem>> -> memref<1x128xi32, #tpu.memory_space<vmem>>
      %dma_start3A_492 = tpu.memref_squeeze %dma_start3A_491 : memref<1x128xi32, #tpu.memory_space<vmem>> -> memref<128xi32, #tpu.memory_space<vmem>>
      %dma_start3A_493 = arith.constant 0 : i32
      %dma_start3A_494 = arith.constant 0 : i32
      %dma_start3A_495 = tpu.memref_slice %arg14[%dma_start3A_493, %dma_start3A_494] : memref<10240x128xbf16, #tpu.memory_space<vmem_shared>> -> memref<10240x128xbf16, #tpu.memory_space<vmem_shared>>
      tpu.enqueue_indirect_dma source(%arg18 : memref<128x128xbf16, #tpu.memory_space<vmem>>) target(%dma_start3A_495 : memref<10240x128xbf16, #tpu.memory_space<vmem_shared>>) offsets(%dma_start3A_492 : memref<128xi32, #tpu.memory_space<vmem>>) semaphore(%arg29 : memref<!tpu.dma_semaphore, #tpu.memory_space<semaphore_mem>>) {add = true}
      %mul3A_496 = arith.constant 5 : i32
      %mul3A_497 = arith.muli %mul3A_496, %scan3A_464 : i32
      %add3A_498 = arith.constant 1 : i32
      %add3A_499 = arith.addi %mul3A_497, %add3A_498 : i32
      %dma_wait3A_500 = arith.constant 0 : i32
      %dma_wait3A_501 = arith.constant 0 : i32
      %dma_wait3A_502 = tpu.memref_slice %arg16[%dma_wait3A_500, %dma_wait3A_501] : memref<80x128xi32, #tpu.memory_space<vmem>> -> memref<1x128xi32, #tpu.memory_space<vmem>>
      %dma_wait3A_503 = tpu.memref_squeeze %dma_wait3A_502 : memref<1x128xi32, #tpu.memory_space<vmem>> -> memref<128xi32, #tpu.memory_space<vmem>>
      %dma_wait3A_504 = arith.constant 0 : i32
      %dma_wait3A_505 = arith.constant 0 : i32
      %dma_wait3A_506 = tpu.memref_slice %arg2[%dma_wait3A_504, %dma_wait3A_505] : memref<20000x128xbf16, #tpu.memory_space<hbm>> -> memref<20000x128xbf16, #tpu.memory_space<hbm>>
      tpu.wait_indirect_dma semaphore(%arg25 : memref<!tpu.dma_semaphore, #tpu.memory_space<semaphore_mem>>) src(%dma_wait3A_506 : memref<20000x128xbf16, #tpu.memory_space<hbm>>) dst(%arg19 : memref<128x128xbf16, #tpu.memory_space<vmem>>)
      %ge3A_507 = arith.constant 2 : i32
      %ge3A_508 = arith.cmpi sge, %add3A_499, %ge3A_507 : i32
      %convert_element_type3A_509 = arith.extui %ge3A_508 : i1 to i32
      %cond3A_510 = arith.constant 0 : i32
      %cond3A_511 = arith.cmpi ne, %convert_element_type3A_509, %cond3A_510 : i32
      scf.if %cond3A_511 {
        %dma_wait3A_636 = arith.constant 0 : i32
        %dma_wait3A_637 = arith.constant 0 : i32
        %dma_wait3A_638 = tpu.memref_slice %arg15[%dma_wait3A_636, %dma_wait3A_637] : memref<80x128xi32, #tpu.memory_space<vmem>> -> memref<1x128xi32, #tpu.memory_space<vmem>>
        %dma_wait3A_639 = tpu.memref_squeeze %dma_wait3A_638 : memref<1x128xi32, #tpu.memory_space<vmem>> -> memref<128xi32, #tpu.memory_space<vmem>>
        %dma_wait3A_640 = arith.constant 0 : i32
        %dma_wait3A_641 = arith.constant 0 : i32
        %dma_wait3A_642 = tpu.memref_slice %arg14[%dma_wait3A_640, %dma_wait3A_641] : memref<10240x128xbf16, #tpu.memory_space<vmem_shared>> -> memref<10240x128xbf16, #tpu.memory_space<vmem_shared>>
        tpu.wait_indirect_dma semaphore(%arg33 : memref<!tpu.dma_semaphore, #tpu.memory_space<semaphore_mem>>) src(%arg22 : memref<128x128xbf16, #tpu.memory_space<vmem>>) dst(%dma_wait3A_642 : memref<10240x128xbf16, #tpu.memory_space<vmem_shared>>)
      } else {
      }
      %add3A_512 = arith.constant 3 : i32
      %add3A_513 = arith.addi %add3A_499, %add3A_512 : i32
      %lt3A_514 = arith.constant 80 : i32
      %lt3A_515 = arith.cmpi slt, %add3A_513, %lt3A_514 : i32
      %convert_element_type3A_516 = arith.extui %lt3A_515 : i1 to i32
      %cond3A_517 = arith.constant 0 : i32
      %cond3A_518 = arith.cmpi ne, %convert_element_type3A_516, %cond3A_517 : i32
      scf.if %cond3A_518 {
        %add3A_636 = arith.constant 3 : i32
        %add3A_637 = arith.addi %add3A_499, %add3A_636 : i32
        %dma_start3A_638 = arith.constant 0 : i32
        %dma_start3A_639 = tpu.memref_slice %arg16[%add3A_637, %dma_start3A_638] : memref<80x128xi32, #tpu.memory_space<vmem>> -> memref<1x128xi32, #tpu.memory_space<vmem>>
        %dma_start3A_640 = tpu.memref_squeeze %dma_start3A_639 : memref<1x128xi32, #tpu.memory_space<vmem>> -> memref<128xi32, #tpu.memory_space<vmem>>
        %dma_start3A_641 = arith.constant 0 : i32
        %dma_start3A_642 = arith.constant 0 : i32
        %dma_start3A_643 = tpu.memref_slice %arg2[%dma_start3A_641, %dma_start3A_642] : memref<20000x128xbf16, #tpu.memory_space<hbm>> -> memref<20000x128xbf16, #tpu.memory_space<hbm>>
        tpu.enqueue_indirect_dma source(%dma_start3A_643 : memref<20000x128xbf16, #tpu.memory_space<hbm>>) target(%arg22 : memref<128x128xbf16, #tpu.memory_space<vmem>>) offsets(%dma_start3A_640 : memref<128xi32, #tpu.memory_space<vmem>>) semaphore(%arg28 : memref<!tpu.dma_semaphore, #tpu.memory_space<semaphore_mem>>)
      } else {
      }
      %scan3A_519 = arith.constant 0 : i32
      %scan3A_520 = arith.constant 0 : i32
      %scan3A_521 = arith.constant 8 : i32
      %scan3A_522 = arith.addi %scan3A_520, %scan3A_521 : i32
      %scan3A_523 = arith.constant 1 : i32
      scf.for %scan3A_636 = %scan3A_520 to %scan3A_522 step %scan3A_523  : i32 {
        %mul3A_637 = arith.constant 16 : i32
        %mul3A_638 = arith.muli %scan3A_636, %mul3A_637 : i32
        %get3A = arith.index_cast %add3A_499 : i32 to index
        %get3A_639 = arith.index_cast %mul3A_638 : i32 to index
        %get3A_640 = tpu.vector_load %arg17[%get3A, %get3A_639] {strides = array<i32>} : memref<80x128xf32, #tpu.memory_space<vmem>>, vector<16xf32>,
        %scan3A_641 = arith.constant 0 : i32
        %scan3A_642 = arith.constant 16 : i32
        %scan3A_643 = arith.addi %scan3A_641, %scan3A_642 : i32
        %scan3A_644 = arith.constant 1 : i32
        scf.for %scan3A_646 = %scan3A_641 to %scan3A_643 step %scan3A_644  : i32 {
          %broadcast_in_dim3A_647 = vector.broadcast %scan3A_646 : i32 to vector<16xi32>
          %broadcast_in_dim3A_648 = vector.shape_cast %broadcast_in_dim3A_647 : vector<16xi32> to vector<16x1xi32>
          %gather3A = vector.shape_cast %broadcast_in_dim3A_648 : vector<16x1xi32> to vector<16xi32>
          %gather3A_649 = tpu.dynamic_gather %get3A_640[%gather3A] in [0] : vector<16xf32>, vector<16xi32> -> vector<16xf32>
          %pack3A = tpu.pack_subelements %gather3A_649, %gather3A_649 {pack_format = #tpu.pack_format<interleaved>, positions = array<i32: 0, 1>} : vector<16xf32>, vector<16xf32> -> vector<32xbf16>
          %mul3A_650 = arith.constant 16 : i32
          %mul3A_651 = arith.muli %scan3A_636, %mul3A_650 : i32
          %add3A_652 = arith.addi %mul3A_651, %scan3A_646 : i32
          %get3A_653 = arith.index_cast %add3A_652 : i32 to index
          %get3A_654 = arith.constant 0 : index
          %get3A_655 = tpu.vector_load %arg19[%get3A_653, %get3A_654] {strides = array<i32>} : memref<128x128xbf16, #tpu.memory_space<vmem>>, vector<32xbf16>,
          %mul3A_656 = arith.mulf %get3A_655, %pack3A : vector<32xbf16>
          %swap3A = arith.index_cast %add3A_652 : i32 to index
          %swap3A_657 = arith.constant 0 : index
          %swap3A_658 = tpu.vector_load %arg19[%swap3A, %swap3A_657] {strides = array<i32>} : memref<128x128xbf16, #tpu.memory_space<vmem>>, vector<32xbf16>,
          tpu.vector_store %arg19[%swap3A, %swap3A_657], %mul3A_656 {strides = array<i32>} : memref<128x128xbf16, #tpu.memory_space<vmem>>, vector<32xbf16>,
          %get3A_659 = arith.index_cast %add3A_652 : i32 to index
          %get3A_660 = arith.constant 32 : index
          %get3A_661 = tpu.vector_load %arg19[%get3A_659, %get3A_660] {strides = array<i32>} : memref<128x128xbf16, #tpu.memory_space<vmem>>, vector<32xbf16>,
          %mul3A_662 = arith.mulf %get3A_661, %pack3A : vector<32xbf16>
          %swap3A_663 = arith.index_cast %add3A_652 : i32 to index
          %swap3A_664 = arith.constant 32 : index
          %swap3A_665 = tpu.vector_load %arg19[%swap3A_663, %swap3A_664] {strides = array<i32>} : memref<128x128xbf16, #tpu.memory_space<vmem>>, vector<32xbf16>,
          tpu.vector_store %arg19[%swap3A_663, %swap3A_664], %mul3A_662 {strides = array<i32>} : memref<128x128xbf16, #tpu.memory_space<vmem>>, vector<32xbf16>,
          %get3A_666 = arith.index_cast %add3A_652 : i32 to index
          %get3A_667 = arith.constant 64 : index
          %get3A_668 = tpu.vector_load %arg19[%get3A_666, %get3A_667] {strides = array<i32>} : memref<128x128xbf16, #tpu.memory_space<vmem>>, vector<32xbf16>,
          %mul3A_669 = arith.mulf %get3A_668, %pack3A : vector<32xbf16>
          %swap3A_670 = arith.index_cast %add3A_652 : i32 to index
          %swap3A_671 = arith.constant 64 : index
          %swap3A_672 = tpu.vector_load %arg19[%swap3A_670, %swap3A_671] {strides = array<i32>} : memref<128x128xbf16, #tpu.memory_space<vmem>>, vector<32xbf16>,
          tpu.vector_store %arg19[%swap3A_670, %swap3A_671], %mul3A_669 {strides = array<i32>} : memref<128x128xbf16, #tpu.memory_space<vmem>>, vector<32xbf16>,
          %get3A_673 = arith.index_cast %add3A_652 : i32 to index
          %get3A_674 = arith.constant 96 : index
          %get3A_675 = tpu.vector_load %arg19[%get3A_673, %get3A_674] {strides = array<i32>} : memref<128x128xbf16, #tpu.memory_space<vmem>>, vector<32xbf16>,
          %mul3A_676 = arith.mulf %get3A_675, %pack3A : vector<32xbf16>
          %swap3A_677 = arith.index_cast %add3A_652 : i32 to index
          %swap3A_678 = arith.constant 96 : index
          %swap3A_679 = tpu.vector_load %arg19[%swap3A_677, %swap3A_678] {strides = array<i32>} : memref<128x128xbf16, #tpu.memory_space<vmem>>, vector<32xbf16>,
          tpu.vector_store %arg19[%swap3A_677, %swap3A_678], %mul3A_676 {strides = array<i32>} : memref<128x128xbf16, #tpu.memory_space<vmem>>, vector<32xbf16>,
        }
        %scan3A_645 = arith.constant 16 : i32
      }
      %scan3A_524 = arith.constant 8 : i32
      %dma_start3A_525 = arith.constant 0 : i32
      %dma_start3A_526 = tpu.memref_slice %arg15[%add3A_499, %dma_start3A_525] : memref<80x128xi32, #tpu.memory_space<vmem>> -> memref<1x128xi32, #tpu.memory_space<vmem>>
      %dma_start3A_527 = tpu.memref_squeeze %dma_start3A_526 : memref<1x128xi32, #tpu.memory_space<vmem>> -> memref<128xi32, #tpu.memory_space<vmem>>
      %dma_start3A_528 = arith.constant 0 : i32
      %dma_start3A_529 = arith.constant 0 : i32
      %dma_start3A_530 = tpu.memref_slice %arg14[%dma_start3A_528, %dma_start3A_529] : memref<10240x128xbf16, #tpu.memory_space<vmem_shared>> -> memref<10240x128xbf16, #tpu.memory_space<vmem_shared>>
      tpu.enqueue_indirect_dma source(%arg19 : memref<128x128xbf16, #tpu.memory_space<vmem>>) target(%dma_start3A_530 : memref<10240x128xbf16, #tpu.memory_space<vmem_shared>>) offsets(%dma_start3A_527 : memref<128xi32, #tpu.memory_space<vmem>>) semaphore(%arg30 : memref<!tpu.dma_semaphore, #tpu.memory_space<semaphore_mem>>) {add = true}
      %mul3A_531 = arith.constant 5 : i32
      %mul3A_532 = arith.muli %mul3A_531, %scan3A_464 : i32
      %add3A_533 = arith.constant 2 : i32
      %add3A_534 = arith.addi %mul3A_532, %add3A_533 : i32
      %dma_wait3A_535 = arith.constant 0 : i32
      %dma_wait3A_536 = arith.constant 0 : i32
      %dma_wait3A_537 = tpu.memref_slice %arg16[%dma_wait3A_535, %dma_wait3A_536] : memref<80x128xi32, #tpu.memory_space<vmem>> -> memref<1x128xi32, #tpu.memory_space<vmem>>
      %dma_wait3A_538 = tpu.memref_squeeze %dma_wait3A_537 : memref<1x128xi32, #tpu.memory_space<vmem>> -> memref<128xi32, #tpu.memory_space<vmem>>
      %dma_wait3A_539 = arith.constant 0 : i32
      %dma_wait3A_540 = arith.constant 0 : i32
      %dma_wait3A_541 = tpu.memref_slice %arg2[%dma_wait3A_539, %dma_wait3A_540] : memref<20000x128xbf16, #tpu.memory_space<hbm>> -> memref<20000x128xbf16, #tpu.memory_space<hbm>>
      tpu.wait_indirect_dma semaphore(%arg26 : memref<!tpu.dma_semaphore, #tpu.memory_space<semaphore_mem>>) src(%dma_wait3A_541 : memref<20000x128xbf16, #tpu.memory_space<hbm>>) dst(%arg20 : memref<128x128xbf16, #tpu.memory_space<vmem>>)
      %ge3A_542 = arith.constant 2 : i32
      %ge3A_543 = arith.cmpi sge, %add3A_534, %ge3A_542 : i32
      %convert_element_type3A_544 = arith.extui %ge3A_543 : i1 to i32
      %cond3A_545 = arith.constant 0 : i32
      %cond3A_546 = arith.cmpi ne, %convert_element_type3A_544, %cond3A_545 : i32
      scf.if %cond3A_546 {
        %dma_wait3A_636 = arith.constant 0 : i32
        %dma_wait3A_637 = arith.constant 0 : i32
        %dma_wait3A_638 = tpu.memref_slice %arg15[%dma_wait3A_636, %dma_wait3A_637] : memref<80x128xi32, #tpu.memory_space<vmem>> -> memref<1x128xi32, #tpu.memory_space<vmem>>
        %dma_wait3A_639 = tpu.memref_squeeze %dma_wait3A_638 : memref<1x128xi32, #tpu.memory_space<vmem>> -> memref<128xi32, #tpu.memory_space<vmem>>
        %dma_wait3A_640 = arith.constant 0 : i32
        %dma_wait3A_641 = arith.constant 0 : i32
        %dma_wait3A_642 = tpu.memref_slice %arg14[%dma_wait3A_640, %dma_wait3A_641] : memref<10240x128xbf16, #tpu.memory_space<vmem_shared>> -> memref<10240x128xbf16, #tpu.memory_space<vmem_shared>>
        tpu.wait_indirect_dma semaphore(%arg29 : memref<!tpu.dma_semaphore, #tpu.memory_space<semaphore_mem>>) src(%arg18 : memref<128x128xbf16, #tpu.memory_space<vmem>>) dst(%dma_wait3A_642 : memref<10240x128xbf16, #tpu.memory_space<vmem_shared>>)
      } else {
      }
      %add3A_547 = arith.constant 3 : i32
      %add3A_548 = arith.addi %add3A_534, %add3A_547 : i32
      %lt3A_549 = arith.constant 80 : i32
      %lt3A_550 = arith.cmpi slt, %add3A_548, %lt3A_549 : i32
      %convert_element_type3A_551 = arith.extui %lt3A_550 : i1 to i32
      %cond3A_552 = arith.constant 0 : i32
      %cond3A_553 = arith.cmpi ne, %convert_element_type3A_551, %cond3A_552 : i32
      scf.if %cond3A_553 {
        %add3A_636 = arith.constant 3 : i32
        %add3A_637 = arith.addi %add3A_534, %add3A_636 : i32
        %dma_start3A_638 = arith.constant 0 : i32
        %dma_start3A_639 = tpu.memref_slice %arg16[%add3A_637, %dma_start3A_638] : memref<80x128xi32, #tpu.memory_space<vmem>> -> memref<1x128xi32, #tpu.memory_space<vmem>>
        %dma_start3A_640 = tpu.memref_squeeze %dma_start3A_639 : memref<1x128xi32, #tpu.memory_space<vmem>> -> memref<128xi32, #tpu.memory_space<vmem>>
        %dma_start3A_641 = arith.constant 0 : i32
        %dma_start3A_642 = arith.constant 0 : i32
        %dma_start3A_643 = tpu.memref_slice %arg2[%dma_start3A_641, %dma_start3A_642] : memref<20000x128xbf16, #tpu.memory_space<hbm>> -> memref<20000x128xbf16, #tpu.memory_space<hbm>>
        tpu.enqueue_indirect_dma source(%dma_start3A_643 : memref<20000x128xbf16, #tpu.memory_space<hbm>>) target(%arg18 : memref<128x128xbf16, #tpu.memory_space<vmem>>) offsets(%dma_start3A_640 : memref<128xi32, #tpu.memory_space<vmem>>) semaphore(%arg24 : memref<!tpu.dma_semaphore, #tpu.memory_space<semaphore_mem>>)
      } else {
      }
      %scan3A_554 = arith.constant 0 : i32
      %scan3A_555 = arith.constant 0 : i32
      %scan3A_556 = arith.constant 8 : i32
      %scan3A_557 = arith.addi %scan3A_555, %scan3A_556 : i32
      %scan3A_558 = arith.constant 1 : i32
      scf.for %scan3A_636 = %scan3A_555 to %scan3A_557 step %scan3A_558  : i32 {
        %mul3A_637 = arith.constant 16 : i32
        %mul3A_638 = arith.muli %scan3A_636, %mul3A_637 : i32
        %get3A = arith.index_cast %add3A_534 : i32 to index
        %get3A_639 = arith.index_cast %mul3A_638 : i32 to index
        %get3A_640 = tpu.vector_load %arg17[%get3A, %get3A_639] {strides = array<i32>} : memref<80x128xf32, #tpu.memory_space<vmem>>, vector<16xf32>,
        %scan3A_641 = arith.constant 0 : i32
        %scan3A_642 = arith.constant 16 : i32
        %scan3A_643 = arith.addi %scan3A_641, %scan3A_642 : i32
        %scan3A_644 = arith.constant 1 : i32
        scf.for %scan3A_646 = %scan3A_641 to %scan3A_643 step %scan3A_644  : i32 {
          %broadcast_in_dim3A_647 = vector.broadcast %scan3A_646 : i32 to vector<16xi32>
          %broadcast_in_dim3A_648 = vector.shape_cast %broadcast_in_dim3A_647 : vector<16xi32> to vector<16x1xi32>
          %gather3A = vector.shape_cast %broadcast_in_dim3A_648 : vector<16x1xi32> to vector<16xi32>
          %gather3A_649 = tpu.dynamic_gather %get3A_640[%gather3A] in [0] : vector<16xf32>, vector<16xi32> -> vector<16xf32>
          %pack3A = tpu.pack_subelements %gather3A_649, %gather3A_649 {pack_format = #tpu.pack_format<interleaved>, positions = array<i32: 0, 1>} : vector<16xf32>, vector<16xf32> -> vector<32xbf16>
          %mul3A_650 = arith.constant 16 : i32
          %mul3A_651 = arith.muli %scan3A_636, %mul3A_650 : i32
          %add3A_652 = arith.addi %mul3A_651, %scan3A_646 : i32
          %get3A_653 = arith.index_cast %add3A_652 : i32 to index
          %get3A_654 = arith.constant 0 : index
          %get3A_655 = tpu.vector_load %arg20[%get3A_653, %get3A_654] {strides = array<i32>} : memref<128x128xbf16, #tpu.memory_space<vmem>>, vector<32xbf16>,
          %mul3A_656 = arith.mulf %get3A_655, %pack3A : vector<32xbf16>
          %swap3A = arith.index_cast %add3A_652 : i32 to index
          %swap3A_657 = arith.constant 0 : index
          %swap3A_658 = tpu.vector_load %arg20[%swap3A, %swap3A_657] {strides = array<i32>} : memref<128x128xbf16, #tpu.memory_space<vmem>>, vector<32xbf16>,
          tpu.vector_store %arg20[%swap3A, %swap3A_657], %mul3A_656 {strides = array<i32>} : memref<128x128xbf16, #tpu.memory_space<vmem>>, vector<32xbf16>,
          %get3A_659 = arith.index_cast %add3A_652 : i32 to index
          %get3A_660 = arith.constant 32 : index
          %get3A_661 = tpu.vector_load %arg20[%get3A_659, %get3A_660] {strides = array<i32>} : memref<128x128xbf16, #tpu.memory_space<vmem>>, vector<32xbf16>,
          %mul3A_662 = arith.mulf %get3A_661, %pack3A : vector<32xbf16>
          %swap3A_663 = arith.index_cast %add3A_652 : i32 to index
          %swap3A_664 = arith.constant 32 : index
          %swap3A_665 = tpu.vector_load %arg20[%swap3A_663, %swap3A_664] {strides = array<i32>} : memref<128x128xbf16, #tpu.memory_space<vmem>>, vector<32xbf16>,
          tpu.vector_store %arg20[%swap3A_663, %swap3A_664], %mul3A_662 {strides = array<i32>} : memref<128x128xbf16, #tpu.memory_space<vmem>>, vector<32xbf16>,
          %get3A_666 = arith.index_cast %add3A_652 : i32 to index
          %get3A_667 = arith.constant 64 : index
          %get3A_668 = tpu.vector_load %arg20[%get3A_666, %get3A_667] {strides = array<i32>} : memref<128x128xbf16, #tpu.memory_space<vmem>>, vector<32xbf16>,
          %mul3A_669 = arith.mulf %get3A_668, %pack3A : vector<32xbf16>
          %swap3A_670 = arith.index_cast %add3A_652 : i32 to index
          %swap3A_671 = arith.constant 64 : index
          %swap3A_672 = tpu.vector_load %arg20[%swap3A_670, %swap3A_671] {strides = array<i32>} : memref<128x128xbf16, #tpu.memory_space<vmem>>, vector<32xbf16>,
          tpu.vector_store %arg20[%swap3A_670, %swap3A_671], %mul3A_669 {strides = array<i32>} : memref<128x128xbf16, #tpu.memory_space<vmem>>, vector<32xbf16>,
          %get3A_673 = arith.index_cast %add3A_652 : i32 to index
          %get3A_674 = arith.constant 96 : index
          %get3A_675 = tpu.vector_load %arg20[%get3A_673, %get3A_674] {strides = array<i32>} : memref<128x128xbf16, #tpu.memory_space<vmem>>, vector<32xbf16>,
          %mul3A_676 = arith.mulf %get3A_675, %pack3A : vector<32xbf16>
          %swap3A_677 = arith.index_cast %add3A_652 : i32 to index
          %swap3A_678 = arith.constant 96 : index
          %swap3A_679 = tpu.vector_load %arg20[%swap3A_677, %swap3A_678] {strides = array<i32>} : memref<128x128xbf16, #tpu.memory_space<vmem>>, vector<32xbf16>,
          tpu.vector_store %arg20[%swap3A_677, %swap3A_678], %mul3A_676 {strides = array<i32>} : memref<128x128xbf16, #tpu.memory_space<vmem>>, vector<32xbf16>,
        }
        %scan3A_645 = arith.constant 16 : i32
      }
      %scan3A_559 = arith.constant 8 : i32
      %dma_start3A_560 = arith.constant 0 : i32
      %dma_start3A_561 = tpu.memref_slice %arg15[%add3A_534, %dma_start3A_560] : memref<80x128xi32, #tpu.memory_space<vmem>> -> memref<1x128xi32, #tpu.memory_space<vmem>>
      %dma_start3A_562 = tpu.memref_squeeze %dma_start3A_561 : memref<1x128xi32, #tpu.memory_space<vmem>> -> memref<128xi32, #tpu.memory_space<vmem>>
      %dma_start3A_563 = arith.constant 0 : i32
      %dma_start3A_564 = arith.constant 0 : i32
      %dma_start3A_565 = tpu.memref_slice %arg14[%dma_start3A_563, %dma_start3A_564] : memref<10240x128xbf16, #tpu.memory_space<vmem_shared>> -> memref<10240x128xbf16, #tpu.memory_space<vmem_shared>>
      tpu.enqueue_indirect_dma source(%arg20 : memref<128x128xbf16, #tpu.memory_space<vmem>>) target(%dma_start3A_565 : memref<10240x128xbf16, #tpu.memory_space<vmem_shared>>) offsets(%dma_start3A_562 : memref<128xi32, #tpu.memory_space<vmem>>) semaphore(%arg31 : memref<!tpu.dma_semaphore, #tpu.memory_space<semaphore_mem>>) {add = true}
      %mul3A_566 = arith.constant 5 : i32
      %mul3A_567 = arith.muli %mul3A_566, %scan3A_464 : i32
      %add3A_568 = arith.constant 3 : i32
      %add3A_569 = arith.addi %mul3A_567, %add3A_568 : i32
      %dma_wait3A_570 = arith.constant 0 : i32
      %dma_wait3A_571 = arith.constant 0 : i32
      %dma_wait3A_572 = tpu.memref_slice %arg16[%dma_wait3A_570, %dma_wait3A_571] : memref<80x128xi32, #tpu.memory_space<vmem>> -> memref<1x128xi32, #tpu.memory_space<vmem>>
      %dma_wait3A_573 = tpu.memref_squeeze %dma_wait3A_572 : memref<1x128xi32, #tpu.memory_space<vmem>> -> memref<128xi32, #tpu.memory_space<vmem>>
      %dma_wait3A_574 = arith.constant 0 : i32
      %dma_wait3A_575 = arith.constant 0 : i32
      %dma_wait3A_576 = tpu.memref_slice %arg2[%dma_wait3A_574, %dma_wait3A_575] : memref<20000x128xbf16, #tpu.memory_space<hbm>> -> memref<20000x128xbf16, #tpu.memory_space<hbm>>
      tpu.wait_indirect_dma semaphore(%arg27 : memref<!tpu.dma_semaphore, #tpu.memory_space<semaphore_mem>>) src(%dma_wait3A_576 : memref<20000x128xbf16, #tpu.memory_space<hbm>>) dst(%arg21 : memref<128x128xbf16, #tpu.memory_space<vmem>>)
      %ge3A_577 = arith.constant 2 : i32
      %ge3A_578 = arith.cmpi sge, %add3A_569, %ge3A_577 : i32
      %convert_element_type3A_579 = arith.extui %ge3A_578 : i1 to i32
      %cond3A_580 = arith.constant 0 : i32
      %cond3A_581 = arith.cmpi ne, %convert_element_type3A_579, %cond3A_580 : i32
      scf.if %cond3A_581 {
        %dma_wait3A_636 = arith.constant 0 : i32
        %dma_wait3A_637 = arith.constant 0 : i32
        %dma_wait3A_638 = tpu.memref_slice %arg15[%dma_wait3A_636, %dma_wait3A_637] : memref<80x128xi32, #tpu.memory_space<vmem>> -> memref<1x128xi32, #tpu.memory_space<vmem>>
        %dma_wait3A_639 = tpu.memref_squeeze %dma_wait3A_638 : memref<1x128xi32, #tpu.memory_space<vmem>> -> memref<128xi32, #tpu.memory_space<vmem>>
        %dma_wait3A_640 = arith.constant 0 : i32
        %dma_wait3A_641 = arith.constant 0 : i32
        %dma_wait3A_642 = tpu.memref_slice %arg14[%dma_wait3A_640, %dma_wait3A_641] : memref<10240x128xbf16, #tpu.memory_space<vmem_shared>> -> memref<10240x128xbf16, #tpu.memory_space<vmem_shared>>
        tpu.wait_indirect_dma semaphore(%arg30 : memref<!tpu.dma_semaphore, #tpu.memory_space<semaphore_mem>>) src(%arg19 : memref<128x128xbf16, #tpu.memory_space<vmem>>) dst(%dma_wait3A_642 : memref<10240x128xbf16, #tpu.memory_space<vmem_shared>>)
      } else {
      }
      %add3A_582 = arith.constant 3 : i32
      %add3A_583 = arith.addi %add3A_569, %add3A_582 : i32
      %lt3A_584 = arith.constant 80 : i32
      %lt3A_585 = arith.cmpi slt, %add3A_583, %lt3A_584 : i32
      %convert_element_type3A_586 = arith.extui %lt3A_585 : i1 to i32
      %cond3A_587 = arith.constant 0 : i32
      %cond3A_588 = arith.cmpi ne, %convert_element_type3A_586, %cond3A_587 : i32
      scf.if %cond3A_588 {
        %add3A_636 = arith.constant 3 : i32
        %add3A_637 = arith.addi %add3A_569, %add3A_636 : i32
        %dma_start3A_638 = arith.constant 0 : i32
        %dma_start3A_639 = tpu.memref_slice %arg16[%add3A_637, %dma_start3A_638] : memref<80x128xi32, #tpu.memory_space<vmem>> -> memref<1x128xi32, #tpu.memory_space<vmem>>
        %dma_start3A_640 = tpu.memref_squeeze %dma_start3A_639 : memref<1x128xi32, #tpu.memory_space<vmem>> -> memref<128xi32, #tpu.memory_space<vmem>>
        %dma_start3A_641 = arith.constant 0 : i32
        %dma_start3A_642 = arith.constant 0 : i32
        %dma_start3A_643 = tpu.memref_slice %arg2[%dma_start3A_641, %dma_start3A_642] : memref<20000x128xbf16, #tpu.memory_space<hbm>> -> memref<20000x128xbf16, #tpu.memory_space<hbm>>
        tpu.enqueue_indirect_dma source(%dma_start3A_643 : memref<20000x128xbf16, #tpu.memory_space<hbm>>) target(%arg19 : memref<128x128xbf16, #tpu.memory_space<vmem>>) offsets(%dma_start3A_640 : memref<128xi32, #tpu.memory_space<vmem>>) semaphore(%arg25 : memref<!tpu.dma_semaphore, #tpu.memory_space<semaphore_mem>>)
      } else {
      }
      %scan3A_589 = arith.constant 0 : i32
      %scan3A_590 = arith.constant 0 : i32
      %scan3A_591 = arith.constant 8 : i32
      %scan3A_592 = arith.addi %scan3A_590, %scan3A_591 : i32
      %scan3A_593 = arith.constant 1 : i32
      scf.for %scan3A_636 = %scan3A_590 to %scan3A_592 step %scan3A_593  : i32 {
        %mul3A_637 = arith.constant 16 : i32
        %mul3A_638 = arith.muli %scan3A_636, %mul3A_637 : i32
        %get3A = arith.index_cast %add3A_569 : i32 to index
        %get3A_639 = arith.index_cast %mul3A_638 : i32 to index
        %get3A_640 = tpu.vector_load %arg17[%get3A, %get3A_639] {strides = array<i32>} : memref<80x128xf32, #tpu.memory_space<vmem>>, vector<16xf32>,
        %scan3A_641 = arith.constant 0 : i32
        %scan3A_642 = arith.constant 16 : i32
        %scan3A_643 = arith.addi %scan3A_641, %scan3A_642 : i32
        %scan3A_644 = arith.constant 1 : i32
        scf.for %scan3A_646 = %scan3A_641 to %scan3A_643 step %scan3A_644  : i32 {
          %broadcast_in_dim3A_647 = vector.broadcast %scan3A_646 : i32 to vector<16xi32>
          %broadcast_in_dim3A_648 = vector.shape_cast %broadcast_in_dim3A_647 : vector<16xi32> to vector<16x1xi32>
          %gather3A = vector.shape_cast %broadcast_in_dim3A_648 : vector<16x1xi32> to vector<16xi32>
          %gather3A_649 = tpu.dynamic_gather %get3A_640[%gather3A] in [0] : vector<16xf32>, vector<16xi32> -> vector<16xf32>
          %pack3A = tpu.pack_subelements %gather3A_649, %gather3A_649 {pack_format = #tpu.pack_format<interleaved>, positions = array<i32: 0, 1>} : vector<16xf32>, vector<16xf32> -> vector<32xbf16>
          %mul3A_650 = arith.constant 16 : i32
          %mul3A_651 = arith.muli %scan3A_636, %mul3A_650 : i32
          %add3A_652 = arith.addi %mul3A_651, %scan3A_646 : i32
          %get3A_653 = arith.index_cast %add3A_652 : i32 to index
          %get3A_654 = arith.constant 0 : index
          %get3A_655 = tpu.vector_load %arg21[%get3A_653, %get3A_654] {strides = array<i32>} : memref<128x128xbf16, #tpu.memory_space<vmem>>, vector<32xbf16>,
          %mul3A_656 = arith.mulf %get3A_655, %pack3A : vector<32xbf16>
          %swap3A = arith.index_cast %add3A_652 : i32 to index
          %swap3A_657 = arith.constant 0 : index
          %swap3A_658 = tpu.vector_load %arg21[%swap3A, %swap3A_657] {strides = array<i32>} : memref<128x128xbf16, #tpu.memory_space<vmem>>, vector<32xbf16>,
          tpu.vector_store %arg21[%swap3A, %swap3A_657], %mul3A_656 {strides = array<i32>} : memref<128x128xbf16, #tpu.memory_space<vmem>>, vector<32xbf16>,
          %get3A_659 = arith.index_cast %add3A_652 : i32 to index
          %get3A_660 = arith.constant 32 : index
          %get3A_661 = tpu.vector_load %arg21[%get3A_659, %get3A_660] {strides = array<i32>} : memref<128x128xbf16, #tpu.memory_space<vmem>>, vector<32xbf16>,
          %mul3A_662 = arith.mulf %get3A_661, %pack3A : vector<32xbf16>
          %swap3A_663 = arith.index_cast %add3A_652 : i32 to index
          %swap3A_664 = arith.constant 32 : index
          %swap3A_665 = tpu.vector_load %arg21[%swap3A_663, %swap3A_664] {strides = array<i32>} : memref<128x128xbf16, #tpu.memory_space<vmem>>, vector<32xbf16>,
          tpu.vector_store %arg21[%swap3A_663, %swap3A_664], %mul3A_662 {strides = array<i32>} : memref<128x128xbf16, #tpu.memory_space<vmem>>, vector<32xbf16>,
          %get3A_666 = arith.index_cast %add3A_652 : i32 to index
          %get3A_667 = arith.constant 64 : index
          %get3A_668 = tpu.vector_load %arg21[%get3A_666, %get3A_667] {strides = array<i32>} : memref<128x128xbf16, #tpu.memory_space<vmem>>, vector<32xbf16>,
          %mul3A_669 = arith.mulf %get3A_668, %pack3A : vector<32xbf16>
          %swap3A_670 = arith.index_cast %add3A_652 : i32 to index
          %swap3A_671 = arith.constant 64 : index
          %swap3A_672 = tpu.vector_load %arg21[%swap3A_670, %swap3A_671] {strides = array<i32>} : memref<128x128xbf16, #tpu.memory_space<vmem>>, vector<32xbf16>,
          tpu.vector_store %arg21[%swap3A_670, %swap3A_671], %mul3A_669 {strides = array<i32>} : memref<128x128xbf16, #tpu.memory_space<vmem>>, vector<32xbf16>,
          %get3A_673 = arith.index_cast %add3A_652 : i32 to index
          %get3A_674 = arith.constant 96 : index
          %get3A_675 = tpu.vector_load %arg21[%get3A_673, %get3A_674] {strides = array<i32>} : memref<128x128xbf16, #tpu.memory_space<vmem>>, vector<32xbf16>,
          %mul3A_676 = arith.mulf %get3A_675, %pack3A : vector<32xbf16>
          %swap3A_677 = arith.index_cast %add3A_652 : i32 to index
          %swap3A_678 = arith.constant 96 : index
          %swap3A_679 = tpu.vector_load %arg21[%swap3A_677, %swap3A_678] {strides = array<i32>} : memref<128x128xbf16, #tpu.memory_space<vmem>>, vector<32xbf16>,
          tpu.vector_store %arg21[%swap3A_677, %swap3A_678], %mul3A_676 {strides = array<i32>} : memref<128x128xbf16, #tpu.memory_space<vmem>>, vector<32xbf16>,
        }
        %scan3A_645 = arith.constant 16 : i32
      }
      %scan3A_594 = arith.constant 8 : i32
      %dma_start3A_595 = arith.constant 0 : i32
      %dma_start3A_596 = tpu.memref_slice %arg15[%add3A_569, %dma_start3A_595] : memref<80x128xi32, #tpu.memory_space<vmem>> -> memref<1x128xi32, #tpu.memory_space<vmem>>
      %dma_start3A_597 = tpu.memref_squeeze %dma_start3A_596 : memref<1x128xi32, #tpu.memory_space<vmem>> -> memref<128xi32, #tpu.memory_space<vmem>>
      %dma_start3A_598 = arith.constant 0 : i32
      %dma_start3A_599 = arith.constant 0 : i32
      %dma_start3A_600 = tpu.memref_slice %arg14[%dma_start3A_598, %dma_start3A_599] : memref<10240x128xbf16, #tpu.memory_space<vmem_shared>> -> memref<10240x128xbf16, #tpu.memory_space<vmem_shared>>
      tpu.enqueue_indirect_dma source(%arg21 : memref<128x128xbf16, #tpu.memory_space<vmem>>) target(%dma_start3A_600 : memref<10240x128xbf16, #tpu.memory_space<vmem_shared>>) offsets(%dma_start3A_597 : memref<128xi32, #tpu.memory_space<vmem>>) semaphore(%arg32 : memref<!tpu.dma_semaphore, #tpu.memory_space<semaphore_mem>>) {add = true}
      %mul3A_601 = arith.constant 5 : i32
      %mul3A_602 = arith.muli %mul3A_601, %scan3A_464 : i32
      %add3A_603 = arith.constant 4 : i32
      %add3A_604 = arith.addi %mul3A_602, %add3A_603 : i32
      %dma_wait3A_605 = arith.constant 0 : i32
      %dma_wait3A_606 = arith.constant 0 : i32
      %dma_wait3A_607 = tpu.memref_slice %arg16[%dma_wait3A_605, %dma_wait3A_606] : memref<80x128xi32, #tpu.memory_space<vmem>> -> memref<1x128xi32, #tpu.memory_space<vmem>>
      %dma_wait3A_608 = tpu.memref_squeeze %dma_wait3A_607 : memref<1x128xi32, #tpu.memory_space<vmem>> -> memref<128xi32, #tpu.memory_space<vmem>>
      %dma_wait3A_609 = arith.constant 0 : i32
      %dma_wait3A_610 = arith.constant 0 : i32
      %dma_wait3A_611 = tpu.memref_slice %arg2[%dma_wait3A_609, %dma_wait3A_610] : memref<20000x128xbf16, #tpu.memory_space<hbm>> -> memref<20000x128xbf16, #tpu.memory_space<hbm>>
      tpu.wait_indirect_dma semaphore(%arg28 : memref<!tpu.dma_semaphore, #tpu.memory_space<semaphore_mem>>) src(%dma_wait3A_611 : memref<20000x128xbf16, #tpu.memory_space<hbm>>) dst(%arg22 : memref<128x128xbf16, #tpu.memory_space<vmem>>)
      %ge3A_612 = arith.constant 2 : i32
      %ge3A_613 = arith.cmpi sge, %add3A_604, %ge3A_612 : i32
      %convert_element_type3A_614 = arith.extui %ge3A_613 : i1 to i32
      %cond3A_615 = arith.constant 0 : i32
      %cond3A_616 = arith.cmpi ne, %convert_element_type3A_614, %cond3A_615 : i32
      scf.if %cond3A_616 {
        %dma_wait3A_636 = arith.constant 0 : i32
        %dma_wait3A_637 = arith.constant 0 : i32
        %dma_wait3A_638 = tpu.memref_slice %arg15[%dma_wait3A_636, %dma_wait3A_637] : memref<80x128xi32, #tpu.memory_space<vmem>> -> memref<1x128xi32, #tpu.memory_space<vmem>>
        %dma_wait3A_639 = tpu.memref_squeeze %dma_wait3A_638 : memref<1x128xi32, #tpu.memory_space<vmem>> -> memref<128xi32, #tpu.memory_space<vmem>>
        %dma_wait3A_640 = arith.constant 0 : i32
        %dma_wait3A_641 = arith.constant 0 : i32
        %dma_wait3A_642 = tpu.memref_slice %arg14[%dma_wait3A_640, %dma_wait3A_641] : memref<10240x128xbf16, #tpu.memory_space<vmem_shared>> -> memref<10240x128xbf16, #tpu.memory_space<vmem_shared>>
        tpu.wait_indirect_dma semaphore(%arg31 : memref<!tpu.dma_semaphore, #tpu.memory_space<semaphore_mem>>) src(%arg20 : memref<128x128xbf16, #tpu.memory_space<vmem>>) dst(%dma_wait3A_642 : memref<10240x128xbf16, #tpu.memory_space<vmem_shared>>)
      } else {
      }
      %add3A_617 = arith.constant 3 : i32
      %add3A_618 = arith.addi %add3A_604, %add3A_617 : i32
      %lt3A_619 = arith.constant 80 : i32
      %lt3A_620 = arith.cmpi slt, %add3A_618, %lt3A_619 : i32
      %convert_element_type3A_621 = arith.extui %lt3A_620 : i1 to i32
      %cond3A_622 = arith.constant 0 : i32
      %cond3A_623 = arith.cmpi ne, %convert_element_type3A_621, %cond3A_622 : i32
      scf.if %cond3A_623 {
        %add3A_636 = arith.constant 3 : i32
        %add3A_637 = arith.addi %add3A_604, %add3A_636 : i32
        %dma_start3A_638 = arith.constant 0 : i32
        %dma_start3A_639 = tpu.memref_slice %arg16[%add3A_637, %dma_start3A_638] : memref<80x128xi32, #tpu.memory_space<vmem>> -> memref<1x128xi32, #tpu.memory_space<vmem>>
        %dma_start3A_640 = tpu.memref_squeeze %dma_start3A_639 : memref<1x128xi32, #tpu.memory_space<vmem>> -> memref<128xi32, #tpu.memory_space<vmem>>
        %dma_start3A_641 = arith.constant 0 : i32
        %dma_start3A_642 = arith.constant 0 : i32
        %dma_start3A_643 = tpu.memref_slice %arg2[%dma_start3A_641, %dma_start3A_642] : memref<20000x128xbf16, #tpu.memory_space<hbm>> -> memref<20000x128xbf16, #tpu.memory_space<hbm>>
        tpu.enqueue_indirect_dma source(%dma_start3A_643 : memref<20000x128xbf16, #tpu.memory_space<hbm>>) target(%arg20 : memref<128x128xbf16, #tpu.memory_space<vmem>>) offsets(%dma_start3A_640 : memref<128xi32, #tpu.memory_space<vmem>>) semaphore(%arg26 : memref<!tpu.dma_semaphore, #tpu.memory_space<semaphore_mem>>)
      } else {
      }
      %scan3A_624 = arith.constant 0 : i32
      %scan3A_625 = arith.constant 0 : i32
      %scan3A_626 = arith.constant 8 : i32
      %scan3A_627 = arith.addi %scan3A_625, %scan3A_626 : i32
      %scan3A_628 = arith.constant 1 : i32
      scf.for %scan3A_636 = %scan3A_625 to %scan3A_627 step %scan3A_628  : i32 {
        %mul3A_637 = arith.constant 16 : i32
        %mul3A_638 = arith.muli %scan3A_636, %mul3A_637 : i32
        %get3A = arith.index_cast %add3A_604 : i32 to index
        %get3A_639 = arith.index_cast %mul3A_638 : i32 to index
        %get3A_640 = tpu.vector_load %arg17[%get3A, %get3A_639] {strides = array<i32>} : memref<80x128xf32, #tpu.memory_space<vmem>>, vector<16xf32>,
        %scan3A_641 = arith.constant 0 : i32
        %scan3A_642 = arith.constant 16 : i32
        %scan3A_643 = arith.addi %scan3A_641, %scan3A_642 : i32
        %scan3A_644 = arith.constant 1 : i32
        scf.for %scan3A_646 = %scan3A_641 to %scan3A_643 step %scan3A_644  : i32 {
          %broadcast_in_dim3A_647 = vector.broadcast %scan3A_646 : i32 to vector<16xi32>
          %broadcast_in_dim3A_648 = vector.shape_cast %broadcast_in_dim3A_647 : vector<16xi32> to vector<16x1xi32>
          %gather3A = vector.shape_cast %broadcast_in_dim3A_648 : vector<16x1xi32> to vector<16xi32>
          %gather3A_649 = tpu.dynamic_gather %get3A_640[%gather3A] in [0] : vector<16xf32>, vector<16xi32> -> vector<16xf32>
          %pack3A = tpu.pack_subelements %gather3A_649, %gather3A_649 {pack_format = #tpu.pack_format<interleaved>, positions = array<i32: 0, 1>} : vector<16xf32>, vector<16xf32> -> vector<32xbf16>
          %mul3A_650 = arith.constant 16 : i32
          %mul3A_651 = arith.muli %scan3A_636, %mul3A_650 : i32
          %add3A_652 = arith.addi %mul3A_651, %scan3A_646 : i32
          %get3A_653 = arith.index_cast %add3A_652 : i32 to index
          %get3A_654 = arith.constant 0 : index
          %get3A_655 = tpu.vector_load %arg22[%get3A_653, %get3A_654] {strides = array<i32>} : memref<128x128xbf16, #tpu.memory_space<vmem>>, vector<32xbf16>,
          %mul3A_656 = arith.mulf %get3A_655, %pack3A : vector<32xbf16>
          %swap3A = arith.index_cast %add3A_652 : i32 to index
          %swap3A_657 = arith.constant 0 : index
          %swap3A_658 = tpu.vector_load %arg22[%swap3A, %swap3A_657] {strides = array<i32>} : memref<128x128xbf16, #tpu.memory_space<vmem>>, vector<32xbf16>,
          tpu.vector_store %arg22[%swap3A, %swap3A_657], %mul3A_656 {strides = array<i32>} : memref<128x128xbf16, #tpu.memory_space<vmem>>, vector<32xbf16>,
          %get3A_659 = arith.index_cast %add3A_652 : i32 to index
          %get3A_660 = arith.constant 32 : index
          %get3A_661 = tpu.vector_load %arg22[%get3A_659, %get3A_660] {strides = array<i32>} : memref<128x128xbf16, #tpu.memory_space<vmem>>, vector<32xbf16>,
          %mul3A_662 = arith.mulf %get3A_661, %pack3A : vector<32xbf16>
          %swap3A_663 = arith.index_cast %add3A_652 : i32 to index
          %swap3A_664 = arith.constant 32 : index
          %swap3A_665 = tpu.vector_load %arg22[%swap3A_663, %swap3A_664] {strides = array<i32>} : memref<128x128xbf16, #tpu.memory_space<vmem>>, vector<32xbf16>,
          tpu.vector_store %arg22[%swap3A_663, %swap3A_664], %mul3A_662 {strides = array<i32>} : memref<128x128xbf16, #tpu.memory_space<vmem>>, vector<32xbf16>,
          %get3A_666 = arith.index_cast %add3A_652 : i32 to index
          %get3A_667 = arith.constant 64 : index
          %get3A_668 = tpu.vector_load %arg22[%get3A_666, %get3A_667] {strides = array<i32>} : memref<128x128xbf16, #tpu.memory_space<vmem>>, vector<32xbf16>,
          %mul3A_669 = arith.mulf %get3A_668, %pack3A : vector<32xbf16>
          %swap3A_670 = arith.index_cast %add3A_652 : i32 to index
          %swap3A_671 = arith.constant 64 : index
          %swap3A_672 = tpu.vector_load %arg22[%swap3A_670, %swap3A_671] {strides = array<i32>} : memref<128x128xbf16, #tpu.memory_space<vmem>>, vector<32xbf16>,
          tpu.vector_store %arg22[%swap3A_670, %swap3A_671], %mul3A_669 {strides = array<i32>} : memref<128x128xbf16, #tpu.memory_space<vmem>>, vector<32xbf16>,
          %get3A_673 = arith.index_cast %add3A_652 : i32 to index
          %get3A_674 = arith.constant 96 : index
          %get3A_675 = tpu.vector_load %arg22[%get3A_673, %get3A_674] {strides = array<i32>} : memref<128x128xbf16, #tpu.memory_space<vmem>>, vector<32xbf16>,
          %mul3A_676 = arith.mulf %get3A_675, %pack3A : vector<32xbf16>
          %swap3A_677 = arith.index_cast %add3A_652 : i32 to index
          %swap3A_678 = arith.constant 96 : index
          %swap3A_679 = tpu.vector_load %arg22[%swap3A_677, %swap3A_678] {strides = array<i32>} : memref<128x128xbf16, #tpu.memory_space<vmem>>, vector<32xbf16>,
          tpu.vector_store %arg22[%swap3A_677, %swap3A_678], %mul3A_676 {strides = array<i32>} : memref<128x128xbf16, #tpu.memory_space<vmem>>, vector<32xbf16>,
        }
        %scan3A_645 = arith.constant 16 : i32
      }
      %scan3A_629 = arith.constant 8 : i32
      %dma_start3A_630 = arith.constant 0 : i32
      %dma_start3A_631 = tpu.memref_slice %arg15[%add3A_604, %dma_start3A_630] : memref<80x128xi32, #tpu.memory_space<vmem>> -> memref<1x128xi32, #tpu.memory_space<vmem>>
      %dma_start3A_632 = tpu.memref_squeeze %dma_start3A_631 : memref<1x128xi32, #tpu.memory_space<vmem>> -> memref<128xi32, #tpu.memory_space<vmem>>
      %dma_start3A_633 = arith.constant 0 : i32
      %dma_start3A_634 = arith.constant 0 : i32
      %dma_start3A_635 = tpu.memref_slice %arg14[%dma_start3A_633, %dma_start3A_634] : memref<10240x128xbf16, #tpu.memory_space<vmem_shared>> -> memref<10240x128xbf16, #tpu.memory_space<vmem_shared>>
      tpu.enqueue_indirect_dma source(%arg22 : memref<128x128xbf16, #tpu.memory_space<vmem>>) target(%dma_start3A_635 : memref<10240x128xbf16, #tpu.memory_space<vmem_shared>>) offsets(%dma_start3A_632 : memref<128xi32, #tpu.memory_space<vmem>>) semaphore(%arg33 : memref<!tpu.dma_semaphore, #tpu.memory_space<semaphore_mem>>) {add = true}
    }
    %scan3A_256 = arith.constant 16 : i32
    %dma_wait3A_257 = arith.constant 0 : i32
    %dma_wait3A_258 = arith.constant 0 : i32
    %dma_wait3A_259 = tpu.memref_slice %arg15[%dma_wait3A_257, %dma_wait3A_258] : memref<80x128xi32, #tpu.memory_space<vmem>> -> memref<1x128xi32, #tpu.memory_space<vmem>>
    %dma_wait3A_260 = tpu.memref_squeeze %dma_wait3A_259 : memref<1x128xi32, #tpu.memory_space<vmem>> -> memref<128xi32, #tpu.memory_space<vmem>>
    %dma_wait3A_261 = arith.constant 0 : i32
    %dma_wait3A_262 = arith.constant 0 : i32
    %dma_wait3A_263 = tpu.memref_slice %arg14[%dma_wait3A_261, %dma_wait3A_262] : memref<10240x128xbf16, #tpu.memory_space<vmem_shared>> -> memref<10240x128xbf16, #tpu.memory_space<vmem_shared>>
    tpu.wait_indirect_dma semaphore(%arg32 : memref<!tpu.dma_semaphore, #tpu.memory_space<semaphore_mem>>) src(%arg21 : memref<128x128xbf16, #tpu.memory_space<vmem>>) dst(%dma_wait3A_263 : memref<10240x128xbf16, #tpu.memory_space<vmem_shared>>)
    %dma_wait3A_264 = arith.constant 0 : i32
    %dma_wait3A_265 = arith.constant 0 : i32
    %dma_wait3A_266 = tpu.memref_slice %arg15[%dma_wait3A_264, %dma_wait3A_265] : memref<80x128xi32, #tpu.memory_space<vmem>> -> memref<1x128xi32, #tpu.memory_space<vmem>>
    %dma_wait3A_267 = tpu.memref_squeeze %dma_wait3A_266 : memref<1x128xi32, #tpu.memory_space<vmem>> -> memref<128xi32, #tpu.memory_space<vmem>>
    %dma_wait3A_268 = arith.constant 0 : i32
    %dma_wait3A_269 = arith.constant 0 : i32
    %dma_wait3A_270 = tpu.memref_slice %arg14[%dma_wait3A_268, %dma_wait3A_269] : memref<10240x128xbf16, #tpu.memory_space<vmem_shared>> -> memref<10240x128xbf16, #tpu.memory_space<vmem_shared>>
    tpu.wait_indirect_dma semaphore(%arg33 : memref<!tpu.dma_semaphore, #tpu.memory_space<semaphore_mem>>) src(%arg22 : memref<128x128xbf16, #tpu.memory_space<vmem>>) dst(%dma_wait3A_270 : memref<10240x128xbf16, #tpu.memory_space<vmem_shared>>)
    %barrier3A_271 = arith.constant 0 : index
    tpu.barrier barrier_id(%barrier3A_271)
    %mul3A_272 = arith.constant 640 : i32
    %mul3A_273 = arith.muli %arg1, %mul3A_272 : i32
    %mul3A_274 = arith.constant 10240 : i32
    %mul3A_275 = arith.muli %arg0, %mul3A_274 : i32
    %add3A_276 = arith.addi %mul3A_275, %mul3A_273 : i32
    "tpu.region"() ({
      %run_scoped3A = tpu.sem_alloc : memref<!tpu.dma_semaphore, #tpu.memory_space<semaphore_mem>>
      %dma_start3A_464 = arith.constant 0 : i32
      %dma_start3A_465 = tpu.memref_slice %arg12[%add3A_276, %dma_start3A_464] : memref<20480x128xbf16, #tpu.memory_space<hbm>> -> memref<640x128xbf16, #tpu.memory_space<hbm>>
      %dma_start3A_466 = arith.constant 0 : i32
      %dma_start3A_467 = tpu.memref_slice %arg14[%mul3A_273, %dma_start3A_466] : memref<10240x128xbf16, #tpu.memory_space<vmem_shared>> -> memref<640x128xbf16, #tpu.memory_space<vmem_shared>>
      tpu.enqueue_dma source(%dma_start3A_467 : memref<640x128xbf16, #tpu.memory_space<vmem_shared>>) target(%dma_start3A_465 : memref<640x128xbf16, #tpu.memory_space<hbm>>) target_semaphore(%run_scoped3A : memref<!tpu.dma_semaphore, #tpu.memory_space<semaphore_mem>>)
      %dma_wait3A_468 = arith.constant 0 : i32
      %dma_wait3A_469 = tpu.memref_slice %arg12[%add3A_276, %dma_wait3A_468] : memref<20480x128xbf16, #tpu.memory_space<hbm>> -> memref<640x128xbf16, #tpu.memory_space<hbm>>
      %dma_wait3A_470 = arith.constant 0 : i32
      %dma_wait3A_471 = tpu.memref_slice %arg14[%mul3A_273, %dma_wait3A_470] : memref<10240x128xbf16, #tpu.memory_space<vmem_shared>> -> memref<640x128xbf16, #tpu.memory_space<vmem_shared>>
      tpu.wait_dma2 semaphore(%run_scoped3A : memref<!tpu.dma_semaphore, #tpu.memory_space<semaphore_mem>>) src(%dma_wait3A_471 : memref<640x128xbf16, #tpu.memory_space<vmem_shared>>) dst(%dma_wait3A_469 : memref<640x128xbf16, #tpu.memory_space<hbm>>)
      tpu.yield
    }) : () -> ()
    %mul3A_277 = arith.constant 640 : i32
    %mul3A_278 = arith.muli %arg1, %mul3A_277 : i32
    %add3A_279 = arith.constant 0 : i32
    %add3A_280 = arith.addi %mul3A_278, %add3A_279 : i32
    %dma_start3A_281 = arith.constant 0 : i32
    %dma_start3A_282 = tpu.memref_slice %arg14[%add3A_280, %dma_start3A_281] : memref<10240x128xbf16, #tpu.memory_space<vmem_shared>> -> memref<128x128xbf16, #tpu.memory_space<vmem_shared>>
    %dma_start3A_283 = arith.constant 0 : i32
    %dma_start3A_284 = tpu.memref_slice %arg14[%add3A_280, %dma_start3A_283] : memref<10240x128xbf16, #tpu.memory_space<vmem_shared>> -> memref<128x128xbf16, #tpu.memory_space<vmem_shared>>
    tpu.enqueue_dma source(%arg23 : memref<128x128xbf16, #tpu.memory_space<vmem>>) target(%dma_start3A_284 : memref<128x128xbf16, #tpu.memory_space<vmem_shared>>) target_semaphore(%arg34 : memref<!tpu.dma_semaphore, #tpu.memory_space<semaphore_mem>>)
    %mul3A_285 = arith.constant 640 : i32
    %mul3A_286 = arith.muli %arg1, %mul3A_285 : i32
    %add3A_287 = arith.constant 128 : i32
    %add3A_288 = arith.addi %mul3A_286, %add3A_287 : i32
    %dma_start3A_289 = arith.constant 0 : i32
    %dma_start3A_290 = tpu.memref_slice %arg14[%add3A_288, %dma_start3A_289] : memref<10240x128xbf16, #tpu.memory_space<vmem_shared>> -> memref<128x128xbf16, #tpu.memory_space<vmem_shared>>
    %dma_start3A_291 = arith.constant 0 : i32
    %dma_start3A_292 = tpu.memref_slice %arg14[%add3A_288, %dma_start3A_291] : memref<10240x128xbf16, #tpu.memory_space<vmem_shared>> -> memref<128x128xbf16, #tpu.memory_space<vmem_shared>>
    tpu.enqueue_dma source(%arg23 : memref<128x128xbf16, #tpu.memory_space<vmem>>) target(%dma_start3A_292 : memref<128x128xbf16, #tpu.memory_space<vmem_shared>>) target_semaphore(%arg34 : memref<!tpu.dma_semaphore, #tpu.memory_space<semaphore_mem>>)
    %mul3A_293 = arith.constant 640 : i32
    %mul3A_294 = arith.muli %arg1, %mul3A_293 : i32
    %add3A_295 = arith.constant 256 : i32
    %add3A_296 = arith.addi %mul3A_294, %add3A_295 : i32
    %dma_start3A_297 = arith.constant 0 : i32
    %dma_start3A_298 = tpu.memref_slice %arg14[%add3A_296, %dma_start3A_297] : memref<10240x128xbf16, #tpu.memory_space<vmem_shared>> -> memref<128x128xbf16, #tpu.memory_space<vmem_shared>>
    %dma_start3A_299 = arith.constant 0 : i32
    %dma_start3A_300 = tpu.memref_slice %arg14[%add3A_296, %dma_start3A_299] : memref<10240x128xbf16, #tpu.memory_space<vmem_shared>> -> memref<128x128xbf16, #tpu.memory_space<vmem_shared>>
    tpu.enqueue_dma source(%arg23 : memref<128x128xbf16, #tpu.memory_space<vmem>>) target(%dma_start3A_300 : memref<128x128xbf16, #tpu.memory_space<vmem_shared>>) target_semaphore(%arg34 : memref<!tpu.dma_semaphore, #tpu.memory_space<semaphore_mem>>)
    %mul3A_301 = arith.constant 640 : i32
    %mul3A_302 = arith.muli %arg1, %mul3A_301 : i32
    %add3A_303 = arith.constant 384 : i32
    %add3A_304 = arith.addi %mul3A_302, %add3A_303 : i32
    %dma_start3A_305 = arith.constant 0 : i32
    %dma_start3A_306 = tpu.memref_slice %arg14[%add3A_304, %dma_start3A_305] : memref<10240x128xbf16, #tpu.memory_space<vmem_shared>> -> memref<128x128xbf16, #tpu.memory_space<vmem_shared>>
    %dma_start3A_307 = arith.constant 0 : i32
    %dma_start3A_308 = tpu.memref_slice %arg14[%add3A_304, %dma_start3A_307] : memref<10240x128xbf16, #tpu.memory_space<vmem_shared>> -> memref<128x128xbf16, #tpu.memory_space<vmem_shared>>
    tpu.enqueue_dma source(%arg23 : memref<128x128xbf16, #tpu.memory_space<vmem>>) target(%dma_start3A_308 : memref<128x128xbf16, #tpu.memory_space<vmem_shared>>) target_semaphore(%arg34 : memref<!tpu.dma_semaphore, #tpu.memory_space<semaphore_mem>>)
    %mul3A_309 = arith.constant 640 : i32
    %mul3A_310 = arith.muli %arg1, %mul3A_309 : i32
    %add3A_311 = arith.constant 512 : i32
    %add3A_312 = arith.addi %mul3A_310, %add3A_311 : i32
    %dma_start3A_313 = arith.constant 0 : i32
    %dma_start3A_314 = tpu.memref_slice %arg14[%add3A_312, %dma_start3A_313] : memref<10240x128xbf16, #tpu.memory_space<vmem_shared>> -> memref<128x128xbf16, #tpu.memory_space<vmem_shared>>
    %dma_start3A_315 = arith.constant 0 : i32
    %dma_start3A_316 = tpu.memref_slice %arg14[%add3A_312, %dma_start3A_315] : memref<10240x128xbf16, #tpu.memory_space<vmem_shared>> -> memref<128x128xbf16, #tpu.memory_space<vmem_shared>>
    tpu.enqueue_dma source(%arg23 : memref<128x128xbf16, #tpu.memory_space<vmem>>) target(%dma_start3A_316 : memref<128x128xbf16, #tpu.memory_space<vmem_shared>>) target_semaphore(%arg34 : memref<!tpu.dma_semaphore, #tpu.memory_space<semaphore_mem>>)
    %mul3A_317 = arith.constant 80 : i32
    %mul3A_318 = arith.muli %arg1, %mul3A_317 : i32
    "tpu.region"() ({
      %run_scoped3A = tpu.sem_alloc : memref<!tpu.dma_semaphore, #tpu.memory_space<semaphore_mem>>
      %dma_start3A_464 = arith.constant 0 : i32
      %dma_start3A_465 = tpu.memref_slice %arg6[%mul3A_318, %dma_start3A_464] : memref<1280x128xi32, #tpu.memory_space<hbm>> -> memref<80x128xi32, #tpu.memory_space<hbm>>
      %dma_start3A_466 = arith.constant 0 : i32
      %dma_start3A_467 = tpu.memref_slice %arg6[%mul3A_318, %dma_start3A_466] : memref<1280x128xi32, #tpu.memory_space<hbm>> -> memref<80x128xi32, #tpu.memory_space<hbm>>
      tpu.enqueue_dma source(%dma_start3A_467 : memref<80x128xi32, #tpu.memory_space<hbm>>) target(%arg15 : memref<80x128xi32, #tpu.memory_space<vmem>>) target_semaphore(%run_scoped3A : memref<!tpu.dma_semaphore, #tpu.memory_space<semaphore_mem>>)
      %dma_wait3A_468 = arith.constant 0 : i32
      %dma_wait3A_469 = tpu.memref_slice %arg6[%mul3A_318, %dma_wait3A_468] : memref<1280x128xi32, #tpu.memory_space<hbm>> -> memref<80x128xi32, #tpu.memory_space<hbm>>
      %dma_wait3A_470 = arith.constant 0 : i32
      %dma_wait3A_471 = tpu.memref_slice %arg6[%mul3A_318, %dma_wait3A_470] : memref<1280x128xi32, #tpu.memory_space<hbm>> -> memref<80x128xi32, #tpu.memory_space<hbm>>
      tpu.wait_dma2 semaphore(%run_scoped3A : memref<!tpu.dma_semaphore, #tpu.memory_space<semaphore_mem>>) src(%dma_wait3A_471 : memref<80x128xi32, #tpu.memory_space<hbm>>) dst(%arg15 : memref<80x128xi32, #tpu.memory_space<vmem>>)
      tpu.yield
    }) : () -> ()
    "tpu.region"() ({
      %run_scoped3A = tpu.sem_alloc : memref<!tpu.dma_semaphore, #tpu.memory_space<semaphore_mem>>
      %dma_start3A_464 = arith.constant 0 : i32
      %dma_start3A_465 = tpu.memref_slice %arg5[%mul3A_318, %dma_start3A_464] : memref<1280x128xi32, #tpu.memory_space<hbm>> -> memref<80x128xi32, #tpu.memory_space<hbm>>
      %dma_start3A_466 = arith.constant 0 : i32
      %dma_start3A_467 = tpu.memref_slice %arg5[%mul3A_318, %dma_start3A_466] : memref<1280x128xi32, #tpu.memory_space<hbm>> -> memref<80x128xi32, #tpu.memory_space<hbm>>
      tpu.enqueue_dma source(%dma_start3A_467 : memref<80x128xi32, #tpu.memory_space<hbm>>) target(%arg16 : memref<80x128xi32, #tpu.memory_space<vmem>>) target_semaphore(%run_scoped3A : memref<!tpu.dma_semaphore, #tpu.memory_space<semaphore_mem>>)
      %dma_wait3A_468 = arith.constant 0 : i32
      %dma_wait3A_469 = tpu.memref_slice %arg5[%mul3A_318, %dma_wait3A_468] : memref<1280x128xi32, #tpu.memory_space<hbm>> -> memref<80x128xi32, #tpu.memory_space<hbm>>
      %dma_wait3A_470 = arith.constant 0 : i32
      %dma_wait3A_471 = tpu.memref_slice %arg5[%mul3A_318, %dma_wait3A_470] : memref<1280x128xi32, #tpu.memory_space<hbm>> -> memref<80x128xi32, #tpu.memory_space<hbm>>
      tpu.wait_dma2 semaphore(%run_scoped3A : memref<!tpu.dma_semaphore, #tpu.memory_space<semaphore_mem>>) src(%dma_wait3A_471 : memref<80x128xi32, #tpu.memory_space<hbm>>) dst(%arg16 : memref<80x128xi32, #tpu.memory_space<vmem>>)
      tpu.yield
    }) : () -> ()
    "tpu.region"() ({
      %run_scoped3A = tpu.sem_alloc : memref<!tpu.dma_semaphore, #tpu.memory_space<semaphore_mem>>
      %dma_start3A_464 = arith.constant 0 : i32
      %dma_start3A_465 = tpu.memref_slice %arg7[%mul3A_318, %dma_start3A_464] : memref<1280x128xf32, #tpu.memory_space<hbm>> -> memref<80x128xf32, #tpu.memory_space<hbm>>
      %dma_start3A_466 = arith.constant 0 : i32
      %dma_start3A_467 = tpu.memref_slice %arg7[%mul3A_318, %dma_start3A_466] : memref<1280x128xf32, #tpu.memory_space<hbm>> -> memref<80x128xf32, #tpu.memory_space<hbm>>
      tpu.enqueue_dma source(%dma_start3A_467 : memref<80x128xf32, #tpu.memory_space<hbm>>) target(%arg17 : memref<80x128xf32, #tpu.memory_space<vmem>>) target_semaphore(%run_scoped3A : memref<!tpu.dma_semaphore, #tpu.memory_space<semaphore_mem>>)
      %dma_wait3A_468 = arith.constant 0 : i32
      %dma_wait3A_469 = tpu.memref_slice %arg7[%mul3A_318, %dma_wait3A_468] : memref<1280x128xf32, #tpu.memory_space<hbm>> -> memref<80x128xf32, #tpu.memory_space<hbm>>
      %dma_wait3A_470 = arith.constant 0 : i32
      %dma_wait3A_471 = tpu.memref_slice %arg7[%mul3A_318, %dma_wait3A_470] : memref<1280x128xf32, #tpu.memory_space<hbm>> -> memref<80x128xf32, #tpu.memory_space<hbm>>
      tpu.wait_dma2 semaphore(%run_scoped3A : memref<!tpu.dma_semaphore, #tpu.memory_space<semaphore_mem>>) src(%dma_wait3A_471 : memref<80x128xf32, #tpu.memory_space<hbm>>) dst(%arg17 : memref<80x128xf32, #tpu.memory_space<vmem>>)
      tpu.yield
    }) : () -> ()
    %broadcast_in_dim3A_319 = vector.broadcast %mul3A_0 : i32 to vector<16xi32>
    %scan3A_320 = arith.constant 0 : i32
    %scan3A_321 = arith.constant 0 : i32
    %scan3A_322 = arith.constant 640 : i32
    %scan3A_323 = arith.addi %scan3A_321, %scan3A_322 : i32
    %scan3A_324 = arith.constant 1 : i32
    scf.for %scan3A_464 = %scan3A_321 to %scan3A_323 step %scan3A_324  : i32 {
      %jit3A = arith.constant 8 : i32
      %div3A = arith.divsi %scan3A_464, %jit3A : i32
      %sign3A = arith.constant 0 : i32
      %sign3A_465 = arith.cmpi sgt, %scan3A_464, %sign3A : i32
      %sign3A_466 = arith.extui %sign3A_465 : i1 to i32
      %sign3A_467 = arith.constant 0 : i32
      %sign3A_468 = arith.cmpi slt, %scan3A_464, %sign3A_467 : i32
      %sign3A_469 = arith.extui %sign3A_468 : i1 to i32
      %sign3A_470 = arith.subi %sign3A_466, %sign3A_469 : i32
      %sign3A_471 = arith.constant 0 : i32
      %sign3A_472 = arith.cmpi sgt, %jit3A, %sign3A_471 : i32
      %sign3A_473 = arith.extui %sign3A_472 : i1 to i32
      %sign3A_474 = arith.constant 0 : i32
      %sign3A_475 = arith.cmpi slt, %jit3A, %sign3A_474 : i32
      %sign3A_476 = arith.extui %sign3A_475 : i1 to i32
      %sign3A_477 = arith.subi %sign3A_473, %sign3A_476 : i32
      %ne3A = arith.cmpi ne, %sign3A_470, %sign3A_477 : i32
      %rem3A = arith.remsi %scan3A_464, %jit3A : i32
      %ne3A_478 = arith.constant 0 : i32
      %ne3A_479 = arith.cmpi ne, %rem3A, %ne3A_478 : i32
      %and3A = arith.andi %ne3A, %ne3A_479 : i1
      %sub3A = arith.constant 1 : i32
      %sub3A_480 = arith.subi %div3A, %sub3A : i32
      %select_n3A = arith.select %and3A, %sub3A_480, %div3A : i32
      %jit3A_481 = arith.constant 8 : i32
      %eq3A = arith.constant 0 : i32
      %eq3A_482 = arith.cmpi eq, %jit3A_481, %eq3A : i32
      %jit3A_483 = arith.constant 1 : i32
      %select_n3A_484 = arith.select %eq3A_482, %jit3A_483, %jit3A_481 : i32
      %rem3A_485 = arith.remsi %scan3A_464, %select_n3A_484 : i32
      %ne3A_486 = arith.constant 0 : i32
      %ne3A_487 = arith.cmpi ne, %rem3A_485, %ne3A_486 : i32
      %lt3A = arith.constant 0 : i32
      %lt3A_488 = arith.cmpi slt, %rem3A_485, %lt3A : i32
      %lt3A_489 = arith.constant 0 : i32
      %lt3A_490 = arith.cmpi slt, %select_n3A_484, %lt3A_489 : i32
      %ne3A_491 = arith.xori %lt3A_488, %lt3A_490 : i1
      %and3A_492 = arith.andi %ne3A_491, %ne3A_487 : i1
      %add3A_493 = arith.addi %rem3A_485, %select_n3A_484 : i32
      %select_n3A_494 = arith.select %and3A_492, %add3A_493, %rem3A_485 : i32
      %mul3A_495 = arith.constant 16 : i32
      %mul3A_496 = arith.muli %select_n3A_494, %mul3A_495 : i32
      %get3A = arith.index_cast %select_n3A : i32 to index
      %get3A_497 = arith.index_cast %mul3A_496 : i32 to index
      %get3A_498 = tpu.vector_load %arg16[%get3A, %get3A_497] {strides = array<i32>} : memref<80x128xi32, #tpu.memory_space<vmem>>, vector<16xi32>,
      %add3A_499 = arith.addi %get3A_498, %broadcast_in_dim3A_319 : vector<16xi32>
      %swap3A = arith.index_cast %select_n3A : i32 to index
      %swap3A_500 = arith.index_cast %mul3A_496 : i32 to index
      %swap3A_501 = tpu.vector_load %arg16[%swap3A, %swap3A_500] {strides = array<i32>} : memref<80x128xi32, #tpu.memory_space<vmem>>, vector<16xi32>,
      tpu.vector_store %arg16[%swap3A, %swap3A_500], %add3A_499 {strides = array<i32>} : memref<80x128xi32, #tpu.memory_space<vmem>>, vector<16xi32>,
    }
    %scan3A_325 = arith.constant 640 : i32
    %mul3A_326 = arith.constant 640 : i32
    %mul3A_327 = arith.muli %arg1, %mul3A_326 : i32
    %add3A_328 = arith.constant 0 : i32
    %add3A_329 = arith.addi %mul3A_327, %add3A_328 : i32
    %dma_wait3A_330 = arith.constant 0 : i32
    %dma_wait3A_331 = tpu.memref_slice %arg14[%add3A_329, %dma_wait3A_330] : memref<10240x128xbf16, #tpu.memory_space<vmem_shared>> -> memref<128x128xbf16, #tpu.memory_space<vmem_shared>>
    %dma_wait3A_332 = arith.constant 0 : i32
    %dma_wait3A_333 = tpu.memref_slice %arg14[%add3A_329, %dma_wait3A_332] : memref<10240x128xbf16, #tpu.memory_space<vmem_shared>> -> memref<128x128xbf16, #tpu.memory_space<vmem_shared>>
    tpu.wait_dma2 semaphore(%arg34 : memref<!tpu.dma_semaphore, #tpu.memory_space<semaphore_mem>>) src(%arg23 : memref<128x128xbf16, #tpu.memory_space<vmem>>) dst(%dma_wait3A_333 : memref<128x128xbf16, #tpu.memory_space<vmem_shared>>)
    %mul3A_334 = arith.constant 640 : i32
    %mul3A_335 = arith.muli %arg1, %mul3A_334 : i32
    %add3A_336 = arith.constant 128 : i32
    %add3A_337 = arith.addi %mul3A_335, %add3A_336 : i32
    %dma_wait3A_338 = arith.constant 0 : i32
    %dma_wait3A_339 = tpu.memref_slice %arg14[%add3A_337, %dma_wait3A_338] : memref<10240x128xbf16, #tpu.memory_space<vmem_shared>> -> memref<128x128xbf16, #tpu.memory_space<vmem_shared>>
    %dma_wait3A_340 = arith.constant 0 : i32
    %dma_wait3A_341 = tpu.memref_slice %arg14[%add3A_337, %dma_wait3A_340] : memref<10240x128xbf16, #tpu.memory_space<vmem_shared>> -> memref<128x128xbf16, #tpu.memory_space<vmem_shared>>
    tpu.wait_dma2 semaphore(%arg34 : memref<!tpu.dma_semaphore, #tpu.memory_space<semaphore_mem>>) src(%arg23 : memref<128x128xbf16, #tpu.memory_space<vmem>>) dst(%dma_wait3A_341 : memref<128x128xbf16, #tpu.memory_space<vmem_shared>>)
    %mul3A_342 = arith.constant 640 : i32
    %mul3A_343 = arith.muli %arg1, %mul3A_342 : i32
    %add3A_344 = arith.constant 256 : i32
    %add3A_345 = arith.addi %mul3A_343, %add3A_344 : i32
    %dma_wait3A_346 = arith.constant 0 : i32
    %dma_wait3A_347 = tpu.memref_slice %arg14[%add3A_345, %dma_wait3A_346] : memref<10240x128xbf16, #tpu.memory_space<vmem_shared>> -> memref<128x128xbf16, #tpu.memory_space<vmem_shared>>
    %dma_wait3A_348 = arith.constant 0 : i32
    %dma_wait3A_349 = tpu.memref_slice %arg14[%add3A_345, %dma_wait3A_348] : memref<10240x128xbf16, #tpu.memory_space<vmem_shared>> -> memref<128x128xbf16, #tpu.memory_space<vmem_shared>>
    tpu.wait_dma2 semaphore(%arg34 : memref<!tpu.dma_semaphore, #tpu.memory_space<semaphore_mem>>) src(%arg23 : memref<128x128xbf16, #tpu.memory_space<vmem>>) dst(%dma_wait3A_349 : memref<128x128xbf16, #tpu.memory_space<vmem_shared>>)
    %mul3A_350 = arith.constant 640 : i32
    %mul3A_351 = arith.muli %arg1, %mul3A_350 : i32
    %add3A_352 = arith.constant 384 : i32
    %add3A_353 = arith.addi %mul3A_351, %add3A_352 : i32
    %dma_wait3A_354 = arith.constant 0 : i32
    %dma_wait3A_355 = tpu.memref_slice %arg14[%add3A_353, %dma_wait3A_354] : memref<10240x128xbf16, #tpu.memory_space<vmem_shared>> -> memref<128x128xbf16, #tpu.memory_space<vmem_shared>>
    %dma_wait3A_356 = arith.constant 0 : i32
    %dma_wait3A_357 = tpu.memref_slice %arg14[%add3A_353, %dma_wait3A_356] : memref<10240x128xbf16, #tpu.memory_space<vmem_shared>> -> memref<128x128xbf16, #tpu.memory_space<vmem_shared>>
    tpu.wait_dma2 semaphore(%arg34 : memref<!tpu.dma_semaphore, #tpu.memory_space<semaphore_mem>>) src(%arg23 : memref<128x128xbf16, #tpu.memory_space<vmem>>) dst(%dma_wait3A_357 : memref<128x128xbf16, #tpu.memory_space<vmem_shared>>)
    %mul3A_358 = arith.constant 640 : i32
    %mul3A_359 = arith.muli %arg1, %mul3A_358 : i32
    %add3A_360 = arith.constant 512 : i32
    %add3A_361 = arith.addi %mul3A_359, %add3A_360 : i32
    %dma_wait3A_362 = arith.constant 0 : i32
    %dma_wait3A_363 = tpu.memref_slice %arg14[%add3A_361, %dma_wait3A_362] : memref<10240x128xbf16, #tpu.memory_space<vmem_shared>> -> memref<128x128xbf16, #tpu.memory_space<vmem_shared>>
    %dma_wait3A_364 = arith.constant 0 : i32
    %dma_wait3A_365 = tpu.memref_slice %arg14[%add3A_361, %dma_wait3A_364] : memref<10240x128xbf16, #tpu.memory_space<vmem_shared>> -> memref<128x128xbf16, #tpu.memory_space<vmem_shared>>
    tpu.wait_dma2 semaphore(%arg34 : memref<!tpu.dma_semaphore, #tpu.memory_space<semaphore_mem>>) src(%arg23 : memref<128x128xbf16, #tpu.memory_space<vmem>>) dst(%dma_wait3A_365 : memref<128x128xbf16, #tpu.memory_space<vmem_shared>>)
    %barrier3A_366 = arith.constant 0 : index
    tpu.barrier barrier_id(%barrier3A_366)
    %dma_start3A_367 = arith.constant 0 : i32
    %dma_start3A_368 = arith.constant 0 : i32
    %dma_start3A_369 = tpu.memref_slice %arg16[%dma_start3A_367, %dma_start3A_368] : memref<80x128xi32, #tpu.memory_space<vmem>> -> memref<1x128xi32, #tpu.memory_space<vmem>>
    %dma_start3A_370 = tpu.memref_squeeze %dma_start3A_369 : memref<1x128xi32, #tpu.memory_space<vmem>> -> memref<128xi32, #tpu.memory_space<vmem>>
    %dma_start3A_371 = arith.constant 0 : i32
    %dma_start3A_372 = arith.constant 0 : i32
    %dma_start3A_373 = tpu.memref_slice %arg3[%dma_start3A_371, %dma_start3A_372] : memref<20000x128xbf16, #tpu.memory_space<hbm>> -> memref<20000x128xbf16, #tpu.memory_space<hbm>>
    tpu.enqueue_indirect_dma source(%dma_start3A_373 : memref<20000x128xbf16, #tpu.memory_space<hbm>>) target(%arg18 : memref<128x128xbf16, #tpu.memory_space<vmem>>) offsets(%dma_start3A_370 : memref<128xi32, #tpu.memory_space<vmem>>) semaphore(%arg24 : memref<!tpu.dma_semaphore, #tpu.memory_space<semaphore_mem>>)
    %dma_start3A_374 = arith.constant 1 : i32
    %dma_start3A_375 = arith.constant 0 : i32
    %dma_start3A_376 = tpu.memref_slice %arg16[%dma_start3A_374, %dma_start3A_375] : memref<80x128xi32, #tpu.memory_space<vmem>> -> memref<1x128xi32, #tpu.memory_space<vmem>>
    %dma_start3A_377 = tpu.memref_squeeze %dma_start3A_376 : memref<1x128xi32, #tpu.memory_space<vmem>> -> memref<128xi32, #tpu.memory_space<vmem>>
    %dma_start3A_378 = arith.constant 0 : i32
    %dma_start3A_379 = arith.constant 0 : i32
    %dma_start3A_380 = tpu.memref_slice %arg3[%dma_start3A_378, %dma_start3A_379] : memref<20000x128xbf16, #tpu.memory_space<hbm>> -> memref<20000x128xbf16, #tpu.memory_space<hbm>>
    tpu.enqueue_indirect_dma source(%dma_start3A_380 : memref<20000x128xbf16, #tpu.memory_space<hbm>>) target(%arg19 : memref<128x128xbf16, #tpu.memory_space<vmem>>) offsets(%dma_start3A_377 : memref<128xi32, #tpu.memory_space<vmem>>) semaphore(%arg25 : memref<!tpu.dma_semaphore, #tpu.memory_space<semaphore_mem>>)
    %dma_start3A_381 = arith.constant 2 : i32
    %dma_start3A_382 = arith.constant 0 : i32
    %dma_start3A_383 = tpu.memref_slice %arg16[%dma_start3A_381, %dma_start3A_382] : memref<80x128xi32, #tpu.memory_space<vmem>> -> memref<1x128xi32, #tpu.memory_space<vmem>>
    %dma_start3A_384 = tpu.memref_squeeze %dma_start3A_383 : memref<1x128xi32, #tpu.memory_space<vmem>> -> memref<128xi32, #tpu.memory_space<vmem>>
    %dma_start3A_385 = arith.constant 0 : i32
    %dma_start3A_386 = arith.constant 0 : i32
    %dma_start3A_387 = tpu.memref_slice %arg3[%dma_start3A_385, %dma_start3A_386] : memref<20000x128xbf16, #tpu.memory_space<hbm>> -> memref<20000x128xbf16, #tpu.memory_space<hbm>>
    tpu.enqueue_indirect_dma source(%dma_start3A_387 : memref<20000x128xbf16, #tpu.memory_space<hbm>>) target(%arg20 : memref<128x128xbf16, #tpu.memory_space<vmem>>) offsets(%dma_start3A_384 : memref<128xi32, #tpu.memory_space<vmem>>) semaphore(%arg26 : memref<!tpu.dma_semaphore, #tpu.memory_space<semaphore_mem>>)
    %scan3A_388 = arith.constant 0 : i32
    %scan3A_389 = arith.constant 0 : i32
    %scan3A_390 = arith.constant 16 : i32
    %scan3A_391 = arith.addi %scan3A_389, %scan3A_390 : i32
    %scan3A_392 = arith.constant 1 : i32
    scf.for %scan3A_464 = %scan3A_389 to %scan3A_391 step %scan3A_392  : i32 {
      %mul3A_465 = arith.constant 5 : i32
      %mul3A_466 = arith.muli %mul3A_465, %scan3A_464 : i32
      %add3A_467 = arith.constant 0 : i32
      %add3A_468 = arith.addi %mul3A_466, %add3A_467 : i32
      %dma_wait3A_469 = arith.constant 0 : i32
      %dma_wait3A_470 = arith.constant 0 : i32
      %dma_wait3A_471 = tpu.memref_slice %arg16[%dma_wait3A_469, %dma_wait3A_470] : memref<80x128xi32, #tpu.memory_space<vmem>> -> memref<1x128xi32, #tpu.memory_space<vmem>>
      %dma_wait3A_472 = tpu.memref_squeeze %dma_wait3A_471 : memref<1x128xi32, #tpu.memory_space<vmem>> -> memref<128xi32, #tpu.memory_space<vmem>>
      %dma_wait3A_473 = arith.constant 0 : i32
      %dma_wait3A_474 = arith.constant 0 : i32
      %dma_wait3A_475 = tpu.memref_slice %arg3[%dma_wait3A_473, %dma_wait3A_474] : memref<20000x128xbf16, #tpu.memory_space<hbm>> -> memref<20000x128xbf16, #tpu.memory_space<hbm>>
      tpu.wait_indirect_dma semaphore(%arg24 : memref<!tpu.dma_semaphore, #tpu.memory_space<semaphore_mem>>) src(%dma_wait3A_475 : memref<20000x128xbf16, #tpu.memory_space<hbm>>) dst(%arg18 : memref<128x128xbf16, #tpu.memory_space<vmem>>)
      %ge3A = arith.constant 2 : i32
      %ge3A_476 = arith.cmpi sge, %add3A_468, %ge3A : i32
      %convert_element_type3A = arith.extui %ge3A_476 : i1 to i32
      %cond3A = arith.constant 0 : i32
      %cond3A_477 = arith.cmpi ne, %convert_element_type3A, %cond3A : i32
      scf.if %cond3A_477 {
        %dma_wait3A_636 = arith.constant 0 : i32
        %dma_wait3A_637 = arith.constant 0 : i32
        %dma_wait3A_638 = tpu.memref_slice %arg15[%dma_wait3A_636, %dma_wait3A_637] : memref<80x128xi32, #tpu.memory_space<vmem>> -> memref<1x128xi32, #tpu.memory_space<vmem>>
        %dma_wait3A_639 = tpu.memref_squeeze %dma_wait3A_638 : memref<1x128xi32, #tpu.memory_space<vmem>> -> memref<128xi32, #tpu.memory_space<vmem>>
        %dma_wait3A_640 = arith.constant 0 : i32
        %dma_wait3A_641 = arith.constant 0 : i32
        %dma_wait3A_642 = tpu.memref_slice %arg14[%dma_wait3A_640, %dma_wait3A_641] : memref<10240x128xbf16, #tpu.memory_space<vmem_shared>> -> memref<10240x128xbf16, #tpu.memory_space<vmem_shared>>
        tpu.wait_indirect_dma semaphore(%arg32 : memref<!tpu.dma_semaphore, #tpu.memory_space<semaphore_mem>>) src(%arg21 : memref<128x128xbf16, #tpu.memory_space<vmem>>) dst(%dma_wait3A_642 : memref<10240x128xbf16, #tpu.memory_space<vmem_shared>>)
      } else {
      }
      %add3A_478 = arith.constant 3 : i32
      %add3A_479 = arith.addi %add3A_468, %add3A_478 : i32
      %lt3A = arith.constant 80 : i32
      %lt3A_480 = arith.cmpi slt, %add3A_479, %lt3A : i32
      %convert_element_type3A_481 = arith.extui %lt3A_480 : i1 to i32
      %cond3A_482 = arith.constant 0 : i32
      %cond3A_483 = arith.cmpi ne, %convert_element_type3A_481, %cond3A_482 : i32
      scf.if %cond3A_483 {
        %add3A_636 = arith.constant 3 : i32
        %add3A_637 = arith.addi %add3A_468, %add3A_636 : i32
        %dma_start3A_638 = arith.constant 0 : i32
        %dma_start3A_639 = tpu.memref_slice %arg16[%add3A_637, %dma_start3A_638] : memref<80x128xi32, #tpu.memory_space<vmem>> -> memref<1x128xi32, #tpu.memory_space<vmem>>
        %dma_start3A_640 = tpu.memref_squeeze %dma_start3A_639 : memref<1x128xi32, #tpu.memory_space<vmem>> -> memref<128xi32, #tpu.memory_space<vmem>>
        %dma_start3A_641 = arith.constant 0 : i32
        %dma_start3A_642 = arith.constant 0 : i32
        %dma_start3A_643 = tpu.memref_slice %arg3[%dma_start3A_641, %dma_start3A_642] : memref<20000x128xbf16, #tpu.memory_space<hbm>> -> memref<20000x128xbf16, #tpu.memory_space<hbm>>
        tpu.enqueue_indirect_dma source(%dma_start3A_643 : memref<20000x128xbf16, #tpu.memory_space<hbm>>) target(%arg21 : memref<128x128xbf16, #tpu.memory_space<vmem>>) offsets(%dma_start3A_640 : memref<128xi32, #tpu.memory_space<vmem>>) semaphore(%arg27 : memref<!tpu.dma_semaphore, #tpu.memory_space<semaphore_mem>>)
      } else {
      }
      %scan3A_484 = arith.constant 0 : i32
      %scan3A_485 = arith.constant 0 : i32
      %scan3A_486 = arith.constant 8 : i32
      %scan3A_487 = arith.addi %scan3A_485, %scan3A_486 : i32
      %scan3A_488 = arith.constant 1 : i32
      scf.for %scan3A_636 = %scan3A_485 to %scan3A_487 step %scan3A_488  : i32 {
        %mul3A_637 = arith.constant 16 : i32
        %mul3A_638 = arith.muli %scan3A_636, %mul3A_637 : i32
        %get3A = arith.index_cast %add3A_468 : i32 to index
        %get3A_639 = arith.index_cast %mul3A_638 : i32 to index
        %get3A_640 = tpu.vector_load %arg17[%get3A, %get3A_639] {strides = array<i32>} : memref<80x128xf32, #tpu.memory_space<vmem>>, vector<16xf32>,
        %scan3A_641 = arith.constant 0 : i32
        %scan3A_642 = arith.constant 16 : i32
        %scan3A_643 = arith.addi %scan3A_641, %scan3A_642 : i32
        %scan3A_644 = arith.constant 1 : i32
        scf.for %scan3A_646 = %scan3A_641 to %scan3A_643 step %scan3A_644  : i32 {
          %broadcast_in_dim3A_647 = vector.broadcast %scan3A_646 : i32 to vector<16xi32>
          %broadcast_in_dim3A_648 = vector.shape_cast %broadcast_in_dim3A_647 : vector<16xi32> to vector<16x1xi32>
          %gather3A = vector.shape_cast %broadcast_in_dim3A_648 : vector<16x1xi32> to vector<16xi32>
          %gather3A_649 = tpu.dynamic_gather %get3A_640[%gather3A] in [0] : vector<16xf32>, vector<16xi32> -> vector<16xf32>
          %pack3A = tpu.pack_subelements %gather3A_649, %gather3A_649 {pack_format = #tpu.pack_format<interleaved>, positions = array<i32: 0, 1>} : vector<16xf32>, vector<16xf32> -> vector<32xbf16>
          %mul3A_650 = arith.constant 16 : i32
          %mul3A_651 = arith.muli %scan3A_636, %mul3A_650 : i32
          %add3A_652 = arith.addi %mul3A_651, %scan3A_646 : i32
          %get3A_653 = arith.index_cast %add3A_652 : i32 to index
          %get3A_654 = arith.constant 0 : index
          %get3A_655 = tpu.vector_load %arg18[%get3A_653, %get3A_654] {strides = array<i32>} : memref<128x128xbf16, #tpu.memory_space<vmem>>, vector<32xbf16>,
          %mul3A_656 = arith.mulf %get3A_655, %pack3A : vector<32xbf16>
          %swap3A = arith.index_cast %add3A_652 : i32 to index
          %swap3A_657 = arith.constant 0 : index
          %swap3A_658 = tpu.vector_load %arg18[%swap3A, %swap3A_657] {strides = array<i32>} : memref<128x128xbf16, #tpu.memory_space<vmem>>, vector<32xbf16>,
          tpu.vector_store %arg18[%swap3A, %swap3A_657], %mul3A_656 {strides = array<i32>} : memref<128x128xbf16, #tpu.memory_space<vmem>>, vector<32xbf16>,
          %get3A_659 = arith.index_cast %add3A_652 : i32 to index
          %get3A_660 = arith.constant 32 : index
          %get3A_661 = tpu.vector_load %arg18[%get3A_659, %get3A_660] {strides = array<i32>} : memref<128x128xbf16, #tpu.memory_space<vmem>>, vector<32xbf16>,
          %mul3A_662 = arith.mulf %get3A_661, %pack3A : vector<32xbf16>
          %swap3A_663 = arith.index_cast %add3A_652 : i32 to index
          %swap3A_664 = arith.constant 32 : index
          %swap3A_665 = tpu.vector_load %arg18[%swap3A_663, %swap3A_664] {strides = array<i32>} : memref<128x128xbf16, #tpu.memory_space<vmem>>, vector<32xbf16>,
          tpu.vector_store %arg18[%swap3A_663, %swap3A_664], %mul3A_662 {strides = array<i32>} : memref<128x128xbf16, #tpu.memory_space<vmem>>, vector<32xbf16>,
          %get3A_666 = arith.index_cast %add3A_652 : i32 to index
          %get3A_667 = arith.constant 64 : index
          %get3A_668 = tpu.vector_load %arg18[%get3A_666, %get3A_667] {strides = array<i32>} : memref<128x128xbf16, #tpu.memory_space<vmem>>, vector<32xbf16>,
          %mul3A_669 = arith.mulf %get3A_668, %pack3A : vector<32xbf16>
          %swap3A_670 = arith.index_cast %add3A_652 : i32 to index
          %swap3A_671 = arith.constant 64 : index
          %swap3A_672 = tpu.vector_load %arg18[%swap3A_670, %swap3A_671] {strides = array<i32>} : memref<128x128xbf16, #tpu.memory_space<vmem>>, vector<32xbf16>,
          tpu.vector_store %arg18[%swap3A_670, %swap3A_671], %mul3A_669 {strides = array<i32>} : memref<128x128xbf16, #tpu.memory_space<vmem>>, vector<32xbf16>,
          %get3A_673 = arith.index_cast %add3A_652 : i32 to index
          %get3A_674 = arith.constant 96 : index
          %get3A_675 = tpu.vector_load %arg18[%get3A_673, %get3A_674] {strides = array<i32>} : memref<128x128xbf16, #tpu.memory_space<vmem>>, vector<32xbf16>,
          %mul3A_676 = arith.mulf %get3A_675, %pack3A : vector<32xbf16>
          %swap3A_677 = arith.index_cast %add3A_652 : i32 to index
          %swap3A_678 = arith.constant 96 : index
          %swap3A_679 = tpu.vector_load %arg18[%swap3A_677, %swap3A_678] {strides = array<i32>} : memref<128x128xbf16, #tpu.memory_space<vmem>>, vector<32xbf16>,
          tpu.vector_store %arg18[%swap3A_677, %swap3A_678], %mul3A_676 {strides = array<i32>} : memref<128x128xbf16, #tpu.memory_space<vmem>>, vector<32xbf16>,
        }
        %scan3A_645 = arith.constant 16 : i32
      }
      %scan3A_489 = arith.constant 8 : i32
      %dma_start3A_490 = arith.constant 0 : i32
      %dma_start3A_491 = tpu.memref_slice %arg15[%add3A_468, %dma_start3A_490] : memref<80x128xi32, #tpu.memory_space<vmem>> -> memref<1x128xi32, #tpu.memory_space<vmem>>
      %dma_start3A_492 = tpu.memref_squeeze %dma_start3A_491 : memref<1x128xi32, #tpu.memory_space<vmem>> -> memref<128xi32, #tpu.memory_space<vmem>>
      %dma_start3A_493 = arith.constant 0 : i32
      %dma_start3A_494 = arith.constant 0 : i32
      %dma_start3A_495 = tpu.memref_slice %arg14[%dma_start3A_493, %dma_start3A_494] : memref<10240x128xbf16, #tpu.memory_space<vmem_shared>> -> memref<10240x128xbf16, #tpu.memory_space<vmem_shared>>
      tpu.enqueue_indirect_dma source(%arg18 : memref<128x128xbf16, #tpu.memory_space<vmem>>) target(%dma_start3A_495 : memref<10240x128xbf16, #tpu.memory_space<vmem_shared>>) offsets(%dma_start3A_492 : memref<128xi32, #tpu.memory_space<vmem>>) semaphore(%arg29 : memref<!tpu.dma_semaphore, #tpu.memory_space<semaphore_mem>>) {add = true}
      %mul3A_496 = arith.constant 5 : i32
      %mul3A_497 = arith.muli %mul3A_496, %scan3A_464 : i32
      %add3A_498 = arith.constant 1 : i32
      %add3A_499 = arith.addi %mul3A_497, %add3A_498 : i32
      %dma_wait3A_500 = arith.constant 0 : i32
      %dma_wait3A_501 = arith.constant 0 : i32
      %dma_wait3A_502 = tpu.memref_slice %arg16[%dma_wait3A_500, %dma_wait3A_501] : memref<80x128xi32, #tpu.memory_space<vmem>> -> memref<1x128xi32, #tpu.memory_space<vmem>>
      %dma_wait3A_503 = tpu.memref_squeeze %dma_wait3A_502 : memref<1x128xi32, #tpu.memory_space<vmem>> -> memref<128xi32, #tpu.memory_space<vmem>>
      %dma_wait3A_504 = arith.constant 0 : i32
      %dma_wait3A_505 = arith.constant 0 : i32
      %dma_wait3A_506 = tpu.memref_slice %arg3[%dma_wait3A_504, %dma_wait3A_505] : memref<20000x128xbf16, #tpu.memory_space<hbm>> -> memref<20000x128xbf16, #tpu.memory_space<hbm>>
      tpu.wait_indirect_dma semaphore(%arg25 : memref<!tpu.dma_semaphore, #tpu.memory_space<semaphore_mem>>) src(%dma_wait3A_506 : memref<20000x128xbf16, #tpu.memory_space<hbm>>) dst(%arg19 : memref<128x128xbf16, #tpu.memory_space<vmem>>)
      %ge3A_507 = arith.constant 2 : i32
      %ge3A_508 = arith.cmpi sge, %add3A_499, %ge3A_507 : i32
      %convert_element_type3A_509 = arith.extui %ge3A_508 : i1 to i32
      %cond3A_510 = arith.constant 0 : i32
      %cond3A_511 = arith.cmpi ne, %convert_element_type3A_509, %cond3A_510 : i32
      scf.if %cond3A_511 {
        %dma_wait3A_636 = arith.constant 0 : i32
        %dma_wait3A_637 = arith.constant 0 : i32
        %dma_wait3A_638 = tpu.memref_slice %arg15[%dma_wait3A_636, %dma_wait3A_637] : memref<80x128xi32, #tpu.memory_space<vmem>> -> memref<1x128xi32, #tpu.memory_space<vmem>>
        %dma_wait3A_639 = tpu.memref_squeeze %dma_wait3A_638 : memref<1x128xi32, #tpu.memory_space<vmem>> -> memref<128xi32, #tpu.memory_space<vmem>>
        %dma_wait3A_640 = arith.constant 0 : i32
        %dma_wait3A_641 = arith.constant 0 : i32
        %dma_wait3A_642 = tpu.memref_slice %arg14[%dma_wait3A_640, %dma_wait3A_641] : memref<10240x128xbf16, #tpu.memory_space<vmem_shared>> -> memref<10240x128xbf16, #tpu.memory_space<vmem_shared>>
        tpu.wait_indirect_dma semaphore(%arg33 : memref<!tpu.dma_semaphore, #tpu.memory_space<semaphore_mem>>) src(%arg22 : memref<128x128xbf16, #tpu.memory_space<vmem>>) dst(%dma_wait3A_642 : memref<10240x128xbf16, #tpu.memory_space<vmem_shared>>)
      } else {
      }
      %add3A_512 = arith.constant 3 : i32
      %add3A_513 = arith.addi %add3A_499, %add3A_512 : i32
      %lt3A_514 = arith.constant 80 : i32
      %lt3A_515 = arith.cmpi slt, %add3A_513, %lt3A_514 : i32
      %convert_element_type3A_516 = arith.extui %lt3A_515 : i1 to i32
      %cond3A_517 = arith.constant 0 : i32
      %cond3A_518 = arith.cmpi ne, %convert_element_type3A_516, %cond3A_517 : i32
      scf.if %cond3A_518 {
        %add3A_636 = arith.constant 3 : i32
        %add3A_637 = arith.addi %add3A_499, %add3A_636 : i32
        %dma_start3A_638 = arith.constant 0 : i32
        %dma_start3A_639 = tpu.memref_slice %arg16[%add3A_637, %dma_start3A_638] : memref<80x128xi32, #tpu.memory_space<vmem>> -> memref<1x128xi32, #tpu.memory_space<vmem>>
        %dma_start3A_640 = tpu.memref_squeeze %dma_start3A_639 : memref<1x128xi32, #tpu.memory_space<vmem>> -> memref<128xi32, #tpu.memory_space<vmem>>
        %dma_start3A_641 = arith.constant 0 : i32
        %dma_start3A_642 = arith.constant 0 : i32
        %dma_start3A_643 = tpu.memref_slice %arg3[%dma_start3A_641, %dma_start3A_642] : memref<20000x128xbf16, #tpu.memory_space<hbm>> -> memref<20000x128xbf16, #tpu.memory_space<hbm>>
        tpu.enqueue_indirect_dma source(%dma_start3A_643 : memref<20000x128xbf16, #tpu.memory_space<hbm>>) target(%arg22 : memref<128x128xbf16, #tpu.memory_space<vmem>>) offsets(%dma_start3A_640 : memref<128xi32, #tpu.memory_space<vmem>>) semaphore(%arg28 : memref<!tpu.dma_semaphore, #tpu.memory_space<semaphore_mem>>)
      } else {
      }
      %scan3A_519 = arith.constant 0 : i32
      %scan3A_520 = arith.constant 0 : i32
      %scan3A_521 = arith.constant 8 : i32
      %scan3A_522 = arith.addi %scan3A_520, %scan3A_521 : i32
      %scan3A_523 = arith.constant 1 : i32
      scf.for %scan3A_636 = %scan3A_520 to %scan3A_522 step %scan3A_523  : i32 {
        %mul3A_637 = arith.constant 16 : i32
        %mul3A_638 = arith.muli %scan3A_636, %mul3A_637 : i32
        %get3A = arith.index_cast %add3A_499 : i32 to index
        %get3A_639 = arith.index_cast %mul3A_638 : i32 to index
        %get3A_640 = tpu.vector_load %arg17[%get3A, %get3A_639] {strides = array<i32>} : memref<80x128xf32, #tpu.memory_space<vmem>>, vector<16xf32>,
        %scan3A_641 = arith.constant 0 : i32
        %scan3A_642 = arith.constant 16 : i32
        %scan3A_643 = arith.addi %scan3A_641, %scan3A_642 : i32
        %scan3A_644 = arith.constant 1 : i32
        scf.for %scan3A_646 = %scan3A_641 to %scan3A_643 step %scan3A_644  : i32 {
          %broadcast_in_dim3A_647 = vector.broadcast %scan3A_646 : i32 to vector<16xi32>
          %broadcast_in_dim3A_648 = vector.shape_cast %broadcast_in_dim3A_647 : vector<16xi32> to vector<16x1xi32>
          %gather3A = vector.shape_cast %broadcast_in_dim3A_648 : vector<16x1xi32> to vector<16xi32>
          %gather3A_649 = tpu.dynamic_gather %get3A_640[%gather3A] in [0] : vector<16xf32>, vector<16xi32> -> vector<16xf32>
          %pack3A = tpu.pack_subelements %gather3A_649, %gather3A_649 {pack_format = #tpu.pack_format<interleaved>, positions = array<i32: 0, 1>} : vector<16xf32>, vector<16xf32> -> vector<32xbf16>
          %mul3A_650 = arith.constant 16 : i32
          %mul3A_651 = arith.muli %scan3A_636, %mul3A_650 : i32
          %add3A_652 = arith.addi %mul3A_651, %scan3A_646 : i32
          %get3A_653 = arith.index_cast %add3A_652 : i32 to index
          %get3A_654 = arith.constant 0 : index
          %get3A_655 = tpu.vector_load %arg19[%get3A_653, %get3A_654] {strides = array<i32>} : memref<128x128xbf16, #tpu.memory_space<vmem>>, vector<32xbf16>,
          %mul3A_656 = arith.mulf %get3A_655, %pack3A : vector<32xbf16>
          %swap3A = arith.index_cast %add3A_652 : i32 to index
          %swap3A_657 = arith.constant 0 : index
          %swap3A_658 = tpu.vector_load %arg19[%swap3A, %swap3A_657] {strides = array<i32>} : memref<128x128xbf16, #tpu.memory_space<vmem>>, vector<32xbf16>,
          tpu.vector_store %arg19[%swap3A, %swap3A_657], %mul3A_656 {strides = array<i32>} : memref<128x128xbf16, #tpu.memory_space<vmem>>, vector<32xbf16>,
          %get3A_659 = arith.index_cast %add3A_652 : i32 to index
          %get3A_660 = arith.constant 32 : index
          %get3A_661 = tpu.vector_load %arg19[%get3A_659, %get3A_660] {strides = array<i32>} : memref<128x128xbf16, #tpu.memory_space<vmem>>, vector<32xbf16>,
          %mul3A_662 = arith.mulf %get3A_661, %pack3A : vector<32xbf16>
          %swap3A_663 = arith.index_cast %add3A_652 : i32 to index
          %swap3A_664 = arith.constant 32 : index
          %swap3A_665 = tpu.vector_load %arg19[%swap3A_663, %swap3A_664] {strides = array<i32>} : memref<128x128xbf16, #tpu.memory_space<vmem>>, vector<32xbf16>,
          tpu.vector_store %arg19[%swap3A_663, %swap3A_664], %mul3A_662 {strides = array<i32>} : memref<128x128xbf16, #tpu.memory_space<vmem>>, vector<32xbf16>,
          %get3A_666 = arith.index_cast %add3A_652 : i32 to index
          %get3A_667 = arith.constant 64 : index
          %get3A_668 = tpu.vector_load %arg19[%get3A_666, %get3A_667] {strides = array<i32>} : memref<128x128xbf16, #tpu.memory_space<vmem>>, vector<32xbf16>,
          %mul3A_669 = arith.mulf %get3A_668, %pack3A : vector<32xbf16>
          %swap3A_670 = arith.index_cast %add3A_652 : i32 to index
          %swap3A_671 = arith.constant 64 : index
          %swap3A_672 = tpu.vector_load %arg19[%swap3A_670, %swap3A_671] {strides = array<i32>} : memref<128x128xbf16, #tpu.memory_space<vmem>>, vector<32xbf16>,
          tpu.vector_store %arg19[%swap3A_670, %swap3A_671], %mul3A_669 {strides = array<i32>} : memref<128x128xbf16, #tpu.memory_space<vmem>>, vector<32xbf16>,
          %get3A_673 = arith.index_cast %add3A_652 : i32 to index
          %get3A_674 = arith.constant 96 : index
          %get3A_675 = tpu.vector_load %arg19[%get3A_673, %get3A_674] {strides = array<i32>} : memref<128x128xbf16, #tpu.memory_space<vmem>>, vector<32xbf16>,
          %mul3A_676 = arith.mulf %get3A_675, %pack3A : vector<32xbf16>
          %swap3A_677 = arith.index_cast %add3A_652 : i32 to index
          %swap3A_678 = arith.constant 96 : index
          %swap3A_679 = tpu.vector_load %arg19[%swap3A_677, %swap3A_678] {strides = array<i32>} : memref<128x128xbf16, #tpu.memory_space<vmem>>, vector<32xbf16>,
          tpu.vector_store %arg19[%swap3A_677, %swap3A_678], %mul3A_676 {strides = array<i32>} : memref<128x128xbf16, #tpu.memory_space<vmem>>, vector<32xbf16>,
        }
        %scan3A_645 = arith.constant 16 : i32
      }
      %scan3A_524 = arith.constant 8 : i32
      %dma_start3A_525 = arith.constant 0 : i32
      %dma_start3A_526 = tpu.memref_slice %arg15[%add3A_499, %dma_start3A_525] : memref<80x128xi32, #tpu.memory_space<vmem>> -> memref<1x128xi32, #tpu.memory_space<vmem>>
      %dma_start3A_527 = tpu.memref_squeeze %dma_start3A_526 : memref<1x128xi32, #tpu.memory_space<vmem>> -> memref<128xi32, #tpu.memory_space<vmem>>
      %dma_start3A_528 = arith.constant 0 : i32
      %dma_start3A_529 = arith.constant 0 : i32
      %dma_start3A_530 = tpu.memref_slice %arg14[%dma_start3A_528, %dma_start3A_529] : memref<10240x128xbf16, #tpu.memory_space<vmem_shared>> -> memref<10240x128xbf16, #tpu.memory_space<vmem_shared>>
      tpu.enqueue_indirect_dma source(%arg19 : memref<128x128xbf16, #tpu.memory_space<vmem>>) target(%dma_start3A_530 : memref<10240x128xbf16, #tpu.memory_space<vmem_shared>>) offsets(%dma_start3A_527 : memref<128xi32, #tpu.memory_space<vmem>>) semaphore(%arg30 : memref<!tpu.dma_semaphore, #tpu.memory_space<semaphore_mem>>) {add = true}
      %mul3A_531 = arith.constant 5 : i32
      %mul3A_532 = arith.muli %mul3A_531, %scan3A_464 : i32
      %add3A_533 = arith.constant 2 : i32
      %add3A_534 = arith.addi %mul3A_532, %add3A_533 : i32
      %dma_wait3A_535 = arith.constant 0 : i32
      %dma_wait3A_536 = arith.constant 0 : i32
      %dma_wait3A_537 = tpu.memref_slice %arg16[%dma_wait3A_535, %dma_wait3A_536] : memref<80x128xi32, #tpu.memory_space<vmem>> -> memref<1x128xi32, #tpu.memory_space<vmem>>
      %dma_wait3A_538 = tpu.memref_squeeze %dma_wait3A_537 : memref<1x128xi32, #tpu.memory_space<vmem>> -> memref<128xi32, #tpu.memory_space<vmem>>
      %dma_wait3A_539 = arith.constant 0 : i32
      %dma_wait3A_540 = arith.constant 0 : i32
      %dma_wait3A_541 = tpu.memref_slice %arg3[%dma_wait3A_539, %dma_wait3A_540] : memref<20000x128xbf16, #tpu.memory_space<hbm>> -> memref<20000x128xbf16, #tpu.memory_space<hbm>>
      tpu.wait_indirect_dma semaphore(%arg26 : memref<!tpu.dma_semaphore, #tpu.memory_space<semaphore_mem>>) src(%dma_wait3A_541 : memref<20000x128xbf16, #tpu.memory_space<hbm>>) dst(%arg20 : memref<128x128xbf16, #tpu.memory_space<vmem>>)
      %ge3A_542 = arith.constant 2 : i32
      %ge3A_543 = arith.cmpi sge, %add3A_534, %ge3A_542 : i32
      %convert_element_type3A_544 = arith.extui %ge3A_543 : i1 to i32
      %cond3A_545 = arith.constant 0 : i32
      %cond3A_546 = arith.cmpi ne, %convert_element_type3A_544, %cond3A_545 : i32
      scf.if %cond3A_546 {
        %dma_wait3A_636 = arith.constant 0 : i32
        %dma_wait3A_637 = arith.constant 0 : i32
        %dma_wait3A_638 = tpu.memref_slice %arg15[%dma_wait3A_636, %dma_wait3A_637] : memref<80x128xi32, #tpu.memory_space<vmem>> -> memref<1x128xi32, #tpu.memory_space<vmem>>
        %dma_wait3A_639 = tpu.memref_squeeze %dma_wait3A_638 : memref<1x128xi32, #tpu.memory_space<vmem>> -> memref<128xi32, #tpu.memory_space<vmem>>
        %dma_wait3A_640 = arith.constant 0 : i32
        %dma_wait3A_641 = arith.constant 0 : i32
        %dma_wait3A_642 = tpu.memref_slice %arg14[%dma_wait3A_640, %dma_wait3A_641] : memref<10240x128xbf16, #tpu.memory_space<vmem_shared>> -> memref<10240x128xbf16, #tpu.memory_space<vmem_shared>>
        tpu.wait_indirect_dma semaphore(%arg29 : memref<!tpu.dma_semaphore, #tpu.memory_space<semaphore_mem>>) src(%arg18 : memref<128x128xbf16, #tpu.memory_space<vmem>>) dst(%dma_wait3A_642 : memref<10240x128xbf16, #tpu.memory_space<vmem_shared>>)
      } else {
      }
      %add3A_547 = arith.constant 3 : i32
      %add3A_548 = arith.addi %add3A_534, %add3A_547 : i32
      %lt3A_549 = arith.constant 80 : i32
      %lt3A_550 = arith.cmpi slt, %add3A_548, %lt3A_549 : i32
      %convert_element_type3A_551 = arith.extui %lt3A_550 : i1 to i32
      %cond3A_552 = arith.constant 0 : i32
      %cond3A_553 = arith.cmpi ne, %convert_element_type3A_551, %cond3A_552 : i32
      scf.if %cond3A_553 {
        %add3A_636 = arith.constant 3 : i32
        %add3A_637 = arith.addi %add3A_534, %add3A_636 : i32
        %dma_start3A_638 = arith.constant 0 : i32
        %dma_start3A_639 = tpu.memref_slice %arg16[%add3A_637, %dma_start3A_638] : memref<80x128xi32, #tpu.memory_space<vmem>> -> memref<1x128xi32, #tpu.memory_space<vmem>>
        %dma_start3A_640 = tpu.memref_squeeze %dma_start3A_639 : memref<1x128xi32, #tpu.memory_space<vmem>> -> memref<128xi32, #tpu.memory_space<vmem>>
        %dma_start3A_641 = arith.constant 0 : i32
        %dma_start3A_642 = arith.constant 0 : i32
        %dma_start3A_643 = tpu.memref_slice %arg3[%dma_start3A_641, %dma_start3A_642] : memref<20000x128xbf16, #tpu.memory_space<hbm>> -> memref<20000x128xbf16, #tpu.memory_space<hbm>>
        tpu.enqueue_indirect_dma source(%dma_start3A_643 : memref<20000x128xbf16, #tpu.memory_space<hbm>>) target(%arg18 : memref<128x128xbf16, #tpu.memory_space<vmem>>) offsets(%dma_start3A_640 : memref<128xi32, #tpu.memory_space<vmem>>) semaphore(%arg24 : memref<!tpu.dma_semaphore, #tpu.memory_space<semaphore_mem>>)
      } else {
      }
      %scan3A_554 = arith.constant 0 : i32
      %scan3A_555 = arith.constant 0 : i32
      %scan3A_556 = arith.constant 8 : i32
      %scan3A_557 = arith.addi %scan3A_555, %scan3A_556 : i32
      %scan3A_558 = arith.constant 1 : i32
      scf.for %scan3A_636 = %scan3A_555 to %scan3A_557 step %scan3A_558  : i32 {
        %mul3A_637 = arith.constant 16 : i32
        %mul3A_638 = arith.muli %scan3A_636, %mul3A_637 : i32
        %get3A = arith.index_cast %add3A_534 : i32 to index
        %get3A_639 = arith.index_cast %mul3A_638 : i32 to index
        %get3A_640 = tpu.vector_load %arg17[%get3A, %get3A_639] {strides = array<i32>} : memref<80x128xf32, #tpu.memory_space<vmem>>, vector<16xf32>,
        %scan3A_641 = arith.constant 0 : i32
        %scan3A_642 = arith.constant 16 : i32
        %scan3A_643 = arith.addi %scan3A_641, %scan3A_642 : i32
        %scan3A_644 = arith.constant 1 : i32
        scf.for %scan3A_646 = %scan3A_641 to %scan3A_643 step %scan3A_644  : i32 {
          %broadcast_in_dim3A_647 = vector.broadcast %scan3A_646 : i32 to vector<16xi32>
          %broadcast_in_dim3A_648 = vector.shape_cast %broadcast_in_dim3A_647 : vector<16xi32> to vector<16x1xi32>
          %gather3A = vector.shape_cast %broadcast_in_dim3A_648 : vector<16x1xi32> to vector<16xi32>
          %gather3A_649 = tpu.dynamic_gather %get3A_640[%gather3A] in [0] : vector<16xf32>, vector<16xi32> -> vector<16xf32>
          %pack3A = tpu.pack_subelements %gather3A_649, %gather3A_649 {pack_format = #tpu.pack_format<interleaved>, positions = array<i32: 0, 1>} : vector<16xf32>, vector<16xf32> -> vector<32xbf16>
          %mul3A_650 = arith.constant 16 : i32
          %mul3A_651 = arith.muli %scan3A_636, %mul3A_650 : i32
          %add3A_652 = arith.addi %mul3A_651, %scan3A_646 : i32
          %get3A_653 = arith.index_cast %add3A_652 : i32 to index
          %get3A_654 = arith.constant 0 : index
          %get3A_655 = tpu.vector_load %arg20[%get3A_653, %get3A_654] {strides = array<i32>} : memref<128x128xbf16, #tpu.memory_space<vmem>>, vector<32xbf16>,
          %mul3A_656 = arith.mulf %get3A_655, %pack3A : vector<32xbf16>
          %swap3A = arith.index_cast %add3A_652 : i32 to index
          %swap3A_657 = arith.constant 0 : index
          %swap3A_658 = tpu.vector_load %arg20[%swap3A, %swap3A_657] {strides = array<i32>} : memref<128x128xbf16, #tpu.memory_space<vmem>>, vector<32xbf16>,
          tpu.vector_store %arg20[%swap3A, %swap3A_657], %mul3A_656 {strides = array<i32>} : memref<128x128xbf16, #tpu.memory_space<vmem>>, vector<32xbf16>,
          %get3A_659 = arith.index_cast %add3A_652 : i32 to index
          %get3A_660 = arith.constant 32 : index
          %get3A_661 = tpu.vector_load %arg20[%get3A_659, %get3A_660] {strides = array<i32>} : memref<128x128xbf16, #tpu.memory_space<vmem>>, vector<32xbf16>,
          %mul3A_662 = arith.mulf %get3A_661, %pack3A : vector<32xbf16>
          %swap3A_663 = arith.index_cast %add3A_652 : i32 to index
          %swap3A_664 = arith.constant 32 : index
          %swap3A_665 = tpu.vector_load %arg20[%swap3A_663, %swap3A_664] {strides = array<i32>} : memref<128x128xbf16, #tpu.memory_space<vmem>>, vector<32xbf16>,
          tpu.vector_store %arg20[%swap3A_663, %swap3A_664], %mul3A_662 {strides = array<i32>} : memref<128x128xbf16, #tpu.memory_space<vmem>>, vector<32xbf16>,
          %get3A_666 = arith.index_cast %add3A_652 : i32 to index
          %get3A_667 = arith.constant 64 : index
          %get3A_668 = tpu.vector_load %arg20[%get3A_666, %get3A_667] {strides = array<i32>} : memref<128x128xbf16, #tpu.memory_space<vmem>>, vector<32xbf16>,
          %mul3A_669 = arith.mulf %get3A_668, %pack3A : vector<32xbf16>
          %swap3A_670 = arith.index_cast %add3A_652 : i32 to index
          %swap3A_671 = arith.constant 64 : index
          %swap3A_672 = tpu.vector_load %arg20[%swap3A_670, %swap3A_671] {strides = array<i32>} : memref<128x128xbf16, #tpu.memory_space<vmem>>, vector<32xbf16>,
          tpu.vector_store %arg20[%swap3A_670, %swap3A_671], %mul3A_669 {strides = array<i32>} : memref<128x128xbf16, #tpu.memory_space<vmem>>, vector<32xbf16>,
          %get3A_673 = arith.index_cast %add3A_652 : i32 to index
          %get3A_674 = arith.constant 96 : index
          %get3A_675 = tpu.vector_load %arg20[%get3A_673, %get3A_674] {strides = array<i32>} : memref<128x128xbf16, #tpu.memory_space<vmem>>, vector<32xbf16>,
          %mul3A_676 = arith.mulf %get3A_675, %pack3A : vector<32xbf16>
          %swap3A_677 = arith.index_cast %add3A_652 : i32 to index
          %swap3A_678 = arith.constant 96 : index
          %swap3A_679 = tpu.vector_load %arg20[%swap3A_677, %swap3A_678] {strides = array<i32>} : memref<128x128xbf16, #tpu.memory_space<vmem>>, vector<32xbf16>,
          tpu.vector_store %arg20[%swap3A_677, %swap3A_678], %mul3A_676 {strides = array<i32>} : memref<128x128xbf16, #tpu.memory_space<vmem>>, vector<32xbf16>,
        }
        %scan3A_645 = arith.constant 16 : i32
      }
      %scan3A_559 = arith.constant 8 : i32
      %dma_start3A_560 = arith.constant 0 : i32
      %dma_start3A_561 = tpu.memref_slice %arg15[%add3A_534, %dma_start3A_560] : memref<80x128xi32, #tpu.memory_space<vmem>> -> memref<1x128xi32, #tpu.memory_space<vmem>>
      %dma_start3A_562 = tpu.memref_squeeze %dma_start3A_561 : memref<1x128xi32, #tpu.memory_space<vmem>> -> memref<128xi32, #tpu.memory_space<vmem>>
      %dma_start3A_563 = arith.constant 0 : i32
      %dma_start3A_564 = arith.constant 0 : i32
      %dma_start3A_565 = tpu.memref_slice %arg14[%dma_start3A_563, %dma_start3A_564] : memref<10240x128xbf16, #tpu.memory_space<vmem_shared>> -> memref<10240x128xbf16, #tpu.memory_space<vmem_shared>>
      tpu.enqueue_indirect_dma source(%arg20 : memref<128x128xbf16, #tpu.memory_space<vmem>>) target(%dma_start3A_565 : memref<10240x128xbf16, #tpu.memory_space<vmem_shared>>) offsets(%dma_start3A_562 : memref<128xi32, #tpu.memory_space<vmem>>) semaphore(%arg31 : memref<!tpu.dma_semaphore, #tpu.memory_space<semaphore_mem>>) {add = true}
      %mul3A_566 = arith.constant 5 : i32
      %mul3A_567 = arith.muli %mul3A_566, %scan3A_464 : i32
      %add3A_568 = arith.constant 3 : i32
      %add3A_569 = arith.addi %mul3A_567, %add3A_568 : i32
      %dma_wait3A_570 = arith.constant 0 : i32
      %dma_wait3A_571 = arith.constant 0 : i32
      %dma_wait3A_572 = tpu.memref_slice %arg16[%dma_wait3A_570, %dma_wait3A_571] : memref<80x128xi32, #tpu.memory_space<vmem>> -> memref<1x128xi32, #tpu.memory_space<vmem>>
      %dma_wait3A_573 = tpu.memref_squeeze %dma_wait3A_572 : memref<1x128xi32, #tpu.memory_space<vmem>> -> memref<128xi32, #tpu.memory_space<vmem>>
      %dma_wait3A_574 = arith.constant 0 : i32
      %dma_wait3A_575 = arith.constant 0 : i32
      %dma_wait3A_576 = tpu.memref_slice %arg3[%dma_wait3A_574, %dma_wait3A_575] : memref<20000x128xbf16, #tpu.memory_space<hbm>> -> memref<20000x128xbf16, #tpu.memory_space<hbm>>
      tpu.wait_indirect_dma semaphore(%arg27 : memref<!tpu.dma_semaphore, #tpu.memory_space<semaphore_mem>>) src(%dma_wait3A_576 : memref<20000x128xbf16, #tpu.memory_space<hbm>>) dst(%arg21 : memref<128x128xbf16, #tpu.memory_space<vmem>>)
      %ge3A_577 = arith.constant 2 : i32
      %ge3A_578 = arith.cmpi sge, %add3A_569, %ge3A_577 : i32
      %convert_element_type3A_579 = arith.extui %ge3A_578 : i1 to i32
      %cond3A_580 = arith.constant 0 : i32
      %cond3A_581 = arith.cmpi ne, %convert_element_type3A_579, %cond3A_580 : i32
      scf.if %cond3A_581 {
        %dma_wait3A_636 = arith.constant 0 : i32
        %dma_wait3A_637 = arith.constant 0 : i32
        %dma_wait3A_638 = tpu.memref_slice %arg15[%dma_wait3A_636, %dma_wait3A_637] : memref<80x128xi32, #tpu.memory_space<vmem>> -> memref<1x128xi32, #tpu.memory_space<vmem>>
        %dma_wait3A_639 = tpu.memref_squeeze %dma_wait3A_638 : memref<1x128xi32, #tpu.memory_space<vmem>> -> memref<128xi32, #tpu.memory_space<vmem>>
        %dma_wait3A_640 = arith.constant 0 : i32
        %dma_wait3A_641 = arith.constant 0 : i32
        %dma_wait3A_642 = tpu.memref_slice %arg14[%dma_wait3A_640, %dma_wait3A_641] : memref<10240x128xbf16, #tpu.memory_space<vmem_shared>> -> memref<10240x128xbf16, #tpu.memory_space<vmem_shared>>
        tpu.wait_indirect_dma semaphore(%arg30 : memref<!tpu.dma_semaphore, #tpu.memory_space<semaphore_mem>>) src(%arg19 : memref<128x128xbf16, #tpu.memory_space<vmem>>) dst(%dma_wait3A_642 : memref<10240x128xbf16, #tpu.memory_space<vmem_shared>>)
      } else {
      }
      %add3A_582 = arith.constant 3 : i32
      %add3A_583 = arith.addi %add3A_569, %add3A_582 : i32
      %lt3A_584 = arith.constant 80 : i32
      %lt3A_585 = arith.cmpi slt, %add3A_583, %lt3A_584 : i32
      %convert_element_type3A_586 = arith.extui %lt3A_585 : i1 to i32
      %cond3A_587 = arith.constant 0 : i32
      %cond3A_588 = arith.cmpi ne, %convert_element_type3A_586, %cond3A_587 : i32
      scf.if %cond3A_588 {
        %add3A_636 = arith.constant 3 : i32
        %add3A_637 = arith.addi %add3A_569, %add3A_636 : i32
        %dma_start3A_638 = arith.constant 0 : i32
        %dma_start3A_639 = tpu.memref_slice %arg16[%add3A_637, %dma_start3A_638] : memref<80x128xi32, #tpu.memory_space<vmem>> -> memref<1x128xi32, #tpu.memory_space<vmem>>
        %dma_start3A_640 = tpu.memref_squeeze %dma_start3A_639 : memref<1x128xi32, #tpu.memory_space<vmem>> -> memref<128xi32, #tpu.memory_space<vmem>>
        %dma_start3A_641 = arith.constant 0 : i32
        %dma_start3A_642 = arith.constant 0 : i32
        %dma_start3A_643 = tpu.memref_slice %arg3[%dma_start3A_641, %dma_start3A_642] : memref<20000x128xbf16, #tpu.memory_space<hbm>> -> memref<20000x128xbf16, #tpu.memory_space<hbm>>
        tpu.enqueue_indirect_dma source(%dma_start3A_643 : memref<20000x128xbf16, #tpu.memory_space<hbm>>) target(%arg19 : memref<128x128xbf16, #tpu.memory_space<vmem>>) offsets(%dma_start3A_640 : memref<128xi32, #tpu.memory_space<vmem>>) semaphore(%arg25 : memref<!tpu.dma_semaphore, #tpu.memory_space<semaphore_mem>>)
      } else {
      }
      %scan3A_589 = arith.constant 0 : i32
      %scan3A_590 = arith.constant 0 : i32
      %scan3A_591 = arith.constant 8 : i32
      %scan3A_592 = arith.addi %scan3A_590, %scan3A_591 : i32
      %scan3A_593 = arith.constant 1 : i32
      scf.for %scan3A_636 = %scan3A_590 to %scan3A_592 step %scan3A_593  : i32 {
        %mul3A_637 = arith.constant 16 : i32
        %mul3A_638 = arith.muli %scan3A_636, %mul3A_637 : i32
        %get3A = arith.index_cast %add3A_569 : i32 to index
        %get3A_639 = arith.index_cast %mul3A_638 : i32 to index
        %get3A_640 = tpu.vector_load %arg17[%get3A, %get3A_639] {strides = array<i32>} : memref<80x128xf32, #tpu.memory_space<vmem>>, vector<16xf32>,
        %scan3A_641 = arith.constant 0 : i32
        %scan3A_642 = arith.constant 16 : i32
        %scan3A_643 = arith.addi %scan3A_641, %scan3A_642 : i32
        %scan3A_644 = arith.constant 1 : i32
        scf.for %scan3A_646 = %scan3A_641 to %scan3A_643 step %scan3A_644  : i32 {
          %broadcast_in_dim3A_647 = vector.broadcast %scan3A_646 : i32 to vector<16xi32>
          %broadcast_in_dim3A_648 = vector.shape_cast %broadcast_in_dim3A_647 : vector<16xi32> to vector<16x1xi32>
          %gather3A = vector.shape_cast %broadcast_in_dim3A_648 : vector<16x1xi32> to vector<16xi32>
          %gather3A_649 = tpu.dynamic_gather %get3A_640[%gather3A] in [0] : vector<16xf32>, vector<16xi32> -> vector<16xf32>
          %pack3A = tpu.pack_subelements %gather3A_649, %gather3A_649 {pack_format = #tpu.pack_format<interleaved>, positions = array<i32: 0, 1>} : vector<16xf32>, vector<16xf32> -> vector<32xbf16>
          %mul3A_650 = arith.constant 16 : i32
          %mul3A_651 = arith.muli %scan3A_636, %mul3A_650 : i32
          %add3A_652 = arith.addi %mul3A_651, %scan3A_646 : i32
          %get3A_653 = arith.index_cast %add3A_652 : i32 to index
          %get3A_654 = arith.constant 0 : index
          %get3A_655 = tpu.vector_load %arg21[%get3A_653, %get3A_654] {strides = array<i32>} : memref<128x128xbf16, #tpu.memory_space<vmem>>, vector<32xbf16>,
          %mul3A_656 = arith.mulf %get3A_655, %pack3A : vector<32xbf16>
          %swap3A = arith.index_cast %add3A_652 : i32 to index
          %swap3A_657 = arith.constant 0 : index
          %swap3A_658 = tpu.vector_load %arg21[%swap3A, %swap3A_657] {strides = array<i32>} : memref<128x128xbf16, #tpu.memory_space<vmem>>, vector<32xbf16>,
          tpu.vector_store %arg21[%swap3A, %swap3A_657], %mul3A_656 {strides = array<i32>} : memref<128x128xbf16, #tpu.memory_space<vmem>>, vector<32xbf16>,
          %get3A_659 = arith.index_cast %add3A_652 : i32 to index
          %get3A_660 = arith.constant 32 : index
          %get3A_661 = tpu.vector_load %arg21[%get3A_659, %get3A_660] {strides = array<i32>} : memref<128x128xbf16, #tpu.memory_space<vmem>>, vector<32xbf16>,
          %mul3A_662 = arith.mulf %get3A_661, %pack3A : vector<32xbf16>
          %swap3A_663 = arith.index_cast %add3A_652 : i32 to index
          %swap3A_664 = arith.constant 32 : index
          %swap3A_665 = tpu.vector_load %arg21[%swap3A_663, %swap3A_664] {strides = array<i32>} : memref<128x128xbf16, #tpu.memory_space<vmem>>, vector<32xbf16>,
          tpu.vector_store %arg21[%swap3A_663, %swap3A_664], %mul3A_662 {strides = array<i32>} : memref<128x128xbf16, #tpu.memory_space<vmem>>, vector<32xbf16>,
          %get3A_666 = arith.index_cast %add3A_652 : i32 to index
          %get3A_667 = arith.constant 64 : index
          %get3A_668 = tpu.vector_load %arg21[%get3A_666, %get3A_667] {strides = array<i32>} : memref<128x128xbf16, #tpu.memory_space<vmem>>, vector<32xbf16>,
          %mul3A_669 = arith.mulf %get3A_668, %pack3A : vector<32xbf16>
          %swap3A_670 = arith.index_cast %add3A_652 : i32 to index
          %swap3A_671 = arith.constant 64 : index
          %swap3A_672 = tpu.vector_load %arg21[%swap3A_670, %swap3A_671] {strides = array<i32>} : memref<128x128xbf16, #tpu.memory_space<vmem>>, vector<32xbf16>,
          tpu.vector_store %arg21[%swap3A_670, %swap3A_671], %mul3A_669 {strides = array<i32>} : memref<128x128xbf16, #tpu.memory_space<vmem>>, vector<32xbf16>,
          %get3A_673 = arith.index_cast %add3A_652 : i32 to index
          %get3A_674 = arith.constant 96 : index
          %get3A_675 = tpu.vector_load %arg21[%get3A_673, %get3A_674] {strides = array<i32>} : memref<128x128xbf16, #tpu.memory_space<vmem>>, vector<32xbf16>,
          %mul3A_676 = arith.mulf %get3A_675, %pack3A : vector<32xbf16>
          %swap3A_677 = arith.index_cast %add3A_652 : i32 to index
          %swap3A_678 = arith.constant 96 : index
          %swap3A_679 = tpu.vector_load %arg21[%swap3A_677, %swap3A_678] {strides = array<i32>} : memref<128x128xbf16, #tpu.memory_space<vmem>>, vector<32xbf16>,
          tpu.vector_store %arg21[%swap3A_677, %swap3A_678], %mul3A_676 {strides = array<i32>} : memref<128x128xbf16, #tpu.memory_space<vmem>>, vector<32xbf16>,
        }
        %scan3A_645 = arith.constant 16 : i32
      }
      %scan3A_594 = arith.constant 8 : i32
      %dma_start3A_595 = arith.constant 0 : i32
      %dma_start3A_596 = tpu.memref_slice %arg15[%add3A_569, %dma_start3A_595] : memref<80x128xi32, #tpu.memory_space<vmem>> -> memref<1x128xi32, #tpu.memory_space<vmem>>
      %dma_start3A_597 = tpu.memref_squeeze %dma_start3A_596 : memref<1x128xi32, #tpu.memory_space<vmem>> -> memref<128xi32, #tpu.memory_space<vmem>>
      %dma_start3A_598 = arith.constant 0 : i32
      %dma_start3A_599 = arith.constant 0 : i32
      %dma_start3A_600 = tpu.memref_slice %arg14[%dma_start3A_598, %dma_start3A_599] : memref<10240x128xbf16, #tpu.memory_space<vmem_shared>> -> memref<10240x128xbf16, #tpu.memory_space<vmem_shared>>
      tpu.enqueue_indirect_dma source(%arg21 : memref<128x128xbf16, #tpu.memory_space<vmem>>) target(%dma_start3A_600 : memref<10240x128xbf16, #tpu.memory_space<vmem_shared>>) offsets(%dma_start3A_597 : memref<128xi32, #tpu.memory_space<vmem>>) semaphore(%arg32 : memref<!tpu.dma_semaphore, #tpu.memory_space<semaphore_mem>>) {add = true}
      %mul3A_601 = arith.constant 5 : i32
      %mul3A_602 = arith.muli %mul3A_601, %scan3A_464 : i32
      %add3A_603 = arith.constant 4 : i32
      %add3A_604 = arith.addi %mul3A_602, %add3A_603 : i32
      %dma_wait3A_605 = arith.constant 0 : i32
      %dma_wait3A_606 = arith.constant 0 : i32
      %dma_wait3A_607 = tpu.memref_slice %arg16[%dma_wait3A_605, %dma_wait3A_606] : memref<80x128xi32, #tpu.memory_space<vmem>> -> memref<1x128xi32, #tpu.memory_space<vmem>>
      %dma_wait3A_608 = tpu.memref_squeeze %dma_wait3A_607 : memref<1x128xi32, #tpu.memory_space<vmem>> -> memref<128xi32, #tpu.memory_space<vmem>>
      %dma_wait3A_609 = arith.constant 0 : i32
      %dma_wait3A_610 = arith.constant 0 : i32
      %dma_wait3A_611 = tpu.memref_slice %arg3[%dma_wait3A_609, %dma_wait3A_610] : memref<20000x128xbf16, #tpu.memory_space<hbm>> -> memref<20000x128xbf16, #tpu.memory_space<hbm>>
      tpu.wait_indirect_dma semaphore(%arg28 : memref<!tpu.dma_semaphore, #tpu.memory_space<semaphore_mem>>) src(%dma_wait3A_611 : memref<20000x128xbf16, #tpu.memory_space<hbm>>) dst(%arg22 : memref<128x128xbf16, #tpu.memory_space<vmem>>)
      %ge3A_612 = arith.constant 2 : i32
      %ge3A_613 = arith.cmpi sge, %add3A_604, %ge3A_612 : i32
      %convert_element_type3A_614 = arith.extui %ge3A_613 : i1 to i32
      %cond3A_615 = arith.constant 0 : i32
      %cond3A_616 = arith.cmpi ne, %convert_element_type3A_614, %cond3A_615 : i32
      scf.if %cond3A_616 {
        %dma_wait3A_636 = arith.constant 0 : i32
        %dma_wait3A_637 = arith.constant 0 : i32
        %dma_wait3A_638 = tpu.memref_slice %arg15[%dma_wait3A_636, %dma_wait3A_637] : memref<80x128xi32, #tpu.memory_space<vmem>> -> memref<1x128xi32, #tpu.memory_space<vmem>>
        %dma_wait3A_639 = tpu.memref_squeeze %dma_wait3A_638 : memref<1x128xi32, #tpu.memory_space<vmem>> -> memref<128xi32, #tpu.memory_space<vmem>>
        %dma_wait3A_640 = arith.constant 0 : i32
        %dma_wait3A_641 = arith.constant 0 : i32
        %dma_wait3A_642 = tpu.memref_slice %arg14[%dma_wait3A_640, %dma_wait3A_641] : memref<10240x128xbf16, #tpu.memory_space<vmem_shared>> -> memref<10240x128xbf16, #tpu.memory_space<vmem_shared>>
        tpu.wait_indirect_dma semaphore(%arg31 : memref<!tpu.dma_semaphore, #tpu.memory_space<semaphore_mem>>) src(%arg20 : memref<128x128xbf16, #tpu.memory_space<vmem>>) dst(%dma_wait3A_642 : memref<10240x128xbf16, #tpu.memory_space<vmem_shared>>)
      } else {
      }
      %add3A_617 = arith.constant 3 : i32
      %add3A_618 = arith.addi %add3A_604, %add3A_617 : i32
      %lt3A_619 = arith.constant 80 : i32
      %lt3A_620 = arith.cmpi slt, %add3A_618, %lt3A_619 : i32
      %convert_element_type3A_621 = arith.extui %lt3A_620 : i1 to i32
      %cond3A_622 = arith.constant 0 : i32
      %cond3A_623 = arith.cmpi ne, %convert_element_type3A_621, %cond3A_622 : i32
      scf.if %cond3A_623 {
        %add3A_636 = arith.constant 3 : i32
        %add3A_637 = arith.addi %add3A_604, %add3A_636 : i32
        %dma_start3A_638 = arith.constant 0 : i32
        %dma_start3A_639 = tpu.memref_slice %arg16[%add3A_637, %dma_start3A_638] : memref<80x128xi32, #tpu.memory_space<vmem>> -> memref<1x128xi32, #tpu.memory_space<vmem>>
        %dma_start3A_640 = tpu.memref_squeeze %dma_start3A_639 : memref<1x128xi32, #tpu.memory_space<vmem>> -> memref<128xi32, #tpu.memory_space<vmem>>
        %dma_start3A_641 = arith.constant 0 : i32
        %dma_start3A_642 = arith.constant 0 : i32
        %dma_start3A_643 = tpu.memref_slice %arg3[%dma_start3A_641, %dma_start3A_642] : memref<20000x128xbf16, #tpu.memory_space<hbm>> -> memref<20000x128xbf16, #tpu.memory_space<hbm>>
        tpu.enqueue_indirect_dma source(%dma_start3A_643 : memref<20000x128xbf16, #tpu.memory_space<hbm>>) target(%arg20 : memref<128x128xbf16, #tpu.memory_space<vmem>>) offsets(%dma_start3A_640 : memref<128xi32, #tpu.memory_space<vmem>>) semaphore(%arg26 : memref<!tpu.dma_semaphore, #tpu.memory_space<semaphore_mem>>)
      } else {
      }
      %scan3A_624 = arith.constant 0 : i32
      %scan3A_625 = arith.constant 0 : i32
      %scan3A_626 = arith.constant 8 : i32
      %scan3A_627 = arith.addi %scan3A_625, %scan3A_626 : i32
      %scan3A_628 = arith.constant 1 : i32
      scf.for %scan3A_636 = %scan3A_625 to %scan3A_627 step %scan3A_628  : i32 {
        %mul3A_637 = arith.constant 16 : i32
        %mul3A_638 = arith.muli %scan3A_636, %mul3A_637 : i32
        %get3A = arith.index_cast %add3A_604 : i32 to index
        %get3A_639 = arith.index_cast %mul3A_638 : i32 to index
        %get3A_640 = tpu.vector_load %arg17[%get3A, %get3A_639] {strides = array<i32>} : memref<80x128xf32, #tpu.memory_space<vmem>>, vector<16xf32>,
        %scan3A_641 = arith.constant 0 : i32
        %scan3A_642 = arith.constant 16 : i32
        %scan3A_643 = arith.addi %scan3A_641, %scan3A_642 : i32
        %scan3A_644 = arith.constant 1 : i32
        scf.for %scan3A_646 = %scan3A_641 to %scan3A_643 step %scan3A_644  : i32 {
          %broadcast_in_dim3A_647 = vector.broadcast %scan3A_646 : i32 to vector<16xi32>
          %broadcast_in_dim3A_648 = vector.shape_cast %broadcast_in_dim3A_647 : vector<16xi32> to vector<16x1xi32>
          %gather3A = vector.shape_cast %broadcast_in_dim3A_648 : vector<16x1xi32> to vector<16xi32>
          %gather3A_649 = tpu.dynamic_gather %get3A_640[%gather3A] in [0] : vector<16xf32>, vector<16xi32> -> vector<16xf32>
          %pack3A = tpu.pack_subelements %gather3A_649, %gather3A_649 {pack_format = #tpu.pack_format<interleaved>, positions = array<i32: 0, 1>} : vector<16xf32>, vector<16xf32> -> vector<32xbf16>
          %mul3A_650 = arith.constant 16 : i32
          %mul3A_651 = arith.muli %scan3A_636, %mul3A_650 : i32
          %add3A_652 = arith.addi %mul3A_651, %scan3A_646 : i32
          %get3A_653 = arith.index_cast %add3A_652 : i32 to index
          %get3A_654 = arith.constant 0 : index
          %get3A_655 = tpu.vector_load %arg22[%get3A_653, %get3A_654] {strides = array<i32>} : memref<128x128xbf16, #tpu.memory_space<vmem>>, vector<32xbf16>,
          %mul3A_656 = arith.mulf %get3A_655, %pack3A : vector<32xbf16>
          %swap3A = arith.index_cast %add3A_652 : i32 to index
          %swap3A_657 = arith.constant 0 : index
          %swap3A_658 = tpu.vector_load %arg22[%swap3A, %swap3A_657] {strides = array<i32>} : memref<128x128xbf16, #tpu.memory_space<vmem>>, vector<32xbf16>,
          tpu.vector_store %arg22[%swap3A, %swap3A_657], %mul3A_656 {strides = array<i32>} : memref<128x128xbf16, #tpu.memory_space<vmem>>, vector<32xbf16>,
          %get3A_659 = arith.index_cast %add3A_652 : i32 to index
          %get3A_660 = arith.constant 32 : index
          %get3A_661 = tpu.vector_load %arg22[%get3A_659, %get3A_660] {strides = array<i32>} : memref<128x128xbf16, #tpu.memory_space<vmem>>, vector<32xbf16>,
          %mul3A_662 = arith.mulf %get3A_661, %pack3A : vector<32xbf16>
          %swap3A_663 = arith.index_cast %add3A_652 : i32 to index
          %swap3A_664 = arith.constant 32 : index
          %swap3A_665 = tpu.vector_load %arg22[%swap3A_663, %swap3A_664] {strides = array<i32>} : memref<128x128xbf16, #tpu.memory_space<vmem>>, vector<32xbf16>,
          tpu.vector_store %arg22[%swap3A_663, %swap3A_664], %mul3A_662 {strides = array<i32>} : memref<128x128xbf16, #tpu.memory_space<vmem>>, vector<32xbf16>,
          %get3A_666 = arith.index_cast %add3A_652 : i32 to index
          %get3A_667 = arith.constant 64 : index
          %get3A_668 = tpu.vector_load %arg22[%get3A_666, %get3A_667] {strides = array<i32>} : memref<128x128xbf16, #tpu.memory_space<vmem>>, vector<32xbf16>,
          %mul3A_669 = arith.mulf %get3A_668, %pack3A : vector<32xbf16>
          %swap3A_670 = arith.index_cast %add3A_652 : i32 to index
          %swap3A_671 = arith.constant 64 : index
          %swap3A_672 = tpu.vector_load %arg22[%swap3A_670, %swap3A_671] {strides = array<i32>} : memref<128x128xbf16, #tpu.memory_space<vmem>>, vector<32xbf16>,
          tpu.vector_store %arg22[%swap3A_670, %swap3A_671], %mul3A_669 {strides = array<i32>} : memref<128x128xbf16, #tpu.memory_space<vmem>>, vector<32xbf16>,
          %get3A_673 = arith.index_cast %add3A_652 : i32 to index
          %get3A_674 = arith.constant 96 : index
          %get3A_675 = tpu.vector_load %arg22[%get3A_673, %get3A_674] {strides = array<i32>} : memref<128x128xbf16, #tpu.memory_space<vmem>>, vector<32xbf16>,
          %mul3A_676 = arith.mulf %get3A_675, %pack3A : vector<32xbf16>
          %swap3A_677 = arith.index_cast %add3A_652 : i32 to index
          %swap3A_678 = arith.constant 96 : index
          %swap3A_679 = tpu.vector_load %arg22[%swap3A_677, %swap3A_678] {strides = array<i32>} : memref<128x128xbf16, #tpu.memory_space<vmem>>, vector<32xbf16>,
          tpu.vector_store %arg22[%swap3A_677, %swap3A_678], %mul3A_676 {strides = array<i32>} : memref<128x128xbf16, #tpu.memory_space<vmem>>, vector<32xbf16>,
        }
        %scan3A_645 = arith.constant 16 : i32
      }
      %scan3A_629 = arith.constant 8 : i32
      %dma_start3A_630 = arith.constant 0 : i32
      %dma_start3A_631 = tpu.memref_slice %arg15[%add3A_604, %dma_start3A_630] : memref<80x128xi32, #tpu.memory_space<vmem>> -> memref<1x128xi32, #tpu.memory_space<vmem>>
      %dma_start3A_632 = tpu.memref_squeeze %dma_start3A_631 : memref<1x128xi32, #tpu.memory_space<vmem>> -> memref<128xi32, #tpu.memory_space<vmem>>
      %dma_start3A_633 = arith.constant 0 : i32
      %dma_start3A_634 = arith.constant 0 : i32
      %dma_start3A_635 = tpu.memref_slice %arg14[%dma_start3A_633, %dma_start3A_634] : memref<10240x128xbf16, #tpu.memory_space<vmem_shared>> -> memref<10240x128xbf16, #tpu.memory_space<vmem_shared>>
      tpu.enqueue_indirect_dma source(%arg22 : memref<128x128xbf16, #tpu.memory_space<vmem>>) target(%dma_start3A_635 : memref<10240x128xbf16, #tpu.memory_space<vmem_shared>>) offsets(%dma_start3A_632 : memref<128xi32, #tpu.memory_space<vmem>>) semaphore(%arg33 : memref<!tpu.dma_semaphore, #tpu.memory_space<semaphore_mem>>) {add = true}
    }
    %scan3A_393 = arith.constant 16 : i32
    %dma_wait3A_394 = arith.constant 0 : i32
    %dma_wait3A_395 = arith.constant 0 : i32
    %dma_wait3A_396 = tpu.memref_slice %arg15[%dma_wait3A_394, %dma_wait3A_395] : memref<80x128xi32, #tpu.memory_space<vmem>> -> memref<1x128xi32, #tpu.memory_space<vmem>>
    %dma_wait3A_397 = tpu.memref_squeeze %dma_wait3A_396 : memref<1x128xi32, #tpu.memory_space<vmem>> -> memref<128xi32, #tpu.memory_space<vmem>>
    %dma_wait3A_398 = arith.constant 0 : i32
    %dma_wait3A_399 = arith.constant 0 : i32
    %dma_wait3A_400 = tpu.memref_slice %arg14[%dma_wait3A_398, %dma_wait3A_399] : memref<10240x128xbf16, #tpu.memory_space<vmem_shared>> -> memref<10240x128xbf16, #tpu.memory_space<vmem_shared>>
    tpu.wait_indirect_dma semaphore(%arg32 : memref<!tpu.dma_semaphore, #tpu.memory_space<semaphore_mem>>) src(%arg21 : memref<128x128xbf16, #tpu.memory_space<vmem>>) dst(%dma_wait3A_400 : memref<10240x128xbf16, #tpu.memory_space<vmem_shared>>)
    %dma_wait3A_401 = arith.constant 0 : i32
    %dma_wait3A_402 = arith.constant 0 : i32
    %dma_wait3A_403 = tpu.memref_slice %arg15[%dma_wait3A_401, %dma_wait3A_402] : memref<80x128xi32, #tpu.memory_space<vmem>> -> memref<1x128xi32, #tpu.memory_space<vmem>>
    %dma_wait3A_404 = tpu.memref_squeeze %dma_wait3A_403 : memref<1x128xi32, #tpu.memory_space<vmem>> -> memref<128xi32, #tpu.memory_space<vmem>>
    %dma_wait3A_405 = arith.constant 0 : i32
    %dma_wait3A_406 = arith.constant 0 : i32
    %dma_wait3A_407 = tpu.memref_slice %arg14[%dma_wait3A_405, %dma_wait3A_406] : memref<10240x128xbf16, #tpu.memory_space<vmem_shared>> -> memref<10240x128xbf16, #tpu.memory_space<vmem_shared>>
    tpu.wait_indirect_dma semaphore(%arg33 : memref<!tpu.dma_semaphore, #tpu.memory_space<semaphore_mem>>) src(%arg22 : memref<128x128xbf16, #tpu.memory_space<vmem>>) dst(%dma_wait3A_407 : memref<10240x128xbf16, #tpu.memory_space<vmem_shared>>)
    %mul3A_408 = arith.constant 80 : i32
    %mul3A_409 = arith.muli %arg1, %mul3A_408 : i32
    "tpu.region"() ({
      %run_scoped3A = tpu.sem_alloc : memref<!tpu.dma_semaphore, #tpu.memory_space<semaphore_mem>>
      %dma_start3A_464 = arith.constant 0 : i32
      %dma_start3A_465 = tpu.memref_slice %arg9[%mul3A_409, %dma_start3A_464] : memref<1280x128xi32, #tpu.memory_space<hbm>> -> memref<80x128xi32, #tpu.memory_space<hbm>>
      %dma_start3A_466 = arith.constant 0 : i32
      %dma_start3A_467 = tpu.memref_slice %arg9[%mul3A_409, %dma_start3A_466] : memref<1280x128xi32, #tpu.memory_space<hbm>> -> memref<80x128xi32, #tpu.memory_space<hbm>>
      tpu.enqueue_dma source(%dma_start3A_467 : memref<80x128xi32, #tpu.memory_space<hbm>>) target(%arg15 : memref<80x128xi32, #tpu.memory_space<vmem>>) target_semaphore(%run_scoped3A : memref<!tpu.dma_semaphore, #tpu.memory_space<semaphore_mem>>)
      %dma_wait3A_468 = arith.constant 0 : i32
      %dma_wait3A_469 = tpu.memref_slice %arg9[%mul3A_409, %dma_wait3A_468] : memref<1280x128xi32, #tpu.memory_space<hbm>> -> memref<80x128xi32, #tpu.memory_space<hbm>>
      %dma_wait3A_470 = arith.constant 0 : i32
      %dma_wait3A_471 = tpu.memref_slice %arg9[%mul3A_409, %dma_wait3A_470] : memref<1280x128xi32, #tpu.memory_space<hbm>> -> memref<80x128xi32, #tpu.memory_space<hbm>>
      tpu.wait_dma2 semaphore(%run_scoped3A : memref<!tpu.dma_semaphore, #tpu.memory_space<semaphore_mem>>) src(%dma_wait3A_471 : memref<80x128xi32, #tpu.memory_space<hbm>>) dst(%arg15 : memref<80x128xi32, #tpu.memory_space<vmem>>)
      tpu.yield
    }) : () -> ()
    "tpu.region"() ({
      %run_scoped3A = tpu.sem_alloc : memref<!tpu.dma_semaphore, #tpu.memory_space<semaphore_mem>>
      %dma_start3A_464 = arith.constant 0 : i32
      %dma_start3A_465 = tpu.memref_slice %arg8[%mul3A_409, %dma_start3A_464] : memref<1280x128xi32, #tpu.memory_space<hbm>> -> memref<80x128xi32, #tpu.memory_space<hbm>>
      %dma_start3A_466 = arith.constant 0 : i32
      %dma_start3A_467 = tpu.memref_slice %arg8[%mul3A_409, %dma_start3A_466] : memref<1280x128xi32, #tpu.memory_space<hbm>> -> memref<80x128xi32, #tpu.memory_space<hbm>>
      tpu.enqueue_dma source(%dma_start3A_467 : memref<80x128xi32, #tpu.memory_space<hbm>>) target(%arg16 : memref<80x128xi32, #tpu.memory_space<vmem>>) target_semaphore(%run_scoped3A : memref<!tpu.dma_semaphore, #tpu.memory_space<semaphore_mem>>)
      %dma_wait3A_468 = arith.constant 0 : i32
      %dma_wait3A_469 = tpu.memref_slice %arg8[%mul3A_409, %dma_wait3A_468] : memref<1280x128xi32, #tpu.memory_space<hbm>> -> memref<80x128xi32, #tpu.memory_space<hbm>>
      %dma_wait3A_470 = arith.constant 0 : i32
      %dma_wait3A_471 = tpu.memref_slice %arg8[%mul3A_409, %dma_wait3A_470] : memref<1280x128xi32, #tpu.memory_space<hbm>> -> memref<80x128xi32, #tpu.memory_space<hbm>>
      tpu.wait_dma2 semaphore(%run_scoped3A : memref<!tpu.dma_semaphore, #tpu.memory_space<semaphore_mem>>) src(%dma_wait3A_471 : memref<80x128xi32, #tpu.memory_space<hbm>>) dst(%arg16 : memref<80x128xi32, #tpu.memory_space<vmem>>)
      tpu.yield
    }) : () -> ()
    "tpu.region"() ({
      %run_scoped3A = tpu.sem_alloc : memref<!tpu.dma_semaphore, #tpu.memory_space<semaphore_mem>>
      %dma_start3A_464 = arith.constant 0 : i32
      %dma_start3A_465 = tpu.memref_slice %arg10[%mul3A_409, %dma_start3A_464] : memref<1280x128xf32, #tpu.memory_space<hbm>> -> memref<80x128xf32, #tpu.memory_space<hbm>>
      %dma_start3A_466 = arith.constant 0 : i32
      %dma_start3A_467 = tpu.memref_slice %arg10[%mul3A_409, %dma_start3A_466] : memref<1280x128xf32, #tpu.memory_space<hbm>> -> memref<80x128xf32, #tpu.memory_space<hbm>>
      tpu.enqueue_dma source(%dma_start3A_467 : memref<80x128xf32, #tpu.memory_space<hbm>>) target(%arg17 : memref<80x128xf32, #tpu.memory_space<vmem>>) target_semaphore(%run_scoped3A : memref<!tpu.dma_semaphore, #tpu.memory_space<semaphore_mem>>)
      %dma_wait3A_468 = arith.constant 0 : i32
      %dma_wait3A_469 = tpu.memref_slice %arg10[%mul3A_409, %dma_wait3A_468] : memref<1280x128xf32, #tpu.memory_space<hbm>> -> memref<80x128xf32, #tpu.memory_space<hbm>>
      %dma_wait3A_470 = arith.constant 0 : i32
      %dma_wait3A_471 = tpu.memref_slice %arg10[%mul3A_409, %dma_wait3A_470] : memref<1280x128xf32, #tpu.memory_space<hbm>> -> memref<80x128xf32, #tpu.memory_space<hbm>>
      tpu.wait_dma2 semaphore(%run_scoped3A : memref<!tpu.dma_semaphore, #tpu.memory_space<semaphore_mem>>) src(%dma_wait3A_471 : memref<80x128xf32, #tpu.memory_space<hbm>>) dst(%arg17 : memref<80x128xf32, #tpu.memory_space<vmem>>)
      tpu.yield
    }) : () -> ()
    %broadcast_in_dim3A_410 = vector.broadcast %mul3A_0 : i32 to vector<16xi32>
    %scan3A_411 = arith.constant 0 : i32
    %scan3A_412 = arith.constant 0 : i32
    %scan3A_413 = arith.constant 640 : i32
    %scan3A_414 = arith.addi %scan3A_412, %scan3A_413 : i32
    %scan3A_415 = arith.constant 1 : i32
    scf.for %scan3A_464 = %scan3A_412 to %scan3A_414 step %scan3A_415  : i32 {
      %jit3A = arith.constant 8 : i32
      %div3A = arith.divsi %scan3A_464, %jit3A : i32
      %sign3A = arith.constant 0 : i32
      %sign3A_465 = arith.cmpi sgt, %scan3A_464, %sign3A : i32
      %sign3A_466 = arith.extui %sign3A_465 : i1 to i32
      %sign3A_467 = arith.constant 0 : i32
      %sign3A_468 = arith.cmpi slt, %scan3A_464, %sign3A_467 : i32
      %sign3A_469 = arith.extui %sign3A_468 : i1 to i32
      %sign3A_470 = arith.subi %sign3A_466, %sign3A_469 : i32
      %sign3A_471 = arith.constant 0 : i32
      %sign3A_472 = arith.cmpi sgt, %jit3A, %sign3A_471 : i32
      %sign3A_473 = arith.extui %sign3A_472 : i1 to i32
      %sign3A_474 = arith.constant 0 : i32
      %sign3A_475 = arith.cmpi slt, %jit3A, %sign3A_474 : i32
      %sign3A_476 = arith.extui %sign3A_475 : i1 to i32
      %sign3A_477 = arith.subi %sign3A_473, %sign3A_476 : i32
      %ne3A = arith.cmpi ne, %sign3A_470, %sign3A_477 : i32
      %rem3A = arith.remsi %scan3A_464, %jit3A : i32
      %ne3A_478 = arith.constant 0 : i32
      %ne3A_479 = arith.cmpi ne, %rem3A, %ne3A_478 : i32
      %and3A = arith.andi %ne3A, %ne3A_479 : i1
      %sub3A = arith.constant 1 : i32
      %sub3A_480 = arith.subi %div3A, %sub3A : i32
      %select_n3A = arith.select %and3A, %sub3A_480, %div3A : i32
      %jit3A_481 = arith.constant 8 : i32
      %eq3A = arith.constant 0 : i32
      %eq3A_482 = arith.cmpi eq, %jit3A_481, %eq3A : i32
      %jit3A_483 = arith.constant 1 : i32
      %select_n3A_484 = arith.select %eq3A_482, %jit3A_483, %jit3A_481 : i32
      %rem3A_485 = arith.remsi %scan3A_464, %select_n3A_484 : i32
      %ne3A_486 = arith.constant 0 : i32
      %ne3A_487 = arith.cmpi ne, %rem3A_485, %ne3A_486 : i32
      %lt3A = arith.constant 0 : i32
      %lt3A_488 = arith.cmpi slt, %rem3A_485, %lt3A : i32
      %lt3A_489 = arith.constant 0 : i32
      %lt3A_490 = arith.cmpi slt, %select_n3A_484, %lt3A_489 : i32
      %ne3A_491 = arith.xori %lt3A_488, %lt3A_490 : i1
      %and3A_492 = arith.andi %ne3A_491, %ne3A_487 : i1
      %add3A_493 = arith.addi %rem3A_485, %select_n3A_484 : i32
      %select_n3A_494 = arith.select %and3A_492, %add3A_493, %rem3A_485 : i32
      %mul3A_495 = arith.constant 16 : i32
      %mul3A_496 = arith.muli %select_n3A_494, %mul3A_495 : i32
      %get3A = arith.index_cast %select_n3A : i32 to index
      %get3A_497 = arith.index_cast %mul3A_496 : i32 to index
      %get3A_498 = tpu.vector_load %arg16[%get3A, %get3A_497] {strides = array<i32>} : memref<80x128xi32, #tpu.memory_space<vmem>>, vector<16xi32>,
      %add3A_499 = arith.addi %get3A_498, %broadcast_in_dim3A_410 : vector<16xi32>
      %swap3A = arith.index_cast %select_n3A : i32 to index
      %swap3A_500 = arith.index_cast %mul3A_496 : i32 to index
      %swap3A_501 = tpu.vector_load %arg16[%swap3A, %swap3A_500] {strides = array<i32>} : memref<80x128xi32, #tpu.memory_space<vmem>>, vector<16xi32>,
      tpu.vector_store %arg16[%swap3A, %swap3A_500], %add3A_499 {strides = array<i32>} : memref<80x128xi32, #tpu.memory_space<vmem>>, vector<16xi32>,
    }
    %scan3A_416 = arith.constant 640 : i32
    %dma_start3A_417 = arith.constant 0 : i32
    %dma_start3A_418 = arith.constant 0 : i32
    %dma_start3A_419 = tpu.memref_slice %arg16[%dma_start3A_417, %dma_start3A_418] : memref<80x128xi32, #tpu.memory_space<vmem>> -> memref<1x128xi32, #tpu.memory_space<vmem>>
    %dma_start3A_420 = tpu.memref_squeeze %dma_start3A_419 : memref<1x128xi32, #tpu.memory_space<vmem>> -> memref<128xi32, #tpu.memory_space<vmem>>
    %dma_start3A_421 = arith.constant 0 : i32
    %dma_start3A_422 = arith.constant 0 : i32
    %dma_start3A_423 = tpu.memref_slice %arg4[%dma_start3A_421, %dma_start3A_422] : memref<20000x128xbf16, #tpu.memory_space<hbm>> -> memref<20000x128xbf16, #tpu.memory_space<hbm>>
    tpu.enqueue_indirect_dma source(%dma_start3A_423 : memref<20000x128xbf16, #tpu.memory_space<hbm>>) target(%arg18 : memref<128x128xbf16, #tpu.memory_space<vmem>>) offsets(%dma_start3A_420 : memref<128xi32, #tpu.memory_space<vmem>>) semaphore(%arg24 : memref<!tpu.dma_semaphore, #tpu.memory_space<semaphore_mem>>)
    %dma_start3A_424 = arith.constant 1 : i32
    %dma_start3A_425 = arith.constant 0 : i32
    %dma_start3A_426 = tpu.memref_slice %arg16[%dma_start3A_424, %dma_start3A_425] : memref<80x128xi32, #tpu.memory_space<vmem>> -> memref<1x128xi32, #tpu.memory_space<vmem>>
    %dma_start3A_427 = tpu.memref_squeeze %dma_start3A_426 : memref<1x128xi32, #tpu.memory_space<vmem>> -> memref<128xi32, #tpu.memory_space<vmem>>
    %dma_start3A_428 = arith.constant 0 : i32
    %dma_start3A_429 = arith.constant 0 : i32
    %dma_start3A_430 = tpu.memref_slice %arg4[%dma_start3A_428, %dma_start3A_429] : memref<20000x128xbf16, #tpu.memory_space<hbm>> -> memref<20000x128xbf16, #tpu.memory_space<hbm>>
    tpu.enqueue_indirect_dma source(%dma_start3A_430 : memref<20000x128xbf16, #tpu.memory_space<hbm>>) target(%arg19 : memref<128x128xbf16, #tpu.memory_space<vmem>>) offsets(%dma_start3A_427 : memref<128xi32, #tpu.memory_space<vmem>>) semaphore(%arg25 : memref<!tpu.dma_semaphore, #tpu.memory_space<semaphore_mem>>)
    %dma_start3A_431 = arith.constant 2 : i32
    %dma_start3A_432 = arith.constant 0 : i32
    %dma_start3A_433 = tpu.memref_slice %arg16[%dma_start3A_431, %dma_start3A_432] : memref<80x128xi32, #tpu.memory_space<vmem>> -> memref<1x128xi32, #tpu.memory_space<vmem>>
    %dma_start3A_434 = tpu.memref_squeeze %dma_start3A_433 : memref<1x128xi32, #tpu.memory_space<vmem>> -> memref<128xi32, #tpu.memory_space<vmem>>
    %dma_start3A_435 = arith.constant 0 : i32
    %dma_start3A_436 = arith.constant 0 : i32
    %dma_start3A_437 = tpu.memref_slice %arg4[%dma_start3A_435, %dma_start3A_436] : memref<20000x128xbf16, #tpu.memory_space<hbm>> -> memref<20000x128xbf16, #tpu.memory_space<hbm>>
    tpu.enqueue_indirect_dma source(%dma_start3A_437 : memref<20000x128xbf16, #tpu.memory_space<hbm>>) target(%arg20 : memref<128x128xbf16, #tpu.memory_space<vmem>>) offsets(%dma_start3A_434 : memref<128xi32, #tpu.memory_space<vmem>>) semaphore(%arg26 : memref<!tpu.dma_semaphore, #tpu.memory_space<semaphore_mem>>)
    %scan3A_438 = arith.constant 0 : i32
    %scan3A_439 = arith.constant 0 : i32
    %scan3A_440 = arith.constant 16 : i32
    %scan3A_441 = arith.addi %scan3A_439, %scan3A_440 : i32
    %scan3A_442 = arith.constant 1 : i32
    scf.for %scan3A_464 = %scan3A_439 to %scan3A_441 step %scan3A_442  : i32 {
      %mul3A_465 = arith.constant 5 : i32
      %mul3A_466 = arith.muli %mul3A_465, %scan3A_464 : i32
      %add3A_467 = arith.constant 0 : i32
      %add3A_468 = arith.addi %mul3A_466, %add3A_467 : i32
      %dma_wait3A_469 = arith.constant 0 : i32
      %dma_wait3A_470 = arith.constant 0 : i32
      %dma_wait3A_471 = tpu.memref_slice %arg16[%dma_wait3A_469, %dma_wait3A_470] : memref<80x128xi32, #tpu.memory_space<vmem>> -> memref<1x128xi32, #tpu.memory_space<vmem>>
      %dma_wait3A_472 = tpu.memref_squeeze %dma_wait3A_471 : memref<1x128xi32, #tpu.memory_space<vmem>> -> memref<128xi32, #tpu.memory_space<vmem>>
      %dma_wait3A_473 = arith.constant 0 : i32
      %dma_wait3A_474 = arith.constant 0 : i32
      %dma_wait3A_475 = tpu.memref_slice %arg4[%dma_wait3A_473, %dma_wait3A_474] : memref<20000x128xbf16, #tpu.memory_space<hbm>> -> memref<20000x128xbf16, #tpu.memory_space<hbm>>
      tpu.wait_indirect_dma semaphore(%arg24 : memref<!tpu.dma_semaphore, #tpu.memory_space<semaphore_mem>>) src(%dma_wait3A_475 : memref<20000x128xbf16, #tpu.memory_space<hbm>>) dst(%arg18 : memref<128x128xbf16, #tpu.memory_space<vmem>>)
      %ge3A = arith.constant 2 : i32
      %ge3A_476 = arith.cmpi sge, %add3A_468, %ge3A : i32
      %convert_element_type3A = arith.extui %ge3A_476 : i1 to i32
      %cond3A = arith.constant 0 : i32
      %cond3A_477 = arith.cmpi ne, %convert_element_type3A, %cond3A : i32
      scf.if %cond3A_477 {
        %dma_wait3A_636 = arith.constant 0 : i32
        %dma_wait3A_637 = arith.constant 0 : i32
        %dma_wait3A_638 = tpu.memref_slice %arg15[%dma_wait3A_636, %dma_wait3A_637] : memref<80x128xi32, #tpu.memory_space<vmem>> -> memref<1x128xi32, #tpu.memory_space<vmem>>
        %dma_wait3A_639 = tpu.memref_squeeze %dma_wait3A_638 : memref<1x128xi32, #tpu.memory_space<vmem>> -> memref<128xi32, #tpu.memory_space<vmem>>
        %dma_wait3A_640 = arith.constant 0 : i32
        %dma_wait3A_641 = arith.constant 0 : i32
        %dma_wait3A_642 = tpu.memref_slice %arg14[%dma_wait3A_640, %dma_wait3A_641] : memref<10240x128xbf16, #tpu.memory_space<vmem_shared>> -> memref<10240x128xbf16, #tpu.memory_space<vmem_shared>>
        tpu.wait_indirect_dma semaphore(%arg32 : memref<!tpu.dma_semaphore, #tpu.memory_space<semaphore_mem>>) src(%arg21 : memref<128x128xbf16, #tpu.memory_space<vmem>>) dst(%dma_wait3A_642 : memref<10240x128xbf16, #tpu.memory_space<vmem_shared>>)
      } else {
      }
      %add3A_478 = arith.constant 3 : i32
      %add3A_479 = arith.addi %add3A_468, %add3A_478 : i32
      %lt3A = arith.constant 80 : i32
      %lt3A_480 = arith.cmpi slt, %add3A_479, %lt3A : i32
      %convert_element_type3A_481 = arith.extui %lt3A_480 : i1 to i32
      %cond3A_482 = arith.constant 0 : i32
      %cond3A_483 = arith.cmpi ne, %convert_element_type3A_481, %cond3A_482 : i32
      scf.if %cond3A_483 {
        %add3A_636 = arith.constant 3 : i32
        %add3A_637 = arith.addi %add3A_468, %add3A_636 : i32
        %dma_start3A_638 = arith.constant 0 : i32
        %dma_start3A_639 = tpu.memref_slice %arg16[%add3A_637, %dma_start3A_638] : memref<80x128xi32, #tpu.memory_space<vmem>> -> memref<1x128xi32, #tpu.memory_space<vmem>>
        %dma_start3A_640 = tpu.memref_squeeze %dma_start3A_639 : memref<1x128xi32, #tpu.memory_space<vmem>> -> memref<128xi32, #tpu.memory_space<vmem>>
        %dma_start3A_641 = arith.constant 0 : i32
        %dma_start3A_642 = arith.constant 0 : i32
        %dma_start3A_643 = tpu.memref_slice %arg4[%dma_start3A_641, %dma_start3A_642] : memref<20000x128xbf16, #tpu.memory_space<hbm>> -> memref<20000x128xbf16, #tpu.memory_space<hbm>>
        tpu.enqueue_indirect_dma source(%dma_start3A_643 : memref<20000x128xbf16, #tpu.memory_space<hbm>>) target(%arg21 : memref<128x128xbf16, #tpu.memory_space<vmem>>) offsets(%dma_start3A_640 : memref<128xi32, #tpu.memory_space<vmem>>) semaphore(%arg27 : memref<!tpu.dma_semaphore, #tpu.memory_space<semaphore_mem>>)
      } else {
      }
      %scan3A_484 = arith.constant 0 : i32
      %scan3A_485 = arith.constant 0 : i32
      %scan3A_486 = arith.constant 8 : i32
      %scan3A_487 = arith.addi %scan3A_485, %scan3A_486 : i32
      %scan3A_488 = arith.constant 1 : i32
      scf.for %scan3A_636 = %scan3A_485 to %scan3A_487 step %scan3A_488  : i32 {
        %mul3A_637 = arith.constant 16 : i32
        %mul3A_638 = arith.muli %scan3A_636, %mul3A_637 : i32
        %get3A = arith.index_cast %add3A_468 : i32 to index
        %get3A_639 = arith.index_cast %mul3A_638 : i32 to index
        %get3A_640 = tpu.vector_load %arg17[%get3A, %get3A_639] {strides = array<i32>} : memref<80x128xf32, #tpu.memory_space<vmem>>, vector<16xf32>,
        %scan3A_641 = arith.constant 0 : i32
        %scan3A_642 = arith.constant 16 : i32
        %scan3A_643 = arith.addi %scan3A_641, %scan3A_642 : i32
        %scan3A_644 = arith.constant 1 : i32
        scf.for %scan3A_646 = %scan3A_641 to %scan3A_643 step %scan3A_644  : i32 {
          %broadcast_in_dim3A_647 = vector.broadcast %scan3A_646 : i32 to vector<16xi32>
          %broadcast_in_dim3A_648 = vector.shape_cast %broadcast_in_dim3A_647 : vector<16xi32> to vector<16x1xi32>
          %gather3A = vector.shape_cast %broadcast_in_dim3A_648 : vector<16x1xi32> to vector<16xi32>
          %gather3A_649 = tpu.dynamic_gather %get3A_640[%gather3A] in [0] : vector<16xf32>, vector<16xi32> -> vector<16xf32>
          %pack3A = tpu.pack_subelements %gather3A_649, %gather3A_649 {pack_format = #tpu.pack_format<interleaved>, positions = array<i32: 0, 1>} : vector<16xf32>, vector<16xf32> -> vector<32xbf16>
          %mul3A_650 = arith.constant 16 : i32
          %mul3A_651 = arith.muli %scan3A_636, %mul3A_650 : i32
          %add3A_652 = arith.addi %mul3A_651, %scan3A_646 : i32
          %get3A_653 = arith.index_cast %add3A_652 : i32 to index
          %get3A_654 = arith.constant 0 : index
          %get3A_655 = tpu.vector_load %arg18[%get3A_653, %get3A_654] {strides = array<i32>} : memref<128x128xbf16, #tpu.memory_space<vmem>>, vector<32xbf16>,
          %mul3A_656 = arith.mulf %get3A_655, %pack3A : vector<32xbf16>
          %swap3A = arith.index_cast %add3A_652 : i32 to index
          %swap3A_657 = arith.constant 0 : index
          %swap3A_658 = tpu.vector_load %arg18[%swap3A, %swap3A_657] {strides = array<i32>} : memref<128x128xbf16, #tpu.memory_space<vmem>>, vector<32xbf16>,
          tpu.vector_store %arg18[%swap3A, %swap3A_657], %mul3A_656 {strides = array<i32>} : memref<128x128xbf16, #tpu.memory_space<vmem>>, vector<32xbf16>,
          %get3A_659 = arith.index_cast %add3A_652 : i32 to index
          %get3A_660 = arith.constant 32 : index
          %get3A_661 = tpu.vector_load %arg18[%get3A_659, %get3A_660] {strides = array<i32>} : memref<128x128xbf16, #tpu.memory_space<vmem>>, vector<32xbf16>,
          %mul3A_662 = arith.mulf %get3A_661, %pack3A : vector<32xbf16>
          %swap3A_663 = arith.index_cast %add3A_652 : i32 to index
          %swap3A_664 = arith.constant 32 : index
          %swap3A_665 = tpu.vector_load %arg18[%swap3A_663, %swap3A_664] {strides = array<i32>} : memref<128x128xbf16, #tpu.memory_space<vmem>>, vector<32xbf16>,
          tpu.vector_store %arg18[%swap3A_663, %swap3A_664], %mul3A_662 {strides = array<i32>} : memref<128x128xbf16, #tpu.memory_space<vmem>>, vector<32xbf16>,
          %get3A_666 = arith.index_cast %add3A_652 : i32 to index
          %get3A_667 = arith.constant 64 : index
          %get3A_668 = tpu.vector_load %arg18[%get3A_666, %get3A_667] {strides = array<i32>} : memref<128x128xbf16, #tpu.memory_space<vmem>>, vector<32xbf16>,
          %mul3A_669 = arith.mulf %get3A_668, %pack3A : vector<32xbf16>
          %swap3A_670 = arith.index_cast %add3A_652 : i32 to index
          %swap3A_671 = arith.constant 64 : index
          %swap3A_672 = tpu.vector_load %arg18[%swap3A_670, %swap3A_671] {strides = array<i32>} : memref<128x128xbf16, #tpu.memory_space<vmem>>, vector<32xbf16>,
          tpu.vector_store %arg18[%swap3A_670, %swap3A_671], %mul3A_669 {strides = array<i32>} : memref<128x128xbf16, #tpu.memory_space<vmem>>, vector<32xbf16>,
          %get3A_673 = arith.index_cast %add3A_652 : i32 to index
          %get3A_674 = arith.constant 96 : index
          %get3A_675 = tpu.vector_load %arg18[%get3A_673, %get3A_674] {strides = array<i32>} : memref<128x128xbf16, #tpu.memory_space<vmem>>, vector<32xbf16>,
          %mul3A_676 = arith.mulf %get3A_675, %pack3A : vector<32xbf16>
          %swap3A_677 = arith.index_cast %add3A_652 : i32 to index
          %swap3A_678 = arith.constant 96 : index
          %swap3A_679 = tpu.vector_load %arg18[%swap3A_677, %swap3A_678] {strides = array<i32>} : memref<128x128xbf16, #tpu.memory_space<vmem>>, vector<32xbf16>,
          tpu.vector_store %arg18[%swap3A_677, %swap3A_678], %mul3A_676 {strides = array<i32>} : memref<128x128xbf16, #tpu.memory_space<vmem>>, vector<32xbf16>,
        }
        %scan3A_645 = arith.constant 16 : i32
      }
      %scan3A_489 = arith.constant 8 : i32
      %dma_start3A_490 = arith.constant 0 : i32
      %dma_start3A_491 = tpu.memref_slice %arg15[%add3A_468, %dma_start3A_490] : memref<80x128xi32, #tpu.memory_space<vmem>> -> memref<1x128xi32, #tpu.memory_space<vmem>>
      %dma_start3A_492 = tpu.memref_squeeze %dma_start3A_491 : memref<1x128xi32, #tpu.memory_space<vmem>> -> memref<128xi32, #tpu.memory_space<vmem>>
      %dma_start3A_493 = arith.constant 0 : i32
      %dma_start3A_494 = arith.constant 0 : i32
      %dma_start3A_495 = tpu.memref_slice %arg14[%dma_start3A_493, %dma_start3A_494] : memref<10240x128xbf16, #tpu.memory_space<vmem_shared>> -> memref<10240x128xbf16, #tpu.memory_space<vmem_shared>>
      tpu.enqueue_indirect_dma source(%arg18 : memref<128x128xbf16, #tpu.memory_space<vmem>>) target(%dma_start3A_495 : memref<10240x128xbf16, #tpu.memory_space<vmem_shared>>) offsets(%dma_start3A_492 : memref<128xi32, #tpu.memory_space<vmem>>) semaphore(%arg29 : memref<!tpu.dma_semaphore, #tpu.memory_space<semaphore_mem>>) {add = true}
      %mul3A_496 = arith.constant 5 : i32
      %mul3A_497 = arith.muli %mul3A_496, %scan3A_464 : i32
      %add3A_498 = arith.constant 1 : i32
      %add3A_499 = arith.addi %mul3A_497, %add3A_498 : i32
      %dma_wait3A_500 = arith.constant 0 : i32
      %dma_wait3A_501 = arith.constant 0 : i32
      %dma_wait3A_502 = tpu.memref_slice %arg16[%dma_wait3A_500, %dma_wait3A_501] : memref<80x128xi32, #tpu.memory_space<vmem>> -> memref<1x128xi32, #tpu.memory_space<vmem>>
      %dma_wait3A_503 = tpu.memref_squeeze %dma_wait3A_502 : memref<1x128xi32, #tpu.memory_space<vmem>> -> memref<128xi32, #tpu.memory_space<vmem>>
      %dma_wait3A_504 = arith.constant 0 : i32
      %dma_wait3A_505 = arith.constant 0 : i32
      %dma_wait3A_506 = tpu.memref_slice %arg4[%dma_wait3A_504, %dma_wait3A_505] : memref<20000x128xbf16, #tpu.memory_space<hbm>> -> memref<20000x128xbf16, #tpu.memory_space<hbm>>
      tpu.wait_indirect_dma semaphore(%arg25 : memref<!tpu.dma_semaphore, #tpu.memory_space<semaphore_mem>>) src(%dma_wait3A_506 : memref<20000x128xbf16, #tpu.memory_space<hbm>>) dst(%arg19 : memref<128x128xbf16, #tpu.memory_space<vmem>>)
      %ge3A_507 = arith.constant 2 : i32
      %ge3A_508 = arith.cmpi sge, %add3A_499, %ge3A_507 : i32
      %convert_element_type3A_509 = arith.extui %ge3A_508 : i1 to i32
      %cond3A_510 = arith.constant 0 : i32
      %cond3A_511 = arith.cmpi ne, %convert_element_type3A_509, %cond3A_510 : i32
      scf.if %cond3A_511 {
        %dma_wait3A_636 = arith.constant 0 : i32
        %dma_wait3A_637 = arith.constant 0 : i32
        %dma_wait3A_638 = tpu.memref_slice %arg15[%dma_wait3A_636, %dma_wait3A_637] : memref<80x128xi32, #tpu.memory_space<vmem>> -> memref<1x128xi32, #tpu.memory_space<vmem>>
        %dma_wait3A_639 = tpu.memref_squeeze %dma_wait3A_638 : memref<1x128xi32, #tpu.memory_space<vmem>> -> memref<128xi32, #tpu.memory_space<vmem>>
        %dma_wait3A_640 = arith.constant 0 : i32
        %dma_wait3A_641 = arith.constant 0 : i32
        %dma_wait3A_642 = tpu.memref_slice %arg14[%dma_wait3A_640, %dma_wait3A_641] : memref<10240x128xbf16, #tpu.memory_space<vmem_shared>> -> memref<10240x128xbf16, #tpu.memory_space<vmem_shared>>
        tpu.wait_indirect_dma semaphore(%arg33 : memref<!tpu.dma_semaphore, #tpu.memory_space<semaphore_mem>>) src(%arg22 : memref<128x128xbf16, #tpu.memory_space<vmem>>) dst(%dma_wait3A_642 : memref<10240x128xbf16, #tpu.memory_space<vmem_shared>>)
      } else {
      }
      %add3A_512 = arith.constant 3 : i32
      %add3A_513 = arith.addi %add3A_499, %add3A_512 : i32
      %lt3A_514 = arith.constant 80 : i32
      %lt3A_515 = arith.cmpi slt, %add3A_513, %lt3A_514 : i32
      %convert_element_type3A_516 = arith.extui %lt3A_515 : i1 to i32
      %cond3A_517 = arith.constant 0 : i32
      %cond3A_518 = arith.cmpi ne, %convert_element_type3A_516, %cond3A_517 : i32
      scf.if %cond3A_518 {
        %add3A_636 = arith.constant 3 : i32
        %add3A_637 = arith.addi %add3A_499, %add3A_636 : i32
        %dma_start3A_638 = arith.constant 0 : i32
        %dma_start3A_639 = tpu.memref_slice %arg16[%add3A_637, %dma_start3A_638] : memref<80x128xi32, #tpu.memory_space<vmem>> -> memref<1x128xi32, #tpu.memory_space<vmem>>
        %dma_start3A_640 = tpu.memref_squeeze %dma_start3A_639 : memref<1x128xi32, #tpu.memory_space<vmem>> -> memref<128xi32, #tpu.memory_space<vmem>>
        %dma_start3A_641 = arith.constant 0 : i32
        %dma_start3A_642 = arith.constant 0 : i32
        %dma_start3A_643 = tpu.memref_slice %arg4[%dma_start3A_641, %dma_start3A_642] : memref<20000x128xbf16, #tpu.memory_space<hbm>> -> memref<20000x128xbf16, #tpu.memory_space<hbm>>
        tpu.enqueue_indirect_dma source(%dma_start3A_643 : memref<20000x128xbf16, #tpu.memory_space<hbm>>) target(%arg22 : memref<128x128xbf16, #tpu.memory_space<vmem>>) offsets(%dma_start3A_640 : memref<128xi32, #tpu.memory_space<vmem>>) semaphore(%arg28 : memref<!tpu.dma_semaphore, #tpu.memory_space<semaphore_mem>>)
      } else {
      }
      %scan3A_519 = arith.constant 0 : i32
      %scan3A_520 = arith.constant 0 : i32
      %scan3A_521 = arith.constant 8 : i32
      %scan3A_522 = arith.addi %scan3A_520, %scan3A_521 : i32
      %scan3A_523 = arith.constant 1 : i32
      scf.for %scan3A_636 = %scan3A_520 to %scan3A_522 step %scan3A_523  : i32 {
        %mul3A_637 = arith.constant 16 : i32
        %mul3A_638 = arith.muli %scan3A_636, %mul3A_637 : i32
        %get3A = arith.index_cast %add3A_499 : i32 to index
        %get3A_639 = arith.index_cast %mul3A_638 : i32 to index
        %get3A_640 = tpu.vector_load %arg17[%get3A, %get3A_639] {strides = array<i32>} : memref<80x128xf32, #tpu.memory_space<vmem>>, vector<16xf32>,
        %scan3A_641 = arith.constant 0 : i32
        %scan3A_642 = arith.constant 16 : i32
        %scan3A_643 = arith.addi %scan3A_641, %scan3A_642 : i32
        %scan3A_644 = arith.constant 1 : i32
        scf.for %scan3A_646 = %scan3A_641 to %scan3A_643 step %scan3A_644  : i32 {
          %broadcast_in_dim3A_647 = vector.broadcast %scan3A_646 : i32 to vector<16xi32>
          %broadcast_in_dim3A_648 = vector.shape_cast %broadcast_in_dim3A_647 : vector<16xi32> to vector<16x1xi32>
          %gather3A = vector.shape_cast %broadcast_in_dim3A_648 : vector<16x1xi32> to vector<16xi32>
          %gather3A_649 = tpu.dynamic_gather %get3A_640[%gather3A] in [0] : vector<16xf32>, vector<16xi32> -> vector<16xf32>
          %pack3A = tpu.pack_subelements %gather3A_649, %gather3A_649 {pack_format = #tpu.pack_format<interleaved>, positions = array<i32: 0, 1>} : vector<16xf32>, vector<16xf32> -> vector<32xbf16>
          %mul3A_650 = arith.constant 16 : i32
          %mul3A_651 = arith.muli %scan3A_636, %mul3A_650 : i32
          %add3A_652 = arith.addi %mul3A_651, %scan3A_646 : i32
          %get3A_653 = arith.index_cast %add3A_652 : i32 to index
          %get3A_654 = arith.constant 0 : index
          %get3A_655 = tpu.vector_load %arg19[%get3A_653, %get3A_654] {strides = array<i32>} : memref<128x128xbf16, #tpu.memory_space<vmem>>, vector<32xbf16>,
          %mul3A_656 = arith.mulf %get3A_655, %pack3A : vector<32xbf16>
          %swap3A = arith.index_cast %add3A_652 : i32 to index
          %swap3A_657 = arith.constant 0 : index
          %swap3A_658 = tpu.vector_load %arg19[%swap3A, %swap3A_657] {strides = array<i32>} : memref<128x128xbf16, #tpu.memory_space<vmem>>, vector<32xbf16>,
          tpu.vector_store %arg19[%swap3A, %swap3A_657], %mul3A_656 {strides = array<i32>} : memref<128x128xbf16, #tpu.memory_space<vmem>>, vector<32xbf16>,
          %get3A_659 = arith.index_cast %add3A_652 : i32 to index
          %get3A_660 = arith.constant 32 : index
          %get3A_661 = tpu.vector_load %arg19[%get3A_659, %get3A_660] {strides = array<i32>} : memref<128x128xbf16, #tpu.memory_space<vmem>>, vector<32xbf16>,
          %mul3A_662 = arith.mulf %get3A_661, %pack3A : vector<32xbf16>
          %swap3A_663 = arith.index_cast %add3A_652 : i32 to index
          %swap3A_664 = arith.constant 32 : index
          %swap3A_665 = tpu.vector_load %arg19[%swap3A_663, %swap3A_664] {strides = array<i32>} : memref<128x128xbf16, #tpu.memory_space<vmem>>, vector<32xbf16>,
          tpu.vector_store %arg19[%swap3A_663, %swap3A_664], %mul3A_662 {strides = array<i32>} : memref<128x128xbf16, #tpu.memory_space<vmem>>, vector<32xbf16>,
          %get3A_666 = arith.index_cast %add3A_652 : i32 to index
          %get3A_667 = arith.constant 64 : index
          %get3A_668 = tpu.vector_load %arg19[%get3A_666, %get3A_667] {strides = array<i32>} : memref<128x128xbf16, #tpu.memory_space<vmem>>, vector<32xbf16>,
          %mul3A_669 = arith.mulf %get3A_668, %pack3A : vector<32xbf16>
          %swap3A_670 = arith.index_cast %add3A_652 : i32 to index
          %swap3A_671 = arith.constant 64 : index
          %swap3A_672 = tpu.vector_load %arg19[%swap3A_670, %swap3A_671] {strides = array<i32>} : memref<128x128xbf16, #tpu.memory_space<vmem>>, vector<32xbf16>,
          tpu.vector_store %arg19[%swap3A_670, %swap3A_671], %mul3A_669 {strides = array<i32>} : memref<128x128xbf16, #tpu.memory_space<vmem>>, vector<32xbf16>,
          %get3A_673 = arith.index_cast %add3A_652 : i32 to index
          %get3A_674 = arith.constant 96 : index
          %get3A_675 = tpu.vector_load %arg19[%get3A_673, %get3A_674] {strides = array<i32>} : memref<128x128xbf16, #tpu.memory_space<vmem>>, vector<32xbf16>,
          %mul3A_676 = arith.mulf %get3A_675, %pack3A : vector<32xbf16>
          %swap3A_677 = arith.index_cast %add3A_652 : i32 to index
          %swap3A_678 = arith.constant 96 : index
          %swap3A_679 = tpu.vector_load %arg19[%swap3A_677, %swap3A_678] {strides = array<i32>} : memref<128x128xbf16, #tpu.memory_space<vmem>>, vector<32xbf16>,
          tpu.vector_store %arg19[%swap3A_677, %swap3A_678], %mul3A_676 {strides = array<i32>} : memref<128x128xbf16, #tpu.memory_space<vmem>>, vector<32xbf16>,
        }
        %scan3A_645 = arith.constant 16 : i32
      }
      %scan3A_524 = arith.constant 8 : i32
      %dma_start3A_525 = arith.constant 0 : i32
      %dma_start3A_526 = tpu.memref_slice %arg15[%add3A_499, %dma_start3A_525] : memref<80x128xi32, #tpu.memory_space<vmem>> -> memref<1x128xi32, #tpu.memory_space<vmem>>
      %dma_start3A_527 = tpu.memref_squeeze %dma_start3A_526 : memref<1x128xi32, #tpu.memory_space<vmem>> -> memref<128xi32, #tpu.memory_space<vmem>>
      %dma_start3A_528 = arith.constant 0 : i32
      %dma_start3A_529 = arith.constant 0 : i32
      %dma_start3A_530 = tpu.memref_slice %arg14[%dma_start3A_528, %dma_start3A_529] : memref<10240x128xbf16, #tpu.memory_space<vmem_shared>> -> memref<10240x128xbf16, #tpu.memory_space<vmem_shared>>
      tpu.enqueue_indirect_dma source(%arg19 : memref<128x128xbf16, #tpu.memory_space<vmem>>) target(%dma_start3A_530 : memref<10240x128xbf16, #tpu.memory_space<vmem_shared>>) offsets(%dma_start3A_527 : memref<128xi32, #tpu.memory_space<vmem>>) semaphore(%arg30 : memref<!tpu.dma_semaphore, #tpu.memory_space<semaphore_mem>>) {add = true}
      %mul3A_531 = arith.constant 5 : i32
      %mul3A_532 = arith.muli %mul3A_531, %scan3A_464 : i32
      %add3A_533 = arith.constant 2 : i32
      %add3A_534 = arith.addi %mul3A_532, %add3A_533 : i32
      %dma_wait3A_535 = arith.constant 0 : i32
      %dma_wait3A_536 = arith.constant 0 : i32
      %dma_wait3A_537 = tpu.memref_slice %arg16[%dma_wait3A_535, %dma_wait3A_536] : memref<80x128xi32, #tpu.memory_space<vmem>> -> memref<1x128xi32, #tpu.memory_space<vmem>>
      %dma_wait3A_538 = tpu.memref_squeeze %dma_wait3A_537 : memref<1x128xi32, #tpu.memory_space<vmem>> -> memref<128xi32, #tpu.memory_space<vmem>>
      %dma_wait3A_539 = arith.constant 0 : i32
      %dma_wait3A_540 = arith.constant 0 : i32
      %dma_wait3A_541 = tpu.memref_slice %arg4[%dma_wait3A_539, %dma_wait3A_540] : memref<20000x128xbf16, #tpu.memory_space<hbm>> -> memref<20000x128xbf16, #tpu.memory_space<hbm>>
      tpu.wait_indirect_dma semaphore(%arg26 : memref<!tpu.dma_semaphore, #tpu.memory_space<semaphore_mem>>) src(%dma_wait3A_541 : memref<20000x128xbf16, #tpu.memory_space<hbm>>) dst(%arg20 : memref<128x128xbf16, #tpu.memory_space<vmem>>)
      %ge3A_542 = arith.constant 2 : i32
      %ge3A_543 = arith.cmpi sge, %add3A_534, %ge3A_542 : i32
      %convert_element_type3A_544 = arith.extui %ge3A_543 : i1 to i32
      %cond3A_545 = arith.constant 0 : i32
      %cond3A_546 = arith.cmpi ne, %convert_element_type3A_544, %cond3A_545 : i32
      scf.if %cond3A_546 {
        %dma_wait3A_636 = arith.constant 0 : i32
        %dma_wait3A_637 = arith.constant 0 : i32
        %dma_wait3A_638 = tpu.memref_slice %arg15[%dma_wait3A_636, %dma_wait3A_637] : memref<80x128xi32, #tpu.memory_space<vmem>> -> memref<1x128xi32, #tpu.memory_space<vmem>>
        %dma_wait3A_639 = tpu.memref_squeeze %dma_wait3A_638 : memref<1x128xi32, #tpu.memory_space<vmem>> -> memref<128xi32, #tpu.memory_space<vmem>>
        %dma_wait3A_640 = arith.constant 0 : i32
        %dma_wait3A_641 = arith.constant 0 : i32
        %dma_wait3A_642 = tpu.memref_slice %arg14[%dma_wait3A_640, %dma_wait3A_641] : memref<10240x128xbf16, #tpu.memory_space<vmem_shared>> -> memref<10240x128xbf16, #tpu.memory_space<vmem_shared>>
        tpu.wait_indirect_dma semaphore(%arg29 : memref<!tpu.dma_semaphore, #tpu.memory_space<semaphore_mem>>) src(%arg18 : memref<128x128xbf16, #tpu.memory_space<vmem>>) dst(%dma_wait3A_642 : memref<10240x128xbf16, #tpu.memory_space<vmem_shared>>)
      } else {
      }
      %add3A_547 = arith.constant 3 : i32
      %add3A_548 = arith.addi %add3A_534, %add3A_547 : i32
      %lt3A_549 = arith.constant 80 : i32
      %lt3A_550 = arith.cmpi slt, %add3A_548, %lt3A_549 : i32
      %convert_element_type3A_551 = arith.extui %lt3A_550 : i1 to i32
      %cond3A_552 = arith.constant 0 : i32
      %cond3A_553 = arith.cmpi ne, %convert_element_type3A_551, %cond3A_552 : i32
      scf.if %cond3A_553 {
        %add3A_636 = arith.constant 3 : i32
        %add3A_637 = arith.addi %add3A_534, %add3A_636 : i32
        %dma_start3A_638 = arith.constant 0 : i32
        %dma_start3A_639 = tpu.memref_slice %arg16[%add3A_637, %dma_start3A_638] : memref<80x128xi32, #tpu.memory_space<vmem>> -> memref<1x128xi32, #tpu.memory_space<vmem>>
        %dma_start3A_640 = tpu.memref_squeeze %dma_start3A_639 : memref<1x128xi32, #tpu.memory_space<vmem>> -> memref<128xi32, #tpu.memory_space<vmem>>
        %dma_start3A_641 = arith.constant 0 : i32
        %dma_start3A_642 = arith.constant 0 : i32
        %dma_start3A_643 = tpu.memref_slice %arg4[%dma_start3A_641, %dma_start3A_642] : memref<20000x128xbf16, #tpu.memory_space<hbm>> -> memref<20000x128xbf16, #tpu.memory_space<hbm>>
        tpu.enqueue_indirect_dma source(%dma_start3A_643 : memref<20000x128xbf16, #tpu.memory_space<hbm>>) target(%arg18 : memref<128x128xbf16, #tpu.memory_space<vmem>>) offsets(%dma_start3A_640 : memref<128xi32, #tpu.memory_space<vmem>>) semaphore(%arg24 : memref<!tpu.dma_semaphore, #tpu.memory_space<semaphore_mem>>)
      } else {
      }
      %scan3A_554 = arith.constant 0 : i32
      %scan3A_555 = arith.constant 0 : i32
      %scan3A_556 = arith.constant 8 : i32
      %scan3A_557 = arith.addi %scan3A_555, %scan3A_556 : i32
      %scan3A_558 = arith.constant 1 : i32
      scf.for %scan3A_636 = %scan3A_555 to %scan3A_557 step %scan3A_558  : i32 {
        %mul3A_637 = arith.constant 16 : i32
        %mul3A_638 = arith.muli %scan3A_636, %mul3A_637 : i32
        %get3A = arith.index_cast %add3A_534 : i32 to index
        %get3A_639 = arith.index_cast %mul3A_638 : i32 to index
        %get3A_640 = tpu.vector_load %arg17[%get3A, %get3A_639] {strides = array<i32>} : memref<80x128xf32, #tpu.memory_space<vmem>>, vector<16xf32>,
        %scan3A_641 = arith.constant 0 : i32
        %scan3A_642 = arith.constant 16 : i32
        %scan3A_643 = arith.addi %scan3A_641, %scan3A_642 : i32
        %scan3A_644 = arith.constant 1 : i32
        scf.for %scan3A_646 = %scan3A_641 to %scan3A_643 step %scan3A_644  : i32 {
          %broadcast_in_dim3A_647 = vector.broadcast %scan3A_646 : i32 to vector<16xi32>
          %broadcast_in_dim3A_648 = vector.shape_cast %broadcast_in_dim3A_647 : vector<16xi32> to vector<16x1xi32>
          %gather3A = vector.shape_cast %broadcast_in_dim3A_648 : vector<16x1xi32> to vector<16xi32>
          %gather3A_649 = tpu.dynamic_gather %get3A_640[%gather3A] in [0] : vector<16xf32>, vector<16xi32> -> vector<16xf32>
          %pack3A = tpu.pack_subelements %gather3A_649, %gather3A_649 {pack_format = #tpu.pack_format<interleaved>, positions = array<i32: 0, 1>} : vector<16xf32>, vector<16xf32> -> vector<32xbf16>
          %mul3A_650 = arith.constant 16 : i32
          %mul3A_651 = arith.muli %scan3A_636, %mul3A_650 : i32
          %add3A_652 = arith.addi %mul3A_651, %scan3A_646 : i32
          %get3A_653 = arith.index_cast %add3A_652 : i32 to index
          %get3A_654 = arith.constant 0 : index
          %get3A_655 = tpu.vector_load %arg20[%get3A_653, %get3A_654] {strides = array<i32>} : memref<128x128xbf16, #tpu.memory_space<vmem>>, vector<32xbf16>,
          %mul3A_656 = arith.mulf %get3A_655, %pack3A : vector<32xbf16>
          %swap3A = arith.index_cast %add3A_652 : i32 to index
          %swap3A_657 = arith.constant 0 : index
          %swap3A_658 = tpu.vector_load %arg20[%swap3A, %swap3A_657] {strides = array<i32>} : memref<128x128xbf16, #tpu.memory_space<vmem>>, vector<32xbf16>,
          tpu.vector_store %arg20[%swap3A, %swap3A_657], %mul3A_656 {strides = array<i32>} : memref<128x128xbf16, #tpu.memory_space<vmem>>, vector<32xbf16>,
          %get3A_659 = arith.index_cast %add3A_652 : i32 to index
          %get3A_660 = arith.constant 32 : index
          %get3A_661 = tpu.vector_load %arg20[%get3A_659, %get3A_660] {strides = array<i32>} : memref<128x128xbf16, #tpu.memory_space<vmem>>, vector<32xbf16>,
          %mul3A_662 = arith.mulf %get3A_661, %pack3A : vector<32xbf16>
          %swap3A_663 = arith.index_cast %add3A_652 : i32 to index
          %swap3A_664 = arith.constant 32 : index
          %swap3A_665 = tpu.vector_load %arg20[%swap3A_663, %swap3A_664] {strides = array<i32>} : memref<128x128xbf16, #tpu.memory_space<vmem>>, vector<32xbf16>,
          tpu.vector_store %arg20[%swap3A_663, %swap3A_664], %mul3A_662 {strides = array<i32>} : memref<128x128xbf16, #tpu.memory_space<vmem>>, vector<32xbf16>,
          %get3A_666 = arith.index_cast %add3A_652 : i32 to index
          %get3A_667 = arith.constant 64 : index
          %get3A_668 = tpu.vector_load %arg20[%get3A_666, %get3A_667] {strides = array<i32>} : memref<128x128xbf16, #tpu.memory_space<vmem>>, vector<32xbf16>,
          %mul3A_669 = arith.mulf %get3A_668, %pack3A : vector<32xbf16>
          %swap3A_670 = arith.index_cast %add3A_652 : i32 to index
          %swap3A_671 = arith.constant 64 : index
          %swap3A_672 = tpu.vector_load %arg20[%swap3A_670, %swap3A_671] {strides = array<i32>} : memref<128x128xbf16, #tpu.memory_space<vmem>>, vector<32xbf16>,
          tpu.vector_store %arg20[%swap3A_670, %swap3A_671], %mul3A_669 {strides = array<i32>} : memref<128x128xbf16, #tpu.memory_space<vmem>>, vector<32xbf16>,
          %get3A_673 = arith.index_cast %add3A_652 : i32 to index
          %get3A_674 = arith.constant 96 : index
          %get3A_675 = tpu.vector_load %arg20[%get3A_673, %get3A_674] {strides = array<i32>} : memref<128x128xbf16, #tpu.memory_space<vmem>>, vector<32xbf16>,
          %mul3A_676 = arith.mulf %get3A_675, %pack3A : vector<32xbf16>
          %swap3A_677 = arith.index_cast %add3A_652 : i32 to index
          %swap3A_678 = arith.constant 96 : index
          %swap3A_679 = tpu.vector_load %arg20[%swap3A_677, %swap3A_678] {strides = array<i32>} : memref<128x128xbf16, #tpu.memory_space<vmem>>, vector<32xbf16>,
          tpu.vector_store %arg20[%swap3A_677, %swap3A_678], %mul3A_676 {strides = array<i32>} : memref<128x128xbf16, #tpu.memory_space<vmem>>, vector<32xbf16>,
        }
        %scan3A_645 = arith.constant 16 : i32
      }
      %scan3A_559 = arith.constant 8 : i32
      %dma_start3A_560 = arith.constant 0 : i32
      %dma_start3A_561 = tpu.memref_slice %arg15[%add3A_534, %dma_start3A_560] : memref<80x128xi32, #tpu.memory_space<vmem>> -> memref<1x128xi32, #tpu.memory_space<vmem>>
      %dma_start3A_562 = tpu.memref_squeeze %dma_start3A_561 : memref<1x128xi32, #tpu.memory_space<vmem>> -> memref<128xi32, #tpu.memory_space<vmem>>
      %dma_start3A_563 = arith.constant 0 : i32
      %dma_start3A_564 = arith.constant 0 : i32
      %dma_start3A_565 = tpu.memref_slice %arg14[%dma_start3A_563, %dma_start3A_564] : memref<10240x128xbf16, #tpu.memory_space<vmem_shared>> -> memref<10240x128xbf16, #tpu.memory_space<vmem_shared>>
      tpu.enqueue_indirect_dma source(%arg20 : memref<128x128xbf16, #tpu.memory_space<vmem>>) target(%dma_start3A_565 : memref<10240x128xbf16, #tpu.memory_space<vmem_shared>>) offsets(%dma_start3A_562 : memref<128xi32, #tpu.memory_space<vmem>>) semaphore(%arg31 : memref<!tpu.dma_semaphore, #tpu.memory_space<semaphore_mem>>) {add = true}
      %mul3A_566 = arith.constant 5 : i32
      %mul3A_567 = arith.muli %mul3A_566, %scan3A_464 : i32
      %add3A_568 = arith.constant 3 : i32
      %add3A_569 = arith.addi %mul3A_567, %add3A_568 : i32
      %dma_wait3A_570 = arith.constant 0 : i32
      %dma_wait3A_571 = arith.constant 0 : i32
      %dma_wait3A_572 = tpu.memref_slice %arg16[%dma_wait3A_570, %dma_wait3A_571] : memref<80x128xi32, #tpu.memory_space<vmem>> -> memref<1x128xi32, #tpu.memory_space<vmem>>
      %dma_wait3A_573 = tpu.memref_squeeze %dma_wait3A_572 : memref<1x128xi32, #tpu.memory_space<vmem>> -> memref<128xi32, #tpu.memory_space<vmem>>
      %dma_wait3A_574 = arith.constant 0 : i32
      %dma_wait3A_575 = arith.constant 0 : i32
      %dma_wait3A_576 = tpu.memref_slice %arg4[%dma_wait3A_574, %dma_wait3A_575] : memref<20000x128xbf16, #tpu.memory_space<hbm>> -> memref<20000x128xbf16, #tpu.memory_space<hbm>>
      tpu.wait_indirect_dma semaphore(%arg27 : memref<!tpu.dma_semaphore, #tpu.memory_space<semaphore_mem>>) src(%dma_wait3A_576 : memref<20000x128xbf16, #tpu.memory_space<hbm>>) dst(%arg21 : memref<128x128xbf16, #tpu.memory_space<vmem>>)
      %ge3A_577 = arith.constant 2 : i32
      %ge3A_578 = arith.cmpi sge, %add3A_569, %ge3A_577 : i32
      %convert_element_type3A_579 = arith.extui %ge3A_578 : i1 to i32
      %cond3A_580 = arith.constant 0 : i32
      %cond3A_581 = arith.cmpi ne, %convert_element_type3A_579, %cond3A_580 : i32
      scf.if %cond3A_581 {
        %dma_wait3A_636 = arith.constant 0 : i32
        %dma_wait3A_637 = arith.constant 0 : i32
        %dma_wait3A_638 = tpu.memref_slice %arg15[%dma_wait3A_636, %dma_wait3A_637] : memref<80x128xi32, #tpu.memory_space<vmem>> -> memref<1x128xi32, #tpu.memory_space<vmem>>
        %dma_wait3A_639 = tpu.memref_squeeze %dma_wait3A_638 : memref<1x128xi32, #tpu.memory_space<vmem>> -> memref<128xi32, #tpu.memory_space<vmem>>
        %dma_wait3A_640 = arith.constant 0 : i32
        %dma_wait3A_641 = arith.constant 0 : i32
        %dma_wait3A_642 = tpu.memref_slice %arg14[%dma_wait3A_640, %dma_wait3A_641] : memref<10240x128xbf16, #tpu.memory_space<vmem_shared>> -> memref<10240x128xbf16, #tpu.memory_space<vmem_shared>>
        tpu.wait_indirect_dma semaphore(%arg30 : memref<!tpu.dma_semaphore, #tpu.memory_space<semaphore_mem>>) src(%arg19 : memref<128x128xbf16, #tpu.memory_space<vmem>>) dst(%dma_wait3A_642 : memref<10240x128xbf16, #tpu.memory_space<vmem_shared>>)
      } else {
      }
      %add3A_582 = arith.constant 3 : i32
      %add3A_583 = arith.addi %add3A_569, %add3A_582 : i32
      %lt3A_584 = arith.constant 80 : i32
      %lt3A_585 = arith.cmpi slt, %add3A_583, %lt3A_584 : i32
      %convert_element_type3A_586 = arith.extui %lt3A_585 : i1 to i32
      %cond3A_587 = arith.constant 0 : i32
      %cond3A_588 = arith.cmpi ne, %convert_element_type3A_586, %cond3A_587 : i32
      scf.if %cond3A_588 {
        %add3A_636 = arith.constant 3 : i32
        %add3A_637 = arith.addi %add3A_569, %add3A_636 : i32
        %dma_start3A_638 = arith.constant 0 : i32
        %dma_start3A_639 = tpu.memref_slice %arg16[%add3A_637, %dma_start3A_638] : memref<80x128xi32, #tpu.memory_space<vmem>> -> memref<1x128xi32, #tpu.memory_space<vmem>>
        %dma_start3A_640 = tpu.memref_squeeze %dma_start3A_639 : memref<1x128xi32, #tpu.memory_space<vmem>> -> memref<128xi32, #tpu.memory_space<vmem>>
        %dma_start3A_641 = arith.constant 0 : i32
        %dma_start3A_642 = arith.constant 0 : i32
        %dma_start3A_643 = tpu.memref_slice %arg4[%dma_start3A_641, %dma_start3A_642] : memref<20000x128xbf16, #tpu.memory_space<hbm>> -> memref<20000x128xbf16, #tpu.memory_space<hbm>>
        tpu.enqueue_indirect_dma source(%dma_start3A_643 : memref<20000x128xbf16, #tpu.memory_space<hbm>>) target(%arg19 : memref<128x128xbf16, #tpu.memory_space<vmem>>) offsets(%dma_start3A_640 : memref<128xi32, #tpu.memory_space<vmem>>) semaphore(%arg25 : memref<!tpu.dma_semaphore, #tpu.memory_space<semaphore_mem>>)
      } else {
      }
      %scan3A_589 = arith.constant 0 : i32
      %scan3A_590 = arith.constant 0 : i32
      %scan3A_591 = arith.constant 8 : i32
      %scan3A_592 = arith.addi %scan3A_590, %scan3A_591 : i32
      %scan3A_593 = arith.constant 1 : i32
      scf.for %scan3A_636 = %scan3A_590 to %scan3A_592 step %scan3A_593  : i32 {
        %mul3A_637 = arith.constant 16 : i32
        %mul3A_638 = arith.muli %scan3A_636, %mul3A_637 : i32
        %get3A = arith.index_cast %add3A_569 : i32 to index
        %get3A_639 = arith.index_cast %mul3A_638 : i32 to index
        %get3A_640 = tpu.vector_load %arg17[%get3A, %get3A_639] {strides = array<i32>} : memref<80x128xf32, #tpu.memory_space<vmem>>, vector<16xf32>,
        %scan3A_641 = arith.constant 0 : i32
        %scan3A_642 = arith.constant 16 : i32
        %scan3A_643 = arith.addi %scan3A_641, %scan3A_642 : i32
        %scan3A_644 = arith.constant 1 : i32
        scf.for %scan3A_646 = %scan3A_641 to %scan3A_643 step %scan3A_644  : i32 {
          %broadcast_in_dim3A_647 = vector.broadcast %scan3A_646 : i32 to vector<16xi32>
          %broadcast_in_dim3A_648 = vector.shape_cast %broadcast_in_dim3A_647 : vector<16xi32> to vector<16x1xi32>
          %gather3A = vector.shape_cast %broadcast_in_dim3A_648 : vector<16x1xi32> to vector<16xi32>
          %gather3A_649 = tpu.dynamic_gather %get3A_640[%gather3A] in [0] : vector<16xf32>, vector<16xi32> -> vector<16xf32>
          %pack3A = tpu.pack_subelements %gather3A_649, %gather3A_649 {pack_format = #tpu.pack_format<interleaved>, positions = array<i32: 0, 1>} : vector<16xf32>, vector<16xf32> -> vector<32xbf16>
          %mul3A_650 = arith.constant 16 : i32
          %mul3A_651 = arith.muli %scan3A_636, %mul3A_650 : i32
          %add3A_652 = arith.addi %mul3A_651, %scan3A_646 : i32
          %get3A_653 = arith.index_cast %add3A_652 : i32 to index
          %get3A_654 = arith.constant 0 : index
          %get3A_655 = tpu.vector_load %arg21[%get3A_653, %get3A_654] {strides = array<i32>} : memref<128x128xbf16, #tpu.memory_space<vmem>>, vector<32xbf16>,
          %mul3A_656 = arith.mulf %get3A_655, %pack3A : vector<32xbf16>
          %swap3A = arith.index_cast %add3A_652 : i32 to index
          %swap3A_657 = arith.constant 0 : index
          %swap3A_658 = tpu.vector_load %arg21[%swap3A, %swap3A_657] {strides = array<i32>} : memref<128x128xbf16, #tpu.memory_space<vmem>>, vector<32xbf16>,
          tpu.vector_store %arg21[%swap3A, %swap3A_657], %mul3A_656 {strides = array<i32>} : memref<128x128xbf16, #tpu.memory_space<vmem>>, vector<32xbf16>,
          %get3A_659 = arith.index_cast %add3A_652 : i32 to index
          %get3A_660 = arith.constant 32 : index
          %get3A_661 = tpu.vector_load %arg21[%get3A_659, %get3A_660] {strides = array<i32>} : memref<128x128xbf16, #tpu.memory_space<vmem>>, vector<32xbf16>,
          %mul3A_662 = arith.mulf %get3A_661, %pack3A : vector<32xbf16>
          %swap3A_663 = arith.index_cast %add3A_652 : i32 to index
          %swap3A_664 = arith.constant 32 : index
          %swap3A_665 = tpu.vector_load %arg21[%swap3A_663, %swap3A_664] {strides = array<i32>} : memref<128x128xbf16, #tpu.memory_space<vmem>>, vector<32xbf16>,
          tpu.vector_store %arg21[%swap3A_663, %swap3A_664], %mul3A_662 {strides = array<i32>} : memref<128x128xbf16, #tpu.memory_space<vmem>>, vector<32xbf16>,
          %get3A_666 = arith.index_cast %add3A_652 : i32 to index
          %get3A_667 = arith.constant 64 : index
          %get3A_668 = tpu.vector_load %arg21[%get3A_666, %get3A_667] {strides = array<i32>} : memref<128x128xbf16, #tpu.memory_space<vmem>>, vector<32xbf16>,
          %mul3A_669 = arith.mulf %get3A_668, %pack3A : vector<32xbf16>
          %swap3A_670 = arith.index_cast %add3A_652 : i32 to index
          %swap3A_671 = arith.constant 64 : index
          %swap3A_672 = tpu.vector_load %arg21[%swap3A_670, %swap3A_671] {strides = array<i32>} : memref<128x128xbf16, #tpu.memory_space<vmem>>, vector<32xbf16>,
          tpu.vector_store %arg21[%swap3A_670, %swap3A_671], %mul3A_669 {strides = array<i32>} : memref<128x128xbf16, #tpu.memory_space<vmem>>, vector<32xbf16>,
          %get3A_673 = arith.index_cast %add3A_652 : i32 to index
          %get3A_674 = arith.constant 96 : index
          %get3A_675 = tpu.vector_load %arg21[%get3A_673, %get3A_674] {strides = array<i32>} : memref<128x128xbf16, #tpu.memory_space<vmem>>, vector<32xbf16>,
          %mul3A_676 = arith.mulf %get3A_675, %pack3A : vector<32xbf16>
          %swap3A_677 = arith.index_cast %add3A_652 : i32 to index
          %swap3A_678 = arith.constant 96 : index
          %swap3A_679 = tpu.vector_load %arg21[%swap3A_677, %swap3A_678] {strides = array<i32>} : memref<128x128xbf16, #tpu.memory_space<vmem>>, vector<32xbf16>,
          tpu.vector_store %arg21[%swap3A_677, %swap3A_678], %mul3A_676 {strides = array<i32>} : memref<128x128xbf16, #tpu.memory_space<vmem>>, vector<32xbf16>,
        }
        %scan3A_645 = arith.constant 16 : i32
      }
      %scan3A_594 = arith.constant 8 : i32
      %dma_start3A_595 = arith.constant 0 : i32
      %dma_start3A_596 = tpu.memref_slice %arg15[%add3A_569, %dma_start3A_595] : memref<80x128xi32, #tpu.memory_space<vmem>> -> memref<1x128xi32, #tpu.memory_space<vmem>>
      %dma_start3A_597 = tpu.memref_squeeze %dma_start3A_596 : memref<1x128xi32, #tpu.memory_space<vmem>> -> memref<128xi32, #tpu.memory_space<vmem>>
      %dma_start3A_598 = arith.constant 0 : i32
      %dma_start3A_599 = arith.constant 0 : i32
      %dma_start3A_600 = tpu.memref_slice %arg14[%dma_start3A_598, %dma_start3A_599] : memref<10240x128xbf16, #tpu.memory_space<vmem_shared>> -> memref<10240x128xbf16, #tpu.memory_space<vmem_shared>>
      tpu.enqueue_indirect_dma source(%arg21 : memref<128x128xbf16, #tpu.memory_space<vmem>>) target(%dma_start3A_600 : memref<10240x128xbf16, #tpu.memory_space<vmem_shared>>) offsets(%dma_start3A_597 : memref<128xi32, #tpu.memory_space<vmem>>) semaphore(%arg32 : memref<!tpu.dma_semaphore, #tpu.memory_space<semaphore_mem>>) {add = true}
      %mul3A_601 = arith.constant 5 : i32
      %mul3A_602 = arith.muli %mul3A_601, %scan3A_464 : i32
      %add3A_603 = arith.constant 4 : i32
      %add3A_604 = arith.addi %mul3A_602, %add3A_603 : i32
      %dma_wait3A_605 = arith.constant 0 : i32
      %dma_wait3A_606 = arith.constant 0 : i32
      %dma_wait3A_607 = tpu.memref_slice %arg16[%dma_wait3A_605, %dma_wait3A_606] : memref<80x128xi32, #tpu.memory_space<vmem>> -> memref<1x128xi32, #tpu.memory_space<vmem>>
      %dma_wait3A_608 = tpu.memref_squeeze %dma_wait3A_607 : memref<1x128xi32, #tpu.memory_space<vmem>> -> memref<128xi32, #tpu.memory_space<vmem>>
      %dma_wait3A_609 = arith.constant 0 : i32
      %dma_wait3A_610 = arith.constant 0 : i32
      %dma_wait3A_611 = tpu.memref_slice %arg4[%dma_wait3A_609, %dma_wait3A_610] : memref<20000x128xbf16, #tpu.memory_space<hbm>> -> memref<20000x128xbf16, #tpu.memory_space<hbm>>
      tpu.wait_indirect_dma semaphore(%arg28 : memref<!tpu.dma_semaphore, #tpu.memory_space<semaphore_mem>>) src(%dma_wait3A_611 : memref<20000x128xbf16, #tpu.memory_space<hbm>>) dst(%arg22 : memref<128x128xbf16, #tpu.memory_space<vmem>>)
      %ge3A_612 = arith.constant 2 : i32
      %ge3A_613 = arith.cmpi sge, %add3A_604, %ge3A_612 : i32
      %convert_element_type3A_614 = arith.extui %ge3A_613 : i1 to i32
      %cond3A_615 = arith.constant 0 : i32
      %cond3A_616 = arith.cmpi ne, %convert_element_type3A_614, %cond3A_615 : i32
      scf.if %cond3A_616 {
        %dma_wait3A_636 = arith.constant 0 : i32
        %dma_wait3A_637 = arith.constant 0 : i32
        %dma_wait3A_638 = tpu.memref_slice %arg15[%dma_wait3A_636, %dma_wait3A_637] : memref<80x128xi32, #tpu.memory_space<vmem>> -> memref<1x128xi32, #tpu.memory_space<vmem>>
        %dma_wait3A_639 = tpu.memref_squeeze %dma_wait3A_638 : memref<1x128xi32, #tpu.memory_space<vmem>> -> memref<128xi32, #tpu.memory_space<vmem>>
        %dma_wait3A_640 = arith.constant 0 : i32
        %dma_wait3A_641 = arith.constant 0 : i32
        %dma_wait3A_642 = tpu.memref_slice %arg14[%dma_wait3A_640, %dma_wait3A_641] : memref<10240x128xbf16, #tpu.memory_space<vmem_shared>> -> memref<10240x128xbf16, #tpu.memory_space<vmem_shared>>
        tpu.wait_indirect_dma semaphore(%arg31 : memref<!tpu.dma_semaphore, #tpu.memory_space<semaphore_mem>>) src(%arg20 : memref<128x128xbf16, #tpu.memory_space<vmem>>) dst(%dma_wait3A_642 : memref<10240x128xbf16, #tpu.memory_space<vmem_shared>>)
      } else {
      }
      %add3A_617 = arith.constant 3 : i32
      %add3A_618 = arith.addi %add3A_604, %add3A_617 : i32
      %lt3A_619 = arith.constant 80 : i32
      %lt3A_620 = arith.cmpi slt, %add3A_618, %lt3A_619 : i32
      %convert_element_type3A_621 = arith.extui %lt3A_620 : i1 to i32
      %cond3A_622 = arith.constant 0 : i32
      %cond3A_623 = arith.cmpi ne, %convert_element_type3A_621, %cond3A_622 : i32
      scf.if %cond3A_623 {
        %add3A_636 = arith.constant 3 : i32
        %add3A_637 = arith.addi %add3A_604, %add3A_636 : i32
        %dma_start3A_638 = arith.constant 0 : i32
        %dma_start3A_639 = tpu.memref_slice %arg16[%add3A_637, %dma_start3A_638] : memref<80x128xi32, #tpu.memory_space<vmem>> -> memref<1x128xi32, #tpu.memory_space<vmem>>
        %dma_start3A_640 = tpu.memref_squeeze %dma_start3A_639 : memref<1x128xi32, #tpu.memory_space<vmem>> -> memref<128xi32, #tpu.memory_space<vmem>>
        %dma_start3A_641 = arith.constant 0 : i32
        %dma_start3A_642 = arith.constant 0 : i32
        %dma_start3A_643 = tpu.memref_slice %arg4[%dma_start3A_641, %dma_start3A_642] : memref<20000x128xbf16, #tpu.memory_space<hbm>> -> memref<20000x128xbf16, #tpu.memory_space<hbm>>
        tpu.enqueue_indirect_dma source(%dma_start3A_643 : memref<20000x128xbf16, #tpu.memory_space<hbm>>) target(%arg20 : memref<128x128xbf16, #tpu.memory_space<vmem>>) offsets(%dma_start3A_640 : memref<128xi32, #tpu.memory_space<vmem>>) semaphore(%arg26 : memref<!tpu.dma_semaphore, #tpu.memory_space<semaphore_mem>>)
      } else {
      }
      %scan3A_624 = arith.constant 0 : i32
      %scan3A_625 = arith.constant 0 : i32
      %scan3A_626 = arith.constant 8 : i32
      %scan3A_627 = arith.addi %scan3A_625, %scan3A_626 : i32
      %scan3A_628 = arith.constant 1 : i32
      scf.for %scan3A_636 = %scan3A_625 to %scan3A_627 step %scan3A_628  : i32 {
        %mul3A_637 = arith.constant 16 : i32
        %mul3A_638 = arith.muli %scan3A_636, %mul3A_637 : i32
        %get3A = arith.index_cast %add3A_604 : i32 to index
        %get3A_639 = arith.index_cast %mul3A_638 : i32 to index
        %get3A_640 = tpu.vector_load %arg17[%get3A, %get3A_639] {strides = array<i32>} : memref<80x128xf32, #tpu.memory_space<vmem>>, vector<16xf32>,
        %scan3A_641 = arith.constant 0 : i32
        %scan3A_642 = arith.constant 16 : i32
        %scan3A_643 = arith.addi %scan3A_641, %scan3A_642 : i32
        %scan3A_644 = arith.constant 1 : i32
        scf.for %scan3A_646 = %scan3A_641 to %scan3A_643 step %scan3A_644  : i32 {
          %broadcast_in_dim3A_647 = vector.broadcast %scan3A_646 : i32 to vector<16xi32>
          %broadcast_in_dim3A_648 = vector.shape_cast %broadcast_in_dim3A_647 : vector<16xi32> to vector<16x1xi32>
          %gather3A = vector.shape_cast %broadcast_in_dim3A_648 : vector<16x1xi32> to vector<16xi32>
          %gather3A_649 = tpu.dynamic_gather %get3A_640[%gather3A] in [0] : vector<16xf32>, vector<16xi32> -> vector<16xf32>
          %pack3A = tpu.pack_subelements %gather3A_649, %gather3A_649 {pack_format = #tpu.pack_format<interleaved>, positions = array<i32: 0, 1>} : vector<16xf32>, vector<16xf32> -> vector<32xbf16>
          %mul3A_650 = arith.constant 16 : i32
          %mul3A_651 = arith.muli %scan3A_636, %mul3A_650 : i32
          %add3A_652 = arith.addi %mul3A_651, %scan3A_646 : i32
          %get3A_653 = arith.index_cast %add3A_652 : i32 to index
          %get3A_654 = arith.constant 0 : index
          %get3A_655 = tpu.vector_load %arg22[%get3A_653, %get3A_654] {strides = array<i32>} : memref<128x128xbf16, #tpu.memory_space<vmem>>, vector<32xbf16>,
          %mul3A_656 = arith.mulf %get3A_655, %pack3A : vector<32xbf16>
          %swap3A = arith.index_cast %add3A_652 : i32 to index
          %swap3A_657 = arith.constant 0 : index
          %swap3A_658 = tpu.vector_load %arg22[%swap3A, %swap3A_657] {strides = array<i32>} : memref<128x128xbf16, #tpu.memory_space<vmem>>, vector<32xbf16>,
          tpu.vector_store %arg22[%swap3A, %swap3A_657], %mul3A_656 {strides = array<i32>} : memref<128x128xbf16, #tpu.memory_space<vmem>>, vector<32xbf16>,
          %get3A_659 = arith.index_cast %add3A_652 : i32 to index
          %get3A_660 = arith.constant 32 : index
          %get3A_661 = tpu.vector_load %arg22[%get3A_659, %get3A_660] {strides = array<i32>} : memref<128x128xbf16, #tpu.memory_space<vmem>>, vector<32xbf16>,
          %mul3A_662 = arith.mulf %get3A_661, %pack3A : vector<32xbf16>
          %swap3A_663 = arith.index_cast %add3A_652 : i32 to index
          %swap3A_664 = arith.constant 32 : index
          %swap3A_665 = tpu.vector_load %arg22[%swap3A_663, %swap3A_664] {strides = array<i32>} : memref<128x128xbf16, #tpu.memory_space<vmem>>, vector<32xbf16>,
          tpu.vector_store %arg22[%swap3A_663, %swap3A_664], %mul3A_662 {strides = array<i32>} : memref<128x128xbf16, #tpu.memory_space<vmem>>, vector<32xbf16>,
          %get3A_666 = arith.index_cast %add3A_652 : i32 to index
          %get3A_667 = arith.constant 64 : index
          %get3A_668 = tpu.vector_load %arg22[%get3A_666, %get3A_667] {strides = array<i32>} : memref<128x128xbf16, #tpu.memory_space<vmem>>, vector<32xbf16>,
          %mul3A_669 = arith.mulf %get3A_668, %pack3A : vector<32xbf16>
          %swap3A_670 = arith.index_cast %add3A_652 : i32 to index
          %swap3A_671 = arith.constant 64 : index
          %swap3A_672 = tpu.vector_load %arg22[%swap3A_670, %swap3A_671] {strides = array<i32>} : memref<128x128xbf16, #tpu.memory_space<vmem>>, vector<32xbf16>,
          tpu.vector_store %arg22[%swap3A_670, %swap3A_671], %mul3A_669 {strides = array<i32>} : memref<128x128xbf16, #tpu.memory_space<vmem>>, vector<32xbf16>,
          %get3A_673 = arith.index_cast %add3A_652 : i32 to index
          %get3A_674 = arith.constant 96 : index
          %get3A_675 = tpu.vector_load %arg22[%get3A_673, %get3A_674] {strides = array<i32>} : memref<128x128xbf16, #tpu.memory_space<vmem>>, vector<32xbf16>,
          %mul3A_676 = arith.mulf %get3A_675, %pack3A : vector<32xbf16>
          %swap3A_677 = arith.index_cast %add3A_652 : i32 to index
          %swap3A_678 = arith.constant 96 : index
          %swap3A_679 = tpu.vector_load %arg22[%swap3A_677, %swap3A_678] {strides = array<i32>} : memref<128x128xbf16, #tpu.memory_space<vmem>>, vector<32xbf16>,
          tpu.vector_store %arg22[%swap3A_677, %swap3A_678], %mul3A_676 {strides = array<i32>} : memref<128x128xbf16, #tpu.memory_space<vmem>>, vector<32xbf16>,
        }
        %scan3A_645 = arith.constant 16 : i32
      }
      %scan3A_629 = arith.constant 8 : i32
      %dma_start3A_630 = arith.constant 0 : i32
      %dma_start3A_631 = tpu.memref_slice %arg15[%add3A_604, %dma_start3A_630] : memref<80x128xi32, #tpu.memory_space<vmem>> -> memref<1x128xi32, #tpu.memory_space<vmem>>
      %dma_start3A_632 = tpu.memref_squeeze %dma_start3A_631 : memref<1x128xi32, #tpu.memory_space<vmem>> -> memref<128xi32, #tpu.memory_space<vmem>>
      %dma_start3A_633 = arith.constant 0 : i32
      %dma_start3A_634 = arith.constant 0 : i32
      %dma_start3A_635 = tpu.memref_slice %arg14[%dma_start3A_633, %dma_start3A_634] : memref<10240x128xbf16, #tpu.memory_space<vmem_shared>> -> memref<10240x128xbf16, #tpu.memory_space<vmem_shared>>
      tpu.enqueue_indirect_dma source(%arg22 : memref<128x128xbf16, #tpu.memory_space<vmem>>) target(%dma_start3A_635 : memref<10240x128xbf16, #tpu.memory_space<vmem_shared>>) offsets(%dma_start3A_632 : memref<128xi32, #tpu.memory_space<vmem>>) semaphore(%arg33 : memref<!tpu.dma_semaphore, #tpu.memory_space<semaphore_mem>>) {add = true}
    }
    %scan3A_443 = arith.constant 16 : i32
    %dma_wait3A_444 = arith.constant 0 : i32
    %dma_wait3A_445 = arith.constant 0 : i32
    %dma_wait3A_446 = tpu.memref_slice %arg15[%dma_wait3A_444, %dma_wait3A_445] : memref<80x128xi32, #tpu.memory_space<vmem>> -> memref<1x128xi32, #tpu.memory_space<vmem>>
    %dma_wait3A_447 = tpu.memref_squeeze %dma_wait3A_446 : memref<1x128xi32, #tpu.memory_space<vmem>> -> memref<128xi32, #tpu.memory_space<vmem>>
    %dma_wait3A_448 = arith.constant 0 : i32
    %dma_wait3A_449 = arith.constant 0 : i32
    %dma_wait3A_450 = tpu.memref_slice %arg14[%dma_wait3A_448, %dma_wait3A_449] : memref<10240x128xbf16, #tpu.memory_space<vmem_shared>> -> memref<10240x128xbf16, #tpu.memory_space<vmem_shared>>
    tpu.wait_indirect_dma semaphore(%arg32 : memref<!tpu.dma_semaphore, #tpu.memory_space<semaphore_mem>>) src(%arg21 : memref<128x128xbf16, #tpu.memory_space<vmem>>) dst(%dma_wait3A_450 : memref<10240x128xbf16, #tpu.memory_space<vmem_shared>>)
    %dma_wait3A_451 = arith.constant 0 : i32
    %dma_wait3A_452 = arith.constant 0 : i32
    %dma_wait3A_453 = tpu.memref_slice %arg15[%dma_wait3A_451, %dma_wait3A_452] : memref<80x128xi32, #tpu.memory_space<vmem>> -> memref<1x128xi32, #tpu.memory_space<vmem>>
    %dma_wait3A_454 = tpu.memref_squeeze %dma_wait3A_453 : memref<1x128xi32, #tpu.memory_space<vmem>> -> memref<128xi32, #tpu.memory_space<vmem>>
    %dma_wait3A_455 = arith.constant 0 : i32
    %dma_wait3A_456 = arith.constant 0 : i32
    %dma_wait3A_457 = tpu.memref_slice %arg14[%dma_wait3A_455, %dma_wait3A_456] : memref<10240x128xbf16, #tpu.memory_space<vmem_shared>> -> memref<10240x128xbf16, #tpu.memory_space<vmem_shared>>
    tpu.wait_indirect_dma semaphore(%arg33 : memref<!tpu.dma_semaphore, #tpu.memory_space<semaphore_mem>>) src(%arg22 : memref<128x128xbf16, #tpu.memory_space<vmem>>) dst(%dma_wait3A_457 : memref<10240x128xbf16, #tpu.memory_space<vmem_shared>>)
    %barrier3A_458 = arith.constant 0 : index
    tpu.barrier barrier_id(%barrier3A_458)
    %mul3A_459 = arith.constant 640 : i32
    %mul3A_460 = arith.muli %arg1, %mul3A_459 : i32
    %mul3A_461 = arith.constant 10240 : i32
    %mul3A_462 = arith.muli %arg0, %mul3A_461 : i32
    %add3A_463 = arith.addi %mul3A_462, %mul3A_460 : i32
    "tpu.region"() ({
      %run_scoped3A = tpu.sem_alloc : memref<!tpu.dma_semaphore, #tpu.memory_space<semaphore_mem>>
      %dma_start3A_464 = arith.constant 0 : i32
      %dma_start3A_465 = tpu.memref_slice %arg13[%add3A_463, %dma_start3A_464] : memref<20480x128xbf16, #tpu.memory_space<hbm>> -> memref<640x128xbf16, #tpu.memory_space<hbm>>
      %dma_start3A_466 = arith.constant 0 : i32
      %dma_start3A_467 = tpu.memref_slice %arg14[%mul3A_460, %dma_start3A_466] : memref<10240x128xbf16, #tpu.memory_space<vmem_shared>> -> memref<640x128xbf16, #tpu.memory_space<vmem_shared>>
      tpu.enqueue_dma source(%dma_start3A_467 : memref<640x128xbf16, #tpu.memory_space<vmem_shared>>) target(%dma_start3A_465 : memref<640x128xbf16, #tpu.memory_space<hbm>>) target_semaphore(%run_scoped3A : memref<!tpu.dma_semaphore, #tpu.memory_space<semaphore_mem>>)
      %dma_wait3A_468 = arith.constant 0 : i32
      %dma_wait3A_469 = tpu.memref_slice %arg13[%add3A_463, %dma_wait3A_468] : memref<20480x128xbf16, #tpu.memory_space<hbm>> -> memref<640x128xbf16, #tpu.memory_space<hbm>>
      %dma_wait3A_470 = arith.constant 0 : i32
      %dma_wait3A_471 = tpu.memref_slice %arg14[%mul3A_460, %dma_wait3A_470] : memref<10240x128xbf16, #tpu.memory_space<vmem_shared>> -> memref<640x128xbf16, #tpu.memory_space<vmem_shared>>
      tpu.wait_dma2 semaphore(%run_scoped3A : memref<!tpu.dma_semaphore, #tpu.memory_space<semaphore_mem>>) src(%dma_wait3A_471 : memref<640x128xbf16, #tpu.memory_space<vmem_shared>>) dst(%dma_wait3A_469 : memref<640x128xbf16, #tpu.memory_space<hbm>>)
      tpu.yield
    }) : () -> ()
    return
  }
}

</mosaic_0001>

<sc_bundles>
// kernel: kernel.3.cloned.1.call-start
scs
__scs_entry_jumppad:
0x0: {  	(pc) =	sbr.rel $0x88, $3  }
0x1: {  	(tag) =	ssettag $0x0;
	lr =	simm.s32 $0x1  }
0x2: {  	[smem:$0x3F9A] =	sst lr;
	_ =	strace $0xD0000000  }
0x3: {  	_ = 	snop  }
0x4: {  	_ = 	snop  }
0x5: {  	_ = 	snop  }
0x6: {  	_ = 	snop  }
0x7: {  	_ = 	snop  }
__scs_overlays_trampoline_lowered:
0x8: {  	[smem:$0x3FA9] =	sst s0  }
0x9: {  	[smem:$0x3FAA] =	sst s1  }
0xa: {  	[smem:$0x3FAB] =	sst s2  }
0xb: {  	[smem:$0x3FAC] =	sst s3  }
0xc: {  	[smem:$0x3FAD] =	sst s4  }
0xd: {  	[smem:$0x3FAE] =	sst s5  }
0xe: {  	[smem:$0x3FAF] =	sst s6  }
0xf: {  	[smem:$0x3FB0] =	sst s7  }
0x10: {  	[smem:$0x3FB1] =	sst s8  }
0x11: {  	[smem:$0x3FB2] =	sst s9;
	s0 =	simm.s32 @!p0 $0x0  }
0x12: {  	s1 =	sld [smem:$0x3F98];
	s0 =	simm.s32 @p0 $0x1  }
0x13: {  	[smem:$0x3FB3] =	sst s0;
	s0 =	simm.s32 @!p1 $0x0  }
0x14: {  	s2 =	sld [smem:$0x3F97];
	s0 =	simm.s32 @p1 $0x1  }
0x15: {  	[smem:$0x3FB4] =	sst s0;
	s0 =	simm.s32 @!p2 $0x0  }
0x16: {  	s3 =	sld [smem:$0x3FDB];
	s0 =	simm.s32 @p2 $0x1  }
0x17: {  	s4 =	simm.s32 $0x1BF5;
	[smem:$0x3FB6] =	sst s0  }
0x18: {  	s0 =	sld [smem:$0x3F99];
	_ =	swait.ge [sflag:s4], $0x0  }
0x19: {  	s7 =	sld [smem:$0x3F9A]  }
0x1a: {  	s8 =	sadd.s32 $0xFFFFE003, lr  }
0x1b: {  	s9 =	sadd.s32 $0xFFFFFEF7, lr;
	s5 =	simm.s32 $0xFFFFFFFF;
	p2 =	slt.u32 s8, $0xFFFFF086  }
0x1c: {  	p1 =	slt.u32 s9, $0xF7A;
	s5 =	simm.s32 @!p2 $0x0  }
0x1d: {  	s5 =	simm.s32 @p1 $0x1;
	p0 =	seq.s32 s7, s2  }
0x1e: {  	s7 =	smul.u32 @!p0 $0xF7A, s2;
	p2 =	seq.s32 @!p0 s5, $0x0  }
0x1f: {  	s9 =	smul.u32 $0xF7A, s1;
	s8 =	simm.s32 @!p0 $0x1BF5;
	p2 =	por !p2, p0  }
0x20: {  	[sflag:s8] =	ssyncset.s32 @!p0 $0xFFFFF086;
	s6 =	sadd.s32 @!p0 s3, s7;
	s7 =	simm.s32 @!p0 $0x108  }
0x21: {  	s3 =	sadd.s32 s3, s9;
	s6 =	sadd.s32 @!p0 $0x88, s6;
	s7 =	simm.s32 @p2 $0x1082  }
0x22: {  	[simem:s7], [sflag:s8] =	dma.local @!p0 [hbm:s6], $0xF7A  }
0x23: {  	s9 =	sor.u32 $0xD0000000, s2;
	s6 =	simm.s32 $0x108;
	_ =	swait.ge @!p0 [sflag:s8], $0x0  }
0x24: {  	s3 =	sadd.s32 $0x88, s3;
	s6 =	simm.s32 @!p1 $0x1082;
	[sflag:s4] =	ssyncset.s32 $0xFFFFF086  }
0x25: {  	[simem:s6], [sflag:s4] =	dma.local [hbm:s3], $0xF7A  }
0x26: {  	[smem:$0x3F9A] =	sst s1;
	(tag) =	ssettag s2;
	_ =	strace s9  }
0x27: {  	s1 =	sld [smem:$0x3FAA]  }
0x28: {  	s2 =	sld [smem:$0x3FAB]  }
0x29: {  	s4 =	sld [smem:$0x3FAD]  }
0x2a: {  	p0 =	seq.s32 s5, $0x0;
	s5 =	sld [smem:$0x3FAE]  }
0x2b: {  	s6 =	sld [smem:$0x3FAF]  }
0x2c: {  	s7 =	sld [smem:$0x3FB0]  }
0x2d: {  	s3 =	simm.s32 $0x108;
	s8 =	sld [smem:$0x3FB1]  }
0x2e: {  	s3 =	simm.s32 @!p0 $0x1082;
	s9 =	sld [smem:$0x3FB2]  }
0x2f: {  	lr =	sadd.s32 s0, s3;
	s0 =	sld [smem:$0x3FA9]  }
0x30: {  	s3 =	sld [smem:$0x3FAC]  }
0x31: {  	[smem:$0x3FB5] =	sst s10  }
0x32: {  	s10 =	sld [smem:$0x3FB3];
	_ =	sdelay $0x3  }
0x33: {  	p0 =	seq.s32 s10, $0x1;
	s10 =	sld [smem:$0x3FB5];
	_ =	sdelay $0x3  }
0x34: {  	[smem:$0x3FB5] =	sst s10  }
0x35: {  	s10 =	sld [smem:$0x3FB4];
	_ =	sdelay $0x3  }
0x36: {  	p1 =	seq.s32 s10, $0x1;
	s10 =	sld [smem:$0x3FB5];
	_ =	sdelay $0x3  }
0x37: {  	[smem:$0x3FB5] =	sst s10  }
0x38: {  	s10 =	sld [smem:$0x3FB6]  }
0x39: {  	_ = 	snop;
	(pc) =	sbr.ind lr, $3  }
0x3a: {  	_ = 	snop  }
0x3b: {  	_ = 	snop  }
0x3c: {  	p2 =	seq.s32 s10, $0x1;
	s10 =	sld [smem:$0x3FB5]  }
0x3d: {  	_ =	shalt  }
0x3e: {  	_ =	shalt  }
0x3f: {  	_ =	shalt  }
0x40: {  	_ =	shalt  }
0x41: {  	_ =	shalt  }
0x42: {  	_ =	shalt  }
0x43: {  	_ =	shalt  }
0x44: {  	_ =	shalt  }
0x45: {  	_ =	shalt  }
0x46: {  	_ =	shalt  }
0x47: {  	_ =	shalt  }
0x48: {  	_ =	shalt  }
0x49: {  	_ =	shalt  }
0x4a: {  	_ =	shalt  }
0x4b: {  	_ =	shalt  }
0x4c: {  	_ =	shalt  }
0x4d: {  	_ =	shalt  }
0x4e: {  	_ =	shalt  }
0x4f: {  	_ =	shalt  }
0x50: {  	_ =	shalt  }
0x51: {  	_ =	shalt  }
0x52: {  	_ =	shalt  }
0x53: {  	_ =	shalt  }
0x54: {  	_ =	shalt  }
0x55: {  	_ =	shalt  }
0x56: {  	_ =	shalt  }
0x57: {  	_ =	shalt  }
0x58: {  	_ =	shalt  }
0x59: {  	_ =	shalt  }
0x5a: {  	_ =	shalt  }
0x5b: {  	_ =	shalt  }
0x5c: {  	_ =	shalt  }
0x5d: {  	_ =	shalt  }
0x5e: {  	_ =	shalt  }
0x5f: {  	_ =	shalt  }
0x60: {  	_ =	shalt  }
0x61: {  	_ =	shalt  }
0x62: {  	_ =	shalt  }
0x63: {  	_ =	shalt  }
0x64: {  	_ =	shalt  }
0x65: {  	_ =	shalt  }
0x66: {  	_ =	shalt  }
0x67: {  	_ =	shalt  }
0x68: {  	_ =	shalt  }
0x69: {  	_ =	shalt  }
0x6a: {  	_ =	shalt  }
0x6b: {  	_ =	shalt  }
0x6c: {  	_ =	shalt  }
0x6d: {  	_ =	shalt  }
0x6e: {  	_ =	shalt  }
0x6f: {  	_ =	shalt  }
0x70: {  	_ =	shalt  }
0x71: {  	_ =	shalt  }
0x72: {  	_ =	shalt  }
0x73: {  	_ =	shalt  }
0x74: {  	_ =	shalt  }
0x75: {  	_ =	shalt  }
0x76: {  	_ =	shalt  }
0x77: {  	_ =	shalt  }
0x78: {  	_ =	shalt  }
0x79: {  	_ =	shalt  }
0x7a: {  	_ =	shalt  }
0x7b: {  	_ =	shalt  }
0x7c: {  	_ =	shalt  }
0x7d: {  	_ =	shalt  }
0x7e: {  	_ =	shalt  }
0x7f: {  	_ =	shalt  }
0x80: {  	_ =	shalt  }
0x81: {  	_ =	shalt  }
0x82: {  	_ =	shalt  }
0x83: {  	_ =	shalt  }
0x84: {  	_ =	shalt  }
0x85: {  	_ =	shalt  }
0x86: {  	_ =	shalt  }
0x87: {  	_ =	shalt  }
.Lfunc_end0:
.L_simem_size_0:
called_computation_lowered:
.L_overlay_start_0:
0x88: {  	s2 =	sld [smem:$0x3FD9]  }
0x89: {  	s3 =	sld [smem:$0x3FFE];
	_ =	sdelay $0x1  }
0x8a: {  	s1 =	srdreg.scid  }
0x8b: {  	s0 =	sand.u32 $0x1, s1  }
0x8c: {  	s14 =	sshll.u32 s0, $0xA;
	s2 =	sadd.s32 s3, s2  }
0x8d: {  	s2 =	sadd.s32 s2, s14  }
0x8e: {  	[smem:$0x3FC1] =	sst s2  }
0x8f: {  	_ = 	snop  }
0x90: {  	s2 =	sld [smem:$0x3FD0];
	_ =	sdelay $0x2  }
0x91: {  	s15 =	simm.s32 $0xA;
	s4 =	simm.s32 $0x10  }
0x92: {  	[smem:s4], [sflag:s15] =	dma.local [hbm:s2], $0x1  }
0x93: {  	_ =	swait.eq [sflag:s15], $0x1  }
0x94: {  	s16 =	sld [smem:$0x10];
	[sflag:s15] =	ssyncset.done $0x0  }
0x95: {  	s17 =	sld [smem:$0x11];
	[sflag:s15] =	ssyncadd.s32 $0xFFFFFFFF  }
0x96: {  	s18 =	sld [smem:$0x12];
	(tm) =	ssettm $0x1  }
0x97: {  	s5 =	sld [smem:$0x3FFB];
	_ =	sdelay $0x3  }
0x98: {  	_ =	strace s5  }
0x99: {  	s5 =	sld [smem:$0x3FFC];
	_ =	sdelay $0x3  }
0x9a: {  	_ =	strace s5  }
0x9b: {  	s5 =	sld [smem:$0x3FFD];
	_ =	sdelay $0x3  }
0x9c: {  	_ =	strace s5  }
0x9d: {  	_ =	strace $0x8FFFFFFF  }
0x9e: {  	s19 =	sld [smem:$0x3FDB];
	_ =	sdelay $0x1  }
0x9f: {  	s6 =	simm.s32 $_scs_section_size  }
0xa0: {  	s7 =	simm.s32 $_size__tile_overlayer_lowered;
	s8 =	simm.s32 $_tile_overlayer_lowered  }
0xa1: {  	s22 =	simm.s32 $0x1BFF;
	s21 =	sshll.u32 s8, $0x1;
	s5 =	sadd.s32 s6, s19  }
0xa2: {  	s9 =	simm.s32 $0x0;
	s20 =	sshll.u32 s7, $0x1;
	s7 =	sadd.s32 s21, s5  }
0xa3: {  	[timem:s9], [sflag:s22] =	dma.local [hbm:s7], s20  }
0xa4: {  	_ =	swait.ge [sflag:s22], s20  }
0xa5: {  	s6 =	ssub.s32 $0x0, s20;
	[sflag:s22] =	ssyncset.done $0x0  }
0xa6: {  	[sflag:s22] =	ssyncadd.s32 s6;
	_ =	sdelay $0x1  }
0xa7: {  	s23 =	simm.s32 $0x1B8B  }
0xa8: {  	_ =	swait.ge [sflag:s23], $0x1  }
0xa9: {  	[sflag:s23] =	ssyncset.done $0x0  }
0xaa: {  	s25 =	simm.s32 $0x1B8E;
	s24 =	sld [smem:$0x3FFE];
	[sflag:s23] =	ssyncadd.s32 $0xFFFFFFFF  }
0xab: {  	s26 =	simm.s32 $execute0_lowered;
	[smem:$0x3FD2] =	sst s25  }
0xac: {  	s7 =	sshll.u32 s26, $0x1;
	_ =	strace $0x80000046;
	[dreg:$0x1] =	wrdreg $0xFFFFFFFF  }
0xad: {  	s28 =	simm.s32 $_size_execute0_lowered;
	s5 =	sadd.s32 s5, s7;
	[dreg:$0x0] =	wrdreg $0x0  }
0xae: {  	s7 =	sshll.u32 s28, $0x1;
	[dreg:$0x2] =	wrdreg s5  }
0xaf: {  	[dreg:$0x3] =	wrdreg s7  }
0xb0: {  	[dreg:$0x4] =	wrdreg $0xC0  }
0xb1: {  	_ =	task [dreg:s9], $0x5FFFF  }
0xb2: {  	[dreg:$0x1] =	wrdreg $0xFFFFFFFF  }
0xb3: {  	[dreg:$0x0] =	wrdreg $0x60  }
0xb4: {  	[dreg:$0x2] =	wrdreg s24  }
0xb5: {  	[dreg:$0x3] =	wrdreg s18  }
0xb6: {  	[dreg:$0x4] =	wrdreg s17  }
0xb7: {  	[dreg:$0x5] =	wrdreg s16  }
0xb8: {  	[dreg:$0x6] =	wrdreg $0x0  }
0xb9: {  	[dreg:$0x7] =	wrdreg $0x9  }
0xba: {  	_ =	task.clear_ibuf [dreg:s9], $0x8FFFF;
	_ =	strace $0x90000046  }
0xbb: {  	s29 =	simm.s32 $0x9;
	_ =	strace $0x80000048  }
0xbc: {  	_ =	swait.ge [sflag:s29], $0x1  }
0xbd: {  	[sflag:s29] =	ssyncadd.s32 $0xFFFFFFFF  }
0xbe: {  	_ =	strace $0x90000048  }
0xbf: {  	_ =	sfence  }
0xc0: {  	s30 =	sld [smem:$0x0];
	_ =	sdelay $0x2  }
0xc1: {  	s31 =	sshll.u32 s1, $0xD;
	s1 =	sshrl.u32 s1, $0x2  }
0xc2: {  	s3 =	sand.u32 $0x4000, s31;
	s1 =	sadd.s32 s1, s30  }
0xc3: {  	s0 =	sor.u32 s3, s0;
	s1 =	sshll.u32 s1, $0x11  }
0xc4: {  	s0 =	sor.u32 s1, s0  }
0xc5: {  	s0 =	sadd.s32 $0x8F2B, s0  }
0xc6: {  	[sflag:s0] =	ssyncadd.remote.s32 $0x1  }
0xc7: {  	_ =	sfence.sel $0xFFFF  }
0xc8: {  	[dreg:$0x0] =	wrdreg $0xFFFFFFFF;
	(pc) =	sbr.abs _section_cstart, $3  }
0xc9: {  	[dreg:$0x1] =	wrdreg $0xFFFFFFFF  }
0xca: {  	_ =	task.clear_ibuf [dreg:s9], $0x2FFFF;
	_ =	strace $0x9FFFFFFF  }
0xcb: {  	(tm) =	ssettm $0x7FFFFFFF  }
tec
execute0_lowered:
.L_overlay_start_1:
0x0: {  	(tag) =	ssettag $0x1  }
0x1: {  	s0 =	rddreg [dreg:$0x0]  }
0x2: {  	s1 =	rddreg [dreg:$0x1]  }
0x3: {  	s3 =	rddreg [dreg:$0x2]  }
0x4: {  	s7 =	rddreg [dreg:$0x3]  }
0x5: {  	s2 =	rddreg [dreg:$0x4];
	s17 =	simm.s32 $0x0;
	s11 =	stileid.u32  }
0x6: {  	s9 =	srdreg.scid;
	s28 =	simm.s32 $0xB;
	s29 =	simm.s32 $0x80  }
0x7: {  	s30 =	simm.s32 $0x11800;
	s31 =	simm.s32 $0x5;
	[smem:$0x7FF] =	sst s17  }
0x8: {  	s4 =	sadd.s32 $0x50C00, s0;
	s8 =	smul.u32 $0x500, s11;
	s5 =	sadd.s32 $0x29A00, s0  }
0x9: {  	s10 =	smul.u32 $0x28000, s11;
	s6 =	sadd.s32 $0x2800, s0;
	s25 =	sand.u32 $0x1, s9  }
0xa: {  	s11 =	smul.u32 $0x280, s11;
	_ =	strace $0x80000047;
	s9 =	ssub.s32 $0x2, s25  }
0xb: {  	s26 =	smul.u32 $0x2800, s25;
	s0 =	sadd.s32 s8, s0;
	s10 =	sshrl.u32 s10, $0x2  }
0xc: {  	s12 =	sshrl.u32 s9, $0x1;
	s8 =	smul.u32 $0x2710, s25;
	s13 =	sadd.s32 s10, s2  }
0xd: {  	s9 =	ssub.s32 s9, s12;
	s19 =	sadd.s32 $0x7CE00, s0;
	[dreg:$0x7] =	wrdreg s13  }
0xe: {  	s10 =	sadd.s32 s11, s26;
	s20 =	sadd.s32 $0x77E00, s0;
	[dreg:$0xc] =	wrdreg s19  }
0xf: {  	s21 =	sadd.s32 $0x90E00, s0;
	s22 =	sadd.s32 $0x86E00, s0;
	[dreg:$0xd] =	wrdreg s20  }
0x10: {  	s23 =	sadd.s32 $0x81E00, s0;
	s0 =	sadd.s32 $0x8BE00, s0;
	[dreg:$0xe] =	wrdreg s21  }
0x11: {  	s12 =	simm.s32 $0x6;
	s14 =	sadd.s32 $0x2000, s13;
	[dreg:$0x10] =	wrdreg s22  }
0x12: {  	s15 =	sadd.s32 $0x4000, s13;
	s16 =	sadd.s32 $0x6000, s13;
	[dreg:$0x11] =	wrdreg s23  }
0x13: {  	s18 =	sadd.s32 $0x8000, s13;
	s10 =	sshll.u32 s10, $0x3;
	[dreg:$0x12] =	wrdreg s0  }
0x14: {  	s26 =	smax.u32 s9, $0x1;
	s0 =	simm.s32 $0x13800;
	[dreg:$0x8] =	wrdreg s14  }
0x15: {  	s19 =	simm.s32 $0x1;
	s20 =	simm.s32 $0x17800;
	[dreg:$0x9] =	wrdreg s15  }
0x16: {  	s21 =	simm.s32 $0x2;
	s23 =	simm.s32 $0x19800;
	[dreg:$0xa] =	wrdreg s16  }
0x17: {  	s13 =	simm.s32 $0x4;
	[dreg:$0xb] =	wrdreg s18;
	s1 =	sadd.s32 s1, s10  }
0x18: {  	s24 =	sadd.s32 s3, s10;
	s25 =	sadd.s32 s7, s10;
	[dreg:$0x15] =	wrdreg s26  }
0x19: {  	s10 =	simm.s32 $0xC800;
	s15 =	simm.s32 $0x15800;
	[dreg:$0xf] =	wrdreg s1  }
0x1a: {  	s26 =	simm.s32 $0x3;
	s14 =	simm.s32 $0x7;
	[dreg:$0x13] =	wrdreg s24  }
0x1b: {  	v1 =	vimm.bf16 $0.0e+00;
	v0 =	vmov s8;
	s16 =	simm.s32 $0x8;
	[dreg:$0x14] =	wrdreg s25;
	s24 =	simm.s32 $0xC  }
.LBB2_1:
0x1c: {  	s3 =	simm.s32 $0x100;
	s1 =	simm.s32 $0x0  }
.LBB2_2:
0x1d: {  	p0 =	sne.s32 s3, $0x7F00;
	[tilespmem:s1+$0x1B830] =	vst v1;
	s7 =	smov.u32 s3;
	s3 =	sadd.s32 $0x100, s3  }
.Ltmp0:
0x1e: {  	[tilespmem:s1+$0x1B820] =	vst v1;
	(pc) =	sbr.rel @p0 .LBB2_2-.Ltmp0, $3  }
0x1f: {  	[tilespmem:s1+$0x1B800] =	vst v1  }
0x20: {  	[tilespmem:s1+$0x1B810] =	vst v1;
	_ =	sdelay $0x1  }
0x21: {  	s1 =	sshra.s32 s7, $0x2  }
0x22: {  	[tilespmem:s1+$0x1B830] =	vst v1  }
0x23: {  	[tilespmem:s1+$0x1B820] =	vst v1  }
0x24: {  	[dreg:$0x6] =	wrdreg s17;
	[tilespmem:s1+$0x1B800] =	vst v1  }
0x25: {  	[tilespmem:s1+$0x1B810] =	vst v1;
	s17 =	rddreg [dreg:$0x7];
	s3 =	simm.s32 $0x1B800  }
0x26: {  	[spmem:s17] =	stream.linear.scatter [tilespmem:s3], [sflag:$0xB], $0x2000, $0x38;
	[tilespmem:$0x1D800] =	vst v63  }
0x27: {  	s18 =	rddreg [dreg:$0x8]  }
0x28: {  	[spmem:s18] =	stream.linear.scatter [tilespmem:s3], [sflag:$0xB], $0x2000, $0x38;
	[tilespmem:$0x1D800] =	vst v63  }
0x29: {  	s22 =	rddreg [dreg:$0x9]  }
0x2a: {  	[spmem:s22] =	stream.linear.scatter [tilespmem:s3], [sflag:$0xB], $0x2000, $0x38;
	[tilespmem:$0x1D800] =	vst v63  }
0x2b: {  	s25 =	rddreg [dreg:$0xa]  }
0x2c: {  	[spmem:s25] =	stream.linear.scatter [tilespmem:s3], [sflag:$0xB], $0x2000, $0x38;
	[tilespmem:$0x1D800] =	vst v63  }
0x2d: {  	s7 =	rddreg [dreg:$0xb]  }
0x2e: {  	[spmem:s7] =	stream.linear.scatter [tilespmem:s3], [sflag:$0xB], $0x2000, $0x38;
	[tilespmem:$0x1D800] =	vst v63  }
0x2f: {  	s8 =	simm.s32 $0x0;
	s9 =	rddreg [dreg:$0xc];
	s7 =	simm.s32 $0xA000  }
0x30: {  	[tilespmem:s7], [sflag:$0xC] =	stream.linear.gather [hbm4b:s9+s8], $0x2800, $0x38;
	[tilespmem:$0x1D800] =	vst v63  }
0x31: {  	_ =	swait.ge [sflag:s24], $0x2800  }
0x32: {  	[sflag:s24] =	ssyncset.done $0x0  }
0x33: {  	s11 =	rddreg [dreg:$0xd];
	[sflag:s24] =	ssyncadd.s32 $0xFFFFD800  }
0x34: {  	[tilespmem:s10], [sflag:$0xC] =	stream.linear.gather [hbm4b:s11+s8], $0x2800, $0x38;
	[tilespmem:$0x1D800] =	vst v63  }
0x35: {  	_ =	swait.ge [sflag:s24], $0x2800  }
0x36: {  	[sflag:s24] =	ssyncset.done $0x0  }
0x37: {  	s18 =	simm.s32 $0xF000;
	s17 =	rddreg [dreg:$0xe];
	[sflag:s24] =	ssyncadd.s32 $0xFFFFD800  }
0x38: {  	[tilespmem:s18], [sflag:$0xC] =	stream.linear.gather [hbm4b:s17+s8], $0x2800, $0x38;
	[tilespmem:$0x1D800] =	vst v63  }
0x39: {  	s22 =	sand.u32 $0xFE00, s8;
	_ =	swait.ge [sflag:s24], $0x2800  }
0x3a: {  	s1 =	sand.u32 $0x70, s8;
	s3 =	sshrl.u32 s22, $0x2;
	[sflag:s24] =	ssyncset.done $0x0  }
0x3b: {  	s1 =	sor.u32 s1, s3;
	[sflag:s24] =	ssyncadd.s32 $0xFFFFD800  }
0x3c: {  	v2 =	vld [tilespmem:s1+$0xC800];
	_ =	sdelay $0x2  }
0x3d: {  	s25 =	simm.s32 $0x40  }
0x3e: {  	s3 =	simm.s32 $0x10;
	s7 =	simm.s32 $0x80;
	s8 =	sand.u32 $0xFE00, s25  }
.LBB2_4:
0x3f: {  	p0 =	sne.s32 s7, $0x9FC0;
	s9 =	sand.u32 $0x70, s3;
	s8 =	sshrl.u32 s8, $0x2;
	v2 =	vadd.s32 v0, v2  }
0x40: {  	[tilespmem:s1+$0xC800] =	vst v2;
	s1 =	sor.u32 s9, s8  }
.Ltmp1:
0x41: {  	v2 =	vld [tilespmem:s1+$0xC800];
	(pc) =	sbr.rel @p0 .LBB2_4-.Ltmp1, $2  }
0x42: {  	_ =	sdelay $0x2  }
0x43: {  	s3 =	sadd.s32 $0x10, s3;
	s8 =	sand.u32 $0xFE00, s7;
	s7 =	sadd.s32 $0x40, s7  }
0x44: {  	s3 =	sand.u32 $0x70, s3;
	s7 =	sshrl.u32 s8, $0x2;
	v2 =	vadd.s32 v0, v2  }
0x45: {  	s3 =	sor.u32 s3, s7;
	[tilespmem:s1+$0xC800] =	vst v2  }
0x46: {  	v2 =	vld [tilespmem:s3+$0xC800];
	_ =	sdelay $0x4  }
0x47: {  	v2 =	vadd.s32 v0, v2  }
0x48: {  	[tilespmem:s3+$0xC800] =	vst v2  }
0x49: {  	_ =	swait.ge [sflag:s28], $0x2000  }
0x4a: {  	[sflag:s28] =	ssyncset.done $0x0  }
0x4b: {  	[sflag:s28] =	ssyncadd.s32 $0xFFFFE000  }
0x4c: {  	_ =	swait.ge [sflag:s28], $0x2000  }
0x4d: {  	[sflag:s28] =	ssyncset.done $0x0  }
0x4e: {  	[sflag:s28] =	ssyncadd.s32 $0xFFFFE000  }
0x4f: {  	_ =	swait.ge [sflag:s28], $0x2000  }
0x50: {  	[sflag:s28] =	ssyncset.done $0x0  }
0x51: {  	[sflag:s28] =	ssyncadd.s32 $0xFFFFE000  }
0x52: {  	_ =	swait.ge [sflag:s28], $0x2000  }
0x53: {  	[sflag:s28] =	ssyncset.done $0x0  }
0x54: {  	[sflag:s28] =	ssyncadd.s32 $0xFFFFE000  }
0x55: {  	_ =	swait.ge [sflag:s28], $0x2000  }
0x56: {  	[sflag:s28] =	ssyncset.done $0x0  }
0x57: {  	[sflag:s28] =	ssyncadd.s32 $0xFFFFE000  }
0x58: {  	[bflag:$0x0] =	sbarrier.arrive $0xFFFF  }
0x59: {  	[tilespmem:s30], [sflag:$0x1] =	stream.indirect.gather [hbm4b:s4+s29], $0x40, s10, s29, $0xb8;
	[tilespmem:$0x1D800] =	vst v63  }
0x5a: {  	s22 =	simm.s32 $0xC880  }
0x5b: {  	[tilespmem:s0], [sflag:$0x2] =	stream.indirect.gather [hbm4b:s4+s29], $0x40, s22, s29, $0xb8;
	[tilespmem:$0x1D800] =	vst v63  }
0x5c: {  	s25 =	simm.s32 $0xC900;
	s8 =	simm.s32 $0x0  }
0x5d: {  	[tilespmem:s15], [sflag:$0x3] =	stream.indirect.gather [hbm4b:s4+s29], $0x40, s25, s29, $0xb8;
	[tilespmem:$0x1D800] =	vst v63  }
.LBB2_6:
0x5e: {  	_ =	swait.ge [sflag:s19], $0x2000  }
0x5f: {  	p0 =	seq.s32 s8, $0x0;
	s11 =	smul.u32 $0xA00, s8;
	[sflag:s19] =	ssyncset.done $0x0  }
0x60: {  	s10 =	simm.s32 $0x11820;
	s1 =	simm.s32 @!p0 $0x9;
	[sflag:s19] =	ssyncadd.s32 $0xFFFFE000  }
0x61: {  	s18 =	simm.s32 $0x0;
	s3 =	sadd.s32 $0x600, s11;
	_ =	swait.ge @!p0 [sflag:s1], $0x2000  }
0x62: {  	s7 =	sshra.s32 s11, $0x2;
	s9 =	sshra.s32 s3, $0x2;
	[sflag:s1] =	ssyncset.done @!p0 $0x0  }
0x63: {  	s25 =	sadd.s32 $0xF000, s7;
	s22 =	sadd.s32 $0xC800, s9;
	[sflag:s1] =	ssyncadd.s32 @!p0 $0xFFFFE000  }
0x64: {  	v2 =	vmov s25;
	[tilespmem:s20], [sflag:$0x4] =	stream.indirect.gather [hbm4b:s4+s29], $0x40, s22, s29, $0xb8;
	[tilespmem:$0x1D800] =	vst v63  }
.LBB2_7:
0x65: {  	_ =	sdelay $0x2  }
0x66: {  	s1 =	sshll.u32 s18, $0x4  }
0x67: {  	v3 =	vld.idx.msk [tilespmem:v2+s1+$0x0 ss:$0x1], $0xffff;
	_ =	sdelay $0x2  }
0x68: {  	s25 =	simm.s32 $0x0;
	v4 =	vld [tilespmem:s10+$0xFFFFFFE0]  }
0x69: {  	v5 =	vld [tilespmem:s10+$0x0];
	v6 =	vmov s25  }
0x6a: {  	s3 =	simm.s32 $0x1;
	s17 =	smov.u32 s10;
	s1 =	smov.u32 s10;
	v7 =	vperm.xlane v3, v6;
	v6 =	vld [tilespmem:s10+$0x10]  }
.LBB2_8:
0x6b: {  	p1 =	sne.s32 s3, $0xF;
	v8 =	vld [tilespmem:s17+$0xFFFFFFF0]  }
0x6c: {  	v7 =	vpack.i.f32.bf16 v7, v7  }
0x6d: {  	v4 =	vmul.bf16 v4, v7  }
.Ltmp2:
0x6e: {  	v5 =	vmul.bf16 v5, v7;
	(pc) =	sbr.rel @p1 .LBB2_8-.Ltmp2, $4  }
0x6f: {  	s17 =	sadd.s32 $0x40, s17;
	[tilespmem:s1+$0xFFFFFFE0] =	vst v4;
	v6 =	vmul.bf16 v6, v7  }
0x70: {  	v4 =	vld [tilespmem:s17+$0xFFFFFFE0];
	v8 =	vmul.bf16 v8, v7;
	[tilespmem:s1+$0x0] =	vst v5  }
0x71: {  	v7 =	vmov s3;
	v5 =	vld [tilespmem:s17+$0x0];
	[tilespmem:s1+$0x10] =	vst v6  }
0x72: {  	s3 =	sadd.s32 $0x1, s3;
	v7 =	vperm.xlane v3, v7;
	v6 =	vld [tilespmem:s17+$0x10];
	[tilespmem:s1+$0xFFFFFFF0] =	vst v8;
	s1 =	smov.u32 s17  }
0x73: {  	v3 =	vld [tilespmem:s17+$0xFFFFFFF0]  }
0x74: {  	s18 =	sadd.s32 $0x1, s18;
	v7 =	vpack.i.f32.bf16 v7, v7  }
0x75: {  	p1 =	sne.s32 s18, $0x8;
	v4 =	vmul.bf16 v4, v7  }
.Ltmp3:
0x76: {  	v5 =	vmul.bf16 v5, v7;
	(pc) =	sbr.rel @p1 .LBB2_7-.Ltmp3, $4  }
0x77: {  	[tilespmem:s1+$0xFFFFFFE0] =	vst v4;
	v63 =	vmul.bf16 v6, v7  }
0x78: {  	v3 =	vmul.bf16 v3, v7;
	[tilespmem:s1+$0x0] =	vst v5  }
0x79: {  	[tilespmem:s1+$0x10] =	vst v63  }
0x7a: {  	s10 =	sadd.s32 $0x400, s10;
	[tilespmem:s1+$0xFFFFFFF0] =	vst v3  }
0x7b: {  	s1 =	sadd.s32 $0xA000, s7  }
0x7c: {  	[spmem:s2] =	stream.indirect.scatter.add.bf16 [tilespmem:s30], [sflag:$0x6], $0x40, s1, s29, $0xb8;
	[tilespmem:$0x1D800] =	vst v63  }
0x7d: {  	_ =	swait.ge [sflag:s21], $0x2000  }
0x7e: {  	[sflag:s21] =	ssyncset.done $0x0  }
0x7f: {  	s1 =	simm.s32 @!p0 $0xA;
	[sflag:s21] =	ssyncadd.s32 $0xFFFFE000  }
0x80: {  	s3 =	sadd.s32 $0x800, s11;
	s25 =	sadd.s32 $0x200, s11;
	_ =	swait.ge @!p0 [sflag:s1], $0x2000  }
0x81: {  	s10 =	sshra.s32 s3, $0x2;
	s7 =	sshra.s32 s25, $0x2;
	[sflag:s1] =	ssyncset.done @!p0 $0x0  }
0x82: {  	s22 =	sadd.s32 $0xC800, s10;
	[sflag:s1] =	ssyncadd.s32 @!p0 $0xFFFFE000;
	s1 =	sadd.s32 $0xF000, s7  }
0x83: {  	[tilespmem:s23], [sflag:$0x5] =	stream.indirect.gather [hbm4b:s4+s29], $0x40, s22, s29, $0xb8;
	[tilespmem:$0x1D800] =	vst v63  }
0x84: {  	s18 =	simm.s32 $0x0;
	s3 =	simm.s32 $0x13820;
	v2 =	vmov s1;
	s1 =	simm.s32 $0x0  }
.LBB2_11:
0x85: {  	_ =	sdelay $0x2  }
0x86: {  	s17 =	sshll.u32 s1, $0x4  }
0x87: {  	v3 =	vld.idx.msk [tilespmem:v2+s17+$0x0 ss:$0x1], $0xffff;
	_ =	sdelay $0x2  }
0x88: {  	v4 =	vld [tilespmem:s3+$0xFFFFFFE0]  }
0x89: {  	v6 =	vmov s18;
	v5 =	vld [tilespmem:s3+$0x0]  }
0x8a: {  	s22 =	simm.s32 $0x1;
	s25 =	smov.u32 s3;
	s17 =	smov.u32 s3;
	v7 =	vperm.xlane v3, v6;
	v6 =	vld [tilespmem:s3+$0x10]  }
.LBB2_12:
0x8b: {  	p0 =	sne.s32 s22, $0xF;
	v8 =	vld [tilespmem:s17+$0xFFFFFFF0]  }
0x8c: {  	v7 =	vpack.i.f32.bf16 v7, v7  }
0x8d: {  	v4 =	vmul.bf16 v4, v7  }
.Ltmp4:
0x8e: {  	v5 =	vmul.bf16 v5, v7;
	(pc) =	sbr.rel @p0 .LBB2_12-.Ltmp4, $4  }
0x8f: {  	s17 =	sadd.s32 $0x40, s17;
	[tilespmem:s25+$0xFFFFFFE0] =	vst v4;
	v6 =	vmul.bf16 v6, v7  }
0x90: {  	v4 =	vld [tilespmem:s17+$0xFFFFFFE0];
	v8 =	vmul.bf16 v8, v7;
	[tilespmem:s25+$0x0] =	vst v5  }
0x91: {  	v7 =	vmov s22;
	v5 =	vld [tilespmem:s17+$0x0];
	[tilespmem:s25+$0x10] =	vst v6  }
0x92: {  	s22 =	sadd.s32 $0x1, s22;
	v7 =	vperm.xlane v3, v7;
	v6 =	vld [tilespmem:s17+$0x10];
	[tilespmem:s25+$0xFFFFFFF0] =	vst v8;
	s25 =	smov.u32 s17  }
0x93: {  	v3 =	vld [tilespmem:s17+$0xFFFFFFF0]  }
0x94: {  	s1 =	sadd.s32 $0x1, s1;
	v7 =	vpack.i.f32.bf16 v7, v7  }
0x95: {  	p0 =	sne.s32 s1, $0x8;
	v4 =	vmul.bf16 v4, v7  }
.Ltmp5:
0x96: {  	v5 =	vmul.bf16 v5, v7;
	(pc) =	sbr.rel @p0 .LBB2_11-.Ltmp5, $4  }
0x97: {  	[tilespmem:s25+$0xFFFFFFE0] =	vst v4;
	v63 =	vmul.bf16 v6, v7  }
0x98: {  	v3 =	vmul.bf16 v3, v7;
	[tilespmem:s25+$0x0] =	vst v5  }
0x99: {  	[tilespmem:s25+$0x10] =	vst v63  }
0x9a: {  	s3 =	sadd.s32 $0x400, s3;
	[tilespmem:s25+$0xFFFFFFF0] =	vst v3  }
0x9b: {  	s1 =	sadd.s32 $0xA000, s7  }
0x9c: {  	[spmem:s2] =	stream.indirect.scatter.add.bf16 [tilespmem:s0], [sflag:$0x7], $0x40, s1, s29, $0xb8;
	[tilespmem:$0x1D800] =	vst v63  }
0x9d: {  	_ =	swait.ge [sflag:s26], $0x2000  }
0x9e: {  	[sflag:s26] =	ssyncset.done $0x0  }
0x9f: {  	[sflag:s26] =	ssyncadd.s32 $0xFFFFE000  }
0xa0: {  	p0 =	seq.s32 s8, $0xF;
	s25 =	sadd.s32 $0x400, s11;
	_ =	swait.ge [sflag:s12], $0x2000  }
0xa1: {  	s18 =	sshra.s32 @!p0 s11, $0x2;
	s3 =	simm.s32 @!p0 $0x80;
	[sflag:s12] =	ssyncset.done $0x0  }
0xa2: {  	s7 =	simm.s32 @!p0 $0x11800;
	s1 =	sadd.s32 @!p0 $0xCA80, s18;
	[sflag:s12] =	ssyncadd.s32 $0xFFFFE000  }
0xa3: {  	[tilespmem:s7], [sflag:$0x1] =	stream.indirect.gather @!p0 [hbm4b:s4+s3], $0x40, s1, s3, $0xb8;
	[tilespmem:$0x1D800] =	vst v63  }
0xa4: {  	s7 =	sshra.s32 s25, $0x2  }
0xa5: {  	s1 =	sadd.s32 $0xF000, s7  }
0xa6: {  	s11 =	simm.s32 $0x0;
	s25 =	simm.s32 $0x15820;
	v2 =	vmov s1;
	s1 =	simm.s32 $0x0  }
.LBB2_15:
0xa7: {  	_ =	sdelay $0x2  }
0xa8: {  	s3 =	sshll.u32 s1, $0x4  }
0xa9: {  	v3 =	vld.idx.msk [tilespmem:v2+s3+$0x0 ss:$0x1], $0xffff;
	_ =	sdelay $0x2  }
0xaa: {  	v4 =	vld [tilespmem:s25+$0xFFFFFFE0]  }
0xab: {  	v6 =	vmov s11;
	v5 =	vld [tilespmem:s25+$0x0]  }
0xac: {  	s22 =	simm.s32 $0x1;
	s17 =	smov.u32 s25;
	s3 =	smov.u32 s25;
	v7 =	vperm.xlane v3, v6;
	v6 =	vld [tilespmem:s25+$0x10]  }
.LBB2_16:
0xad: {  	p1 =	sne.s32 s22, $0xF;
	v8 =	vld [tilespmem:s3+$0xFFFFFFF0]  }
0xae: {  	v7 =	vpack.i.f32.bf16 v7, v7  }
0xaf: {  	v4 =	vmul.bf16 v4, v7  }
.Ltmp6:
0xb0: {  	v5 =	vmul.bf16 v5, v7;
	(pc) =	sbr.rel @p1 .LBB2_16-.Ltmp6, $4  }
0xb1: {  	s3 =	sadd.s32 $0x40, s3;
	[tilespmem:s17+$0xFFFFFFE0] =	vst v4;
	v6 =	vmul.bf16 v6, v7  }
0xb2: {  	v4 =	vld [tilespmem:s3+$0xFFFFFFE0];
	v8 =	vmul.bf16 v8, v7;
	[tilespmem:s17+$0x0] =	vst v5  }
0xb3: {  	v7 =	vmov s22;
	v5 =	vld [tilespmem:s3+$0x0];
	[tilespmem:s17+$0x10] =	vst v6  }
0xb4: {  	s22 =	sadd.s32 $0x1, s22;
	v7 =	vperm.xlane v3, v7;
	v6 =	vld [tilespmem:s3+$0x10];
	[tilespmem:s17+$0xFFFFFFF0] =	vst v8;
	s17 =	smov.u32 s3  }
0xb5: {  	v3 =	vld [tilespmem:s3+$0xFFFFFFF0]  }
0xb6: {  	s1 =	sadd.s32 $0x1, s1;
	v7 =	vpack.i.f32.bf16 v7, v7  }
0xb7: {  	p1 =	sne.s32 s1, $0x8;
	v4 =	vmul.bf16 v4, v7  }
.Ltmp7:
0xb8: {  	v5 =	vmul.bf16 v5, v7;
	(pc) =	sbr.rel @p1 .LBB2_15-.Ltmp7, $4  }
0xb9: {  	[tilespmem:s17+$0xFFFFFFE0] =	vst v4;
	v63 =	vmul.bf16 v6, v7  }
0xba: {  	v3 =	vmul.bf16 v3, v7;
	[tilespmem:s17+$0x0] =	vst v5  }
0xbb: {  	[tilespmem:s17+$0x10] =	vst v63  }
0xbc: {  	s25 =	sadd.s32 $0x400, s25;
	[tilespmem:s17+$0xFFFFFFF0] =	vst v3  }
0xbd: {  	s1 =	sadd.s32 $0xA000, s7  }
0xbe: {  	[spmem:s2] =	stream.indirect.scatter.add.bf16 [tilespmem:s15], [sflag:$0x8], $0x40, s1, s29, $0xb8;
	[tilespmem:$0x1D800] =	vst v63  }
0xbf: {  	_ =	swait.ge [sflag:s13], $0x2000  }
0xc0: {  	[sflag:s13] =	ssyncset.done $0x0  }
0xc1: {  	[sflag:s13] =	ssyncadd.s32 $0xFFFFE000  }
0xc2: {  	_ =	swait.ge [sflag:s14], $0x2000  }
0xc3: {  	s3 =	simm.s32 @!p0 $0x80;
	s7 =	simm.s32 @!p0 $0x13800;
	[sflag:s14] =	ssyncset.done $0x0  }
0xc4: {  	s25 =	sadd.s32 $0xF000, s9;
	s1 =	sadd.s32 @!p0 $0xCB00, s18;
	[sflag:s14] =	ssyncadd.s32 $0xFFFFE000  }
0xc5: {  	[tilespmem:s7], [sflag:$0x2] =	stream.indirect.gather @!p0 [hbm4b:s4+s3], $0x40, s1, s3, $0xb8;
	[tilespmem:$0x1D800] =	vst v63  }
0xc6: {  	s11 =	simm.s32 $0x17820;
	v2 =	vmov s25;
	s7 =	simm.s32 $0x0;
	s1 =	simm.s32 $0x0  }
.LBB2_19:
0xc7: {  	_ =	sdelay $0x2  }
0xc8: {  	s3 =	sshll.u32 s1, $0x4  }
0xc9: {  	v3 =	vld.idx.msk [tilespmem:v2+s3+$0x0 ss:$0x1], $0xffff;
	_ =	sdelay $0x2  }
0xca: {  	v4 =	vld [tilespmem:s11+$0xFFFFFFE0]  }
0xcb: {  	v6 =	vmov s7;
	v5 =	vld [tilespmem:s11+$0x0]  }
0xcc: {  	s22 =	simm.s32 $0x1;
	s17 =	smov.u32 s11;
	s3 =	smov.u32 s11;
	v7 =	vperm.xlane v3, v6;
	v6 =	vld [tilespmem:s11+$0x10]  }
.LBB2_20:
0xcd: {  	p1 =	sne.s32 s22, $0xF;
	v8 =	vld [tilespmem:s3+$0xFFFFFFF0]  }
0xce: {  	v7 =	vpack.i.f32.bf16 v7, v7  }
0xcf: {  	v4 =	vmul.bf16 v4, v7  }
.Ltmp8:
0xd0: {  	v5 =	vmul.bf16 v5, v7;
	(pc) =	sbr.rel @p1 .LBB2_20-.Ltmp8, $4  }
0xd1: {  	s3 =	sadd.s32 $0x40, s3;
	[tilespmem:s17+$0xFFFFFFE0] =	vst v4;
	v6 =	vmul.bf16 v6, v7  }
0xd2: {  	v4 =	vld [tilespmem:s3+$0xFFFFFFE0];
	v8 =	vmul.bf16 v8, v7;
	[tilespmem:s17+$0x0] =	vst v5  }
0xd3: {  	v7 =	vmov s22;
	v5 =	vld [tilespmem:s3+$0x0];
	[tilespmem:s17+$0x10] =	vst v6  }
0xd4: {  	s22 =	sadd.s32 $0x1, s22;
	v7 =	vperm.xlane v3, v7;
	v6 =	vld [tilespmem:s3+$0x10];
	[tilespmem:s17+$0xFFFFFFF0] =	vst v8;
	s17 =	smov.u32 s3  }
0xd5: {  	v3 =	vld [tilespmem:s3+$0xFFFFFFF0]  }
0xd6: {  	s1 =	sadd.s32 $0x1, s1;
	v7 =	vpack.i.f32.bf16 v7, v7  }
0xd7: {  	p1 =	sne.s32 s1, $0x8;
	v4 =	vmul.bf16 v4, v7  }
.Ltmp9:
0xd8: {  	v5 =	vmul.bf16 v5, v7;
	(pc) =	sbr.rel @p1 .LBB2_19-.Ltmp9, $4  }
0xd9: {  	[tilespmem:s17+$0xFFFFFFE0] =	vst v4;
	v63 =	vmul.bf16 v6, v7  }
0xda: {  	v3 =	vmul.bf16 v3, v7;
	[tilespmem:s17+$0x0] =	vst v5  }
0xdb: {  	[tilespmem:s17+$0x10] =	vst v63  }
0xdc: {  	s11 =	sadd.s32 $0x400, s11;
	[tilespmem:s17+$0xFFFFFFF0] =	vst v3  }
0xdd: {  	s1 =	sadd.s32 $0xA000, s9  }
0xde: {  	[spmem:s2] =	stream.indirect.scatter.add.bf16 [tilespmem:s20], [sflag:$0x9], $0x40, s1, s29, $0xb8;
	[tilespmem:$0x1D800] =	vst v63  }
0xdf: {  	_ =	swait.ge [sflag:s31], $0x2000  }
0xe0: {  	[sflag:s31] =	ssyncset.done $0x0  }
0xe1: {  	[sflag:s31] =	ssyncadd.s32 $0xFFFFE000  }
0xe2: {  	_ =	swait.ge [sflag:s16], $0x2000  }
0xe3: {  	s3 =	simm.s32 @!p0 $0x80;
	s7 =	simm.s32 @!p0 $0x15800;
	[sflag:s16] =	ssyncset.done $0x0  }
0xe4: {  	s25 =	sadd.s32 $0xF000, s10;
	s1 =	sadd.s32 @!p0 $0xCB80, s18;
	[sflag:s16] =	ssyncadd.s32 $0xFFFFE000  }
0xe5: {  	[tilespmem:s7], [sflag:$0x3] =	stream.indirect.gather @!p0 [hbm4b:s4+s3], $0x40, s1, s3, $0xb8;
	[tilespmem:$0x1D800] =	vst v63  }
0xe6: {  	s9 =	simm.s32 $0x19820;
	v2 =	vmov s25;
	s7 =	simm.s32 $0x0;
	s1 =	simm.s32 $0x0  }
.LBB2_23:
0xe7: {  	_ =	sdelay $0x2  }
0xe8: {  	s3 =	sshll.u32 s1, $0x4  }
0xe9: {  	v3 =	vld.idx.msk [tilespmem:v2+s3+$0x0 ss:$0x1], $0xffff;
	_ =	sdelay $0x2  }
0xea: {  	v4 =	vld [tilespmem:s9+$0xFFFFFFE0]  }
0xeb: {  	v6 =	vmov s7;
	v5 =	vld [tilespmem:s9+$0x0]  }
0xec: {  	s17 =	simm.s32 $0x1;
	s11 =	smov.u32 s9;
	s3 =	smov.u32 s9;
	v7 =	vperm.xlane v3, v6;
	v6 =	vld [tilespmem:s9+$0x10]  }
.LBB2_24:
0xed: {  	p0 =	sne.s32 s17, $0xF;
	v8 =	vld [tilespmem:s3+$0xFFFFFFF0]  }
0xee: {  	v7 =	vpack.i.f32.bf16 v7, v7  }
0xef: {  	v4 =	vmul.bf16 v4, v7  }
.Ltmp10:
0xf0: {  	v5 =	vmul.bf16 v5, v7;
	(pc) =	sbr.rel @p0 .LBB2_24-.Ltmp10, $4  }
0xf1: {  	s3 =	sadd.s32 $0x40, s3;
	[tilespmem:s11+$0xFFFFFFE0] =	vst v4;
	v6 =	vmul.bf16 v6, v7  }
0xf2: {  	v4 =	vld [tilespmem:s3+$0xFFFFFFE0];
	v8 =	vmul.bf16 v8, v7;
	[tilespmem:s11+$0x0] =	vst v5  }
0xf3: {  	v7 =	vmov s17;
	v5 =	vld [tilespmem:s3+$0x0];
	[tilespmem:s11+$0x10] =	vst v6  }
0xf4: {  	s17 =	sadd.s32 $0x1, s17;
	v7 =	vperm.xlane v3, v7;
	v6 =	vld [tilespmem:s3+$0x10];
	[tilespmem:s11+$0xFFFFFFF0] =	vst v8;
	s11 =	smov.u32 s3  }
0xf5: {  	v3 =	vld [tilespmem:s3+$0xFFFFFFF0]  }
0xf6: {  	s1 =	sadd.s32 $0x1, s1;
	v7 =	vpack.i.f32.bf16 v7, v7  }
0xf7: {  	p0 =	sne.s32 s1, $0x8;
	v4 =	vmul.bf16 v4, v7  }
.Ltmp11:
0xf8: {  	v5 =	vmul.bf16 v5, v7;
	(pc) =	sbr.rel @p0 .LBB2_23-.Ltmp11, $4  }
0xf9: {  	[tilespmem:s11+$0xFFFFFFE0] =	vst v4;
	v63 =	vmul.bf16 v6, v7  }
0xfa: {  	v3 =	vmul.bf16 v3, v7;
	[tilespmem:s11+$0x0] =	vst v5  }
0xfb: {  	[tilespmem:s11+$0x10] =	vst v63  }
0xfc: {  	s9 =	sadd.s32 $0x400, s9;
	[tilespmem:s11+$0xFFFFFFF0] =	vst v3  }
0xfd: {  	s8 =	sadd.s32 $0x1, s8  }
0xfe: {  	p0 =	sne.s32 s8, $0x10  }
.Ltmp12:
0xff: {  	_ = 	snop;
	(pc) =	sbr.rel @p0 .LBB2_6-.Ltmp12, $3  }
0x100: {  	_ =	sdelay $0x1  }
0x101: {  	s1 =	sadd.s32 $0xA000, s10  }
0x102: {  	[spmem:s2] =	stream.indirect.scatter.add.bf16 [tilespmem:s23], [sflag:$0xA], $0x40, s1, s29, $0xb8;
	[tilespmem:$0x1D800] =	vst v63  }
0x103: {  	s1 =	simm.s32 $0x9  }
0x104: {  	_ =	swait.ge [sflag:s1], $0x2000  }
0x105: {  	[sflag:s1] =	ssyncset.done $0x0  }
0x106: {  	s9 =	simm.s32 $0xA;
	[sflag:s1] =	ssyncadd.s32 $0xFFFFE000  }
0x107: {  	_ =	swait.ge [sflag:s9], $0x2000  }
0x108: {  	[sflag:s9] =	ssyncset.done $0x0  }
0x109: {  	[sflag:s9] =	ssyncadd.s32 $0xFFFFE000  }
0x10a: {  	s10 =	stileid.u32;
	[bflag:$0x0] =	sbarrier.arrive $0xFFFF  }
0x10b: {  	s1 =	sshll.u32 s10, $0x6;
	s11 =	rddreg [dreg:$0x7]  }
0x10c: {  	s7 =	sor.u32 $0x1C0C, s1;
	s3 =	rddreg [dreg:$0xf]  }
0x10d: {  	[dreg:$0x16] =	wrdreg s7;
	s8 =	sshrl.u32 s11, $0x3  }
0x10e: {  	[dreg:$0x17] =	wrdreg s8  }
0x10f: {  	[hbm:s3], [sflag:s7] =	dma.local [spmem:s8], $0x1400  }
0x110: {  	_ =	swait.ge [sflag:s24], $0x1400  }
0x111: {  	[sflag:s24] =	ssyncset.done $0x0  }
0x112: {  	s17 =	simm.s32 $0x1B800;
	[sflag:s24] =	ssyncadd.s32 $0xFFFFEC00  }
0x113: {  	[spmem:s11] =	stream.linear.scatter [tilespmem:s17], [sflag:$0xB], $0x2000, $0x38;
	[tilespmem:$0x1D800] =	vst v63  }
0x114: {  	s18 =	rddreg [dreg:$0x8]  }
0x115: {  	[spmem:s18] =	stream.linear.scatter [tilespmem:s17], [sflag:$0xB], $0x2000, $0x38;
	[tilespmem:$0x1D800] =	vst v63  }
0x116: {  	s22 =	rddreg [dreg:$0x9]  }
0x117: {  	[spmem:s22] =	stream.linear.scatter [tilespmem:s17], [sflag:$0xB], $0x2000, $0x38;
	[tilespmem:$0x1D800] =	vst v63  }
0x118: {  	s25 =	rddreg [dreg:$0xa]  }
0x119: {  	[spmem:s25] =	stream.linear.scatter [tilespmem:s17], [sflag:$0xB], $0x2000, $0x38;
	[tilespmem:$0x1D800] =	vst v63  }
0x11a: {  	s7 =	rddreg [dreg:$0xb]  }
0x11b: {  	[spmem:s7] =	stream.linear.scatter [tilespmem:s17], [sflag:$0xB], $0x2000, $0x38;
	[tilespmem:$0x1D800] =	vst v63  }
0x11c: {  	s10 =	simm.s32 $0xA000;
	s8 =	simm.s32 $0x0;
	s9 =	rddreg [dreg:$0x10]  }
0x11d: {  	[tilespmem:s10], [sflag:$0xC] =	stream.linear.gather [hbm4b:s9+s8], $0x2800, $0x38;
	[tilespmem:$0x1D800] =	vst v63  }
0x11e: {  	_ =	swait.ge [sflag:s24], $0x2800  }
0x11f: {  	[sflag:s24] =	ssyncset.done $0x0  }
0x120: {  	s10 =	simm.s32 $0xC800;
	s11 =	rddreg [dreg:$0x11];
	[sflag:s24] =	ssyncadd.s32 $0xFFFFD800  }
0x121: {  	[tilespmem:s10], [sflag:$0xC] =	stream.linear.gather [hbm4b:s11+s8], $0x2800, $0x38;
	[tilespmem:$0x1D800] =	vst v63  }
0x122: {  	_ =	swait.ge [sflag:s24], $0x2800  }
0x123: {  	[sflag:s24] =	ssyncset.done $0x0  }
0x124: {  	s18 =	simm.s32 $0xF000;
	s17 =	rddreg [dreg:$0x12];
	[sflag:s24] =	ssyncadd.s32 $0xFFFFD800  }
0x125: {  	[tilespmem:s18], [sflag:$0xC] =	stream.linear.gather [hbm4b:s17+s8], $0x2800, $0x38;
	[tilespmem:$0x1D800] =	vst v63  }
0x126: {  	s22 =	sand.u32 $0xFE00, s8;
	_ =	swait.ge [sflag:s24], $0x2800  }
0x127: {  	s1 =	sand.u32 $0x70, s8;
	s3 =	sshrl.u32 s22, $0x2;
	[sflag:s24] =	ssyncset.done $0x0  }
0x128: {  	s1 =	sor.u32 s1, s3;
	[sflag:s24] =	ssyncadd.s32 $0xFFFFD800  }
0x129: {  	v2 =	vld [tilespmem:s1+$0xC800];
	_ =	sdelay $0x2  }
0x12a: {  	s25 =	simm.s32 $0x40  }
0x12b: {  	s3 =	simm.s32 $0x10;
	s7 =	simm.s32 $0x80;
	s8 =	sand.u32 $0xFE00, s25  }
.LBB2_28:
0x12c: {  	p0 =	sne.s32 s7, $0x9FC0;
	s9 =	sand.u32 $0x70, s3;
	s8 =	sshrl.u32 s8, $0x2;
	v2 =	vadd.s32 v0, v2  }
0x12d: {  	[tilespmem:s1+$0xC800] =	vst v2;
	s1 =	sor.u32 s9, s8  }
.Ltmp13:
0x12e: {  	v2 =	vld [tilespmem:s1+$0xC800];
	(pc) =	sbr.rel @p0 .LBB2_28-.Ltmp13, $2  }
0x12f: {  	_ =	sdelay $0x2  }
0x130: {  	s3 =	sadd.s32 $0x10, s3;
	s8 =	sand.u32 $0xFE00, s7;
	s7 =	sadd.s32 $0x40, s7  }
0x131: {  	s3 =	sand.u32 $0x70, s3;
	s7 =	sshrl.u32 s8, $0x2;
	v2 =	vadd.s32 v0, v2  }
0x132: {  	s3 =	sor.u32 s3, s7;
	[tilespmem:s1+$0xC800] =	vst v2  }
0x133: {  	v2 =	vld [tilespmem:s3+$0xC800];
	_ =	sdelay $0x4  }
0x134: {  	v2 =	vadd.s32 v0, v2  }
0x135: {  	[tilespmem:s3+$0xC800] =	vst v2  }
0x136: {  	_ =	swait.ge [sflag:s28], $0x2000  }
0x137: {  	[sflag:s28] =	ssyncset.done $0x0  }
0x138: {  	[sflag:s28] =	ssyncadd.s32 $0xFFFFE000  }
0x139: {  	_ =	swait.ge [sflag:s28], $0x2000  }
0x13a: {  	[sflag:s28] =	ssyncset.done $0x0  }
0x13b: {  	[sflag:s28] =	ssyncadd.s32 $0xFFFFE000  }
0x13c: {  	_ =	swait.ge [sflag:s28], $0x2000  }
0x13d: {  	[sflag:s28] =	ssyncset.done $0x0  }
0x13e: {  	[sflag:s28] =	ssyncadd.s32 $0xFFFFE000  }
0x13f: {  	_ =	swait.ge [sflag:s28], $0x2000  }
0x140: {  	[sflag:s28] =	ssyncset.done $0x0  }
0x141: {  	[sflag:s28] =	ssyncadd.s32 $0xFFFFE000  }
0x142: {  	_ =	swait.ge [sflag:s28], $0x2000  }
0x143: {  	[sflag:s28] =	ssyncset.done $0x0  }
0x144: {  	[sflag:s28] =	ssyncadd.s32 $0xFFFFE000  }
0x145: {  	[bflag:$0x0] =	sbarrier.arrive $0xFFFF  }
0x146: {  	[tilespmem:s30], [sflag:$0x1] =	stream.indirect.gather [hbm4b:s4+s29], $0x40, s10, s29, $0xb8;
	[tilespmem:$0x1D800] =	vst v63  }
0x147: {  	s22 =	simm.s32 $0xC880  }
0x148: {  	[tilespmem:s0], [sflag:$0x2] =	stream.indirect.gather [hbm4b:s4+s29], $0x40, s22, s29, $0xb8;
	[tilespmem:$0x1D800] =	vst v63  }
0x149: {  	s25 =	simm.s32 $0xC900;
	s9 =	simm.s32 $0x0  }
0x14a: {  	[tilespmem:s15], [sflag:$0x3] =	stream.indirect.gather [hbm4b:s4+s29], $0x40, s25, s29, $0xb8;
	[tilespmem:$0x1D800] =	vst v63  }
.LBB2_30:
0x14b: {  	_ =	swait.ge [sflag:s19], $0x2000  }
0x14c: {  	p0 =	seq.s32 s9, $0x0;
	s25 =	smul.u32 $0xA00, s9;
	[sflag:s19] =	ssyncset.done $0x0  }
0x14d: {  	s11 =	simm.s32 $0x11820;
	s1 =	simm.s32 @!p0 $0x9;
	[sflag:s19] =	ssyncadd.s32 $0xFFFFE000  }
0x14e: {  	s8 =	simm.s32 $0x0;
	s3 =	sadd.s32 $0x600, s25;
	_ =	swait.ge @!p0 [sflag:s1], $0x2000  }
0x14f: {  	s7 =	sshra.s32 s25, $0x2;
	s10 =	sshra.s32 s3, $0x2;
	[sflag:s1] =	ssyncset.done @!p0 $0x0  }
0x150: {  	s22 =	sadd.s32 $0xF000, s7;
	s18 =	sadd.s32 $0xC800, s10;
	[sflag:s1] =	ssyncadd.s32 @!p0 $0xFFFFE000  }
0x151: {  	v2 =	vmov s22;
	[tilespmem:s20], [sflag:$0x4] =	stream.indirect.gather [hbm4b:s4+s29], $0x40, s18, s29, $0xb8;
	[tilespmem:$0x1D800] =	vst v63  }
.LBB2_31:
0x152: {  	_ =	sdelay $0x2  }
0x153: {  	s1 =	sshll.u32 s8, $0x4  }
0x154: {  	v3 =	vld.idx.msk [tilespmem:v2+s1+$0x0 ss:$0x1], $0xffff;
	_ =	sdelay $0x2  }
0x155: {  	s22 =	simm.s32 $0x0;
	v4 =	vld [tilespmem:s11+$0xFFFFFFE0]  }
0x156: {  	v5 =	vld [tilespmem:s11+$0x0];
	v6 =	vmov s22  }
0x157: {  	s17 =	simm.s32 $0x1;
	s3 =	smov.u32 s11;
	s1 =	smov.u32 s11;
	v7 =	vperm.xlane v3, v6;
	v6 =	vld [tilespmem:s11+$0x10]  }
.LBB2_32:
0x158: {  	p1 =	sne.s32 s17, $0xF;
	v8 =	vld [tilespmem:s3+$0xFFFFFFF0]  }
0x159: {  	v7 =	vpack.i.f32.bf16 v7, v7  }
0x15a: {  	v4 =	vmul.bf16 v4, v7  }
.Ltmp14:
0x15b: {  	v5 =	vmul.bf16 v5, v7;
	(pc) =	sbr.rel @p1 .LBB2_32-.Ltmp14, $4  }
0x15c: {  	s3 =	sadd.s32 $0x40, s3;
	[tilespmem:s1+$0xFFFFFFE0] =	vst v4;
	v6 =	vmul.bf16 v6, v7  }
0x15d: {  	v4 =	vld [tilespmem:s3+$0xFFFFFFE0];
	v8 =	vmul.bf16 v8, v7;
	[tilespmem:s1+$0x0] =	vst v5  }
0x15e: {  	v7 =	vmov s17;
	v5 =	vld [tilespmem:s3+$0x0];
	[tilespmem:s1+$0x10] =	vst v6  }
0x15f: {  	s17 =	sadd.s32 $0x1, s17;
	v7 =	vperm.xlane v3, v7;
	v6 =	vld [tilespmem:s3+$0x10];
	[tilespmem:s1+$0xFFFFFFF0] =	vst v8;
	s1 =	smov.u32 s3  }
0x160: {  	v3 =	vld [tilespmem:s3+$0xFFFFFFF0]  }
0x161: {  	s8 =	sadd.s32 $0x1, s8;
	v7 =	vpack.i.f32.bf16 v7, v7  }
0x162: {  	p1 =	sne.s32 s8, $0x8;
	v4 =	vmul.bf16 v4, v7  }
.Ltmp15:
0x163: {  	v5 =	vmul.bf16 v5, v7;
	(pc) =	sbr.rel @p1 .LBB2_31-.Ltmp15, $4  }
0x164: {  	[tilespmem:s1+$0xFFFFFFE0] =	vst v4;
	v63 =	vmul.bf16 v6, v7  }
0x165: {  	v3 =	vmul.bf16 v3, v7;
	[tilespmem:s1+$0x0] =	vst v5  }
0x166: {  	[tilespmem:s1+$0x10] =	vst v63  }
0x167: {  	s11 =	sadd.s32 $0x400, s11;
	[tilespmem:s1+$0xFFFFFFF0] =	vst v3  }
0x168: {  	s1 =	sadd.s32 $0xA000, s7  }
0x169: {  	[spmem:s2] =	stream.indirect.scatter.add.bf16 [tilespmem:s30], [sflag:$0x6], $0x40, s1, s29, $0xb8;
	[tilespmem:$0x1D800] =	vst v63  }
0x16a: {  	_ =	swait.ge [sflag:s21], $0x2000  }
0x16b: {  	[sflag:s21] =	ssyncset.done $0x0  }
0x16c: {  	s1 =	simm.s32 @!p0 $0xA;
	[sflag:s21] =	ssyncadd.s32 $0xFFFFE000  }
0x16d: {  	s3 =	sadd.s32 $0x800, s25;
	s22 =	sadd.s32 $0x200, s25;
	_ =	swait.ge @!p0 [sflag:s1], $0x2000  }
0x16e: {  	s11 =	sshra.s32 s3, $0x2;
	s7 =	sshra.s32 s22, $0x2;
	[sflag:s1] =	ssyncset.done @!p0 $0x0  }
0x16f: {  	s18 =	sadd.s32 $0xC800, s11;
	[sflag:s1] =	ssyncadd.s32 @!p0 $0xFFFFE000;
	s1 =	sadd.s32 $0xF000, s7  }
0x170: {  	[tilespmem:s23], [sflag:$0x5] =	stream.indirect.gather [hbm4b:s4+s29], $0x40, s18, s29, $0xb8;
	[tilespmem:$0x1D800] =	vst v63  }
0x171: {  	s8 =	simm.s32 $0x13820;
	s18 =	simm.s32 $0x0;
	v2 =	vmov s1;
	s1 =	simm.s32 $0x0  }
.LBB2_35:
0x172: {  	_ =	sdelay $0x2  }
0x173: {  	s3 =	sshll.u32 s1, $0x4  }
0x174: {  	v3 =	vld.idx.msk [tilespmem:v2+s3+$0x0 ss:$0x1], $0xffff;
	_ =	sdelay $0x2  }
0x175: {  	v4 =	vld [tilespmem:s8+$0xFFFFFFE0]  }
0x176: {  	v6 =	vmov s18;
	v5 =	vld [tilespmem:s8+$0x0]  }
0x177: {  	s22 =	simm.s32 $0x1;
	s17 =	smov.u32 s8;
	s3 =	smov.u32 s8;
	v7 =	vperm.xlane v3, v6;
	v6 =	vld [tilespmem:s8+$0x10]  }
.LBB2_36:
0x178: {  	p0 =	sne.s32 s22, $0xF;
	v8 =	vld [tilespmem:s3+$0xFFFFFFF0]  }
0x179: {  	v7 =	vpack.i.f32.bf16 v7, v7  }
0x17a: {  	v4 =	vmul.bf16 v4, v7  }
.Ltmp16:
0x17b: {  	v5 =	vmul.bf16 v5, v7;
	(pc) =	sbr.rel @p0 .LBB2_36-.Ltmp16, $4  }
0x17c: {  	s3 =	sadd.s32 $0x40, s3;
	[tilespmem:s17+$0xFFFFFFE0] =	vst v4;
	v6 =	vmul.bf16 v6, v7  }
0x17d: {  	v4 =	vld [tilespmem:s3+$0xFFFFFFE0];
	v8 =	vmul.bf16 v8, v7;
	[tilespmem:s17+$0x0] =	vst v5  }
0x17e: {  	v7 =	vmov s22;
	v5 =	vld [tilespmem:s3+$0x0];
	[tilespmem:s17+$0x10] =	vst v6  }
0x17f: {  	s22 =	sadd.s32 $0x1, s22;
	v7 =	vperm.xlane v3, v7;
	v6 =	vld [tilespmem:s3+$0x10];
	[tilespmem:s17+$0xFFFFFFF0] =	vst v8;
	s17 =	smov.u32 s3  }
0x180: {  	v3 =	vld [tilespmem:s3+$0xFFFFFFF0]  }
0x181: {  	s1 =	sadd.s32 $0x1, s1;
	v7 =	vpack.i.f32.bf16 v7, v7  }
0x182: {  	p0 =	sne.s32 s1, $0x8;
	v4 =	vmul.bf16 v4, v7  }
.Ltmp17:
0x183: {  	v5 =	vmul.bf16 v5, v7;
	(pc) =	sbr.rel @p0 .LBB2_35-.Ltmp17, $4  }
0x184: {  	[tilespmem:s17+$0xFFFFFFE0] =	vst v4;
	v63 =	vmul.bf16 v6, v7  }
0x185: {  	v3 =	vmul.bf16 v3, v7;
	[tilespmem:s17+$0x0] =	vst v5  }
0x186: {  	[tilespmem:s17+$0x10] =	vst v63  }
0x187: {  	s8 =	sadd.s32 $0x400, s8;
	[tilespmem:s17+$0xFFFFFFF0] =	vst v3  }
0x188: {  	s1 =	sadd.s32 $0xA000, s7  }
0x189: {  	[spmem:s2] =	stream.indirect.scatter.add.bf16 [tilespmem:s0], [sflag:$0x7], $0x40, s1, s29, $0xb8;
	[tilespmem:$0x1D800] =	vst v63  }
0x18a: {  	_ =	swait.ge [sflag:s26], $0x2000  }
0x18b: {  	[sflag:s26] =	ssyncset.done $0x0  }
0x18c: {  	p0 =	seq.s32 s9, $0xF;
	[sflag:s26] =	ssyncadd.s32 $0xFFFFE000  }
0x18d: {  	s7 =	sshra.s32 @!p0 s25, $0x2;
	s3 =	simm.s32 @!p0 $0x80;
	_ =	swait.ge [sflag:s12], $0x2000  }
0x18e: {  	s8 =	simm.s32 @!p0 $0x11800;
	s25 =	sadd.s32 $0x400, s25;
	[sflag:s12] =	ssyncset.done $0x0  }
0x18f: {  	s1 =	sadd.s32 @!p0 $0xCA80, s7;
	s25 =	sshra.s32 s25, $0x2;
	[sflag:s12] =	ssyncadd.s32 $0xFFFFE000  }
0x190: {  	[tilespmem:s8], [sflag:$0x1] =	stream.indirect.gather @!p0 [hbm4b:s4+s3], $0x40, s1, s3, $0xb8;
	[tilespmem:$0x1D800] =	vst v63  }
0x191: {  	s1 =	sadd.s32 $0xF000, s25  }
0x192: {  	s18 =	simm.s32 $0x0;
	s8 =	simm.s32 $0x15820;
	v2 =	vmov s1;
	s1 =	simm.s32 $0x0  }
.LBB2_39:
0x193: {  	_ =	sdelay $0x2  }
0x194: {  	s3 =	sshll.u32 s1, $0x4  }
0x195: {  	v3 =	vld.idx.msk [tilespmem:v2+s3+$0x0 ss:$0x1], $0xffff;
	_ =	sdelay $0x2  }
0x196: {  	v4 =	vld [tilespmem:s8+$0xFFFFFFE0]  }
0x197: {  	v6 =	vmov s18;
	v5 =	vld [tilespmem:s8+$0x0]  }
0x198: {  	s22 =	simm.s32 $0x1;
	s17 =	smov.u32 s8;
	s3 =	smov.u32 s8;
	v7 =	vperm.xlane v3, v6;
	v6 =	vld [tilespmem:s8+$0x10]  }
.LBB2_40:
0x199: {  	p1 =	sne.s32 s22, $0xF;
	v8 =	vld [tilespmem:s3+$0xFFFFFFF0]  }
0x19a: {  	v7 =	vpack.i.f32.bf16 v7, v7  }
0x19b: {  	v4 =	vmul.bf16 v4, v7  }
.Ltmp18:
0x19c: {  	v5 =	vmul.bf16 v5, v7;
	(pc) =	sbr.rel @p1 .LBB2_40-.Ltmp18, $4  }
0x19d: {  	s3 =	sadd.s32 $0x40, s3;
	[tilespmem:s17+$0xFFFFFFE0] =	vst v4;
	v6 =	vmul.bf16 v6, v7  }
0x19e: {  	v4 =	vld [tilespmem:s3+$0xFFFFFFE0];
	v8 =	vmul.bf16 v8, v7;
	[tilespmem:s17+$0x0] =	vst v5  }
0x19f: {  	v7 =	vmov s22;
	v5 =	vld [tilespmem:s3+$0x0];
	[tilespmem:s17+$0x10] =	vst v6  }
0x1a0: {  	s22 =	sadd.s32 $0x1, s22;
	v7 =	vperm.xlane v3, v7;
	v6 =	vld [tilespmem:s3+$0x10];
	[tilespmem:s17+$0xFFFFFFF0] =	vst v8;
	s17 =	smov.u32 s3  }
0x1a1: {  	v3 =	vld [tilespmem:s3+$0xFFFFFFF0]  }
0x1a2: {  	s1 =	sadd.s32 $0x1, s1;
	v7 =	vpack.i.f32.bf16 v7, v7  }
0x1a3: {  	p1 =	sne.s32 s1, $0x8;
	v4 =	vmul.bf16 v4, v7  }
.Ltmp19:
0x1a4: {  	v5 =	vmul.bf16 v5, v7;
	(pc) =	sbr.rel @p1 .LBB2_39-.Ltmp19, $4  }
0x1a5: {  	[tilespmem:s17+$0xFFFFFFE0] =	vst v4;
	v63 =	vmul.bf16 v6, v7  }
0x1a6: {  	v3 =	vmul.bf16 v3, v7;
	[tilespmem:s17+$0x0] =	vst v5  }
0x1a7: {  	[tilespmem:s17+$0x10] =	vst v63  }
0x1a8: {  	s8 =	sadd.s32 $0x400, s8;
	[tilespmem:s17+$0xFFFFFFF0] =	vst v3  }
0x1a9: {  	s1 =	sadd.s32 $0xA000, s25  }
0x1aa: {  	[spmem:s2] =	stream.indirect.scatter.add.bf16 [tilespmem:s15], [sflag:$0x8], $0x40, s1, s29, $0xb8;
	[tilespmem:$0x1D800] =	vst v63  }
0x1ab: {  	_ =	swait.ge [sflag:s13], $0x2000  }
0x1ac: {  	[sflag:s13] =	ssyncset.done $0x0  }
0x1ad: {  	[sflag:s13] =	ssyncadd.s32 $0xFFFFE000  }
0x1ae: {  	_ =	swait.ge [sflag:s14], $0x2000  }
0x1af: {  	s3 =	simm.s32 @!p0 $0x80;
	s8 =	simm.s32 @!p0 $0x13800;
	[sflag:s14] =	ssyncset.done $0x0  }
0x1b0: {  	s25 =	sadd.s32 $0xF000, s10;
	s1 =	sadd.s32 @!p0 $0xCB00, s7;
	[sflag:s14] =	ssyncadd.s32 $0xFFFFE000  }
0x1b1: {  	[tilespmem:s8], [sflag:$0x2] =	stream.indirect.gather @!p0 [hbm4b:s4+s3], $0x40, s1, s3, $0xb8;
	[tilespmem:$0x1D800] =	vst v63  }
0x1b2: {  	s18 =	simm.s32 $0x0;
	v2 =	vmov s25;
	s8 =	simm.s32 $0x17820;
	s1 =	simm.s32 $0x0  }
.LBB2_43:
0x1b3: {  	_ =	sdelay $0x2  }
0x1b4: {  	s3 =	sshll.u32 s1, $0x4  }
0x1b5: {  	v3 =	vld.idx.msk [tilespmem:v2+s3+$0x0 ss:$0x1], $0xffff;
	_ =	sdelay $0x2  }
0x1b6: {  	v4 =	vld [tilespmem:s8+$0xFFFFFFE0]  }
0x1b7: {  	v6 =	vmov s18;
	v5 =	vld [tilespmem:s8+$0x0]  }
0x1b8: {  	s22 =	simm.s32 $0x1;
	s17 =	smov.u32 s8;
	s3 =	smov.u32 s8;
	v7 =	vperm.xlane v3, v6;
	v6 =	vld [tilespmem:s8+$0x10]  }
.LBB2_44:
0x1b9: {  	p1 =	sne.s32 s22, $0xF;
	v8 =	vld [tilespmem:s3+$0xFFFFFFF0]  }
0x1ba: {  	v7 =	vpack.i.f32.bf16 v7, v7  }
0x1bb: {  	v4 =	vmul.bf16 v4, v7  }
.Ltmp20:
0x1bc: {  	v5 =	vmul.bf16 v5, v7;
	(pc) =	sbr.rel @p1 .LBB2_44-.Ltmp20, $4  }
0x1bd: {  	s3 =	sadd.s32 $0x40, s3;
	[tilespmem:s17+$0xFFFFFFE0] =	vst v4;
	v6 =	vmul.bf16 v6, v7  }
0x1be: {  	v4 =	vld [tilespmem:s3+$0xFFFFFFE0];
	v8 =	vmul.bf16 v8, v7;
	[tilespmem:s17+$0x0] =	vst v5  }
0x1bf: {  	v7 =	vmov s22;
	v5 =	vld [tilespmem:s3+$0x0];
	[tilespmem:s17+$0x10] =	vst v6  }
0x1c0: {  	s22 =	sadd.s32 $0x1, s22;
	v7 =	vperm.xlane v3, v7;
	v6 =	vld [tilespmem:s3+$0x10];
	[tilespmem:s17+$0xFFFFFFF0] =	vst v8;
	s17 =	smov.u32 s3  }
0x1c1: {  	v3 =	vld [tilespmem:s3+$0xFFFFFFF0]  }
0x1c2: {  	s1 =	sadd.s32 $0x1, s1;
	v7 =	vpack.i.f32.bf16 v7, v7  }
0x1c3: {  	p1 =	sne.s32 s1, $0x8;
	v4 =	vmul.bf16 v4, v7  }
.Ltmp21:
0x1c4: {  	v5 =	vmul.bf16 v5, v7;
	(pc) =	sbr.rel @p1 .LBB2_43-.Ltmp21, $4  }
0x1c5: {  	[tilespmem:s17+$0xFFFFFFE0] =	vst v4;
	v63 =	vmul.bf16 v6, v7  }
0x1c6: {  	v3 =	vmul.bf16 v3, v7;
	[tilespmem:s17+$0x0] =	vst v5  }
0x1c7: {  	[tilespmem:s17+$0x10] =	vst v63  }
0x1c8: {  	s8 =	sadd.s32 $0x400, s8;
	[tilespmem:s17+$0xFFFFFFF0] =	vst v3  }
0x1c9: {  	s1 =	sadd.s32 $0xA000, s10  }
0x1ca: {  	[spmem:s2] =	stream.indirect.scatter.add.bf16 [tilespmem:s20], [sflag:$0x9], $0x40, s1, s29, $0xb8;
	[tilespmem:$0x1D800] =	vst v63  }
0x1cb: {  	_ =	swait.ge [sflag:s31], $0x2000  }
0x1cc: {  	[sflag:s31] =	ssyncset.done $0x0  }
0x1cd: {  	[sflag:s31] =	ssyncadd.s32 $0xFFFFE000  }
0x1ce: {  	_ =	swait.ge [sflag:s16], $0x2000  }
0x1cf: {  	s3 =	simm.s32 @!p0 $0x80;
	s25 =	sadd.s32 $0xF000, s11;
	[sflag:s16] =	ssyncset.done $0x0  }
0x1d0: {  	s1 =	sadd.s32 @!p0 $0xCB80, s7;
	s7 =	simm.s32 @!p0 $0x15800;
	[sflag:s16] =	ssyncadd.s32 $0xFFFFE000  }
0x1d1: {  	[tilespmem:s7], [sflag:$0x3] =	stream.indirect.gather @!p0 [hbm4b:s4+s3], $0x40, s1, s3, $0xb8;
	[tilespmem:$0x1D800] =	vst v63  }
0x1d2: {  	s8 =	simm.s32 $0x19820;
	v2 =	vmov s25;
	s7 =	simm.s32 $0x0;
	s1 =	simm.s32 $0x0  }
.LBB2_47:
0x1d3: {  	_ =	sdelay $0x2  }
0x1d4: {  	s3 =	sshll.u32 s1, $0x4  }
0x1d5: {  	v3 =	vld.idx.msk [tilespmem:v2+s3+$0x0 ss:$0x1], $0xffff;
	_ =	sdelay $0x2  }
0x1d6: {  	v4 =	vld [tilespmem:s8+$0xFFFFFFE0]  }
0x1d7: {  	v6 =	vmov s7;
	v5 =	vld [tilespmem:s8+$0x0]  }
0x1d8: {  	s17 =	simm.s32 $0x1;
	s10 =	smov.u32 s8;
	s3 =	smov.u32 s8;
	v7 =	vperm.xlane v3, v6;
	v6 =	vld [tilespmem:s8+$0x10]  }
.LBB2_48:
0x1d9: {  	p0 =	sne.s32 s17, $0xF;
	v8 =	vld [tilespmem:s3+$0xFFFFFFF0]  }
0x1da: {  	v7 =	vpack.i.f32.bf16 v7, v7  }
0x1db: {  	v4 =	vmul.bf16 v4, v7  }
.Ltmp22:
0x1dc: {  	v5 =	vmul.bf16 v5, v7;
	(pc) =	sbr.rel @p0 .LBB2_48-.Ltmp22, $4  }
0x1dd: {  	s3 =	sadd.s32 $0x40, s3;
	[tilespmem:s10+$0xFFFFFFE0] =	vst v4;
	v6 =	vmul.bf16 v6, v7  }
0x1de: {  	v4 =	vld [tilespmem:s3+$0xFFFFFFE0];
	v8 =	vmul.bf16 v8, v7;
	[tilespmem:s10+$0x0] =	vst v5  }
0x1df: {  	v7 =	vmov s17;
	v5 =	vld [tilespmem:s3+$0x0];
	[tilespmem:s10+$0x10] =	vst v6  }
0x1e0: {  	s17 =	sadd.s32 $0x1, s17;
	v7 =	vperm.xlane v3, v7;
	v6 =	vld [tilespmem:s3+$0x10];
	[tilespmem:s10+$0xFFFFFFF0] =	vst v8;
	s10 =	smov.u32 s3  }
0x1e1: {  	v3 =	vld [tilespmem:s3+$0xFFFFFFF0]  }
0x1e2: {  	s1 =	sadd.s32 $0x1, s1;
	v7 =	vpack.i.f32.bf16 v7, v7  }
0x1e3: {  	p0 =	sne.s32 s1, $0x8;
	v4 =	vmul.bf16 v4, v7  }
.Ltmp23:
0x1e4: {  	v5 =	vmul.bf16 v5, v7;
	(pc) =	sbr.rel @p0 .LBB2_47-.Ltmp23, $4  }
0x1e5: {  	[tilespmem:s10+$0xFFFFFFE0] =	vst v4;
	v63 =	vmul.bf16 v6, v7  }
0x1e6: {  	v3 =	vmul.bf16 v3, v7;
	[tilespmem:s10+$0x0] =	vst v5  }
0x1e7: {  	[tilespmem:s10+$0x10] =	vst v63  }
0x1e8: {  	s8 =	sadd.s32 $0x400, s8;
	[tilespmem:s10+$0xFFFFFFF0] =	vst v3  }
0x1e9: {  	s9 =	sadd.s32 $0x1, s9  }
0x1ea: {  	p0 =	sne.s32 s9, $0x10  }
.Ltmp24:
0x1eb: {  	_ = 	snop;
	(pc) =	sbr.rel @p0 .LBB2_30-.Ltmp24, $3  }
0x1ec: {  	_ =	sdelay $0x1  }
0x1ed: {  	s1 =	sadd.s32 $0xA000, s11  }
0x1ee: {  	[spmem:s2] =	stream.indirect.scatter.add.bf16 [tilespmem:s23], [sflag:$0xA], $0x40, s1, s29, $0xb8;
	[tilespmem:$0x1D800] =	vst v63  }
0x1ef: {  	s1 =	simm.s32 $0x9  }
0x1f0: {  	_ =	swait.ge [sflag:s1], $0x2000  }
0x1f1: {  	[sflag:s1] =	ssyncset.done $0x0  }
0x1f2: {  	s9 =	simm.s32 $0xA;
	[sflag:s1] =	ssyncadd.s32 $0xFFFFE000  }
0x1f3: {  	_ =	swait.ge [sflag:s9], $0x2000  }
0x1f4: {  	[sflag:s9] =	ssyncset.done $0x0  }
0x1f5: {  	[sflag:s9] =	ssyncadd.s32 $0xFFFFE000  }
0x1f6: {  	[bflag:$0x0] =	sbarrier.arrive $0xFFFF  }
0x1f7: {  	s10 =	rddreg [dreg:$0x13]  }
0x1f8: {  	s3 =	rddreg [dreg:$0x16]  }
0x1f9: {  	s7 =	rddreg [dreg:$0x17]  }
0x1fa: {  	[hbm:s10], [sflag:s3] =	dma.local [spmem:s7], $0x1400  }
0x1fb: {  	_ =	swait.ge [sflag:s24], $0x1400  }
0x1fc: {  	[sflag:s24] =	ssyncset.done $0x0  }
0x1fd: {  	s17 =	simm.s32 $0x1B800;
	s11 =	rddreg [dreg:$0x7];
	[sflag:s24] =	ssyncadd.s32 $0xFFFFEC00  }
0x1fe: {  	[spmem:s11] =	stream.linear.scatter [tilespmem:s17], [sflag:$0xB], $0x2000, $0x38;
	[tilespmem:$0x1D800] =	vst v63  }
0x1ff: {  	s18 =	rddreg [dreg:$0x8]  }
0x200: {  	[spmem:s18] =	stream.linear.scatter [tilespmem:s17], [sflag:$0xB], $0x2000, $0x38;
	[tilespmem:$0x1D800] =	vst v63  }
0x201: {  	s22 =	rddreg [dreg:$0x9]  }
0x202: {  	[spmem:s22] =	stream.linear.scatter [tilespmem:s17], [sflag:$0xB], $0x2000, $0x38;
	[tilespmem:$0x1D800] =	vst v63  }
0x203: {  	s25 =	rddreg [dreg:$0xa]  }
0x204: {  	[spmem:s25] =	stream.linear.scatter [tilespmem:s17], [sflag:$0xB], $0x2000, $0x38;
	[tilespmem:$0x1D800] =	vst v63  }
0x205: {  	s7 =	rddreg [dreg:$0xb]  }
0x206: {  	[spmem:s7] =	stream.linear.scatter [tilespmem:s17], [sflag:$0xB], $0x2000, $0x38;
	[tilespmem:$0x1D800] =	vst v63  }
0x207: {  	s8 =	simm.s32 $0x0;
	s10 =	simm.s32 $0xA000;
	s9 =	rddreg [dreg:$0xd]  }
0x208: {  	[tilespmem:s10], [sflag:$0xC] =	stream.linear.gather [hbm4b:s9+s8], $0x2800, $0x38;
	[tilespmem:$0x1D800] =	vst v63  }
0x209: {  	_ =	swait.ge [sflag:s24], $0x2800  }
0x20a: {  	[sflag:s24] =	ssyncset.done $0x0  }
0x20b: {  	s10 =	simm.s32 $0xC800;
	s11 =	rddreg [dreg:$0xc];
	[sflag:s24] =	ssyncadd.s32 $0xFFFFD800  }
0x20c: {  	[tilespmem:s10], [sflag:$0xC] =	stream.linear.gather [hbm4b:s11+s8], $0x2800, $0x38;
	[tilespmem:$0x1D800] =	vst v63  }
0x20d: {  	_ =	swait.ge [sflag:s24], $0x2800  }
0x20e: {  	[sflag:s24] =	ssyncset.done $0x0  }
0x20f: {  	s18 =	simm.s32 $0xF000;
	s17 =	rddreg [dreg:$0xe];
	[sflag:s24] =	ssyncadd.s32 $0xFFFFD800  }
0x210: {  	[tilespmem:s18], [sflag:$0xC] =	stream.linear.gather [hbm4b:s17+s8], $0x2800, $0x38;
	[tilespmem:$0x1D800] =	vst v63  }
0x211: {  	s22 =	sand.u32 $0xFE00, s8;
	_ =	swait.ge [sflag:s24], $0x2800  }
0x212: {  	s1 =	sand.u32 $0x70, s8;
	s3 =	sshrl.u32 s22, $0x2;
	[sflag:s24] =	ssyncset.done $0x0  }
0x213: {  	s1 =	sor.u32 s1, s3;
	[sflag:s24] =	ssyncadd.s32 $0xFFFFD800  }
0x214: {  	v2 =	vld [tilespmem:s1+$0xC800];
	_ =	sdelay $0x2  }
0x215: {  	s25 =	simm.s32 $0x40  }
0x216: {  	s3 =	simm.s32 $0x10;
	s7 =	simm.s32 $0x80;
	s8 =	sand.u32 $0xFE00, s25  }
.LBB2_52:
0x217: {  	p0 =	sne.s32 s7, $0x9FC0;
	s9 =	sand.u32 $0x70, s3;
	s8 =	sshrl.u32 s8, $0x2;
	v2 =	vadd.s32 v0, v2  }
0x218: {  	[tilespmem:s1+$0xC800] =	vst v2;
	s1 =	sor.u32 s9, s8  }
.Ltmp25:
0x219: {  	v2 =	vld [tilespmem:s1+$0xC800];
	(pc) =	sbr.rel @p0 .LBB2_52-.Ltmp25, $2  }
0x21a: {  	_ =	sdelay $0x2  }
0x21b: {  	s3 =	sadd.s32 $0x10, s3;
	s8 =	sand.u32 $0xFE00, s7;
	s7 =	sadd.s32 $0x40, s7  }
0x21c: {  	s3 =	sand.u32 $0x70, s3;
	s7 =	sshrl.u32 s8, $0x2;
	v2 =	vadd.s32 v0, v2  }
0x21d: {  	s3 =	sor.u32 s3, s7;
	[tilespmem:s1+$0xC800] =	vst v2  }
0x21e: {  	v2 =	vld [tilespmem:s3+$0xC800];
	_ =	sdelay $0x4  }
0x21f: {  	v2 =	vadd.s32 v0, v2  }
0x220: {  	[tilespmem:s3+$0xC800] =	vst v2  }
0x221: {  	_ =	swait.ge [sflag:s28], $0x2000  }
0x222: {  	[sflag:s28] =	ssyncset.done $0x0  }
0x223: {  	[sflag:s28] =	ssyncadd.s32 $0xFFFFE000  }
0x224: {  	_ =	swait.ge [sflag:s28], $0x2000  }
0x225: {  	[sflag:s28] =	ssyncset.done $0x0  }
0x226: {  	[sflag:s28] =	ssyncadd.s32 $0xFFFFE000  }
0x227: {  	_ =	swait.ge [sflag:s28], $0x2000  }
0x228: {  	[sflag:s28] =	ssyncset.done $0x0  }
0x229: {  	[sflag:s28] =	ssyncadd.s32 $0xFFFFE000  }
0x22a: {  	_ =	swait.ge [sflag:s28], $0x2000  }
0x22b: {  	[sflag:s28] =	ssyncset.done $0x0  }
0x22c: {  	[sflag:s28] =	ssyncadd.s32 $0xFFFFE000  }
0x22d: {  	_ =	swait.ge [sflag:s28], $0x2000  }
0x22e: {  	[sflag:s28] =	ssyncset.done $0x0  }
0x22f: {  	[sflag:s28] =	ssyncadd.s32 $0xFFFFE000  }
0x230: {  	[bflag:$0x0] =	sbarrier.arrive $0xFFFF  }
0x231: {  	[tilespmem:s30], [sflag:$0x1] =	stream.indirect.gather [hbm4b:s5+s29], $0x40, s10, s29, $0xb8;
	[tilespmem:$0x1D800] =	vst v63  }
0x232: {  	s22 =	simm.s32 $0xC880  }
0x233: {  	[tilespmem:s0], [sflag:$0x2] =	stream.indirect.gather [hbm4b:s5+s29], $0x40, s22, s29, $0xb8;
	[tilespmem:$0x1D800] =	vst v63  }
0x234: {  	s25 =	simm.s32 $0xC900;
	s9 =	simm.s32 $0x0  }
0x235: {  	[tilespmem:s15], [sflag:$0x3] =	stream.indirect.gather [hbm4b:s5+s29], $0x40, s25, s29, $0xb8;
	[tilespmem:$0x1D800] =	vst v63  }
.LBB2_54:
0x236: {  	_ =	swait.ge [sflag:s19], $0x2000  }
0x237: {  	p0 =	seq.s32 s9, $0x0;
	s25 =	smul.u32 $0xA00, s9;
	[sflag:s19] =	ssyncset.done $0x0  }
0x238: {  	s11 =	simm.s32 $0x11820;
	s1 =	simm.s32 @!p0 $0x9;
	[sflag:s19] =	ssyncadd.s32 $0xFFFFE000  }
0x239: {  	s8 =	simm.s32 $0x0;
	s3 =	sadd.s32 $0x600, s25;
	_ =	swait.ge @!p0 [sflag:s1], $0x2000  }
0x23a: {  	s7 =	sshra.s32 s25, $0x2;
	s10 =	sshra.s32 s3, $0x2;
	[sflag:s1] =	ssyncset.done @!p0 $0x0  }
0x23b: {  	s22 =	sadd.s32 $0xF000, s7;
	s18 =	sadd.s32 $0xC800, s10;
	[sflag:s1] =	ssyncadd.s32 @!p0 $0xFFFFE000  }
0x23c: {  	v2 =	vmov s22;
	[tilespmem:s20], [sflag:$0x4] =	stream.indirect.gather [hbm4b:s5+s29], $0x40, s18, s29, $0xb8;
	[tilespmem:$0x1D800] =	vst v63  }
.LBB2_55:
0x23d: {  	_ =	sdelay $0x2  }
0x23e: {  	s1 =	sshll.u32 s8, $0x4  }
0x23f: {  	v3 =	vld.idx.msk [tilespmem:v2+s1+$0x0 ss:$0x1], $0xffff;
	_ =	sdelay $0x2  }
0x240: {  	s22 =	simm.s32 $0x0;
	v4 =	vld [tilespmem:s11+$0xFFFFFFE0]  }
0x241: {  	v5 =	vld [tilespmem:s11+$0x0];
	v6 =	vmov s22  }
0x242: {  	s17 =	simm.s32 $0x1;
	s3 =	smov.u32 s11;
	s1 =	smov.u32 s11;
	v7 =	vperm.xlane v3, v6;
	v6 =	vld [tilespmem:s11+$0x10]  }
.LBB2_56:
0x243: {  	p1 =	sne.s32 s17, $0xF;
	v8 =	vld [tilespmem:s3+$0xFFFFFFF0]  }
0x244: {  	v7 =	vpack.i.f32.bf16 v7, v7  }
0x245: {  	v4 =	vmul.bf16 v4, v7  }
.Ltmp26:
0x246: {  	v5 =	vmul.bf16 v5, v7;
	(pc) =	sbr.rel @p1 .LBB2_56-.Ltmp26, $4  }
0x247: {  	s3 =	sadd.s32 $0x40, s3;
	[tilespmem:s1+$0xFFFFFFE0] =	vst v4;
	v6 =	vmul.bf16 v6, v7  }
0x248: {  	v4 =	vld [tilespmem:s3+$0xFFFFFFE0];
	v8 =	vmul.bf16 v8, v7;
	[tilespmem:s1+$0x0] =	vst v5  }
0x249: {  	v7 =	vmov s17;
	v5 =	vld [tilespmem:s3+$0x0];
	[tilespmem:s1+$0x10] =	vst v6  }
0x24a: {  	s17 =	sadd.s32 $0x1, s17;
	v7 =	vperm.xlane v3, v7;
	v6 =	vld [tilespmem:s3+$0x10];
	[tilespmem:s1+$0xFFFFFFF0] =	vst v8;
	s1 =	smov.u32 s3  }
0x24b: {  	v3 =	vld [tilespmem:s3+$0xFFFFFFF0]  }
0x24c: {  	s8 =	sadd.s32 $0x1, s8;
	v7 =	vpack.i.f32.bf16 v7, v7  }
0x24d: {  	p1 =	sne.s32 s8, $0x8;
	v4 =	vmul.bf16 v4, v7  }
.Ltmp27:
0x24e: {  	v5 =	vmul.bf16 v5, v7;
	(pc) =	sbr.rel @p1 .LBB2_55-.Ltmp27, $4  }
0x24f: {  	[tilespmem:s1+$0xFFFFFFE0] =	vst v4;
	v63 =	vmul.bf16 v6, v7  }
0x250: {  	v3 =	vmul.bf16 v3, v7;
	[tilespmem:s1+$0x0] =	vst v5  }
0x251: {  	[tilespmem:s1+$0x10] =	vst v63  }
0x252: {  	s11 =	sadd.s32 $0x400, s11;
	[tilespmem:s1+$0xFFFFFFF0] =	vst v3  }
0x253: {  	s1 =	sadd.s32 $0xA000, s7  }
0x254: {  	[spmem:s2] =	stream.indirect.scatter.add.bf16 [tilespmem:s30], [sflag:$0x6], $0x40, s1, s29, $0xb8;
	[tilespmem:$0x1D800] =	vst v63  }
0x255: {  	_ =	swait.ge [sflag:s21], $0x2000  }
0x256: {  	[sflag:s21] =	ssyncset.done $0x0  }
0x257: {  	s1 =	simm.s32 @!p0 $0xA;
	[sflag:s21] =	ssyncadd.s32 $0xFFFFE000  }
0x258: {  	s3 =	sadd.s32 $0x800, s25;
	s22 =	sadd.s32 $0x200, s25;
	_ =	swait.ge @!p0 [sflag:s1], $0x2000  }
0x259: {  	s11 =	sshra.s32 s3, $0x2;
	s7 =	sshra.s32 s22, $0x2;
	[sflag:s1] =	ssyncset.done @!p0 $0x0  }
0x25a: {  	s18 =	sadd.s32 $0xC800, s11;
	[sflag:s1] =	ssyncadd.s32 @!p0 $0xFFFFE000;
	s1 =	sadd.s32 $0xF000, s7  }
0x25b: {  	[tilespmem:s23], [sflag:$0x5] =	stream.indirect.gather [hbm4b:s5+s29], $0x40, s18, s29, $0xb8;
	[tilespmem:$0x1D800] =	vst v63  }
0x25c: {  	s8 =	simm.s32 $0x13820;
	s18 =	simm.s32 $0x0;
	v2 =	vmov s1;
	s1 =	simm.s32 $0x0  }
.LBB2_59:
0x25d: {  	_ =	sdelay $0x2  }
0x25e: {  	s3 =	sshll.u32 s1, $0x4  }
0x25f: {  	v3 =	vld.idx.msk [tilespmem:v2+s3+$0x0 ss:$0x1], $0xffff;
	_ =	sdelay $0x2  }
0x260: {  	v4 =	vld [tilespmem:s8+$0xFFFFFFE0]  }
0x261: {  	v6 =	vmov s18;
	v5 =	vld [tilespmem:s8+$0x0]  }
0x262: {  	s22 =	simm.s32 $0x1;
	s17 =	smov.u32 s8;
	s3 =	smov.u32 s8;
	v7 =	vperm.xlane v3, v6;
	v6 =	vld [tilespmem:s8+$0x10]  }
.LBB2_60:
0x263: {  	p0 =	sne.s32 s22, $0xF;
	v8 =	vld [tilespmem:s3+$0xFFFFFFF0]  }
0x264: {  	v7 =	vpack.i.f32.bf16 v7, v7  }
0x265: {  	v4 =	vmul.bf16 v4, v7  }
.Ltmp28:
0x266: {  	v5 =	vmul.bf16 v5, v7;
	(pc) =	sbr.rel @p0 .LBB2_60-.Ltmp28, $4  }
0x267: {  	s3 =	sadd.s32 $0x40, s3;
	[tilespmem:s17+$0xFFFFFFE0] =	vst v4;
	v6 =	vmul.bf16 v6, v7  }
0x268: {  	v4 =	vld [tilespmem:s3+$0xFFFFFFE0];
	v8 =	vmul.bf16 v8, v7;
	[tilespmem:s17+$0x0] =	vst v5  }
0x269: {  	v7 =	vmov s22;
	v5 =	vld [tilespmem:s3+$0x0];
	[tilespmem:s17+$0x10] =	vst v6  }
0x26a: {  	s22 =	sadd.s32 $0x1, s22;
	v7 =	vperm.xlane v3, v7;
	v6 =	vld [tilespmem:s3+$0x10];
	[tilespmem:s17+$0xFFFFFFF0] =	vst v8;
	s17 =	smov.u32 s3  }
0x26b: {  	v3 =	vld [tilespmem:s3+$0xFFFFFFF0]  }
0x26c: {  	s1 =	sadd.s32 $0x1, s1;
	v7 =	vpack.i.f32.bf16 v7, v7  }
0x26d: {  	p0 =	sne.s32 s1, $0x8;
	v4 =	vmul.bf16 v4, v7  }
.Ltmp29:
0x26e: {  	v5 =	vmul.bf16 v5, v7;
	(pc) =	sbr.rel @p0 .LBB2_59-.Ltmp29, $4  }
0x26f: {  	[tilespmem:s17+$0xFFFFFFE0] =	vst v4;
	v63 =	vmul.bf16 v6, v7  }
0x270: {  	v3 =	vmul.bf16 v3, v7;
	[tilespmem:s17+$0x0] =	vst v5  }
0x271: {  	[tilespmem:s17+$0x10] =	vst v63  }
0x272: {  	s8 =	sadd.s32 $0x400, s8;
	[tilespmem:s17+$0xFFFFFFF0] =	vst v3  }
0x273: {  	s1 =	sadd.s32 $0xA000, s7  }
0x274: {  	[spmem:s2] =	stream.indirect.scatter.add.bf16 [tilespmem:s0], [sflag:$0x7], $0x40, s1, s29, $0xb8;
	[tilespmem:$0x1D800] =	vst v63  }
0x275: {  	_ =	swait.ge [sflag:s26], $0x2000  }
0x276: {  	[sflag:s26] =	ssyncset.done $0x0  }
0x277: {  	p0 =	seq.s32 s9, $0xF;
	[sflag:s26] =	ssyncadd.s32 $0xFFFFE000  }
0x278: {  	s7 =	sshra.s32 @!p0 s25, $0x2;
	s3 =	simm.s32 @!p0 $0x80;
	_ =	swait.ge [sflag:s12], $0x2000  }
0x279: {  	s8 =	simm.s32 @!p0 $0x11800;
	s25 =	sadd.s32 $0x400, s25;
	[sflag:s12] =	ssyncset.done $0x0  }
0x27a: {  	s1 =	sadd.s32 @!p0 $0xCA80, s7;
	s25 =	sshra.s32 s25, $0x2;
	[sflag:s12] =	ssyncadd.s32 $0xFFFFE000  }
0x27b: {  	[tilespmem:s8], [sflag:$0x1] =	stream.indirect.gather @!p0 [hbm4b:s5+s3], $0x40, s1, s3, $0xb8;
	[tilespmem:$0x1D800] =	vst v63  }
0x27c: {  	s1 =	sadd.s32 $0xF000, s25  }
0x27d: {  	s18 =	simm.s32 $0x0;
	s8 =	simm.s32 $0x15820;
	v2 =	vmov s1;
	s1 =	simm.s32 $0x0  }
.LBB2_63:
0x27e: {  	_ =	sdelay $0x2  }
0x27f: {  	s3 =	sshll.u32 s1, $0x4  }
0x280: {  	v3 =	vld.idx.msk [tilespmem:v2+s3+$0x0 ss:$0x1], $0xffff;
	_ =	sdelay $0x2  }
0x281: {  	v4 =	vld [tilespmem:s8+$0xFFFFFFE0]  }
0x282: {  	v6 =	vmov s18;
	v5 =	vld [tilespmem:s8+$0x0]  }
0x283: {  	s22 =	simm.s32 $0x1;
	s17 =	smov.u32 s8;
	s3 =	smov.u32 s8;
	v7 =	vperm.xlane v3, v6;
	v6 =	vld [tilespmem:s8+$0x10]  }
.LBB2_64:
0x284: {  	p1 =	sne.s32 s22, $0xF;
	v8 =	vld [tilespmem:s3+$0xFFFFFFF0]  }
0x285: {  	v7 =	vpack.i.f32.bf16 v7, v7  }
0x286: {  	v4 =	vmul.bf16 v4, v7  }
.Ltmp30:
0x287: {  	v5 =	vmul.bf16 v5, v7;
	(pc) =	sbr.rel @p1 .LBB2_64-.Ltmp30, $4  }
0x288: {  	s3 =	sadd.s32 $0x40, s3;
	[tilespmem:s17+$0xFFFFFFE0] =	vst v4;
	v6 =	vmul.bf16 v6, v7  }
0x289: {  	v4 =	vld [tilespmem:s3+$0xFFFFFFE0];
	v8 =	vmul.bf16 v8, v7;
	[tilespmem:s17+$0x0] =	vst v5  }
0x28a: {  	v7 =	vmov s22;
	v5 =	vld [tilespmem:s3+$0x0];
	[tilespmem:s17+$0x10] =	vst v6  }
0x28b: {  	s22 =	sadd.s32 $0x1, s22;
	v7 =	vperm.xlane v3, v7;
	v6 =	vld [tilespmem:s3+$0x10];
	[tilespmem:s17+$0xFFFFFFF0] =	vst v8;
	s17 =	smov.u32 s3  }
0x28c: {  	v3 =	vld [tilespmem:s3+$0xFFFFFFF0]  }
0x28d: {  	s1 =	sadd.s32 $0x1, s1;
	v7 =	vpack.i.f32.bf16 v7, v7  }
0x28e: {  	p1 =	sne.s32 s1, $0x8;
	v4 =	vmul.bf16 v4, v7  }
.Ltmp31:
0x28f: {  	v5 =	vmul.bf16 v5, v7;
	(pc) =	sbr.rel @p1 .LBB2_63-.Ltmp31, $4  }
0x290: {  	[tilespmem:s17+$0xFFFFFFE0] =	vst v4;
	v63 =	vmul.bf16 v6, v7  }
0x291: {  	v3 =	vmul.bf16 v3, v7;
	[tilespmem:s17+$0x0] =	vst v5  }
0x292: {  	[tilespmem:s17+$0x10] =	vst v63  }
0x293: {  	s8 =	sadd.s32 $0x400, s8;
	[tilespmem:s17+$0xFFFFFFF0] =	vst v3  }
0x294: {  	s1 =	sadd.s32 $0xA000, s25  }
0x295: {  	[spmem:s2] =	stream.indirect.scatter.add.bf16 [tilespmem:s15], [sflag:$0x8], $0x40, s1, s29, $0xb8;
	[tilespmem:$0x1D800] =	vst v63  }
0x296: {  	_ =	swait.ge [sflag:s13], $0x2000  }
0x297: {  	[sflag:s13] =	ssyncset.done $0x0  }
0x298: {  	[sflag:s13] =	ssyncadd.s32 $0xFFFFE000  }
0x299: {  	_ =	swait.ge [sflag:s14], $0x2000  }
0x29a: {  	s3 =	simm.s32 @!p0 $0x80;
	s8 =	simm.s32 @!p0 $0x13800;
	[sflag:s14] =	ssyncset.done $0x0  }
0x29b: {  	s25 =	sadd.s32 $0xF000, s10;
	s1 =	sadd.s32 @!p0 $0xCB00, s7;
	[sflag:s14] =	ssyncadd.s32 $0xFFFFE000  }
0x29c: {  	[tilespmem:s8], [sflag:$0x2] =	stream.indirect.gather @!p0 [hbm4b:s5+s3], $0x40, s1, s3, $0xb8;
	[tilespmem:$0x1D800] =	vst v63  }
0x29d: {  	s18 =	simm.s32 $0x0;
	v2 =	vmov s25;
	s8 =	simm.s32 $0x17820;
	s1 =	simm.s32 $0x0  }
.LBB2_67:
0x29e: {  	_ =	sdelay $0x2  }
0x29f: {  	s3 =	sshll.u32 s1, $0x4  }
0x2a0: {  	v3 =	vld.idx.msk [tilespmem:v2+s3+$0x0 ss:$0x1], $0xffff;
	_ =	sdelay $0x2  }
0x2a1: {  	v4 =	vld [tilespmem:s8+$0xFFFFFFE0]  }
0x2a2: {  	v6 =	vmov s18;
	v5 =	vld [tilespmem:s8+$0x0]  }
0x2a3: {  	s22 =	simm.s32 $0x1;
	s17 =	smov.u32 s8;
	s3 =	smov.u32 s8;
	v7 =	vperm.xlane v3, v6;
	v6 =	vld [tilespmem:s8+$0x10]  }
.LBB2_68:
0x2a4: {  	p1 =	sne.s32 s22, $0xF;
	v8 =	vld [tilespmem:s3+$0xFFFFFFF0]  }
0x2a5: {  	v7 =	vpack.i.f32.bf16 v7, v7  }
0x2a6: {  	v4 =	vmul.bf16 v4, v7  }
.Ltmp32:
0x2a7: {  	v5 =	vmul.bf16 v5, v7;
	(pc) =	sbr.rel @p1 .LBB2_68-.Ltmp32, $4  }
0x2a8: {  	s3 =	sadd.s32 $0x40, s3;
	[tilespmem:s17+$0xFFFFFFE0] =	vst v4;
	v6 =	vmul.bf16 v6, v7  }
0x2a9: {  	v4 =	vld [tilespmem:s3+$0xFFFFFFE0];
	v8 =	vmul.bf16 v8, v7;
	[tilespmem:s17+$0x0] =	vst v5  }
0x2aa: {  	v7 =	vmov s22;
	v5 =	vld [tilespmem:s3+$0x0];
	[tilespmem:s17+$0x10] =	vst v6  }
0x2ab: {  	s22 =	sadd.s32 $0x1, s22;
	v7 =	vperm.xlane v3, v7;
	v6 =	vld [tilespmem:s3+$0x10];
	[tilespmem:s17+$0xFFFFFFF0] =	vst v8;
	s17 =	smov.u32 s3  }
0x2ac: {  	v3 =	vld [tilespmem:s3+$0xFFFFFFF0]  }
0x2ad: {  	s1 =	sadd.s32 $0x1, s1;
	v7 =	vpack.i.f32.bf16 v7, v7  }
0x2ae: {  	p1 =	sne.s32 s1, $0x8;
	v4 =	vmul.bf16 v4, v7  }
.Ltmp33:
0x2af: {  	v5 =	vmul.bf16 v5, v7;
	(pc) =	sbr.rel @p1 .LBB2_67-.Ltmp33, $4  }
0x2b0: {  	[tilespmem:s17+$0xFFFFFFE0] =	vst v4;
	v63 =	vmul.bf16 v6, v7  }
0x2b1: {  	v3 =	vmul.bf16 v3, v7;
	[tilespmem:s17+$0x0] =	vst v5  }
0x2b2: {  	[tilespmem:s17+$0x10] =	vst v63  }
0x2b3: {  	s8 =	sadd.s32 $0x400, s8;
	[tilespmem:s17+$0xFFFFFFF0] =	vst v3  }
0x2b4: {  	s1 =	sadd.s32 $0xA000, s10  }
0x2b5: {  	[spmem:s2] =	stream.indirect.scatter.add.bf16 [tilespmem:s20], [sflag:$0x9], $0x40, s1, s29, $0xb8;
	[tilespmem:$0x1D800] =	vst v63  }
0x2b6: {  	_ =	swait.ge [sflag:s31], $0x2000  }
0x2b7: {  	[sflag:s31] =	ssyncset.done $0x0  }
0x2b8: {  	[sflag:s31] =	ssyncadd.s32 $0xFFFFE000  }
0x2b9: {  	_ =	swait.ge [sflag:s16], $0x2000  }
0x2ba: {  	s3 =	simm.s32 @!p0 $0x80;
	s25 =	sadd.s32 $0xF000, s11;
	[sflag:s16] =	ssyncset.done $0x0  }
0x2bb: {  	s1 =	sadd.s32 @!p0 $0xCB80, s7;
	s7 =	simm.s32 @!p0 $0x15800;
	[sflag:s16] =	ssyncadd.s32 $0xFFFFE000  }
0x2bc: {  	[tilespmem:s7], [sflag:$0x3] =	stream.indirect.gather @!p0 [hbm4b:s5+s3], $0x40, s1, s3, $0xb8;
	[tilespmem:$0x1D800] =	vst v63  }
0x2bd: {  	s8 =	simm.s32 $0x19820;
	v2 =	vmov s25;
	s7 =	simm.s32 $0x0;
	s1 =	simm.s32 $0x0  }
.LBB2_71:
0x2be: {  	_ =	sdelay $0x2  }
0x2bf: {  	s3 =	sshll.u32 s1, $0x4  }
0x2c0: {  	v3 =	vld.idx.msk [tilespmem:v2+s3+$0x0 ss:$0x1], $0xffff;
	_ =	sdelay $0x2  }
0x2c1: {  	v4 =	vld [tilespmem:s8+$0xFFFFFFE0]  }
0x2c2: {  	v6 =	vmov s7;
	v5 =	vld [tilespmem:s8+$0x0]  }
0x2c3: {  	s17 =	simm.s32 $0x1;
	s10 =	smov.u32 s8;
	s3 =	smov.u32 s8;
	v7 =	vperm.xlane v3, v6;
	v6 =	vld [tilespmem:s8+$0x10]  }
.LBB2_72:
0x2c4: {  	p0 =	sne.s32 s17, $0xF;
	v8 =	vld [tilespmem:s3+$0xFFFFFFF0]  }
0x2c5: {  	v7 =	vpack.i.f32.bf16 v7, v7  }
0x2c6: {  	v4 =	vmul.bf16 v4, v7  }
.Ltmp34:
0x2c7: {  	v5 =	vmul.bf16 v5, v7;
	(pc) =	sbr.rel @p0 .LBB2_72-.Ltmp34, $4  }
0x2c8: {  	s3 =	sadd.s32 $0x40, s3;
	[tilespmem:s10+$0xFFFFFFE0] =	vst v4;
	v6 =	vmul.bf16 v6, v7  }
0x2c9: {  	v4 =	vld [tilespmem:s3+$0xFFFFFFE0];
	v8 =	vmul.bf16 v8, v7;
	[tilespmem:s10+$0x0] =	vst v5  }
0x2ca: {  	v7 =	vmov s17;
	v5 =	vld [tilespmem:s3+$0x0];
	[tilespmem:s10+$0x10] =	vst v6  }
0x2cb: {  	s17 =	sadd.s32 $0x1, s17;
	v7 =	vperm.xlane v3, v7;
	v6 =	vld [tilespmem:s3+$0x10];
	[tilespmem:s10+$0xFFFFFFF0] =	vst v8;
	s10 =	smov.u32 s3  }
0x2cc: {  	v3 =	vld [tilespmem:s3+$0xFFFFFFF0]  }
0x2cd: {  	s1 =	sadd.s32 $0x1, s1;
	v7 =	vpack.i.f32.bf16 v7, v7  }
0x2ce: {  	p0 =	sne.s32 s1, $0x8;
	v4 =	vmul.bf16 v4, v7  }
.Ltmp35:
0x2cf: {  	v5 =	vmul.bf16 v5, v7;
	(pc) =	sbr.rel @p0 .LBB2_71-.Ltmp35, $4  }
0x2d0: {  	[tilespmem:s10+$0xFFFFFFE0] =	vst v4;
	v63 =	vmul.bf16 v6, v7  }
0x2d1: {  	v3 =	vmul.bf16 v3, v7;
	[tilespmem:s10+$0x0] =	vst v5  }
0x2d2: {  	[tilespmem:s10+$0x10] =	vst v63  }
0x2d3: {  	s8 =	sadd.s32 $0x400, s8;
	[tilespmem:s10+$0xFFFFFFF0] =	vst v3  }
0x2d4: {  	s9 =	sadd.s32 $0x1, s9  }
0x2d5: {  	p0 =	sne.s32 s9, $0x10  }
.Ltmp36:
0x2d6: {  	_ = 	snop;
	(pc) =	sbr.rel @p0 .LBB2_54-.Ltmp36, $3  }
0x2d7: {  	_ =	sdelay $0x1  }
0x2d8: {  	s1 =	sadd.s32 $0xA000, s11  }
0x2d9: {  	[spmem:s2] =	stream.indirect.scatter.add.bf16 [tilespmem:s23], [sflag:$0xA], $0x40, s1, s29, $0xb8;
	[tilespmem:$0x1D800] =	vst v63  }
0x2da: {  	s1 =	simm.s32 $0x9  }
0x2db: {  	_ =	swait.ge [sflag:s1], $0x2000  }
0x2dc: {  	[sflag:s1] =	ssyncset.done $0x0  }
0x2dd: {  	s8 =	simm.s32 $0xA;
	[sflag:s1] =	ssyncadd.s32 $0xFFFFE000  }
0x2de: {  	_ =	swait.ge [sflag:s8], $0x2000  }
0x2df: {  	s9 =	simm.s32 $0x0;
	[sflag:s8] =	ssyncset.done $0x0  }
0x2e0: {  	s7 =	simm.s32 $0xA000;
	s3 =	rddreg [dreg:$0x11];
	[sflag:s8] =	ssyncadd.s32 $0xFFFFE000  }
0x2e1: {  	[tilespmem:s7], [sflag:$0xC] =	stream.linear.gather [hbm4b:s3+s9], $0x2800, $0x38;
	[tilespmem:$0x1D800] =	vst v63  }
0x2e2: {  	_ =	swait.ge [sflag:s24], $0x2800  }
0x2e3: {  	[sflag:s24] =	ssyncset.done $0x0  }
0x2e4: {  	s10 =	simm.s32 $0xC800;
	s11 =	rddreg [dreg:$0x10];
	[sflag:s24] =	ssyncadd.s32 $0xFFFFD800  }
0x2e5: {  	[tilespmem:s10], [sflag:$0xC] =	stream.linear.gather [hbm4b:s11+s9], $0x2800, $0x38;
	[tilespmem:$0x1D800] =	vst v63  }
0x2e6: {  	_ =	swait.ge [sflag:s24], $0x2800  }
0x2e7: {  	[sflag:s24] =	ssyncset.done $0x0  }
0x2e8: {  	s18 =	simm.s32 $0xF000;
	s17 =	rddreg [dreg:$0x12];
	[sflag:s24] =	ssyncadd.s32 $0xFFFFD800  }
0x2e9: {  	[tilespmem:s18], [sflag:$0xC] =	stream.linear.gather [hbm4b:s17+s9], $0x2800, $0x38;
	[tilespmem:$0x1D800] =	vst v63  }
0x2ea: {  	s22 =	sand.u32 $0xFE00, s9;
	_ =	swait.ge [sflag:s24], $0x2800  }
0x2eb: {  	s1 =	sand.u32 $0x70, s9;
	s3 =	sshrl.u32 s22, $0x2;
	[sflag:s24] =	ssyncset.done $0x0  }
0x2ec: {  	s1 =	sor.u32 s1, s3;
	[sflag:s24] =	ssyncadd.s32 $0xFFFFD800  }
0x2ed: {  	v2 =	vld [tilespmem:s1+$0xC800];
	_ =	sdelay $0x2  }
0x2ee: {  	s25 =	simm.s32 $0x40  }
0x2ef: {  	s8 =	sand.u32 $0xFE00, s25;
	s7 =	simm.s32 $0x80;
	s3 =	simm.s32 $0x10  }
.LBB2_76:
0x2f0: {  	p0 =	sne.s32 s7, $0x9FC0;
	s9 =	sand.u32 $0x70, s3;
	s8 =	sshrl.u32 s8, $0x2;
	v2 =	vadd.s32 v0, v2  }
0x2f1: {  	[tilespmem:s1+$0xC800] =	vst v2;
	s1 =	sor.u32 s9, s8  }
.Ltmp37:
0x2f2: {  	v2 =	vld [tilespmem:s1+$0xC800];
	(pc) =	sbr.rel @p0 .LBB2_76-.Ltmp37, $2  }
0x2f3: {  	_ =	sdelay $0x2  }
0x2f4: {  	s3 =	sadd.s32 $0x10, s3;
	s8 =	sand.u32 $0xFE00, s7;
	s7 =	sadd.s32 $0x40, s7  }
0x2f5: {  	s3 =	sand.u32 $0x70, s3;
	s7 =	sshrl.u32 s8, $0x2;
	v2 =	vadd.s32 v0, v2  }
0x2f6: {  	s3 =	sor.u32 s3, s7;
	[tilespmem:s1+$0xC800] =	vst v2  }
0x2f7: {  	v2 =	vld [tilespmem:s3+$0xC800];
	_ =	sdelay $0x4  }
0x2f8: {  	v2 =	vadd.s32 v0, v2  }
0x2f9: {  	[tilespmem:s3+$0xC800] =	vst v2  }
0x2fa: {  	[tilespmem:s30], [sflag:$0x1] =	stream.indirect.gather [hbm4b:s6+s29], $0x40, s10, s29, $0xb8;
	[tilespmem:$0x1D800] =	vst v63  }
0x2fb: {  	s22 =	simm.s32 $0xC880  }
0x2fc: {  	[tilespmem:s0], [sflag:$0x2] =	stream.indirect.gather [hbm4b:s6+s29], $0x40, s22, s29, $0xb8;
	[tilespmem:$0x1D800] =	vst v63  }
0x2fd: {  	s25 =	simm.s32 $0xC900;
	s9 =	simm.s32 $0x0  }
0x2fe: {  	[tilespmem:s15], [sflag:$0x3] =	stream.indirect.gather [hbm4b:s6+s29], $0x40, s25, s29, $0xb8;
	[tilespmem:$0x1D800] =	vst v63  }
.LBB2_78:
0x2ff: {  	_ =	swait.ge [sflag:s19], $0x2000  }
0x300: {  	p0 =	seq.s32 s9, $0x0;
	s25 =	smul.u32 $0xA00, s9;
	[sflag:s19] =	ssyncset.done $0x0  }
0x301: {  	s11 =	simm.s32 $0x11820;
	s1 =	simm.s32 @!p0 $0x9;
	[sflag:s19] =	ssyncadd.s32 $0xFFFFE000  }
0x302: {  	s8 =	simm.s32 $0x0;
	s3 =	sadd.s32 $0x600, s25;
	_ =	swait.ge @!p0 [sflag:s1], $0x2000  }
0x303: {  	s7 =	sshra.s32 s25, $0x2;
	s10 =	sshra.s32 s3, $0x2;
	[sflag:s1] =	ssyncset.done @!p0 $0x0  }
0x304: {  	s22 =	sadd.s32 $0xF000, s7;
	s18 =	sadd.s32 $0xC800, s10;
	[sflag:s1] =	ssyncadd.s32 @!p0 $0xFFFFE000  }
0x305: {  	v2 =	vmov s22;
	[tilespmem:s20], [sflag:$0x4] =	stream.indirect.gather [hbm4b:s6+s29], $0x40, s18, s29, $0xb8;
	[tilespmem:$0x1D800] =	vst v63  }
.LBB2_79:
0x306: {  	_ =	sdelay $0x2  }
0x307: {  	s1 =	sshll.u32 s8, $0x4  }
0x308: {  	v3 =	vld.idx.msk [tilespmem:v2+s1+$0x0 ss:$0x1], $0xffff;
	_ =	sdelay $0x2  }
0x309: {  	s22 =	simm.s32 $0x0;
	v4 =	vld [tilespmem:s11+$0xFFFFFFE0]  }
0x30a: {  	v5 =	vld [tilespmem:s11+$0x0];
	v6 =	vmov s22  }
0x30b: {  	s17 =	simm.s32 $0x1;
	s3 =	smov.u32 s11;
	s1 =	smov.u32 s11;
	v7 =	vperm.xlane v3, v6;
	v6 =	vld [tilespmem:s11+$0x10]  }
.LBB2_80:
0x30c: {  	p1 =	sne.s32 s17, $0xF;
	v8 =	vld [tilespmem:s3+$0xFFFFFFF0]  }
0x30d: {  	v7 =	vpack.i.f32.bf16 v7, v7  }
0x30e: {  	v4 =	vmul.bf16 v4, v7  }
.Ltmp38:
0x30f: {  	v5 =	vmul.bf16 v5, v7;
	(pc) =	sbr.rel @p1 .LBB2_80-.Ltmp38, $4  }
0x310: {  	s3 =	sadd.s32 $0x40, s3;
	[tilespmem:s1+$0xFFFFFFE0] =	vst v4;
	v6 =	vmul.bf16 v6, v7  }
0x311: {  	v4 =	vld [tilespmem:s3+$0xFFFFFFE0];
	v8 =	vmul.bf16 v8, v7;
	[tilespmem:s1+$0x0] =	vst v5  }
0x312: {  	v7 =	vmov s17;
	v5 =	vld [tilespmem:s3+$0x0];
	[tilespmem:s1+$0x10] =	vst v6  }
0x313: {  	s17 =	sadd.s32 $0x1, s17;
	v7 =	vperm.xlane v3, v7;
	v6 =	vld [tilespmem:s3+$0x10];
	[tilespmem:s1+$0xFFFFFFF0] =	vst v8;
	s1 =	smov.u32 s3  }
0x314: {  	v3 =	vld [tilespmem:s3+$0xFFFFFFF0]  }
0x315: {  	s8 =	sadd.s32 $0x1, s8;
	v7 =	vpack.i.f32.bf16 v7, v7  }
0x316: {  	p1 =	sne.s32 s8, $0x8;
	v4 =	vmul.bf16 v4, v7  }
.Ltmp39:
0x317: {  	v5 =	vmul.bf16 v5, v7;
	(pc) =	sbr.rel @p1 .LBB2_79-.Ltmp39, $4  }
0x318: {  	[tilespmem:s1+$0xFFFFFFE0] =	vst v4;
	v63 =	vmul.bf16 v6, v7  }
0x319: {  	v3 =	vmul.bf16 v3, v7;
	[tilespmem:s1+$0x0] =	vst v5  }
0x31a: {  	[tilespmem:s1+$0x10] =	vst v63  }
0x31b: {  	s11 =	sadd.s32 $0x400, s11;
	[tilespmem:s1+$0xFFFFFFF0] =	vst v3  }
0x31c: {  	s1 =	sadd.s32 $0xA000, s7  }
0x31d: {  	[spmem:s2] =	stream.indirect.scatter.add.bf16 [tilespmem:s30], [sflag:$0x6], $0x40, s1, s29, $0xb8;
	[tilespmem:$0x1D800] =	vst v63  }
0x31e: {  	_ =	swait.ge [sflag:s21], $0x2000  }
0x31f: {  	[sflag:s21] =	ssyncset.done $0x0  }
0x320: {  	s1 =	simm.s32 @!p0 $0xA;
	[sflag:s21] =	ssyncadd.s32 $0xFFFFE000  }
0x321: {  	s3 =	sadd.s32 $0x800, s25;
	s22 =	sadd.s32 $0x200, s25;
	_ =	swait.ge @!p0 [sflag:s1], $0x2000  }
0x322: {  	s11 =	sshra.s32 s3, $0x2;
	s7 =	sshra.s32 s22, $0x2;
	[sflag:s1] =	ssyncset.done @!p0 $0x0  }
0x323: {  	s18 =	sadd.s32 $0xC800, s11;
	[sflag:s1] =	ssyncadd.s32 @!p0 $0xFFFFE000;
	s1 =	sadd.s32 $0xF000, s7  }
0x324: {  	[tilespmem:s23], [sflag:$0x5] =	stream.indirect.gather [hbm4b:s6+s29], $0x40, s18, s29, $0xb8;
	[tilespmem:$0x1D800] =	vst v63  }
0x325: {  	s8 =	simm.s32 $0x13820;
	s18 =	simm.s32 $0x0;
	v2 =	vmov s1;
	s1 =	simm.s32 $0x0  }
.LBB2_83:
0x326: {  	_ =	sdelay $0x2  }
0x327: {  	s3 =	sshll.u32 s1, $0x4  }
0x328: {  	v3 =	vld.idx.msk [tilespmem:v2+s3+$0x0 ss:$0x1], $0xffff;
	_ =	sdelay $0x2  }
0x329: {  	v4 =	vld [tilespmem:s8+$0xFFFFFFE0]  }
0x32a: {  	v6 =	vmov s18;
	v5 =	vld [tilespmem:s8+$0x0]  }
0x32b: {  	s22 =	simm.s32 $0x1;
	s17 =	smov.u32 s8;
	s3 =	smov.u32 s8;
	v7 =	vperm.xlane v3, v6;
	v6 =	vld [tilespmem:s8+$0x10]  }
.LBB2_84:
0x32c: {  	p0 =	sne.s32 s22, $0xF;
	v8 =	vld [tilespmem:s3+$0xFFFFFFF0]  }
0x32d: {  	v7 =	vpack.i.f32.bf16 v7, v7  }
0x32e: {  	v4 =	vmul.bf16 v4, v7  }
.Ltmp40:
0x32f: {  	v5 =	vmul.bf16 v5, v7;
	(pc) =	sbr.rel @p0 .LBB2_84-.Ltmp40, $4  }
0x330: {  	s3 =	sadd.s32 $0x40, s3;
	[tilespmem:s17+$0xFFFFFFE0] =	vst v4;
	v6 =	vmul.bf16 v6, v7  }
0x331: {  	v4 =	vld [tilespmem:s3+$0xFFFFFFE0];
	v8 =	vmul.bf16 v8, v7;
	[tilespmem:s17+$0x0] =	vst v5  }
0x332: {  	v7 =	vmov s22;
	v5 =	vld [tilespmem:s3+$0x0];
	[tilespmem:s17+$0x10] =	vst v6  }
0x333: {  	s22 =	sadd.s32 $0x1, s22;
	v7 =	vperm.xlane v3, v7;
	v6 =	vld [tilespmem:s3+$0x10];
	[tilespmem:s17+$0xFFFFFFF0] =	vst v8;
	s17 =	smov.u32 s3  }
0x334: {  	v3 =	vld [tilespmem:s3+$0xFFFFFFF0]  }
0x335: {  	s1 =	sadd.s32 $0x1, s1;
	v7 =	vpack.i.f32.bf16 v7, v7  }
0x336: {  	p0 =	sne.s32 s1, $0x8;
	v4 =	vmul.bf16 v4, v7  }
.Ltmp41:
0x337: {  	v5 =	vmul.bf16 v5, v7;
	(pc) =	sbr.rel @p0 .LBB2_83-.Ltmp41, $4  }
0x338: {  	[tilespmem:s17+$0xFFFFFFE0] =	vst v4;
	v63 =	vmul.bf16 v6, v7  }
0x339: {  	v3 =	vmul.bf16 v3, v7;
	[tilespmem:s17+$0x0] =	vst v5  }
0x33a: {  	[tilespmem:s17+$0x10] =	vst v63  }
0x33b: {  	s8 =	sadd.s32 $0x400, s8;
	[tilespmem:s17+$0xFFFFFFF0] =	vst v3  }
0x33c: {  	s1 =	sadd.s32 $0xA000, s7  }
0x33d: {  	[spmem:s2] =	stream.indirect.scatter.add.bf16 [tilespmem:s0], [sflag:$0x7], $0x40, s1, s29, $0xb8;
	[tilespmem:$0x1D800] =	vst v63  }
0x33e: {  	_ =	swait.ge [sflag:s26], $0x2000  }
0x33f: {  	[sflag:s26] =	ssyncset.done $0x0  }
0x340: {  	p0 =	seq.s32 s9, $0xF;
	[sflag:s26] =	ssyncadd.s32 $0xFFFFE000  }
0x341: {  	s7 =	sshra.s32 @!p0 s25, $0x2;
	s3 =	simm.s32 @!p0 $0x80;
	_ =	swait.ge [sflag:s12], $0x2000  }
0x342: {  	s8 =	simm.s32 @!p0 $0x11800;
	s25 =	sadd.s32 $0x400, s25;
	[sflag:s12] =	ssyncset.done $0x0  }
0x343: {  	s1 =	sadd.s32 @!p0 $0xCA80, s7;
	s25 =	sshra.s32 s25, $0x2;
	[sflag:s12] =	ssyncadd.s32 $0xFFFFE000  }
0x344: {  	[tilespmem:s8], [sflag:$0x1] =	stream.indirect.gather @!p0 [hbm4b:s6+s3], $0x40, s1, s3, $0xb8;
	[tilespmem:$0x1D800] =	vst v63  }
0x345: {  	s1 =	sadd.s32 $0xF000, s25  }
0x346: {  	s18 =	simm.s32 $0x0;
	s8 =	simm.s32 $0x15820;
	v2 =	vmov s1;
	s1 =	simm.s32 $0x0  }
.LBB2_87:
0x347: {  	_ =	sdelay $0x2  }
0x348: {  	s3 =	sshll.u32 s1, $0x4  }
0x349: {  	v3 =	vld.idx.msk [tilespmem:v2+s3+$0x0 ss:$0x1], $0xffff;
	_ =	sdelay $0x2  }
0x34a: {  	v4 =	vld [tilespmem:s8+$0xFFFFFFE0]  }
0x34b: {  	v6 =	vmov s18;
	v5 =	vld [tilespmem:s8+$0x0]  }
0x34c: {  	s22 =	simm.s32 $0x1;
	s17 =	smov.u32 s8;
	s3 =	smov.u32 s8;
	v7 =	vperm.xlane v3, v6;
	v6 =	vld [tilespmem:s8+$0x10]  }
.LBB2_88:
0x34d: {  	p1 =	sne.s32 s22, $0xF;
	v8 =	vld [tilespmem:s3+$0xFFFFFFF0]  }
0x34e: {  	v7 =	vpack.i.f32.bf16 v7, v7  }
0x34f: {  	v4 =	vmul.bf16 v4, v7  }
.Ltmp42:
0x350: {  	v5 =	vmul.bf16 v5, v7;
	(pc) =	sbr.rel @p1 .LBB2_88-.Ltmp42, $4  }
0x351: {  	s3 =	sadd.s32 $0x40, s3;
	[tilespmem:s17+$0xFFFFFFE0] =	vst v4;
	v6 =	vmul.bf16 v6, v7  }
0x352: {  	v4 =	vld [tilespmem:s3+$0xFFFFFFE0];
	v8 =	vmul.bf16 v8, v7;
	[tilespmem:s17+$0x0] =	vst v5  }
0x353: {  	v7 =	vmov s22;
	v5 =	vld [tilespmem:s3+$0x0];
	[tilespmem:s17+$0x10] =	vst v6  }
0x354: {  	s22 =	sadd.s32 $0x1, s22;
	v7 =	vperm.xlane v3, v7;
	v6 =	vld [tilespmem:s3+$0x10];
	[tilespmem:s17+$0xFFFFFFF0] =	vst v8;
	s17 =	smov.u32 s3  }
0x355: {  	v3 =	vld [tilespmem:s3+$0xFFFFFFF0]  }
0x356: {  	s1 =	sadd.s32 $0x1, s1;
	v7 =	vpack.i.f32.bf16 v7, v7  }
0x357: {  	p1 =	sne.s32 s1, $0x8;
	v4 =	vmul.bf16 v4, v7  }
.Ltmp43:
0x358: {  	v5 =	vmul.bf16 v5, v7;
	(pc) =	sbr.rel @p1 .LBB2_87-.Ltmp43, $4  }
0x359: {  	[tilespmem:s17+$0xFFFFFFE0] =	vst v4;
	v63 =	vmul.bf16 v6, v7  }
0x35a: {  	v3 =	vmul.bf16 v3, v7;
	[tilespmem:s17+$0x0] =	vst v5  }
0x35b: {  	[tilespmem:s17+$0x10] =	vst v63  }
0x35c: {  	s8 =	sadd.s32 $0x400, s8;
	[tilespmem:s17+$0xFFFFFFF0] =	vst v3  }
0x35d: {  	s1 =	sadd.s32 $0xA000, s25  }
0x35e: {  	[spmem:s2] =	stream.indirect.scatter.add.bf16 [tilespmem:s15], [sflag:$0x8], $0x40, s1, s29, $0xb8;
	[tilespmem:$0x1D800] =	vst v63  }
0x35f: {  	_ =	swait.ge [sflag:s13], $0x2000  }
0x360: {  	[sflag:s13] =	ssyncset.done $0x0  }
0x361: {  	[sflag:s13] =	ssyncadd.s32 $0xFFFFE000  }
0x362: {  	_ =	swait.ge [sflag:s14], $0x2000  }
0x363: {  	s3 =	simm.s32 @!p0 $0x80;
	s8 =	simm.s32 @!p0 $0x13800;
	[sflag:s14] =	ssyncset.done $0x0  }
0x364: {  	s25 =	sadd.s32 $0xF000, s10;
	s1 =	sadd.s32 @!p0 $0xCB00, s7;
	[sflag:s14] =	ssyncadd.s32 $0xFFFFE000  }
0x365: {  	[tilespmem:s8], [sflag:$0x2] =	stream.indirect.gather @!p0 [hbm4b:s6+s3], $0x40, s1, s3, $0xb8;
	[tilespmem:$0x1D800] =	vst v63  }
0x366: {  	s18 =	simm.s32 $0x0;
	v2 =	vmov s25;
	s8 =	simm.s32 $0x17820;
	s1 =	simm.s32 $0x0  }
.LBB2_91:
0x367: {  	_ =	sdelay $0x2  }
0x368: {  	s3 =	sshll.u32 s1, $0x4  }
0x369: {  	v3 =	vld.idx.msk [tilespmem:v2+s3+$0x0 ss:$0x1], $0xffff;
	_ =	sdelay $0x2  }
0x36a: {  	v4 =	vld [tilespmem:s8+$0xFFFFFFE0]  }
0x36b: {  	v6 =	vmov s18;
	v5 =	vld [tilespmem:s8+$0x0]  }
0x36c: {  	s22 =	simm.s32 $0x1;
	s17 =	smov.u32 s8;
	s3 =	smov.u32 s8;
	v7 =	vperm.xlane v3, v6;
	v6 =	vld [tilespmem:s8+$0x10]  }
.LBB2_92:
0x36d: {  	p1 =	sne.s32 s22, $0xF;
	v8 =	vld [tilespmem:s3+$0xFFFFFFF0]  }
0x36e: {  	v7 =	vpack.i.f32.bf16 v7, v7  }
0x36f: {  	v4 =	vmul.bf16 v4, v7  }
.Ltmp44:
0x370: {  	v5 =	vmul.bf16 v5, v7;
	(pc) =	sbr.rel @p1 .LBB2_92-.Ltmp44, $4  }
0x371: {  	s3 =	sadd.s32 $0x40, s3;
	[tilespmem:s17+$0xFFFFFFE0] =	vst v4;
	v6 =	vmul.bf16 v6, v7  }
0x372: {  	v4 =	vld [tilespmem:s3+$0xFFFFFFE0];
	v8 =	vmul.bf16 v8, v7;
	[tilespmem:s17+$0x0] =	vst v5  }
0x373: {  	v7 =	vmov s22;
	v5 =	vld [tilespmem:s3+$0x0];
	[tilespmem:s17+$0x10] =	vst v6  }
0x374: {  	s22 =	sadd.s32 $0x1, s22;
	v7 =	vperm.xlane v3, v7;
	v6 =	vld [tilespmem:s3+$0x10];
	[tilespmem:s17+$0xFFFFFFF0] =	vst v8;
	s17 =	smov.u32 s3  }
0x375: {  	v3 =	vld [tilespmem:s3+$0xFFFFFFF0]  }
0x376: {  	s1 =	sadd.s32 $0x1, s1;
	v7 =	vpack.i.f32.bf16 v7, v7  }
0x377: {  	p1 =	sne.s32 s1, $0x8;
	v4 =	vmul.bf16 v4, v7  }
.Ltmp45:
0x378: {  	v5 =	vmul.bf16 v5, v7;
	(pc) =	sbr.rel @p1 .LBB2_91-.Ltmp45, $4  }
0x379: {  	[tilespmem:s17+$0xFFFFFFE0] =	vst v4;
	v63 =	vmul.bf16 v6, v7  }
0x37a: {  	v3 =	vmul.bf16 v3, v7;
	[tilespmem:s17+$0x0] =	vst v5  }
0x37b: {  	[tilespmem:s17+$0x10] =	vst v63  }
0x37c: {  	s8 =	sadd.s32 $0x400, s8;
	[tilespmem:s17+$0xFFFFFFF0] =	vst v3  }
0x37d: {  	s1 =	sadd.s32 $0xA000, s10  }
0x37e: {  	[spmem:s2] =	stream.indirect.scatter.add.bf16 [tilespmem:s20], [sflag:$0x9], $0x40, s1, s29, $0xb8;
	[tilespmem:$0x1D800] =	vst v63  }
0x37f: {  	_ =	swait.ge [sflag:s31], $0x2000  }
0x380: {  	[sflag:s31] =	ssyncset.done $0x0  }
0x381: {  	[sflag:s31] =	ssyncadd.s32 $0xFFFFE000  }
0x382: {  	_ =	swait.ge [sflag:s16], $0x2000  }
0x383: {  	s3 =	simm.s32 @!p0 $0x80;
	s25 =	sadd.s32 $0xF000, s11;
	[sflag:s16] =	ssyncset.done $0x0  }
0x384: {  	s1 =	sadd.s32 @!p0 $0xCB80, s7;
	s7 =	simm.s32 @!p0 $0x15800;
	[sflag:s16] =	ssyncadd.s32 $0xFFFFE000  }
0x385: {  	[tilespmem:s7], [sflag:$0x3] =	stream.indirect.gather @!p0 [hbm4b:s6+s3], $0x40, s1, s3, $0xb8;
	[tilespmem:$0x1D800] =	vst v63  }
0x386: {  	s8 =	simm.s32 $0x19820;
	v2 =	vmov s25;
	s7 =	simm.s32 $0x0;
	s1 =	simm.s32 $0x0  }
.LBB2_95:
0x387: {  	_ =	sdelay $0x2  }
0x388: {  	s3 =	sshll.u32 s1, $0x4  }
0x389: {  	v3 =	vld.idx.msk [tilespmem:v2+s3+$0x0 ss:$0x1], $0xffff;
	_ =	sdelay $0x2  }
0x38a: {  	v4 =	vld [tilespmem:s8+$0xFFFFFFE0]  }
0x38b: {  	v6 =	vmov s7;
	v5 =	vld [tilespmem:s8+$0x0]  }
0x38c: {  	s17 =	simm.s32 $0x1;
	s10 =	smov.u32 s8;
	s3 =	smov.u32 s8;
	v7 =	vperm.xlane v3, v6;
	v6 =	vld [tilespmem:s8+$0x10]  }
.LBB2_96:
0x38d: {  	p0 =	sne.s32 s17, $0xF;
	v8 =	vld [tilespmem:s3+$0xFFFFFFF0]  }
0x38e: {  	v7 =	vpack.i.f32.bf16 v7, v7  }
0x38f: {  	v4 =	vmul.bf16 v4, v7  }
.Ltmp46:
0x390: {  	v5 =	vmul.bf16 v5, v7;
	(pc) =	sbr.rel @p0 .LBB2_96-.Ltmp46, $4  }
0x391: {  	s3 =	sadd.s32 $0x40, s3;
	[tilespmem:s10+$0xFFFFFFE0] =	vst v4;
	v6 =	vmul.bf16 v6, v7  }
0x392: {  	v4 =	vld [tilespmem:s3+$0xFFFFFFE0];
	v8 =	vmul.bf16 v8, v7;
	[tilespmem:s10+$0x0] =	vst v5  }
0x393: {  	v7 =	vmov s17;
	v5 =	vld [tilespmem:s3+$0x0];
	[tilespmem:s10+$0x10] =	vst v6  }
0x394: {  	s17 =	sadd.s32 $0x1, s17;
	v7 =	vperm.xlane v3, v7;
	v6 =	vld [tilespmem:s3+$0x10];
	[tilespmem:s10+$0xFFFFFFF0] =	vst v8;
	s10 =	smov.u32 s3  }
0x395: {  	v3 =	vld [tilespmem:s3+$0xFFFFFFF0]  }
0x396: {  	s1 =	sadd.s32 $0x1, s1;
	v7 =	vpack.i.f32.bf16 v7, v7  }
0x397: {  	p0 =	sne.s32 s1, $0x8;
	v4 =	vmul.bf16 v4, v7  }
.Ltmp47:
0x398: {  	v5 =	vmul.bf16 v5, v7;
	(pc) =	sbr.rel @p0 .LBB2_95-.Ltmp47, $4  }
0x399: {  	[tilespmem:s10+$0xFFFFFFE0] =	vst v4;
	v63 =	vmul.bf16 v6, v7  }
0x39a: {  	v3 =	vmul.bf16 v3, v7;
	[tilespmem:s10+$0x0] =	vst v5  }
0x39b: {  	[tilespmem:s10+$0x10] =	vst v63  }
0x39c: {  	s8 =	sadd.s32 $0x400, s8;
	[tilespmem:s10+$0xFFFFFFF0] =	vst v3  }
0x39d: {  	s9 =	sadd.s32 $0x1, s9  }
0x39e: {  	p0 =	sne.s32 s9, $0x10  }
.Ltmp48:
0x39f: {  	_ = 	snop;
	(pc) =	sbr.rel @p0 .LBB2_78-.Ltmp48, $3  }
0x3a0: {  	_ =	sdelay $0x1  }
0x3a1: {  	s1 =	sadd.s32 $0xA000, s11  }
0x3a2: {  	[spmem:s2] =	stream.indirect.scatter.add.bf16 [tilespmem:s23], [sflag:$0xA], $0x40, s1, s29, $0xb8;
	[tilespmem:$0x1D800] =	vst v63  }
0x3a3: {  	s1 =	simm.s32 $0x9  }
0x3a4: {  	_ =	swait.ge [sflag:s1], $0x2000  }
0x3a5: {  	[sflag:s1] =	ssyncset.done $0x0  }
0x3a6: {  	s18 =	simm.s32 $0xA;
	[sflag:s1] =	ssyncadd.s32 $0xFFFFE000  }
0x3a7: {  	_ =	swait.ge [sflag:s18], $0x2000  }
0x3a8: {  	[sflag:s18] =	ssyncset.done $0x0  }
0x3a9: {  	[sflag:s18] =	ssyncadd.s32 $0xFFFFE000  }
0x3aa: {  	[bflag:$0x0] =	sbarrier.arrive $0xFFFF  }
0x3ab: {  	s22 =	rddreg [dreg:$0x14]  }
0x3ac: {  	s3 =	rddreg [dreg:$0x16]  }
0x3ad: {  	s7 =	rddreg [dreg:$0x17]  }
0x3ae: {  	[hbm:s22], [sflag:s3] =	dma.local [spmem:s7], $0x1400  }
0x3af: {  	_ =	swait.ge [sflag:s24], $0x1400  }
0x3b0: {  	s17 =	rddreg [dreg:$0x6]  }
0x3b1: {  	s25 =	rddreg [dreg:$0x15];
	s17 =	sadd.s32 $0x1, s17  }
0x3b2: {  	p0 =	sne.s32 s17, s25  }
.Ltmp49:
0x3b3: {  	_ = 	snop;
	(pc) =	sbr.rel @p0 .LBB2_1-.Ltmp49, $3  }
0x3b4: {  	_ =	sdelay $0x1  }
0x3b5: {  	[sflag:s24] =	ssyncset.done $0x0  }
0x3b6: {  	s10 =	simm.s32 $0xC800;
	[sflag:s24] =	ssyncadd.s32 $0xFFFFEC00  }
0x3b7: {  	_ =	sfence.sel $0x180000  }
0x3b8: {  	[bflag:$0x0] =	sbarrier.arrive $0xFFFF  }
0x3b9: {  	_ =	strace $0x90000047  }
0x3ba: {  	s0 =	stileid.u32;
	[bflag:$0x2] =	sbarrier.arrive $0xFFFF  }
0x3bb: {  	p0 =	sne.s32 s0, $0x0;
	s0 =	rddreg [dreg:$0x5]  }
0x3bc: {  	s0 =	sadd.s32 @!p0 $0x100000, s0  }
0x3bd: {  	[sflag:s0] =	ssyncadd.tile.s32 @!p0 $0x1;
	_ =	shalt  }
.Lfunc_end2:
_tile_overlayer_lowered:
.L_overlay_start_2:
0x3be: {  	(tag) =	ssettag $0x2  }
0x3bf: {  	s0 =	rddreg [dreg:$0x0];
	s2 =	stileid.u32  }
0x3c0: {  	s1 =	rddreg [dreg:$0x1];
	p0 =	sne.s32 s2, $0x0  }
0x3c1: {  	s3 =	rddreg [dreg:$0x2];
	[bflag:$0x3] =	sbarrier.arrive $0xFFFF;
	s2 =	simm.s32 @!p0 $0x1C0C  }
0x3c2: {  	[timem:s3], [sflag:s2] =	dma.local @!p0 [hbm:s0], s1  }
0x3c3: {  	s0 =	simm.s32 @!p0 $0xC  }
0x3c4: {  	_ =	swait.ge @!p0 [sflag:s0], s1  }
0x3c5: {  	s1 =	ssub.s32 @!p0 $0x0, s1;
	[sflag:s0] =	ssyncset.done @!p0 $0x0  }
0x3c6: {  	[sflag:s0] =	ssyncadd.s32 @!p0 s1  }
0x3c7: {  	[bflag:$0x3] =	sbarrier.arrive $0xFFFF  }
0x3c8: {  	_ =	shalt  }

</sc_bundles>
